<compile_context>
chip_gen: v7x
topology: tpu7x:2x2x1
jax: 0.10.2.dev20260603
libtpu: 0.0.44.dev20260713+nightly
codegen_flags: <defaults>
</compile_context>

<pallas_src>
import functools

import jax
import jax.numpy as jnp
from jax import lax
from jax.experimental import pallas as pl
from jax.experimental.pallas import tpu as pltpu
from jax.experimental.pallas import tpu_sc as plsc

EPS = 1e-5

N = 10000
E = 320000
D = 128
NC = 2
NS = 16
NW = NC * NS
EPW = E // NW
CH = 80
NCH = EPW // CH
NV = D // 16
SB = 624
SREM = N - NS * SB

_mesh = plsc.VectorSubcoreMesh(
    core_axis_name="c", subcore_axis_name="s", num_cores=NC, num_subcores=NS)


def _tc_pre_body(x_ref, w_ref, y_ref):
    y_ref[...] = jnp.dot(x_ref[...], w_ref[...],
                         preferred_element_type=jnp.float32,
                    precision=lax.Precision.HIGHEST)


def _tc_pre(x, w):
    return pl.pallas_call(
        _tc_pre_body,
        out_shape=jax.ShapeDtypeStruct((N, D), jnp.float32),
    )(x, w)


NBUF = 5
PD = 3
NGRP = NCH // NBUF


@functools.partial(
    pl.kernel,
    out_type=(jax.ShapeDtypeStruct((E, D), jnp.float32),
              jax.ShapeDtypeStruct((NW, 2 * D), jnp.float32)),
    mesh=_mesh,
    scratch_types=[
        pltpu.VMEM((NCH, CH), jnp.int32),
        pltpu.VMEM((NCH, CH), jnp.int32),
        pltpu.VMEM((4, CH, D), jnp.float32),
        pltpu.VMEM((4, CH, D), jnp.float32),
        pltpu.VMEM((2 * D,), jnp.float32),
        [pltpu.SemaphoreType.DMA] * 8,
        [pltpu.SemaphoreType.DMA] * 4,
    ],
)
def _sc_pass1(y_hbm, row_hbm, col_hbm, h_hbm, stats_hbm,
              rowi_v, coli_v, yrb, ycb, st_v, semg, sems):
    c = lax.axis_index("c")
    s_ = lax.axis_index("s")
    wid = s_ * NC + c
    ebase = wid * EPW

    pltpu.sync_copy(row_hbm.at[wid], rowi_v)
    pltpu.sync_copy(col_hbm.at[wid], coli_v)

    zero = jnp.zeros((16,), jnp.float32)
    init = tuple(zero for _ in range(2 * NV))

    def gathers(j, b):
        cp1 = pltpu.async_copy(y_hbm.at[rowi_v.at[j]], yrb.at[b], semg[2 * b])
        cp2 = pltpu.async_copy(y_hbm.at[coli_v.at[j]], ycb.at[b],
                               semg[2 * b + 1])
        return cp1, cp2

    def compute(b, acc):
        def edge_body(i, a):
            out = []
            for jj in range(NV):
                sl = pl.ds(jj * 16, 16)
                hh = yrb[b, i, sl] - ycb[b, i, sl]
                yrb[b, i, sl] = hh
                out.append(a[jj] + hh)
                out.append(a[NV + jj] + hh * hh)
            return tuple(out[::2]) + tuple(out[1::2])

        return lax.fori_loop(0, CH, edge_body, acc)

    def store(j, b):
        off = pl.multiple_of(ebase + j * CH, 8)
        return pltpu.async_copy(yrb.at[b], h_hbm.at[pl.ds(off, CH)], sems[b])

    QB = 4

    def quad_body(p, acc):
        j0 = QB * p
        cps = [gathers(j0 + b, b) for b in range(QB)]
        sts = []
        for b in range(QB):
            cps[b][0].wait()
            cps[b][1].wait()
            acc = compute(b, acc)
            sts.append(store(j0 + b, b))
        for st in sts:
            st.wait()
        return acc

    acc = lax.fori_loop(0, NCH // QB, quad_body, init)
    a1, a2 = gathers(NCH - 1, 0)
    a1.wait()
    a2.wait()
    acc = compute(0, acc)
    store(NCH - 1, 0).wait()
    for jj in range(NV):
        st_v[pl.ds(jj * 16, 16)] = acc[jj]
        st_v[pl.ds(D + jj * 16, 16)] = acc[NV + jj]
    pltpu.sync_copy(st_v, stats_hbm.at[wid])


CH2 = 80
NCH2 = EPW // CH2


BIGC = 2048.0


@functools.partial(
    pl.kernel,
    out_type=jax.ShapeDtypeStruct((NC, N, D), jnp.float32),
    mesh=_mesh,
    scratch_types=[
        pltpu.VMEM((NCH2, CH2), jnp.int32),
        pltpu.VMEM((3, CH2, D), jnp.float32),
        pltpu.VMEM((2 * D,), jnp.float32),
        pltpu.VMEM_SHARED((N, D), jnp.float32),
        [pltpu.SemaphoreType.DMA] * 3,
        [pltpu.SemaphoreType.DMA] * 3,
    ],
)
def _sc_pass2(h_hbm, row_hbm, st_hbm, zrow_hbm, agg_hbm,
              rowi_v, hbb, st_v, acc_sh, semld, semsc):
    c = lax.axis_index("c")
    s_ = lax.axis_index("s")
    wid = s_ * NC + c
    ebase = wid * EPW

    soff = pl.multiple_of(s_ * SB, 8)
    pltpu.sync_copy(zrow_hbm.at[pl.ds(soff, SB)], acc_sh.at[pl.ds(soff, SB)])

    @pl.when(s_ == NS - 1)
    def _():
        pltpu.sync_copy(zrow_hbm.at[pl.ds(NS * SB, SREM)],
                        acc_sh.at[pl.ds(NS * SB, SREM)])

    pltpu.sync_copy(row_hbm.at[wid], rowi_v)
    pltpu.sync_copy(st_hbm, st_v)

    svec = [st_v[pl.ds(jj * 16, 16)] for jj in range(NV)]
    tvec = [st_v[pl.ds(D + jj * 16, 16)] for jj in range(NV)]
    lanes = lax.iota(jnp.int32, 16)
    bigv = jnp.where(lanes == 15, BIGC, 0.0)

    plsc.subcore_barrier()

    def load(j, b):
        off = pl.multiple_of(ebase + j * CH2, 8)
        return pltpu.async_copy(h_hbm.at[pl.ds(off, CH2)], hbb.at[b],
                                semld[b])

    def compute(b):
        def edge_body(i, carry):
            for jj in range(NV):
                sl = pl.ds(jj * 16, 16)
                v = hbb[b, i, sl] * svec[jj] + tvec[jj]
                v = jnp.maximum(v, 0.0)
                if jj == NV - 1:
                    v = v + bigv
                hbb[b, i, sl] = v
            return carry

        lax.fori_loop(0, CH2, edge_body, 0)

    def scatter(j, b):
        return pltpu.async_copy(hbb.at[b], acc_sh.at[rowi_v.at[j]], semsc[b],
                                add=True)

    def tri_body(p, carry):
        j0 = 3 * p
        cps = [load(j0 + b, b) for b in range(3)]
        cps[0].wait()
        compute(0)
        sc0 = scatter(j0, 0)
        cps[1].wait()
        compute(1)
        sc0.wait()
        sc1 = scatter(j0 + 1, 1)
        cps[2].wait()
        compute(2)
        sc1.wait()
        sc2 = scatter(j0 + 2, 2)
        sc2.wait()
        return carry

    lax.fori_loop(0, NCH2 // 3, tri_body, 0)
    for j in (NCH2 - 2, NCH2 - 1):
        load(j, 0).wait()
        compute(0)
        scatter(j, 0).wait()
    plsc.subcore_barrier()

    pltpu.sync_copy(acc_sh.at[pl.ds(soff, SB)],
                    agg_hbm.at[c].at[pl.ds(soff, SB)])

    @pl.when(s_ == NS - 1)
    def _():
        pltpu.sync_copy(acc_sh.at[pl.ds(NS * SB, SREM)],
                        agg_hbm.at[c].at[pl.ds(NS * SB, SREM)])


def _tc_post_body(x_ref, agg_ref, w2e_ref, bb2e_ref,
                  w1a_ref, g1a_ref, b1a_ref, w2a_ref, bb2a_ref, out_ref):
    acc = agg_ref[0] + agg_ref[1]
    cnt = jnp.floor(acc[:, D - 1] * (1.0 / BIGC))
    is_last = lax.broadcasted_iota(jnp.int32, (1, D), 1) == D - 1
    agg_a = acc - jnp.where(is_last, (BIGC * cnt)[:, None], 0.0)
    agg = jnp.dot(agg_a, w2e_ref[...], preferred_element_type=jnp.float32,
                    precision=lax.Precision.HIGHEST)
    agg = agg + cnt[:, None] * bb2e_ref[...]
    z = (jnp.dot(x_ref[...], w1a_ref[0], preferred_element_type=jnp.float32,
                    precision=lax.Precision.HIGHEST)
         + jnp.dot(agg, w1a_ref[1], preferred_element_type=jnp.float32,
                    precision=lax.Precision.HIGHEST))
    mean = jnp.mean(z, axis=0)
    zc = z - mean
    var = jnp.mean(zc * zc, axis=0)
    zb = zc * lax.rsqrt(var + EPS) * g1a_ref[...] + b1a_ref[...]
    zb = jnp.maximum(zb, 0.0)
    out_ref[...] = (jnp.dot(zb, w2a_ref[...], preferred_element_type=jnp.float32,
                    precision=lax.Precision.HIGHEST)
                    + bb2a_ref[...])


def _tc_post(x, agg, W2e, bb2e, W1a, g1a, b1a, W2a, bb2a):
    return pl.pallas_call(
        _tc_post_body,
        out_shape=jax.ShapeDtypeStruct((N, D), jnp.float32),
    )(x, agg, W2e, bb2e, W1a.reshape(2, D, D), g1a, b1a, W2a, bb2a)


@jax.jit
def kernel(x, edge_index, W1e, g1e, b1e, W2e, bb2e, W1a, g1a, b1a, W2a, bb2a):
    row = edge_index[0].astype(jnp.int32)
    col = edge_index[1].astype(jnp.int32)
    row3 = row.reshape(NW, NCH, CH)
    col3 = col.reshape(NW, NCH, CH)

    y = _tc_pre(x, W1e)
    h, stats = _sc_pass1(y, row3, col3)

    sums = jnp.sum(stats[:, :D], axis=0)
    sqs = jnp.sum(stats[:, D:], axis=0)
    mean = sums / E
    var = sqs / E - mean * mean
    s = g1e * lax.rsqrt(var + EPS)
    t = b1e - mean * s
    st = jnp.concatenate([s, t])

    zrow = jnp.zeros((N, D), jnp.float32)
    row80 = row.reshape(NW, NCH2, CH2)
    agg_p = _sc_pass2(h, row80, st, zrow)

    return _tc_post(x, agg_p, W2e, bb2e, W1a, g1a, b1a, W2a, bb2a)

# --- scband reference (transcript-rebuilt; emitter-appended) ---
"""Pipeline reference for scband-message-parsing-layer-78185584657005 (READ-ONLY COPY).

The authoritative reference and input builder live on the scoring server;
editing this copy changes nothing except your own understanding.
"""

import jax, jax.numpy as jnp
import numpy as np

EPS = 1e-5

def _bn_train(h, gamma, beta):
    mean = jnp.mean(h, axis=0)
    var = jnp.var(h, axis=0)
    return (h - mean) / jnp.sqrt(var + EPS) * gamma + beta

def setup_inputs(seed: int = 0) -> dict:
    key = jax.random.key(seed)
    ks = jax.random.split(key, 12)
    n_nodes, n_edges, h_dim = 10000, 320000, 128
    x = jax.random.normal(ks[0], (n_nodes, h_dim), dtype=jnp.float32)
    edge_index = jax.random.randint(ks[1], (2, n_edges), 0, n_nodes, dtype=jnp.int64 if jax.config.read('jax_enable_x64') else jnp.int32)
    # edge_mlp params: fc1 (no bias), bn1 (gamma, beta), fc2 (weight + bias)
    s1 = 1.0 / np.sqrt(h_dim)
    W1e = jax.random.uniform(ks[2], (h_dim, h_dim), jnp.float32, -s1, s1)
    g1e = jnp.ones((h_dim,), jnp.float32)
    b1e = jnp.zeros((h_dim,), jnp.float32)
    W2e = jax.random.uniform(ks[3], (h_dim, h_dim), jnp.float32, -s1, s1)
    bb2e = jax.random.uniform(ks[4], (h_dim,), jnp.float32, -s1, s1)
    # agg_mlp params: in_dim = 2*h_dim
    s2 = 1.0 / np.sqrt(2 * h_dim)
    W1a = jax.random.uniform(ks[5], (2 * h_dim, h_dim), jnp.float32, -s2, s2)
    g1a = jnp.ones((h_dim,), jnp.float32)
    b1a = jnp.zeros((h_dim,), jnp.float32)
    W2a = jax.random.uniform(ks[6], (h_dim, h_dim), jnp.float32, -s1, s1)
    bb2a = jax.random.uniform(ks[7], (h_dim,), jnp.float32, -s1, s1)
    return {"x": x, "edge_index": edge_index, "W1e": W1e, "g1e": g1e, "b1e": b1e,
            "W2e": W2e, "bb2e": bb2e, "W1a": W1a, "g1a": g1a, "b1a": b1a,
            "W2a": W2a, "bb2a": bb2a}

def reference(x, edge_index, W1e, g1e, b1e, W2e, bb2e, W1a, g1a, b1a, W2a, bb2a):
    row = edge_index[0]
    col = edge_index[1]
    source = jnp.take(x, row, axis=0)
    target = jnp.take(x, col, axis=0)
    out = source - target
    # edge_mlp: fc1 (no bias) -> bn1 (training stats) -> relu -> fc2
    h = out @ W1e
    h = _bn_train(h, g1e, b1e)
    h = jax.nn.relu(h)
    e = h @ W2e + bb2e
    # unsorted_segment_sum over source node index (row)
    agg = jax.ops.segment_sum(e, row, num_segments=x.shape[0])
    agg = jnp.concatenate([x, agg], axis=1)
    # agg_mlp
    h2 = agg @ W1a
    h2 = _bn_train(h2, g1a, b1a)
    h2 = jax.nn.relu(h2)
    return h2 @ W2a + bb2a

if __name__ == "__main__":
    import jax
    _d = setup_inputs()
    print(jax.jit(kernel)(*tuple(_d.values())))

</pallas_src>

<mosaic_0001>
#map = affine_map<(d0, d1) -> (0, 0)>
#map1 = affine_map<(d0, d1) -> (0, 0, 0)>
#map2 = affine_map<(d0, d1) -> (0)>
module attributes {stable_mosaic.version = 14 : i64} {
  func.func @_sc_pass2(%arg0: i32, %arg1: i32, %arg2: memref<320000x128xf32, #tpu.memory_space<hbm>>, %arg3: memref<32x125x80xi32, #tpu.memory_space<hbm>>, %arg4: memref<256xf32, #tpu.memory_space<hbm>>, %arg5: memref<10000x128xf32, #tpu.memory_space<hbm>>, %arg6: memref<2x10000x128xf32, #tpu.memory_space<hbm>>, %arg7: memref<125x80xi32, #tpu.memory_space<vmem>>, %arg8: memref<3x80x128xf32, #tpu.memory_space<vmem>>, %arg9: memref<256xf32, #tpu.memory_space<vmem>>, %arg10: memref<10000x128xf32, #tpu.memory_space<vmem_shared>>, %arg11: memref<!tpu.dma_semaphore, #tpu.memory_space<semaphore_mem>>, %arg12: memref<!tpu.dma_semaphore, #tpu.memory_space<semaphore_mem>>, %arg13: memref<!tpu.dma_semaphore, #tpu.memory_space<semaphore_mem>>, %arg14: memref<!tpu.dma_semaphore, #tpu.memory_space<semaphore_mem>>, %arg15: memref<!tpu.dma_semaphore, #tpu.memory_space<semaphore_mem>>, %arg16: memref<!tpu.dma_semaphore, #tpu.memory_space<semaphore_mem>>) attributes {dimension_semantics = [#tpu.dimension_semantics<core_parallel>, #tpu.dimension_semantics<subcore_parallel>], iteration_bounds = array<i64: 2, 16>, scalar_prefetch = 0 : i64, scratch_operands = 10 : i64, tpu.core_type = #tpu.core_type<sc_vector_subcore>, window_params = [{transform_indices = #map}, {transform_indices = #map1}, {transform_indices = #map2}, {transform_indices = #map}, {transform_indices = #map1}]} {
    %mul3A = arith.constant 2 : i32
    %mul3A_0 = arith.muli %arg1, %mul3A : i32
    %add3A = arith.addi %mul3A_0, %arg0 : i32
    %mul3A_1 = arith.constant 10000 : i32
    %mul3A_2 = arith.muli %add3A, %mul3A_1 : i32
    %mul3A_3 = arith.constant 624 : i32
    %mul3A_4 = arith.muli %arg1, %mul3A_3 : i32
    %multiple_of3A = tpu.assume_multiple %mul3A_4, 8 : i32
    "tpu.region"() ({
      %run_scoped3A = tpu.sem_alloc : memref<!tpu.dma_semaphore, #tpu.memory_space<semaphore_mem>>
      %dma_start3A_186 = arith.constant 0 : i32
      %dma_start3A_187 = tpu.memref_slice %arg10[%multiple_of3A, %dma_start3A_186] : memref<10000x128xf32, #tpu.memory_space<vmem_shared>> -> memref<624x128xf32, #tpu.memory_space<vmem_shared>>
      %dma_start3A_188 = arith.constant 0 : i32
      %dma_start3A_189 = tpu.memref_slice %arg5[%multiple_of3A, %dma_start3A_188] : memref<10000x128xf32, #tpu.memory_space<hbm>> -> memref<624x128xf32, #tpu.memory_space<hbm>>
      tpu.enqueue_dma source(%dma_start3A_189 : memref<624x128xf32, #tpu.memory_space<hbm>>) target(%dma_start3A_187 : memref<624x128xf32, #tpu.memory_space<vmem_shared>>) target_semaphore(%run_scoped3A : memref<!tpu.dma_semaphore, #tpu.memory_space<semaphore_mem>>)
      %dma_wait3A_190 = arith.constant 0 : i32
      %dma_wait3A_191 = tpu.memref_slice %arg10[%multiple_of3A, %dma_wait3A_190] : memref<10000x128xf32, #tpu.memory_space<vmem_shared>> -> memref<624x128xf32, #tpu.memory_space<vmem_shared>>
      %dma_wait3A_192 = arith.constant 0 : i32
      %dma_wait3A_193 = tpu.memref_slice %arg5[%multiple_of3A, %dma_wait3A_192] : memref<10000x128xf32, #tpu.memory_space<hbm>> -> memref<624x128xf32, #tpu.memory_space<hbm>>
      tpu.wait_dma2 semaphore(%run_scoped3A : memref<!tpu.dma_semaphore, #tpu.memory_space<semaphore_mem>>) src(%dma_wait3A_193 : memref<624x128xf32, #tpu.memory_space<hbm>>) dst(%dma_wait3A_191 : memref<624x128xf32, #tpu.memory_space<vmem_shared>>)
      tpu.yield
    }) : () -> ()
    %eq3A = arith.constant 15 : i32
    %eq3A_5 = arith.cmpi eq, %arg1, %eq3A : i32
    %convert_element_type3A = arith.extui %eq3A_5 : i1 to i32
    %cond3A = arith.constant 0 : i32
    %cond3A_6 = arith.cmpi ne, %convert_element_type3A, %cond3A : i32
    scf.if %cond3A_6 {
      "tpu.region"() ({
        %run_scoped3A = tpu.sem_alloc : memref<!tpu.dma_semaphore, #tpu.memory_space<semaphore_mem>>
        %dma_start3A_186 = arith.constant 9984 : i32
        %dma_start3A_187 = arith.constant 0 : i32
        %dma_start3A_188 = tpu.memref_slice %arg10[%dma_start3A_186, %dma_start3A_187] : memref<10000x128xf32, #tpu.memory_space<vmem_shared>> -> memref<16x128xf32, #tpu.memory_space<vmem_shared>>
        %dma_start3A_189 = arith.constant 9984 : i32
        %dma_start3A_190 = arith.constant 0 : i32
        %dma_start3A_191 = tpu.memref_slice %arg5[%dma_start3A_189, %dma_start3A_190] : memref<10000x128xf32, #tpu.memory_space<hbm>> -> memref<16x128xf32, #tpu.memory_space<hbm>>
        tpu.enqueue_dma source(%dma_start3A_191 : memref<16x128xf32, #tpu.memory_space<hbm>>) target(%dma_start3A_188 : memref<16x128xf32, #tpu.memory_space<vmem_shared>>) target_semaphore(%run_scoped3A : memref<!tpu.dma_semaphore, #tpu.memory_space<semaphore_mem>>)
        %dma_wait3A_192 = arith.constant 9984 : i32
        %dma_wait3A_193 = arith.constant 0 : i32
        %dma_wait3A_194 = tpu.memref_slice %arg10[%dma_wait3A_192, %dma_wait3A_193] : memref<10000x128xf32, #tpu.memory_space<vmem_shared>> -> memref<16x128xf32, #tpu.memory_space<vmem_shared>>
        %dma_wait3A_195 = arith.constant 9984 : i32
        %dma_wait3A_196 = arith.constant 0 : i32
        %dma_wait3A_197 = tpu.memref_slice %arg5[%dma_wait3A_195, %dma_wait3A_196] : memref<10000x128xf32, #tpu.memory_space<hbm>> -> memref<16x128xf32, #tpu.memory_space<hbm>>
        tpu.wait_dma2 semaphore(%run_scoped3A : memref<!tpu.dma_semaphore, #tpu.memory_space<semaphore_mem>>) src(%dma_wait3A_197 : memref<16x128xf32, #tpu.memory_space<hbm>>) dst(%dma_wait3A_194 : memref<16x128xf32, #tpu.memory_space<vmem_shared>>)
        tpu.yield
      }) : () -> ()
    } else {
    }
    "tpu.region"() ({
      %run_scoped3A = tpu.sem_alloc : memref<!tpu.dma_semaphore, #tpu.memory_space<semaphore_mem>>
      %dma_start3A_186 = arith.constant 0 : i32
      %dma_start3A_187 = arith.constant 0 : i32
      %dma_start3A_188 = tpu.memref_slice %arg3[%add3A, %dma_start3A_186, %dma_start3A_187] : memref<32x125x80xi32, #tpu.memory_space<hbm>> -> memref<1x125x80xi32, #tpu.memory_space<hbm>>
      %dma_start3A_189 = tpu.memref_squeeze %dma_start3A_188 : memref<1x125x80xi32, #tpu.memory_space<hbm>> -> memref<125x80xi32, #tpu.memory_space<hbm>>
      %dma_start3A_190 = arith.constant 0 : i32
      %dma_start3A_191 = arith.constant 0 : i32
      %dma_start3A_192 = tpu.memref_slice %arg3[%add3A, %dma_start3A_190, %dma_start3A_191] : memref<32x125x80xi32, #tpu.memory_space<hbm>> -> memref<1x125x80xi32, #tpu.memory_space<hbm>>
      %dma_start3A_193 = tpu.memref_squeeze %dma_start3A_192 : memref<1x125x80xi32, #tpu.memory_space<hbm>> -> memref<125x80xi32, #tpu.memory_space<hbm>>
      tpu.enqueue_dma source(%dma_start3A_193 : memref<125x80xi32, #tpu.memory_space<hbm>>) target(%arg7 : memref<125x80xi32, #tpu.memory_space<vmem>>) target_semaphore(%run_scoped3A : memref<!tpu.dma_semaphore, #tpu.memory_space<semaphore_mem>>)
      %dma_wait3A_194 = arith.constant 0 : i32
      %dma_wait3A_195 = arith.constant 0 : i32
      %dma_wait3A_196 = tpu.memref_slice %arg3[%add3A, %dma_wait3A_194, %dma_wait3A_195] : memref<32x125x80xi32, #tpu.memory_space<hbm>> -> memref<1x125x80xi32, #tpu.memory_space<hbm>>
      %dma_wait3A_197 = tpu.memref_squeeze %dma_wait3A_196 : memref<1x125x80xi32, #tpu.memory_space<hbm>> -> memref<125x80xi32, #tpu.memory_space<hbm>>
      %dma_wait3A_198 = arith.constant 0 : i32
      %dma_wait3A_199 = arith.constant 0 : i32
      %dma_wait3A_200 = tpu.memref_slice %arg3[%add3A, %dma_wait3A_198, %dma_wait3A_199] : memref<32x125x80xi32, #tpu.memory_space<hbm>> -> memref<1x125x80xi32, #tpu.memory_space<hbm>>
      %dma_wait3A_201 = tpu.memref_squeeze %dma_wait3A_200 : memref<1x125x80xi32, #tpu.memory_space<hbm>> -> memref<125x80xi32, #tpu.memory_space<hbm>>
      tpu.wait_dma2 semaphore(%run_scoped3A : memref<!tpu.dma_semaphore, #tpu.memory_space<semaphore_mem>>) src(%dma_wait3A_201 : memref<125x80xi32, #tpu.memory_space<hbm>>) dst(%arg7 : memref<125x80xi32, #tpu.memory_space<vmem>>)
      tpu.yield
    }) : () -> ()
    "tpu.region"() ({
      %run_scoped3A = tpu.sem_alloc : memref<!tpu.dma_semaphore, #tpu.memory_space<semaphore_mem>>
      tpu.enqueue_dma source(%arg4 : memref<256xf32, #tpu.memory_space<hbm>>) target(%arg9 : memref<256xf32, #tpu.memory_space<vmem>>) target_semaphore(%run_scoped3A : memref<!tpu.dma_semaphore, #tpu.memory_space<semaphore_mem>>)
      tpu.wait_dma2 semaphore(%run_scoped3A : memref<!tpu.dma_semaphore, #tpu.memory_space<semaphore_mem>>) src(%arg4 : memref<256xf32, #tpu.memory_space<hbm>>) dst(%arg9 : memref<256xf32, #tpu.memory_space<vmem>>)
      tpu.yield
    }) : () -> ()
    %get3A = arith.constant 0 : index
    %get3A_7 = tpu.vector_load %arg9[%get3A] {strides = array<i32>} : memref<256xf32, #tpu.memory_space<vmem>>, vector<16xf32>,
    %get3A_8 = vector.shape_cast %get3A_7 : vector<16xf32> to vector<16xf32>
    %get3A_9 = arith.constant 16 : index
    %get3A_10 = tpu.vector_load %arg9[%get3A_9] {strides = array<i32>} : memref<256xf32, #tpu.memory_space<vmem>>, vector<16xf32>,
    %get3A_11 = vector.shape_cast %get3A_10 : vector<16xf32> to vector<16xf32>
    %get3A_12 = arith.constant 32 : index
    %get3A_13 = tpu.vector_load %arg9[%get3A_12] {strides = array<i32>} : memref<256xf32, #tpu.memory_space<vmem>>, vector<16xf32>,
    %get3A_14 = vector.shape_cast %get3A_13 : vector<16xf32> to vector<16xf32>
    %get3A_15 = arith.constant 48 : index
    %get3A_16 = tpu.vector_load %arg9[%get3A_15] {strides = array<i32>} : memref<256xf32, #tpu.memory_space<vmem>>, vector<16xf32>,
    %get3A_17 = vector.shape_cast %get3A_16 : vector<16xf32> to vector<16xf32>
    %get3A_18 = arith.constant 64 : index
    %get3A_19 = tpu.vector_load %arg9[%get3A_18] {strides = array<i32>} : memref<256xf32, #tpu.memory_space<vmem>>, vector<16xf32>,
    %get3A_20 = vector.shape_cast %get3A_19 : vector<16xf32> to vector<16xf32>
    %get3A_21 = arith.constant 80 : index
    %get3A_22 = tpu.vector_load %arg9[%get3A_21] {strides = array<i32>} : memref<256xf32, #tpu.memory_space<vmem>>, vector<16xf32>,
    %get3A_23 = vector.shape_cast %get3A_22 : vector<16xf32> to vector<16xf32>
    %get3A_24 = arith.constant 96 : index
    %get3A_25 = tpu.vector_load %arg9[%get3A_24] {strides = array<i32>} : memref<256xf32, #tpu.memory_space<vmem>>, vector<16xf32>,
    %get3A_26 = vector.shape_cast %get3A_25 : vector<16xf32> to vector<16xf32>
    %get3A_27 = arith.constant 112 : index
    %get3A_28 = tpu.vector_load %arg9[%get3A_27] {strides = array<i32>} : memref<256xf32, #tpu.memory_space<vmem>>, vector<16xf32>,
    %get3A_29 = vector.shape_cast %get3A_28 : vector<16xf32> to vector<16xf32>
    %get3A_30 = arith.constant 128 : index
    %get3A_31 = tpu.vector_load %arg9[%get3A_30] {strides = array<i32>} : memref<256xf32, #tpu.memory_space<vmem>>, vector<16xf32>,
    %get3A_32 = vector.shape_cast %get3A_31 : vector<16xf32> to vector<16xf32>
    %get3A_33 = arith.constant 144 : index
    %get3A_34 = tpu.vector_load %arg9[%get3A_33] {strides = array<i32>} : memref<256xf32, #tpu.memory_space<vmem>>, vector<16xf32>,
    %get3A_35 = vector.shape_cast %get3A_34 : vector<16xf32> to vector<16xf32>
    %get3A_36 = arith.constant 160 : index
    %get3A_37 = tpu.vector_load %arg9[%get3A_36] {strides = array<i32>} : memref<256xf32, #tpu.memory_space<vmem>>, vector<16xf32>,
    %get3A_38 = vector.shape_cast %get3A_37 : vector<16xf32> to vector<16xf32>
    %get3A_39 = arith.constant 176 : index
    %get3A_40 = tpu.vector_load %arg9[%get3A_39] {strides = array<i32>} : memref<256xf32, #tpu.memory_space<vmem>>, vector<16xf32>,
    %get3A_41 = vector.shape_cast %get3A_40 : vector<16xf32> to vector<16xf32>
    %get3A_42 = arith.constant 192 : index
    %get3A_43 = tpu.vector_load %arg9[%get3A_42] {strides = array<i32>} : memref<256xf32, #tpu.memory_space<vmem>>, vector<16xf32>,
    %get3A_44 = vector.shape_cast %get3A_43 : vector<16xf32> to vector<16xf32>
    %get3A_45 = arith.constant 208 : index
    %get3A_46 = tpu.vector_load %arg9[%get3A_45] {strides = array<i32>} : memref<256xf32, #tpu.memory_space<vmem>>, vector<16xf32>,
    %get3A_47 = vector.shape_cast %get3A_46 : vector<16xf32> to vector<16xf32>
    %get3A_48 = arith.constant 224 : index
    %get3A_49 = tpu.vector_load %arg9[%get3A_48] {strides = array<i32>} : memref<256xf32, #tpu.memory_space<vmem>>, vector<16xf32>,
    %get3A_50 = vector.shape_cast %get3A_49 : vector<16xf32> to vector<16xf32>
    %get3A_51 = arith.constant 240 : index
    %get3A_52 = tpu.vector_load %arg9[%get3A_51] {strides = array<i32>} : memref<256xf32, #tpu.memory_space<vmem>>, vector<16xf32>,
    %get3A_53 = vector.shape_cast %get3A_52 : vector<16xf32> to vector<16xf32>
    %iota3A = tpu.iota {dimensions = array<i32: 0>} : vector<16xi32>
    %eq3A_54 = arith.constant 15 : i32
    %eq3A_55 = vector.broadcast %eq3A_54 : i32 to vector<16xi32>
    %eq3A_56 = arith.cmpi eq, %iota3A, %eq3A_55 : vector<16xi32>
    %jit3A = arith.constant 2.048000e+03 : f32
    %jit3A_57 = arith.constant 0.000000e+00 : f32
    %broadcast_in_dim3A = vector.broadcast %jit3A : f32 to vector<16xf32>
    %broadcast_in_dim3A_58 = vector.broadcast %jit3A_57 : f32 to vector<16xf32>
    %select_n3A = arith.select %eq3A_56, %broadcast_in_dim3A, %broadcast_in_dim3A_58 : vector<16xi1>, vector<16xf32>
    %barrier3A = arith.constant 0 : index
    tpu.barrier barrier_id(%barrier3A)
    %scan3A = arith.constant 0 : i32
    %scan3A_59 = arith.constant 0 : i32
    %scan3A_60 = arith.constant 41 : i32
    %scan3A_61 = arith.addi %scan3A_59, %scan3A_60 : i32
    %scan3A_62 = arith.constant 1 : i32
    scf.for %scan3A_186 = %scan3A_59 to %scan3A_61 step %scan3A_62  : i32 {
      %mul3A_187 = arith.constant 3 : i32
      %mul3A_188 = arith.muli %mul3A_187, %scan3A_186 : i32
      %add3A_189 = arith.constant 0 : i32
      %add3A_190 = arith.addi %mul3A_188, %add3A_189 : i32
      %mul3A_191 = arith.constant 80 : i32
      %mul3A_192 = arith.muli %add3A_190, %mul3A_191 : i32
      %add3A_193 = arith.addi %mul3A_2, %mul3A_192 : i32
      %multiple_of3A_194 = tpu.assume_multiple %add3A_193, 8 : i32
      %dma_start3A_195 = arith.constant 0 : i32
      %dma_start3A_196 = arith.constant 0 : i32
      %dma_start3A_197 = arith.constant 0 : i32
      %dma_start3A_198 = tpu.memref_slice %arg8[%dma_start3A_195, %dma_start3A_196, %dma_start3A_197] : memref<3x80x128xf32, #tpu.memory_space<vmem>> -> memref<1x80x128xf32, #tpu.memory_space<vmem>>
      %dma_start3A_199 = tpu.memref_squeeze %dma_start3A_198 : memref<1x80x128xf32, #tpu.memory_space<vmem>> -> memref<80x128xf32, #tpu.memory_space<vmem>>
      %dma_start3A_200 = arith.constant 0 : i32
      %dma_start3A_201 = tpu.memref_slice %arg2[%multiple_of3A_194, %dma_start3A_200] : memref<320000x128xf32, #tpu.memory_space<hbm>> -> memref<80x128xf32, #tpu.memory_space<hbm>>
      %dma_start3A_202 = arith.constant 0 : i32
      %dma_start3A_203 = arith.constant 0 : i32
      %dma_start3A_204 = tpu.memref_slice %arg8[%dma_start3A_195, %dma_start3A_202, %dma_start3A_203] : memref<3x80x128xf32, #tpu.memory_space<vmem>> -> memref<1x80x128xf32, #tpu.memory_space<vmem>>
      %dma_start3A_205 = tpu.memref_squeeze %dma_start3A_204 : memref<1x80x128xf32, #tpu.memory_space<vmem>> -> memref<80x128xf32, #tpu.memory_space<vmem>>
      %dma_start3A_206 = arith.constant 0 : i32
      %dma_start3A_207 = tpu.memref_slice %arg2[%multiple_of3A_194, %dma_start3A_206] : memref<320000x128xf32, #tpu.memory_space<hbm>> -> memref<80x128xf32, #tpu.memory_space<hbm>>
      tpu.enqueue_dma source(%dma_start3A_207 : memref<80x128xf32, #tpu.memory_space<hbm>>) target(%dma_start3A_205 : memref<80x128xf32, #tpu.memory_space<vmem>>) target_semaphore(%arg11 : memref<!tpu.dma_semaphore, #tpu.memory_space<semaphore_mem>>)
      %add3A_208 = arith.constant 1 : i32
      %add3A_209 = arith.addi %mul3A_188, %add3A_208 : i32
      %mul3A_210 = arith.constant 80 : i32
      %mul3A_211 = arith.muli %add3A_209, %mul3A_210 : i32
      %add3A_212 = arith.addi %mul3A_2, %mul3A_211 : i32
      %multiple_of3A_213 = tpu.assume_multiple %add3A_212, 8 : i32
      %dma_start3A_214 = arith.constant 1 : i32
      %dma_start3A_215 = arith.constant 0 : i32
      %dma_start3A_216 = arith.constant 0 : i32
      %dma_start3A_217 = tpu.memref_slice %arg8[%dma_start3A_214, %dma_start3A_215, %dma_start3A_216] : memref<3x80x128xf32, #tpu.memory_space<vmem>> -> memref<1x80x128xf32, #tpu.memory_space<vmem>>
      %dma_start3A_218 = tpu.memref_squeeze %dma_start3A_217 : memref<1x80x128xf32, #tpu.memory_space<vmem>> -> memref<80x128xf32, #tpu.memory_space<vmem>>
      %dma_start3A_219 = arith.constant 0 : i32
      %dma_start3A_220 = tpu.memref_slice %arg2[%multiple_of3A_213, %dma_start3A_219] : memref<320000x128xf32, #tpu.memory_space<hbm>> -> memref<80x128xf32, #tpu.memory_space<hbm>>
      %dma_start3A_221 = arith.constant 0 : i32
      %dma_start3A_222 = arith.constant 0 : i32
      %dma_start3A_223 = tpu.memref_slice %arg8[%dma_start3A_214, %dma_start3A_221, %dma_start3A_222] : memref<3x80x128xf32, #tpu.memory_space<vmem>> -> memref<1x80x128xf32, #tpu.memory_space<vmem>>
      %dma_start3A_224 = tpu.memref_squeeze %dma_start3A_223 : memref<1x80x128xf32, #tpu.memory_space<vmem>> -> memref<80x128xf32, #tpu.memory_space<vmem>>
      %dma_start3A_225 = arith.constant 0 : i32
      %dma_start3A_226 = tpu.memref_slice %arg2[%multiple_of3A_213, %dma_start3A_225] : memref<320000x128xf32, #tpu.memory_space<hbm>> -> memref<80x128xf32, #tpu.memory_space<hbm>>
      tpu.enqueue_dma source(%dma_start3A_226 : memref<80x128xf32, #tpu.memory_space<hbm>>) target(%dma_start3A_224 : memref<80x128xf32, #tpu.memory_space<vmem>>) target_semaphore(%arg12 : memref<!tpu.dma_semaphore, #tpu.memory_space<semaphore_mem>>)
      %add3A_227 = arith.constant 2 : i32
      %add3A_228 = arith.addi %mul3A_188, %add3A_227 : i32
      %mul3A_229 = arith.constant 80 : i32
      %mul3A_230 = arith.muli %add3A_228, %mul3A_229 : i32
      %add3A_231 = arith.addi %mul3A_2, %mul3A_230 : i32
      %multiple_of3A_232 = tpu.assume_multiple %add3A_231, 8 : i32
      %dma_start3A_233 = arith.constant 2 : i32
      %dma_start3A_234 = arith.constant 0 : i32
      %dma_start3A_235 = arith.constant 0 : i32
      %dma_start3A_236 = tpu.memref_slice %arg8[%dma_start3A_233, %dma_start3A_234, %dma_start3A_235] : memref<3x80x128xf32, #tpu.memory_space<vmem>> -> memref<1x80x128xf32, #tpu.memory_space<vmem>>
      %dma_start3A_237 = tpu.memref_squeeze %dma_start3A_236 : memref<1x80x128xf32, #tpu.memory_space<vmem>> -> memref<80x128xf32, #tpu.memory_space<vmem>>
      %dma_start3A_238 = arith.constant 0 : i32
      %dma_start3A_239 = tpu.memref_slice %arg2[%multiple_of3A_232, %dma_start3A_238] : memref<320000x128xf32, #tpu.memory_space<hbm>> -> memref<80x128xf32, #tpu.memory_space<hbm>>
      %dma_start3A_240 = arith.constant 0 : i32
      %dma_start3A_241 = arith.constant 0 : i32
      %dma_start3A_242 = tpu.memref_slice %arg8[%dma_start3A_233, %dma_start3A_240, %dma_start3A_241] : memref<3x80x128xf32, #tpu.memory_space<vmem>> -> memref<1x80x128xf32, #tpu.memory_space<vmem>>
      %dma_start3A_243 = tpu.memref_squeeze %dma_start3A_242 : memref<1x80x128xf32, #tpu.memory_space<vmem>> -> memref<80x128xf32, #tpu.memory_space<vmem>>
      %dma_start3A_244 = arith.constant 0 : i32
      %dma_start3A_245 = tpu.memref_slice %arg2[%multiple_of3A_232, %dma_start3A_244] : memref<320000x128xf32, #tpu.memory_space<hbm>> -> memref<80x128xf32, #tpu.memory_space<hbm>>
      tpu.enqueue_dma source(%dma_start3A_245 : memref<80x128xf32, #tpu.memory_space<hbm>>) target(%dma_start3A_243 : memref<80x128xf32, #tpu.memory_space<vmem>>) target_semaphore(%arg13 : memref<!tpu.dma_semaphore, #tpu.memory_space<semaphore_mem>>)
      %dma_wait3A_246 = arith.constant 0 : i32
      %dma_wait3A_247 = arith.constant 0 : i32
      %dma_wait3A_248 = arith.constant 0 : i32
      %dma_wait3A_249 = tpu.memref_slice %arg8[%dma_wait3A_246, %dma_wait3A_247, %dma_wait3A_248] : memref<3x80x128xf32, #tpu.memory_space<vmem>> -> memref<1x80x128xf32, #tpu.memory_space<vmem>>
      %dma_wait3A_250 = tpu.memref_squeeze %dma_wait3A_249 : memref<1x80x128xf32, #tpu.memory_space<vmem>> -> memref<80x128xf32, #tpu.memory_space<vmem>>
      %dma_wait3A_251 = arith.constant 0 : i32
      %dma_wait3A_252 = tpu.memref_slice %arg2[%multiple_of3A_194, %dma_wait3A_251] : memref<320000x128xf32, #tpu.memory_space<hbm>> -> memref<80x128xf32, #tpu.memory_space<hbm>>
      %dma_wait3A_253 = arith.constant 0 : i32
      %dma_wait3A_254 = arith.constant 0 : i32
      %dma_wait3A_255 = tpu.memref_slice %arg8[%dma_wait3A_246, %dma_wait3A_253, %dma_wait3A_254] : memref<3x80x128xf32, #tpu.memory_space<vmem>> -> memref<1x80x128xf32, #tpu.memory_space<vmem>>
      %dma_wait3A_256 = tpu.memref_squeeze %dma_wait3A_255 : memref<1x80x128xf32, #tpu.memory_space<vmem>> -> memref<80x128xf32, #tpu.memory_space<vmem>>
      %dma_wait3A_257 = arith.constant 0 : i32
      %dma_wait3A_258 = tpu.memref_slice %arg2[%multiple_of3A_194, %dma_wait3A_257] : memref<320000x128xf32, #tpu.memory_space<hbm>> -> memref<80x128xf32, #tpu.memory_space<hbm>>
      tpu.wait_dma2 semaphore(%arg11 : memref<!tpu.dma_semaphore, #tpu.memory_space<semaphore_mem>>) src(%dma_wait3A_258 : memref<80x128xf32, #tpu.memory_space<hbm>>) dst(%dma_wait3A_256 : memref<80x128xf32, #tpu.memory_space<vmem>>)
      %scan3A_259 = arith.constant 0 : i32
      %scan3A_260 = arith.constant 0 : i32
      %scan3A_261 = arith.constant 80 : i32
      %scan3A_262 = arith.addi %scan3A_260, %scan3A_261 : i32
      %scan3A_263 = arith.constant 1 : i32
      scf.for %scan3A_373 = %scan3A_260 to %scan3A_262 step %scan3A_263  : i32 {
        %get3A_374 = arith.constant 0 : i32
        %get3A_375 = arith.index_cast %get3A_374 : i32 to index
        %get3A_376 = arith.index_cast %scan3A_373 : i32 to index
        %get3A_377 = arith.constant 0 : index
        %get3A_378 = tpu.vector_load %arg8[%get3A_375, %get3A_376, %get3A_377] {strides = array<i32>} : memref<3x80x128xf32, #tpu.memory_space<vmem>>, vector<1x1x16xf32>,
        %get3A_379 = vector.shape_cast %get3A_378 : vector<1x1x16xf32> to vector<16xf32>
        %mul3A_380 = arith.mulf %get3A_379, %get3A_8 : vector<16xf32>
        %add3A_381 = arith.addf %mul3A_380, %get3A_32 : vector<16xf32>
        %max3A = arith.constant 0.000000e+00 : f32
        %max3A_382 = vector.broadcast %max3A : f32 to vector<16xf32>
        %max3A_383 = arith.maximumf %add3A_381, %max3A_382 : vector<16xf32>
        %swap3A = arith.constant 0 : i32
        %swap3A_384 = arith.index_cast %swap3A : i32 to index
        %swap3A_385 = arith.index_cast %scan3A_373 : i32 to index
        %swap3A_386 = arith.constant 0 : index
        %swap3A_387 = tpu.vector_load %arg8[%swap3A_384, %swap3A_385, %swap3A_386] {strides = array<i32>} : memref<3x80x128xf32, #tpu.memory_space<vmem>>, vector<1x1x16xf32>,
        %swap3A_388 = vector.shape_cast %swap3A_387 : vector<1x1x16xf32> to vector<16xf32>
        %swap3A_389 = vector.shape_cast %max3A_383 : vector<16xf32> to vector<1x1x16xf32>
        tpu.vector_store %arg8[%swap3A_384, %swap3A_385, %swap3A_386], %swap3A_389 {strides = array<i32>} : memref<3x80x128xf32, #tpu.memory_space<vmem>>, vector<1x1x16xf32>,
        %get3A_390 = arith.constant 0 : i32
        %get3A_391 = arith.index_cast %get3A_390 : i32 to index
        %get3A_392 = arith.index_cast %scan3A_373 : i32 to index
        %get3A_393 = arith.constant 16 : index
        %get3A_394 = tpu.vector_load %arg8[%get3A_391, %get3A_392, %get3A_393] {strides = array<i32>} : memref<3x80x128xf32, #tpu.memory_space<vmem>>, vector<1x1x16xf32>,
        %get3A_395 = vector.shape_cast %get3A_394 : vector<1x1x16xf32> to vector<16xf32>
        %mul3A_396 = arith.mulf %get3A_395, %get3A_11 : vector<16xf32>
        %add3A_397 = arith.addf %mul3A_396, %get3A_35 : vector<16xf32>
        %max3A_398 = arith.constant 0.000000e+00 : f32
        %max3A_399 = vector.broadcast %max3A_398 : f32 to vector<16xf32>
        %max3A_400 = arith.maximumf %add3A_397, %max3A_399 : vector<16xf32>
        %swap3A_401 = arith.constant 0 : i32
        %swap3A_402 = arith.index_cast %swap3A_401 : i32 to index
        %swap3A_403 = arith.index_cast %scan3A_373 : i32 to index
        %swap3A_404 = arith.constant 16 : index
        %swap3A_405 = tpu.vector_load %arg8[%swap3A_402, %swap3A_403, %swap3A_404] {strides = array<i32>} : memref<3x80x128xf32, #tpu.memory_space<vmem>>, vector<1x1x16xf32>,
        %swap3A_406 = vector.shape_cast %swap3A_405 : vector<1x1x16xf32> to vector<16xf32>
        %swap3A_407 = vector.shape_cast %max3A_400 : vector<16xf32> to vector<1x1x16xf32>
        tpu.vector_store %arg8[%swap3A_402, %swap3A_403, %swap3A_404], %swap3A_407 {strides = array<i32>} : memref<3x80x128xf32, #tpu.memory_space<vmem>>, vector<1x1x16xf32>,
        %get3A_408 = arith.constant 0 : i32
        %get3A_409 = arith.index_cast %get3A_408 : i32 to index
        %get3A_410 = arith.index_cast %scan3A_373 : i32 to index
        %get3A_411 = arith.constant 32 : index
        %get3A_412 = tpu.vector_load %arg8[%get3A_409, %get3A_410, %get3A_411] {strides = array<i32>} : memref<3x80x128xf32, #tpu.memory_space<vmem>>, vector<1x1x16xf32>,
        %get3A_413 = vector.shape_cast %get3A_412 : vector<1x1x16xf32> to vector<16xf32>
        %mul3A_414 = arith.mulf %get3A_413, %get3A_14 : vector<16xf32>
        %add3A_415 = arith.addf %mul3A_414, %get3A_38 : vector<16xf32>
        %max3A_416 = arith.constant 0.000000e+00 : f32
        %max3A_417 = vector.broadcast %max3A_416 : f32 to vector<16xf32>
        %max3A_418 = arith.maximumf %add3A_415, %max3A_417 : vector<16xf32>
        %swap3A_419 = arith.constant 0 : i32
        %swap3A_420 = arith.index_cast %swap3A_419 : i32 to index
        %swap3A_421 = arith.index_cast %scan3A_373 : i32 to index
        %swap3A_422 = arith.constant 32 : index
        %swap3A_423 = tpu.vector_load %arg8[%swap3A_420, %swap3A_421, %swap3A_422] {strides = array<i32>} : memref<3x80x128xf32, #tpu.memory_space<vmem>>, vector<1x1x16xf32>,
        %swap3A_424 = vector.shape_cast %swap3A_423 : vector<1x1x16xf32> to vector<16xf32>
        %swap3A_425 = vector.shape_cast %max3A_418 : vector<16xf32> to vector<1x1x16xf32>
        tpu.vector_store %arg8[%swap3A_420, %swap3A_421, %swap3A_422], %swap3A_425 {strides = array<i32>} : memref<3x80x128xf32, #tpu.memory_space<vmem>>, vector<1x1x16xf32>,
        %get3A_426 = arith.constant 0 : i32
        %get3A_427 = arith.index_cast %get3A_426 : i32 to index
        %get3A_428 = arith.index_cast %scan3A_373 : i32 to index
        %get3A_429 = arith.constant 48 : index
        %get3A_430 = tpu.vector_load %arg8[%get3A_427, %get3A_428, %get3A_429] {strides = array<i32>} : memref<3x80x128xf32, #tpu.memory_space<vmem>>, vector<1x1x16xf32>,
        %get3A_431 = vector.shape_cast %get3A_430 : vector<1x1x16xf32> to vector<16xf32>
        %mul3A_432 = arith.mulf %get3A_431, %get3A_17 : vector<16xf32>
        %add3A_433 = arith.addf %mul3A_432, %get3A_41 : vector<16xf32>
        %max3A_434 = arith.constant 0.000000e+00 : f32
        %max3A_435 = vector.broadcast %max3A_434 : f32 to vector<16xf32>
        %max3A_436 = arith.maximumf %add3A_433, %max3A_435 : vector<16xf32>
        %swap3A_437 = arith.constant 0 : i32
        %swap3A_438 = arith.index_cast %swap3A_437 : i32 to index
        %swap3A_439 = arith.index_cast %scan3A_373 : i32 to index
        %swap3A_440 = arith.constant 48 : index
        %swap3A_441 = tpu.vector_load %arg8[%swap3A_438, %swap3A_439, %swap3A_440] {strides = array<i32>} : memref<3x80x128xf32, #tpu.memory_space<vmem>>, vector<1x1x16xf32>,
        %swap3A_442 = vector.shape_cast %swap3A_441 : vector<1x1x16xf32> to vector<16xf32>
        %swap3A_443 = vector.shape_cast %max3A_436 : vector<16xf32> to vector<1x1x16xf32>
        tpu.vector_store %arg8[%swap3A_438, %swap3A_439, %swap3A_440], %swap3A_443 {strides = array<i32>} : memref<3x80x128xf32, #tpu.memory_space<vmem>>, vector<1x1x16xf32>,
        %get3A_444 = arith.constant 0 : i32
        %get3A_445 = arith.index_cast %get3A_444 : i32 to index
        %get3A_446 = arith.index_cast %scan3A_373 : i32 to index
        %get3A_447 = arith.constant 64 : index
        %get3A_448 = tpu.vector_load %arg8[%get3A_445, %get3A_446, %get3A_447] {strides = array<i32>} : memref<3x80x128xf32, #tpu.memory_space<vmem>>, vector<1x1x16xf32>,
        %get3A_449 = vector.shape_cast %get3A_448 : vector<1x1x16xf32> to vector<16xf32>
        %mul3A_450 = arith.mulf %get3A_449, %get3A_20 : vector<16xf32>
        %add3A_451 = arith.addf %mul3A_450, %get3A_44 : vector<16xf32>
        %max3A_452 = arith.constant 0.000000e+00 : f32
        %max3A_453 = vector.broadcast %max3A_452 : f32 to vector<16xf32>
        %max3A_454 = arith.maximumf %add3A_451, %max3A_453 : vector<16xf32>
        %swap3A_455 = arith.constant 0 : i32
        %swap3A_456 = arith.index_cast %swap3A_455 : i32 to index
        %swap3A_457 = arith.index_cast %scan3A_373 : i32 to index
        %swap3A_458 = arith.constant 64 : index
        %swap3A_459 = tpu.vector_load %arg8[%swap3A_456, %swap3A_457, %swap3A_458] {strides = array<i32>} : memref<3x80x128xf32, #tpu.memory_space<vmem>>, vector<1x1x16xf32>,
        %swap3A_460 = vector.shape_cast %swap3A_459 : vector<1x1x16xf32> to vector<16xf32>
        %swap3A_461 = vector.shape_cast %max3A_454 : vector<16xf32> to vector<1x1x16xf32>
        tpu.vector_store %arg8[%swap3A_456, %swap3A_457, %swap3A_458], %swap3A_461 {strides = array<i32>} : memref<3x80x128xf32, #tpu.memory_space<vmem>>, vector<1x1x16xf32>,
        %get3A_462 = arith.constant 0 : i32
        %get3A_463 = arith.index_cast %get3A_462 : i32 to index
        %get3A_464 = arith.index_cast %scan3A_373 : i32 to index
        %get3A_465 = arith.constant 80 : index
        %get3A_466 = tpu.vector_load %arg8[%get3A_463, %get3A_464, %get3A_465] {strides = array<i32>} : memref<3x80x128xf32, #tpu.memory_space<vmem>>, vector<1x1x16xf32>,
        %get3A_467 = vector.shape_cast %get3A_466 : vector<1x1x16xf32> to vector<16xf32>
        %mul3A_468 = arith.mulf %get3A_467, %get3A_23 : vector<16xf32>
        %add3A_469 = arith.addf %mul3A_468, %get3A_47 : vector<16xf32>
        %max3A_470 = arith.constant 0.000000e+00 : f32
        %max3A_471 = vector.broadcast %max3A_470 : f32 to vector<16xf32>
        %max3A_472 = arith.maximumf %add3A_469, %max3A_471 : vector<16xf32>
        %swap3A_473 = arith.constant 0 : i32
        %swap3A_474 = arith.index_cast %swap3A_473 : i32 to index
        %swap3A_475 = arith.index_cast %scan3A_373 : i32 to index
        %swap3A_476 = arith.constant 80 : index
        %swap3A_477 = tpu.vector_load %arg8[%swap3A_474, %swap3A_475, %swap3A_476] {strides = array<i32>} : memref<3x80x128xf32, #tpu.memory_space<vmem>>, vector<1x1x16xf32>,
        %swap3A_478 = vector.shape_cast %swap3A_477 : vector<1x1x16xf32> to vector<16xf32>
        %swap3A_479 = vector.shape_cast %max3A_472 : vector<16xf32> to vector<1x1x16xf32>
        tpu.vector_store %arg8[%swap3A_474, %swap3A_475, %swap3A_476], %swap3A_479 {strides = array<i32>} : memref<3x80x128xf32, #tpu.memory_space<vmem>>, vector<1x1x16xf32>,
        %get3A_480 = arith.constant 0 : i32
        %get3A_481 = arith.index_cast %get3A_480 : i32 to index
        %get3A_482 = arith.index_cast %scan3A_373 : i32 to index
        %get3A_483 = arith.constant 96 : index
        %get3A_484 = tpu.vector_load %arg8[%get3A_481, %get3A_482, %get3A_483] {strides = array<i32>} : memref<3x80x128xf32, #tpu.memory_space<vmem>>, vector<1x1x16xf32>,
        %get3A_485 = vector.shape_cast %get3A_484 : vector<1x1x16xf32> to vector<16xf32>
        %mul3A_486 = arith.mulf %get3A_485, %get3A_26 : vector<16xf32>
        %add3A_487 = arith.addf %mul3A_486, %get3A_50 : vector<16xf32>
        %max3A_488 = arith.constant 0.000000e+00 : f32
        %max3A_489 = vector.broadcast %max3A_488 : f32 to vector<16xf32>
        %max3A_490 = arith.maximumf %add3A_487, %max3A_489 : vector<16xf32>
        %swap3A_491 = arith.constant 0 : i32
        %swap3A_492 = arith.index_cast %swap3A_491 : i32 to index
        %swap3A_493 = arith.index_cast %scan3A_373 : i32 to index
        %swap3A_494 = arith.constant 96 : index
        %swap3A_495 = tpu.vector_load %arg8[%swap3A_492, %swap3A_493, %swap3A_494] {strides = array<i32>} : memref<3x80x128xf32, #tpu.memory_space<vmem>>, vector<1x1x16xf32>,
        %swap3A_496 = vector.shape_cast %swap3A_495 : vector<1x1x16xf32> to vector<16xf32>
        %swap3A_497 = vector.shape_cast %max3A_490 : vector<16xf32> to vector<1x1x16xf32>
        tpu.vector_store %arg8[%swap3A_492, %swap3A_493, %swap3A_494], %swap3A_497 {strides = array<i32>} : memref<3x80x128xf32, #tpu.memory_space<vmem>>, vector<1x1x16xf32>,
        %get3A_498 = arith.constant 0 : i32
        %get3A_499 = arith.index_cast %get3A_498 : i32 to index
        %get3A_500 = arith.index_cast %scan3A_373 : i32 to index
        %get3A_501 = arith.constant 112 : index
        %get3A_502 = tpu.vector_load %arg8[%get3A_499, %get3A_500, %get3A_501] {strides = array<i32>} : memref<3x80x128xf32, #tpu.memory_space<vmem>>, vector<1x1x16xf32>,
        %get3A_503 = vector.shape_cast %get3A_502 : vector<1x1x16xf32> to vector<16xf32>
        %mul3A_504 = arith.mulf %get3A_503, %get3A_29 : vector<16xf32>
        %add3A_505 = arith.addf %mul3A_504, %get3A_53 : vector<16xf32>
        %max3A_506 = arith.constant 0.000000e+00 : f32
        %max3A_507 = vector.broadcast %max3A_506 : f32 to vector<16xf32>
        %max3A_508 = arith.maximumf %add3A_505, %max3A_507 : vector<16xf32>
        %add3A_509 = arith.addf %max3A_508, %select_n3A : vector<16xf32>
        %swap3A_510 = arith.constant 0 : i32
        %swap3A_511 = arith.index_cast %swap3A_510 : i32 to index
        %swap3A_512 = arith.index_cast %scan3A_373 : i32 to index
        %swap3A_513 = arith.constant 112 : index
        %swap3A_514 = tpu.vector_load %arg8[%swap3A_511, %swap3A_512, %swap3A_513] {strides = array<i32>} : memref<3x80x128xf32, #tpu.memory_space<vmem>>, vector<1x1x16xf32>,
        %swap3A_515 = vector.shape_cast %swap3A_514 : vector<1x1x16xf32> to vector<16xf32>
        %swap3A_516 = vector.shape_cast %add3A_509 : vector<16xf32> to vector<1x1x16xf32>
        tpu.vector_store %arg8[%swap3A_511, %swap3A_512, %swap3A_513], %swap3A_516 {strides = array<i32>} : memref<3x80x128xf32, #tpu.memory_space<vmem>>, vector<1x1x16xf32>,
      }
      %scan3A_264 = arith.constant 80 : i32
      %dma_start3A_265 = arith.constant 0 : i32
      %dma_start3A_266 = arith.constant 0 : i32
      %dma_start3A_267 = arith.constant 0 : i32
      %dma_start3A_268 = tpu.memref_slice %arg8[%dma_start3A_265, %dma_start3A_266, %dma_start3A_267] : memref<3x80x128xf32, #tpu.memory_space<vmem>> -> memref<1x80x128xf32, #tpu.memory_space<vmem>>
      %dma_start3A_269 = tpu.memref_squeeze %dma_start3A_268 : memref<1x80x128xf32, #tpu.memory_space<vmem>> -> memref<80x128xf32, #tpu.memory_space<vmem>>
      %dma_start3A_270 = arith.constant 0 : i32
      %dma_start3A_271 = tpu.memref_slice %arg7[%mul3A_188, %dma_start3A_270] : memref<125x80xi32, #tpu.memory_space<vmem>> -> memref<1x80xi32, #tpu.memory_space<vmem>>
      %dma_start3A_272 = tpu.memref_squeeze %dma_start3A_271 : memref<1x80xi32, #tpu.memory_space<vmem>> -> memref<80xi32, #tpu.memory_space<vmem>>
      %dma_start3A_273 = arith.constant 0 : i32
      %dma_start3A_274 = arith.constant 0 : i32
      %dma_start3A_275 = tpu.memref_slice %arg10[%dma_start3A_273, %dma_start3A_274] : memref<10000x128xf32, #tpu.memory_space<vmem_shared>> -> memref<10000x128xf32, #tpu.memory_space<vmem_shared>>
      tpu.enqueue_indirect_dma source(%dma_start3A_269 : memref<80x128xf32, #tpu.memory_space<vmem>>) target(%dma_start3A_275 : memref<10000x128xf32, #tpu.memory_space<vmem_shared>>) offsets(%dma_start3A_272 : memref<80xi32, #tpu.memory_space<vmem>>) semaphore(%arg14 : memref<!tpu.dma_semaphore, #tpu.memory_space<semaphore_mem>>) {add = true}
      %dma_wait3A_276 = arith.constant 1 : i32
      %dma_wait3A_277 = arith.constant 0 : i32
      %dma_wait3A_278 = arith.constant 0 : i32
      %dma_wait3A_279 = tpu.memref_slice %arg8[%dma_wait3A_276, %dma_wait3A_277, %dma_wait3A_278] : memref<3x80x128xf32, #tpu.memory_space<vmem>> -> memref<1x80x128xf32, #tpu.memory_space<vmem>>
      %dma_wait3A_280 = tpu.memref_squeeze %dma_wait3A_279 : memref<1x80x128xf32, #tpu.memory_space<vmem>> -> memref<80x128xf32, #tpu.memory_space<vmem>>
      %dma_wait3A_281 = arith.constant 0 : i32
      %dma_wait3A_282 = tpu.memref_slice %arg2[%multiple_of3A_213, %dma_wait3A_281] : memref<320000x128xf32, #tpu.memory_space<hbm>> -> memref<80x128xf32, #tpu.memory_space<hbm>>
      %dma_wait3A_283 = arith.constant 0 : i32
      %dma_wait3A_284 = arith.constant 0 : i32
      %dma_wait3A_285 = tpu.memref_slice %arg8[%dma_wait3A_276, %dma_wait3A_283, %dma_wait3A_284] : memref<3x80x128xf32, #tpu.memory_space<vmem>> -> memref<1x80x128xf32, #tpu.memory_space<vmem>>
      %dma_wait3A_286 = tpu.memref_squeeze %dma_wait3A_285 : memref<1x80x128xf32, #tpu.memory_space<vmem>> -> memref<80x128xf32, #tpu.memory_space<vmem>>
      %dma_wait3A_287 = arith.constant 0 : i32
      %dma_wait3A_288 = tpu.memref_slice %arg2[%multiple_of3A_213, %dma_wait3A_287] : memref<320000x128xf32, #tpu.memory_space<hbm>> -> memref<80x128xf32, #tpu.memory_space<hbm>>
      tpu.wait_dma2 semaphore(%arg12 : memref<!tpu.dma_semaphore, #tpu.memory_space<semaphore_mem>>) src(%dma_wait3A_288 : memref<80x128xf32, #tpu.memory_space<hbm>>) dst(%dma_wait3A_286 : memref<80x128xf32, #tpu.memory_space<vmem>>)
      %scan3A_289 = arith.constant 0 : i32
      %scan3A_290 = arith.constant 0 : i32
      %scan3A_291 = arith.constant 80 : i32
      %scan3A_292 = arith.addi %scan3A_290, %scan3A_291 : i32
      %scan3A_293 = arith.constant 1 : i32
      scf.for %scan3A_373 = %scan3A_290 to %scan3A_292 step %scan3A_293  : i32 {
        %get3A_374 = arith.constant 1 : i32
        %get3A_375 = arith.index_cast %get3A_374 : i32 to index
        %get3A_376 = arith.index_cast %scan3A_373 : i32 to index
        %get3A_377 = arith.constant 0 : index
        %get3A_378 = tpu.vector_load %arg8[%get3A_375, %get3A_376, %get3A_377] {strides = array<i32>} : memref<3x80x128xf32, #tpu.memory_space<vmem>>, vector<1x1x16xf32>,
        %get3A_379 = vector.shape_cast %get3A_378 : vector<1x1x16xf32> to vector<16xf32>
        %mul3A_380 = arith.mulf %get3A_379, %get3A_8 : vector<16xf32>
        %add3A_381 = arith.addf %mul3A_380, %get3A_32 : vector<16xf32>
        %max3A = arith.constant 0.000000e+00 : f32
        %max3A_382 = vector.broadcast %max3A : f32 to vector<16xf32>
        %max3A_383 = arith.maximumf %add3A_381, %max3A_382 : vector<16xf32>
        %swap3A = arith.constant 1 : i32
        %swap3A_384 = arith.index_cast %swap3A : i32 to index
        %swap3A_385 = arith.index_cast %scan3A_373 : i32 to index
        %swap3A_386 = arith.constant 0 : index
        %swap3A_387 = tpu.vector_load %arg8[%swap3A_384, %swap3A_385, %swap3A_386] {strides = array<i32>} : memref<3x80x128xf32, #tpu.memory_space<vmem>>, vector<1x1x16xf32>,
        %swap3A_388 = vector.shape_cast %swap3A_387 : vector<1x1x16xf32> to vector<16xf32>
        %swap3A_389 = vector.shape_cast %max3A_383 : vector<16xf32> to vector<1x1x16xf32>
        tpu.vector_store %arg8[%swap3A_384, %swap3A_385, %swap3A_386], %swap3A_389 {strides = array<i32>} : memref<3x80x128xf32, #tpu.memory_space<vmem>>, vector<1x1x16xf32>,
        %get3A_390 = arith.constant 1 : i32
        %get3A_391 = arith.index_cast %get3A_390 : i32 to index
        %get3A_392 = arith.index_cast %scan3A_373 : i32 to index
        %get3A_393 = arith.constant 16 : index
        %get3A_394 = tpu.vector_load %arg8[%get3A_391, %get3A_392, %get3A_393] {strides = array<i32>} : memref<3x80x128xf32, #tpu.memory_space<vmem>>, vector<1x1x16xf32>,
        %get3A_395 = vector.shape_cast %get3A_394 : vector<1x1x16xf32> to vector<16xf32>
        %mul3A_396 = arith.mulf %get3A_395, %get3A_11 : vector<16xf32>
        %add3A_397 = arith.addf %mul3A_396, %get3A_35 : vector<16xf32>
        %max3A_398 = arith.constant 0.000000e+00 : f32
        %max3A_399 = vector.broadcast %max3A_398 : f32 to vector<16xf32>
        %max3A_400 = arith.maximumf %add3A_397, %max3A_399 : vector<16xf32>
        %swap3A_401 = arith.constant 1 : i32
        %swap3A_402 = arith.index_cast %swap3A_401 : i32 to index
        %swap3A_403 = arith.index_cast %scan3A_373 : i32 to index
        %swap3A_404 = arith.constant 16 : index
        %swap3A_405 = tpu.vector_load %arg8[%swap3A_402, %swap3A_403, %swap3A_404] {strides = array<i32>} : memref<3x80x128xf32, #tpu.memory_space<vmem>>, vector<1x1x16xf32>,
        %swap3A_406 = vector.shape_cast %swap3A_405 : vector<1x1x16xf32> to vector<16xf32>
        %swap3A_407 = vector.shape_cast %max3A_400 : vector<16xf32> to vector<1x1x16xf32>
        tpu.vector_store %arg8[%swap3A_402, %swap3A_403, %swap3A_404], %swap3A_407 {strides = array<i32>} : memref<3x80x128xf32, #tpu.memory_space<vmem>>, vector<1x1x16xf32>,
        %get3A_408 = arith.constant 1 : i32
        %get3A_409 = arith.index_cast %get3A_408 : i32 to index
        %get3A_410 = arith.index_cast %scan3A_373 : i32 to index
        %get3A_411 = arith.constant 32 : index
        %get3A_412 = tpu.vector_load %arg8[%get3A_409, %get3A_410, %get3A_411] {strides = array<i32>} : memref<3x80x128xf32, #tpu.memory_space<vmem>>, vector<1x1x16xf32>,
        %get3A_413 = vector.shape_cast %get3A_412 : vector<1x1x16xf32> to vector<16xf32>
        %mul3A_414 = arith.mulf %get3A_413, %get3A_14 : vector<16xf32>
        %add3A_415 = arith.addf %mul3A_414, %get3A_38 : vector<16xf32>
        %max3A_416 = arith.constant 0.000000e+00 : f32
        %max3A_417 = vector.broadcast %max3A_416 : f32 to vector<16xf32>
        %max3A_418 = arith.maximumf %add3A_415, %max3A_417 : vector<16xf32>
        %swap3A_419 = arith.constant 1 : i32
        %swap3A_420 = arith.index_cast %swap3A_419 : i32 to index
        %swap3A_421 = arith.index_cast %scan3A_373 : i32 to index
        %swap3A_422 = arith.constant 32 : index
        %swap3A_423 = tpu.vector_load %arg8[%swap3A_420, %swap3A_421, %swap3A_422] {strides = array<i32>} : memref<3x80x128xf32, #tpu.memory_space<vmem>>, vector<1x1x16xf32>,
        %swap3A_424 = vector.shape_cast %swap3A_423 : vector<1x1x16xf32> to vector<16xf32>
        %swap3A_425 = vector.shape_cast %max3A_418 : vector<16xf32> to vector<1x1x16xf32>
        tpu.vector_store %arg8[%swap3A_420, %swap3A_421, %swap3A_422], %swap3A_425 {strides = array<i32>} : memref<3x80x128xf32, #tpu.memory_space<vmem>>, vector<1x1x16xf32>,
        %get3A_426 = arith.constant 1 : i32
        %get3A_427 = arith.index_cast %get3A_426 : i32 to index
        %get3A_428 = arith.index_cast %scan3A_373 : i32 to index
        %get3A_429 = arith.constant 48 : index
        %get3A_430 = tpu.vector_load %arg8[%get3A_427, %get3A_428, %get3A_429] {strides = array<i32>} : memref<3x80x128xf32, #tpu.memory_space<vmem>>, vector<1x1x16xf32>,
        %get3A_431 = vector.shape_cast %get3A_430 : vector<1x1x16xf32> to vector<16xf32>
        %mul3A_432 = arith.mulf %get3A_431, %get3A_17 : vector<16xf32>
        %add3A_433 = arith.addf %mul3A_432, %get3A_41 : vector<16xf32>
        %max3A_434 = arith.constant 0.000000e+00 : f32
        %max3A_435 = vector.broadcast %max3A_434 : f32 to vector<16xf32>
        %max3A_436 = arith.maximumf %add3A_433, %max3A_435 : vector<16xf32>
        %swap3A_437 = arith.constant 1 : i32
        %swap3A_438 = arith.index_cast %swap3A_437 : i32 to index
        %swap3A_439 = arith.index_cast %scan3A_373 : i32 to index
        %swap3A_440 = arith.constant 48 : index
        %swap3A_441 = tpu.vector_load %arg8[%swap3A_438, %swap3A_439, %swap3A_440] {strides = array<i32>} : memref<3x80x128xf32, #tpu.memory_space<vmem>>, vector<1x1x16xf32>,
        %swap3A_442 = vector.shape_cast %swap3A_441 : vector<1x1x16xf32> to vector<16xf32>
        %swap3A_443 = vector.shape_cast %max3A_436 : vector<16xf32> to vector<1x1x16xf32>
        tpu.vector_store %arg8[%swap3A_438, %swap3A_439, %swap3A_440], %swap3A_443 {strides = array<i32>} : memref<3x80x128xf32, #tpu.memory_space<vmem>>, vector<1x1x16xf32>,
        %get3A_444 = arith.constant 1 : i32
        %get3A_445 = arith.index_cast %get3A_444 : i32 to index
        %get3A_446 = arith.index_cast %scan3A_373 : i32 to index
        %get3A_447 = arith.constant 64 : index
        %get3A_448 = tpu.vector_load %arg8[%get3A_445, %get3A_446, %get3A_447] {strides = array<i32>} : memref<3x80x128xf32, #tpu.memory_space<vmem>>, vector<1x1x16xf32>,
        %get3A_449 = vector.shape_cast %get3A_448 : vector<1x1x16xf32> to vector<16xf32>
        %mul3A_450 = arith.mulf %get3A_449, %get3A_20 : vector<16xf32>
        %add3A_451 = arith.addf %mul3A_450, %get3A_44 : vector<16xf32>
        %max3A_452 = arith.constant 0.000000e+00 : f32
        %max3A_453 = vector.broadcast %max3A_452 : f32 to vector<16xf32>
        %max3A_454 = arith.maximumf %add3A_451, %max3A_453 : vector<16xf32>
        %swap3A_455 = arith.constant 1 : i32
        %swap3A_456 = arith.index_cast %swap3A_455 : i32 to index
        %swap3A_457 = arith.index_cast %scan3A_373 : i32 to index
        %swap3A_458 = arith.constant 64 : index
        %swap3A_459 = tpu.vector_load %arg8[%swap3A_456, %swap3A_457, %swap3A_458] {strides = array<i32>} : memref<3x80x128xf32, #tpu.memory_space<vmem>>, vector<1x1x16xf32>,
        %swap3A_460 = vector.shape_cast %swap3A_459 : vector<1x1x16xf32> to vector<16xf32>
        %swap3A_461 = vector.shape_cast %max3A_454 : vector<16xf32> to vector<1x1x16xf32>
        tpu.vector_store %arg8[%swap3A_456, %swap3A_457, %swap3A_458], %swap3A_461 {strides = array<i32>} : memref<3x80x128xf32, #tpu.memory_space<vmem>>, vector<1x1x16xf32>,
        %get3A_462 = arith.constant 1 : i32
        %get3A_463 = arith.index_cast %get3A_462 : i32 to index
        %get3A_464 = arith.index_cast %scan3A_373 : i32 to index
        %get3A_465 = arith.constant 80 : index
        %get3A_466 = tpu.vector_load %arg8[%get3A_463, %get3A_464, %get3A_465] {strides = array<i32>} : memref<3x80x128xf32, #tpu.memory_space<vmem>>, vector<1x1x16xf32>,
        %get3A_467 = vector.shape_cast %get3A_466 : vector<1x1x16xf32> to vector<16xf32>
        %mul3A_468 = arith.mulf %get3A_467, %get3A_23 : vector<16xf32>
        %add3A_469 = arith.addf %mul3A_468, %get3A_47 : vector<16xf32>
        %max3A_470 = arith.constant 0.000000e+00 : f32
        %max3A_471 = vector.broadcast %max3A_470 : f32 to vector<16xf32>
        %max3A_472 = arith.maximumf %add3A_469, %max3A_471 : vector<16xf32>
        %swap3A_473 = arith.constant 1 : i32
        %swap3A_474 = arith.index_cast %swap3A_473 : i32 to index
        %swap3A_475 = arith.index_cast %scan3A_373 : i32 to index
        %swap3A_476 = arith.constant 80 : index
        %swap3A_477 = tpu.vector_load %arg8[%swap3A_474, %swap3A_475, %swap3A_476] {strides = array<i32>} : memref<3x80x128xf32, #tpu.memory_space<vmem>>, vector<1x1x16xf32>,
        %swap3A_478 = vector.shape_cast %swap3A_477 : vector<1x1x16xf32> to vector<16xf32>
        %swap3A_479 = vector.shape_cast %max3A_472 : vector<16xf32> to vector<1x1x16xf32>
        tpu.vector_store %arg8[%swap3A_474, %swap3A_475, %swap3A_476], %swap3A_479 {strides = array<i32>} : memref<3x80x128xf32, #tpu.memory_space<vmem>>, vector<1x1x16xf32>,
        %get3A_480 = arith.constant 1 : i32
        %get3A_481 = arith.index_cast %get3A_480 : i32 to index
        %get3A_482 = arith.index_cast %scan3A_373 : i32 to index
        %get3A_483 = arith.constant 96 : index
        %get3A_484 = tpu.vector_load %arg8[%get3A_481, %get3A_482, %get3A_483] {strides = array<i32>} : memref<3x80x128xf32, #tpu.memory_space<vmem>>, vector<1x1x16xf32>,
        %get3A_485 = vector.shape_cast %get3A_484 : vector<1x1x16xf32> to vector<16xf32>
        %mul3A_486 = arith.mulf %get3A_485, %get3A_26 : vector<16xf32>
        %add3A_487 = arith.addf %mul3A_486, %get3A_50 : vector<16xf32>
        %max3A_488 = arith.constant 0.000000e+00 : f32
        %max3A_489 = vector.broadcast %max3A_488 : f32 to vector<16xf32>
        %max3A_490 = arith.maximumf %add3A_487, %max3A_489 : vector<16xf32>
        %swap3A_491 = arith.constant 1 : i32
        %swap3A_492 = arith.index_cast %swap3A_491 : i32 to index
        %swap3A_493 = arith.index_cast %scan3A_373 : i32 to index
        %swap3A_494 = arith.constant 96 : index
        %swap3A_495 = tpu.vector_load %arg8[%swap3A_492, %swap3A_493, %swap3A_494] {strides = array<i32>} : memref<3x80x128xf32, #tpu.memory_space<vmem>>, vector<1x1x16xf32>,
        %swap3A_496 = vector.shape_cast %swap3A_495 : vector<1x1x16xf32> to vector<16xf32>
        %swap3A_497 = vector.shape_cast %max3A_490 : vector<16xf32> to vector<1x1x16xf32>
        tpu.vector_store %arg8[%swap3A_492, %swap3A_493, %swap3A_494], %swap3A_497 {strides = array<i32>} : memref<3x80x128xf32, #tpu.memory_space<vmem>>, vector<1x1x16xf32>,
        %get3A_498 = arith.constant 1 : i32
        %get3A_499 = arith.index_cast %get3A_498 : i32 to index
        %get3A_500 = arith.index_cast %scan3A_373 : i32 to index
        %get3A_501 = arith.constant 112 : index
        %get3A_502 = tpu.vector_load %arg8[%get3A_499, %get3A_500, %get3A_501] {strides = array<i32>} : memref<3x80x128xf32, #tpu.memory_space<vmem>>, vector<1x1x16xf32>,
        %get3A_503 = vector.shape_cast %get3A_502 : vector<1x1x16xf32> to vector<16xf32>
        %mul3A_504 = arith.mulf %get3A_503, %get3A_29 : vector<16xf32>
        %add3A_505 = arith.addf %mul3A_504, %get3A_53 : vector<16xf32>
        %max3A_506 = arith.constant 0.000000e+00 : f32
        %max3A_507 = vector.broadcast %max3A_506 : f32 to vector<16xf32>
        %max3A_508 = arith.maximumf %add3A_505, %max3A_507 : vector<16xf32>
        %add3A_509 = arith.addf %max3A_508, %select_n3A : vector<16xf32>
        %swap3A_510 = arith.constant 1 : i32
        %swap3A_511 = arith.index_cast %swap3A_510 : i32 to index
        %swap3A_512 = arith.index_cast %scan3A_373 : i32 to index
        %swap3A_513 = arith.constant 112 : index
        %swap3A_514 = tpu.vector_load %arg8[%swap3A_511, %swap3A_512, %swap3A_513] {strides = array<i32>} : memref<3x80x128xf32, #tpu.memory_space<vmem>>, vector<1x1x16xf32>,
        %swap3A_515 = vector.shape_cast %swap3A_514 : vector<1x1x16xf32> to vector<16xf32>
        %swap3A_516 = vector.shape_cast %add3A_509 : vector<16xf32> to vector<1x1x16xf32>
        tpu.vector_store %arg8[%swap3A_511, %swap3A_512, %swap3A_513], %swap3A_516 {strides = array<i32>} : memref<3x80x128xf32, #tpu.memory_space<vmem>>, vector<1x1x16xf32>,
      }
      %scan3A_294 = arith.constant 80 : i32
      %dma_wait3A_295 = arith.constant 0 : i32
      %dma_wait3A_296 = arith.constant 0 : i32
      %dma_wait3A_297 = arith.constant 0 : i32
      %dma_wait3A_298 = tpu.memref_slice %arg8[%dma_wait3A_295, %dma_wait3A_296, %dma_wait3A_297] : memref<3x80x128xf32, #tpu.memory_space<vmem>> -> memref<1x80x128xf32, #tpu.memory_space<vmem>>
      %dma_wait3A_299 = tpu.memref_squeeze %dma_wait3A_298 : memref<1x80x128xf32, #tpu.memory_space<vmem>> -> memref<80x128xf32, #tpu.memory_space<vmem>>
      %dma_wait3A_300 = arith.constant 0 : i32
      %dma_wait3A_301 = tpu.memref_slice %arg7[%mul3A_188, %dma_wait3A_300] : memref<125x80xi32, #tpu.memory_space<vmem>> -> memref<1x80xi32, #tpu.memory_space<vmem>>
      %dma_wait3A_302 = tpu.memref_squeeze %dma_wait3A_301 : memref<1x80xi32, #tpu.memory_space<vmem>> -> memref<80xi32, #tpu.memory_space<vmem>>
      %dma_wait3A_303 = arith.constant 0 : i32
      %dma_wait3A_304 = arith.constant 0 : i32
      %dma_wait3A_305 = tpu.memref_slice %arg10[%dma_wait3A_303, %dma_wait3A_304] : memref<10000x128xf32, #tpu.memory_space<vmem_shared>> -> memref<10000x128xf32, #tpu.memory_space<vmem_shared>>
      tpu.wait_indirect_dma semaphore(%arg14 : memref<!tpu.dma_semaphore, #tpu.memory_space<semaphore_mem>>) src(%dma_wait3A_299 : memref<80x128xf32, #tpu.memory_space<vmem>>) dst(%dma_wait3A_305 : memref<10000x128xf32, #tpu.memory_space<vmem_shared>>)
      %add3A_306 = arith.constant 1 : i32
      %add3A_307 = arith.addi %mul3A_188, %add3A_306 : i32
      %dma_start3A_308 = arith.constant 1 : i32
      %dma_start3A_309 = arith.constant 0 : i32
      %dma_start3A_310 = arith.constant 0 : i32
      %dma_start3A_311 = tpu.memref_slice %arg8[%dma_start3A_308, %dma_start3A_309, %dma_start3A_310] : memref<3x80x128xf32, #tpu.memory_space<vmem>> -> memref<1x80x128xf32, #tpu.memory_space<vmem>>
      %dma_start3A_312 = tpu.memref_squeeze %dma_start3A_311 : memref<1x80x128xf32, #tpu.memory_space<vmem>> -> memref<80x128xf32, #tpu.memory_space<vmem>>
      %dma_start3A_313 = arith.constant 0 : i32
      %dma_start3A_314 = tpu.memref_slice %arg7[%add3A_307, %dma_start3A_313] : memref<125x80xi32, #tpu.memory_space<vmem>> -> memref<1x80xi32, #tpu.memory_space<vmem>>
      %dma_start3A_315 = tpu.memref_squeeze %dma_start3A_314 : memref<1x80xi32, #tpu.memory_space<vmem>> -> memref<80xi32, #tpu.memory_space<vmem>>
      %dma_start3A_316 = arith.constant 0 : i32
      %dma_start3A_317 = arith.constant 0 : i32
      %dma_start3A_318 = tpu.memref_slice %arg10[%dma_start3A_316, %dma_start3A_317] : memref<10000x128xf32, #tpu.memory_space<vmem_shared>> -> memref<10000x128xf32, #tpu.memory_space<vmem_shared>>
      tpu.enqueue_indirect_dma source(%dma_start3A_312 : memref<80x128xf32, #tpu.memory_space<vmem>>) target(%dma_start3A_318 : memref<10000x128xf32, #tpu.memory_space<vmem_shared>>) offsets(%dma_start3A_315 : memref<80xi32, #tpu.memory_space<vmem>>) semaphore(%arg15 : memref<!tpu.dma_semaphore, #tpu.memory_space<semaphore_mem>>) {add = true}
      %dma_wait3A_319 = arith.constant 2 : i32
      %dma_wait3A_320 = arith.constant 0 : i32
      %dma_wait3A_321 = arith.constant 0 : i32
      %dma_wait3A_322 = tpu.memref_slice %arg8[%dma_wait3A_319, %dma_wait3A_320, %dma_wait3A_321] : memref<3x80x128xf32, #tpu.memory_space<vmem>> -> memref<1x80x128xf32, #tpu.memory_space<vmem>>
      %dma_wait3A_323 = tpu.memref_squeeze %dma_wait3A_322 : memref<1x80x128xf32, #tpu.memory_space<vmem>> -> memref<80x128xf32, #tpu.memory_space<vmem>>
      %dma_wait3A_324 = arith.constant 0 : i32
      %dma_wait3A_325 = tpu.memref_slice %arg2[%multiple_of3A_232, %dma_wait3A_324] : memref<320000x128xf32, #tpu.memory_space<hbm>> -> memref<80x128xf32, #tpu.memory_space<hbm>>
      %dma_wait3A_326 = arith.constant 0 : i32
      %dma_wait3A_327 = arith.constant 0 : i32
      %dma_wait3A_328 = tpu.memref_slice %arg8[%dma_wait3A_319, %dma_wait3A_326, %dma_wait3A_327] : memref<3x80x128xf32, #tpu.memory_space<vmem>> -> memref<1x80x128xf32, #tpu.memory_space<vmem>>
      %dma_wait3A_329 = tpu.memref_squeeze %dma_wait3A_328 : memref<1x80x128xf32, #tpu.memory_space<vmem>> -> memref<80x128xf32, #tpu.memory_space<vmem>>
      %dma_wait3A_330 = arith.constant 0 : i32
      %dma_wait3A_331 = tpu.memref_slice %arg2[%multiple_of3A_232, %dma_wait3A_330] : memref<320000x128xf32, #tpu.memory_space<hbm>> -> memref<80x128xf32, #tpu.memory_space<hbm>>
      tpu.wait_dma2 semaphore(%arg13 : memref<!tpu.dma_semaphore, #tpu.memory_space<semaphore_mem>>) src(%dma_wait3A_331 : memref<80x128xf32, #tpu.memory_space<hbm>>) dst(%dma_wait3A_329 : memref<80x128xf32, #tpu.memory_space<vmem>>)
      %scan3A_332 = arith.constant 0 : i32
      %scan3A_333 = arith.constant 0 : i32
      %scan3A_334 = arith.constant 80 : i32
      %scan3A_335 = arith.addi %scan3A_333, %scan3A_334 : i32
      %scan3A_336 = arith.constant 1 : i32
      scf.for %scan3A_373 = %scan3A_333 to %scan3A_335 step %scan3A_336  : i32 {
        %get3A_374 = arith.constant 2 : i32
        %get3A_375 = arith.index_cast %get3A_374 : i32 to index
        %get3A_376 = arith.index_cast %scan3A_373 : i32 to index
        %get3A_377 = arith.constant 0 : index
        %get3A_378 = tpu.vector_load %arg8[%get3A_375, %get3A_376, %get3A_377] {strides = array<i32>} : memref<3x80x128xf32, #tpu.memory_space<vmem>>, vector<1x1x16xf32>,
        %get3A_379 = vector.shape_cast %get3A_378 : vector<1x1x16xf32> to vector<16xf32>
        %mul3A_380 = arith.mulf %get3A_379, %get3A_8 : vector<16xf32>
        %add3A_381 = arith.addf %mul3A_380, %get3A_32 : vector<16xf32>
        %max3A = arith.constant 0.000000e+00 : f32
        %max3A_382 = vector.broadcast %max3A : f32 to vector<16xf32>
        %max3A_383 = arith.maximumf %add3A_381, %max3A_382 : vector<16xf32>
        %swap3A = arith.constant 2 : i32
        %swap3A_384 = arith.index_cast %swap3A : i32 to index
        %swap3A_385 = arith.index_cast %scan3A_373 : i32 to index
        %swap3A_386 = arith.constant 0 : index
        %swap3A_387 = tpu.vector_load %arg8[%swap3A_384, %swap3A_385, %swap3A_386] {strides = array<i32>} : memref<3x80x128xf32, #tpu.memory_space<vmem>>, vector<1x1x16xf32>,
        %swap3A_388 = vector.shape_cast %swap3A_387 : vector<1x1x16xf32> to vector<16xf32>
        %swap3A_389 = vector.shape_cast %max3A_383 : vector<16xf32> to vector<1x1x16xf32>
        tpu.vector_store %arg8[%swap3A_384, %swap3A_385, %swap3A_386], %swap3A_389 {strides = array<i32>} : memref<3x80x128xf32, #tpu.memory_space<vmem>>, vector<1x1x16xf32>,
        %get3A_390 = arith.constant 2 : i32
        %get3A_391 = arith.index_cast %get3A_390 : i32 to index
        %get3A_392 = arith.index_cast %scan3A_373 : i32 to index
        %get3A_393 = arith.constant 16 : index
        %get3A_394 = tpu.vector_load %arg8[%get3A_391, %get3A_392, %get3A_393] {strides = array<i32>} : memref<3x80x128xf32, #tpu.memory_space<vmem>>, vector<1x1x16xf32>,
        %get3A_395 = vector.shape_cast %get3A_394 : vector<1x1x16xf32> to vector<16xf32>
        %mul3A_396 = arith.mulf %get3A_395, %get3A_11 : vector<16xf32>
        %add3A_397 = arith.addf %mul3A_396, %get3A_35 : vector<16xf32>
        %max3A_398 = arith.constant 0.000000e+00 : f32
        %max3A_399 = vector.broadcast %max3A_398 : f32 to vector<16xf32>
        %max3A_400 = arith.maximumf %add3A_397, %max3A_399 : vector<16xf32>
        %swap3A_401 = arith.constant 2 : i32
        %swap3A_402 = arith.index_cast %swap3A_401 : i32 to index
        %swap3A_403 = arith.index_cast %scan3A_373 : i32 to index
        %swap3A_404 = arith.constant 16 : index
        %swap3A_405 = tpu.vector_load %arg8[%swap3A_402, %swap3A_403, %swap3A_404] {strides = array<i32>} : memref<3x80x128xf32, #tpu.memory_space<vmem>>, vector<1x1x16xf32>,
        %swap3A_406 = vector.shape_cast %swap3A_405 : vector<1x1x16xf32> to vector<16xf32>
        %swap3A_407 = vector.shape_cast %max3A_400 : vector<16xf32> to vector<1x1x16xf32>
        tpu.vector_store %arg8[%swap3A_402, %swap3A_403, %swap3A_404], %swap3A_407 {strides = array<i32>} : memref<3x80x128xf32, #tpu.memory_space<vmem>>, vector<1x1x16xf32>,
        %get3A_408 = arith.constant 2 : i32
        %get3A_409 = arith.index_cast %get3A_408 : i32 to index
        %get3A_410 = arith.index_cast %scan3A_373 : i32 to index
        %get3A_411 = arith.constant 32 : index
        %get3A_412 = tpu.vector_load %arg8[%get3A_409, %get3A_410, %get3A_411] {strides = array<i32>} : memref<3x80x128xf32, #tpu.memory_space<vmem>>, vector<1x1x16xf32>,
        %get3A_413 = vector.shape_cast %get3A_412 : vector<1x1x16xf32> to vector<16xf32>
        %mul3A_414 = arith.mulf %get3A_413, %get3A_14 : vector<16xf32>
        %add3A_415 = arith.addf %mul3A_414, %get3A_38 : vector<16xf32>
        %max3A_416 = arith.constant 0.000000e+00 : f32
        %max3A_417 = vector.broadcast %max3A_416 : f32 to vector<16xf32>
        %max3A_418 = arith.maximumf %add3A_415, %max3A_417 : vector<16xf32>
        %swap3A_419 = arith.constant 2 : i32
        %swap3A_420 = arith.index_cast %swap3A_419 : i32 to index
        %swap3A_421 = arith.index_cast %scan3A_373 : i32 to index
        %swap3A_422 = arith.constant 32 : index
        %swap3A_423 = tpu.vector_load %arg8[%swap3A_420, %swap3A_421, %swap3A_422] {strides = array<i32>} : memref<3x80x128xf32, #tpu.memory_space<vmem>>, vector<1x1x16xf32>,
        %swap3A_424 = vector.shape_cast %swap3A_423 : vector<1x1x16xf32> to vector<16xf32>
        %swap3A_425 = vector.shape_cast %max3A_418 : vector<16xf32> to vector<1x1x16xf32>
        tpu.vector_store %arg8[%swap3A_420, %swap3A_421, %swap3A_422], %swap3A_425 {strides = array<i32>} : memref<3x80x128xf32, #tpu.memory_space<vmem>>, vector<1x1x16xf32>,
        %get3A_426 = arith.constant 2 : i32
        %get3A_427 = arith.index_cast %get3A_426 : i32 to index
        %get3A_428 = arith.index_cast %scan3A_373 : i32 to index
        %get3A_429 = arith.constant 48 : index
        %get3A_430 = tpu.vector_load %arg8[%get3A_427, %get3A_428, %get3A_429] {strides = array<i32>} : memref<3x80x128xf32, #tpu.memory_space<vmem>>, vector<1x1x16xf32>,
        %get3A_431 = vector.shape_cast %get3A_430 : vector<1x1x16xf32> to vector<16xf32>
        %mul3A_432 = arith.mulf %get3A_431, %get3A_17 : vector<16xf32>
        %add3A_433 = arith.addf %mul3A_432, %get3A_41 : vector<16xf32>
        %max3A_434 = arith.constant 0.000000e+00 : f32
        %max3A_435 = vector.broadcast %max3A_434 : f32 to vector<16xf32>
        %max3A_436 = arith.maximumf %add3A_433, %max3A_435 : vector<16xf32>
        %swap3A_437 = arith.constant 2 : i32
        %swap3A_438 = arith.index_cast %swap3A_437 : i32 to index
        %swap3A_439 = arith.index_cast %scan3A_373 : i32 to index
        %swap3A_440 = arith.constant 48 : index
        %swap3A_441 = tpu.vector_load %arg8[%swap3A_438, %swap3A_439, %swap3A_440] {strides = array<i32>} : memref<3x80x128xf32, #tpu.memory_space<vmem>>, vector<1x1x16xf32>,
        %swap3A_442 = vector.shape_cast %swap3A_441 : vector<1x1x16xf32> to vector<16xf32>
        %swap3A_443 = vector.shape_cast %max3A_436 : vector<16xf32> to vector<1x1x16xf32>
        tpu.vector_store %arg8[%swap3A_438, %swap3A_439, %swap3A_440], %swap3A_443 {strides = array<i32>} : memref<3x80x128xf32, #tpu.memory_space<vmem>>, vector<1x1x16xf32>,
        %get3A_444 = arith.constant 2 : i32
        %get3A_445 = arith.index_cast %get3A_444 : i32 to index
        %get3A_446 = arith.index_cast %scan3A_373 : i32 to index
        %get3A_447 = arith.constant 64 : index
        %get3A_448 = tpu.vector_load %arg8[%get3A_445, %get3A_446, %get3A_447] {strides = array<i32>} : memref<3x80x128xf32, #tpu.memory_space<vmem>>, vector<1x1x16xf32>,
        %get3A_449 = vector.shape_cast %get3A_448 : vector<1x1x16xf32> to vector<16xf32>
        %mul3A_450 = arith.mulf %get3A_449, %get3A_20 : vector<16xf32>
        %add3A_451 = arith.addf %mul3A_450, %get3A_44 : vector<16xf32>
        %max3A_452 = arith.constant 0.000000e+00 : f32
        %max3A_453 = vector.broadcast %max3A_452 : f32 to vector<16xf32>
        %max3A_454 = arith.maximumf %add3A_451, %max3A_453 : vector<16xf32>
        %swap3A_455 = arith.constant 2 : i32
        %swap3A_456 = arith.index_cast %swap3A_455 : i32 to index
        %swap3A_457 = arith.index_cast %scan3A_373 : i32 to index
        %swap3A_458 = arith.constant 64 : index
        %swap3A_459 = tpu.vector_load %arg8[%swap3A_456, %swap3A_457, %swap3A_458] {strides = array<i32>} : memref<3x80x128xf32, #tpu.memory_space<vmem>>, vector<1x1x16xf32>,
        %swap3A_460 = vector.shape_cast %swap3A_459 : vector<1x1x16xf32> to vector<16xf32>
        %swap3A_461 = vector.shape_cast %max3A_454 : vector<16xf32> to vector<1x1x16xf32>
        tpu.vector_store %arg8[%swap3A_456, %swap3A_457, %swap3A_458], %swap3A_461 {strides = array<i32>} : memref<3x80x128xf32, #tpu.memory_space<vmem>>, vector<1x1x16xf32>,
        %get3A_462 = arith.constant 2 : i32
        %get3A_463 = arith.index_cast %get3A_462 : i32 to index
        %get3A_464 = arith.index_cast %scan3A_373 : i32 to index
        %get3A_465 = arith.constant 80 : index
        %get3A_466 = tpu.vector_load %arg8[%get3A_463, %get3A_464, %get3A_465] {strides = array<i32>} : memref<3x80x128xf32, #tpu.memory_space<vmem>>, vector<1x1x16xf32>,
        %get3A_467 = vector.shape_cast %get3A_466 : vector<1x1x16xf32> to vector<16xf32>
        %mul3A_468 = arith.mulf %get3A_467, %get3A_23 : vector<16xf32>
        %add3A_469 = arith.addf %mul3A_468, %get3A_47 : vector<16xf32>
        %max3A_470 = arith.constant 0.000000e+00 : f32
        %max3A_471 = vector.broadcast %max3A_470 : f32 to vector<16xf32>
        %max3A_472 = arith.maximumf %add3A_469, %max3A_471 : vector<16xf32>
        %swap3A_473 = arith.constant 2 : i32
        %swap3A_474 = arith.index_cast %swap3A_473 : i32 to index
        %swap3A_475 = arith.index_cast %scan3A_373 : i32 to index
        %swap3A_476 = arith.constant 80 : index
        %swap3A_477 = tpu.vector_load %arg8[%swap3A_474, %swap3A_475, %swap3A_476] {strides = array<i32>} : memref<3x80x128xf32, #tpu.memory_space<vmem>>, vector<1x1x16xf32>,
        %swap3A_478 = vector.shape_cast %swap3A_477 : vector<1x1x16xf32> to vector<16xf32>
        %swap3A_479 = vector.shape_cast %max3A_472 : vector<16xf32> to vector<1x1x16xf32>
        tpu.vector_store %arg8[%swap3A_474, %swap3A_475, %swap3A_476], %swap3A_479 {strides = array<i32>} : memref<3x80x128xf32, #tpu.memory_space<vmem>>, vector<1x1x16xf32>,
        %get3A_480 = arith.constant 2 : i32
        %get3A_481 = arith.index_cast %get3A_480 : i32 to index
        %get3A_482 = arith.index_cast %scan3A_373 : i32 to index
        %get3A_483 = arith.constant 96 : index
        %get3A_484 = tpu.vector_load %arg8[%get3A_481, %get3A_482, %get3A_483] {strides = array<i32>} : memref<3x80x128xf32, #tpu.memory_space<vmem>>, vector<1x1x16xf32>,
        %get3A_485 = vector.shape_cast %get3A_484 : vector<1x1x16xf32> to vector<16xf32>
        %mul3A_486 = arith.mulf %get3A_485, %get3A_26 : vector<16xf32>
        %add3A_487 = arith.addf %mul3A_486, %get3A_50 : vector<16xf32>
        %max3A_488 = arith.constant 0.000000e+00 : f32
        %max3A_489 = vector.broadcast %max3A_488 : f32 to vector<16xf32>
        %max3A_490 = arith.maximumf %add3A_487, %max3A_489 : vector<16xf32>
        %swap3A_491 = arith.constant 2 : i32
        %swap3A_492 = arith.index_cast %swap3A_491 : i32 to index
        %swap3A_493 = arith.index_cast %scan3A_373 : i32 to index
        %swap3A_494 = arith.constant 96 : index
        %swap3A_495 = tpu.vector_load %arg8[%swap3A_492, %swap3A_493, %swap3A_494] {strides = array<i32>} : memref<3x80x128xf32, #tpu.memory_space<vmem>>, vector<1x1x16xf32>,
        %swap3A_496 = vector.shape_cast %swap3A_495 : vector<1x1x16xf32> to vector<16xf32>
        %swap3A_497 = vector.shape_cast %max3A_490 : vector<16xf32> to vector<1x1x16xf32>
        tpu.vector_store %arg8[%swap3A_492, %swap3A_493, %swap3A_494], %swap3A_497 {strides = array<i32>} : memref<3x80x128xf32, #tpu.memory_space<vmem>>, vector<1x1x16xf32>,
        %get3A_498 = arith.constant 2 : i32
        %get3A_499 = arith.index_cast %get3A_498 : i32 to index
        %get3A_500 = arith.index_cast %scan3A_373 : i32 to index
        %get3A_501 = arith.constant 112 : index
        %get3A_502 = tpu.vector_load %arg8[%get3A_499, %get3A_500, %get3A_501] {strides = array<i32>} : memref<3x80x128xf32, #tpu.memory_space<vmem>>, vector<1x1x16xf32>,
        %get3A_503 = vector.shape_cast %get3A_502 : vector<1x1x16xf32> to vector<16xf32>
        %mul3A_504 = arith.mulf %get3A_503, %get3A_29 : vector<16xf32>
        %add3A_505 = arith.addf %mul3A_504, %get3A_53 : vector<16xf32>
        %max3A_506 = arith.constant 0.000000e+00 : f32
        %max3A_507 = vector.broadcast %max3A_506 : f32 to vector<16xf32>
        %max3A_508 = arith.maximumf %add3A_505, %max3A_507 : vector<16xf32>
        %add3A_509 = arith.addf %max3A_508, %select_n3A : vector<16xf32>
        %swap3A_510 = arith.constant 2 : i32
        %swap3A_511 = arith.index_cast %swap3A_510 : i32 to index
        %swap3A_512 = arith.index_cast %scan3A_373 : i32 to index
        %swap3A_513 = arith.constant 112 : index
        %swap3A_514 = tpu.vector_load %arg8[%swap3A_511, %swap3A_512, %swap3A_513] {strides = array<i32>} : memref<3x80x128xf32, #tpu.memory_space<vmem>>, vector<1x1x16xf32>,
        %swap3A_515 = vector.shape_cast %swap3A_514 : vector<1x1x16xf32> to vector<16xf32>
        %swap3A_516 = vector.shape_cast %add3A_509 : vector<16xf32> to vector<1x1x16xf32>
        tpu.vector_store %arg8[%swap3A_511, %swap3A_512, %swap3A_513], %swap3A_516 {strides = array<i32>} : memref<3x80x128xf32, #tpu.memory_space<vmem>>, vector<1x1x16xf32>,
      }
      %scan3A_337 = arith.constant 80 : i32
      %dma_wait3A_338 = arith.constant 1 : i32
      %dma_wait3A_339 = arith.constant 0 : i32
      %dma_wait3A_340 = arith.constant 0 : i32
      %dma_wait3A_341 = tpu.memref_slice %arg8[%dma_wait3A_338, %dma_wait3A_339, %dma_wait3A_340] : memref<3x80x128xf32, #tpu.memory_space<vmem>> -> memref<1x80x128xf32, #tpu.memory_space<vmem>>
      %dma_wait3A_342 = tpu.memref_squeeze %dma_wait3A_341 : memref<1x80x128xf32, #tpu.memory_space<vmem>> -> memref<80x128xf32, #tpu.memory_space<vmem>>
      %dma_wait3A_343 = arith.constant 0 : i32
      %dma_wait3A_344 = tpu.memref_slice %arg7[%add3A_307, %dma_wait3A_343] : memref<125x80xi32, #tpu.memory_space<vmem>> -> memref<1x80xi32, #tpu.memory_space<vmem>>
      %dma_wait3A_345 = tpu.memref_squeeze %dma_wait3A_344 : memref<1x80xi32, #tpu.memory_space<vmem>> -> memref<80xi32, #tpu.memory_space<vmem>>
      %dma_wait3A_346 = arith.constant 0 : i32
      %dma_wait3A_347 = arith.constant 0 : i32
      %dma_wait3A_348 = tpu.memref_slice %arg10[%dma_wait3A_346, %dma_wait3A_347] : memref<10000x128xf32, #tpu.memory_space<vmem_shared>> -> memref<10000x128xf32, #tpu.memory_space<vmem_shared>>
      tpu.wait_indirect_dma semaphore(%arg15 : memref<!tpu.dma_semaphore, #tpu.memory_space<semaphore_mem>>) src(%dma_wait3A_342 : memref<80x128xf32, #tpu.memory_space<vmem>>) dst(%dma_wait3A_348 : memref<10000x128xf32, #tpu.memory_space<vmem_shared>>)
      %add3A_349 = arith.constant 2 : i32
      %add3A_350 = arith.addi %mul3A_188, %add3A_349 : i32
      %dma_start3A_351 = arith.constant 2 : i32
      %dma_start3A_352 = arith.constant 0 : i32
      %dma_start3A_353 = arith.constant 0 : i32
      %dma_start3A_354 = tpu.memref_slice %arg8[%dma_start3A_351, %dma_start3A_352, %dma_start3A_353] : memref<3x80x128xf32, #tpu.memory_space<vmem>> -> memref<1x80x128xf32, #tpu.memory_space<vmem>>
      %dma_start3A_355 = tpu.memref_squeeze %dma_start3A_354 : memref<1x80x128xf32, #tpu.memory_space<vmem>> -> memref<80x128xf32, #tpu.memory_space<vmem>>
      %dma_start3A_356 = arith.constant 0 : i32
      %dma_start3A_357 = tpu.memref_slice %arg7[%add3A_350, %dma_start3A_356] : memref<125x80xi32, #tpu.memory_space<vmem>> -> memref<1x80xi32, #tpu.memory_space<vmem>>
      %dma_start3A_358 = tpu.memref_squeeze %dma_start3A_357 : memref<1x80xi32, #tpu.memory_space<vmem>> -> memref<80xi32, #tpu.memory_space<vmem>>
      %dma_start3A_359 = arith.constant 0 : i32
      %dma_start3A_360 = arith.constant 0 : i32
      %dma_start3A_361 = tpu.memref_slice %arg10[%dma_start3A_359, %dma_start3A_360] : memref<10000x128xf32, #tpu.memory_space<vmem_shared>> -> memref<10000x128xf32, #tpu.memory_space<vmem_shared>>
      tpu.enqueue_indirect_dma source(%dma_start3A_355 : memref<80x128xf32, #tpu.memory_space<vmem>>) target(%dma_start3A_361 : memref<10000x128xf32, #tpu.memory_space<vmem_shared>>) offsets(%dma_start3A_358 : memref<80xi32, #tpu.memory_space<vmem>>) semaphore(%arg16 : memref<!tpu.dma_semaphore, #tpu.memory_space<semaphore_mem>>) {add = true}
      %dma_wait3A_362 = arith.constant 2 : i32
      %dma_wait3A_363 = arith.constant 0 : i32
      %dma_wait3A_364 = arith.constant 0 : i32
      %dma_wait3A_365 = tpu.memref_slice %arg8[%dma_wait3A_362, %dma_wait3A_363, %dma_wait3A_364] : memref<3x80x128xf32, #tpu.memory_space<vmem>> -> memref<1x80x128xf32, #tpu.memory_space<vmem>>
      %dma_wait3A_366 = tpu.memref_squeeze %dma_wait3A_365 : memref<1x80x128xf32, #tpu.memory_space<vmem>> -> memref<80x128xf32, #tpu.memory_space<vmem>>
      %dma_wait3A_367 = arith.constant 0 : i32
      %dma_wait3A_368 = tpu.memref_slice %arg7[%add3A_350, %dma_wait3A_367] : memref<125x80xi32, #tpu.memory_space<vmem>> -> memref<1x80xi32, #tpu.memory_space<vmem>>
      %dma_wait3A_369 = tpu.memref_squeeze %dma_wait3A_368 : memref<1x80xi32, #tpu.memory_space<vmem>> -> memref<80xi32, #tpu.memory_space<vmem>>
      %dma_wait3A_370 = arith.constant 0 : i32
      %dma_wait3A_371 = arith.constant 0 : i32
      %dma_wait3A_372 = tpu.memref_slice %arg10[%dma_wait3A_370, %dma_wait3A_371] : memref<10000x128xf32, #tpu.memory_space<vmem_shared>> -> memref<10000x128xf32, #tpu.memory_space<vmem_shared>>
      tpu.wait_indirect_dma semaphore(%arg16 : memref<!tpu.dma_semaphore, #tpu.memory_space<semaphore_mem>>) src(%dma_wait3A_366 : memref<80x128xf32, #tpu.memory_space<vmem>>) dst(%dma_wait3A_372 : memref<10000x128xf32, #tpu.memory_space<vmem_shared>>)
    }
    %scan3A_63 = arith.constant 41 : i32
    %add3A_64 = arith.constant 9840 : i32
    %add3A_65 = arith.addi %mul3A_2, %add3A_64 : i32
    %multiple_of3A_66 = tpu.assume_multiple %add3A_65, 8 : i32
    %dma_start3A = arith.constant 0 : i32
    %dma_start3A_67 = arith.constant 0 : i32
    %dma_start3A_68 = arith.constant 0 : i32
    %dma_start3A_69 = tpu.memref_slice %arg8[%dma_start3A, %dma_start3A_67, %dma_start3A_68] : memref<3x80x128xf32, #tpu.memory_space<vmem>> -> memref<1x80x128xf32, #tpu.memory_space<vmem>>
    %dma_start3A_70 = tpu.memref_squeeze %dma_start3A_69 : memref<1x80x128xf32, #tpu.memory_space<vmem>> -> memref<80x128xf32, #tpu.memory_space<vmem>>
    %dma_start3A_71 = arith.constant 0 : i32
    %dma_start3A_72 = tpu.memref_slice %arg2[%multiple_of3A_66, %dma_start3A_71] : memref<320000x128xf32, #tpu.memory_space<hbm>> -> memref<80x128xf32, #tpu.memory_space<hbm>>
    %dma_start3A_73 = arith.constant 0 : i32
    %dma_start3A_74 = arith.constant 0 : i32
    %dma_start3A_75 = tpu.memref_slice %arg8[%dma_start3A, %dma_start3A_73, %dma_start3A_74] : memref<3x80x128xf32, #tpu.memory_space<vmem>> -> memref<1x80x128xf32, #tpu.memory_space<vmem>>
    %dma_start3A_76 = tpu.memref_squeeze %dma_start3A_75 : memref<1x80x128xf32, #tpu.memory_space<vmem>> -> memref<80x128xf32, #tpu.memory_space<vmem>>
    %dma_start3A_77 = arith.constant 0 : i32
    %dma_start3A_78 = tpu.memref_slice %arg2[%multiple_of3A_66, %dma_start3A_77] : memref<320000x128xf32, #tpu.memory_space<hbm>> -> memref<80x128xf32, #tpu.memory_space<hbm>>
    tpu.enqueue_dma source(%dma_start3A_78 : memref<80x128xf32, #tpu.memory_space<hbm>>) target(%dma_start3A_76 : memref<80x128xf32, #tpu.memory_space<vmem>>) target_semaphore(%arg11 : memref<!tpu.dma_semaphore, #tpu.memory_space<semaphore_mem>>)
    %dma_wait3A = arith.constant 0 : i32
    %dma_wait3A_79 = arith.constant 0 : i32
    %dma_wait3A_80 = arith.constant 0 : i32
    %dma_wait3A_81 = tpu.memref_slice %arg8[%dma_wait3A, %dma_wait3A_79, %dma_wait3A_80] : memref<3x80x128xf32, #tpu.memory_space<vmem>> -> memref<1x80x128xf32, #tpu.memory_space<vmem>>
    %dma_wait3A_82 = tpu.memref_squeeze %dma_wait3A_81 : memref<1x80x128xf32, #tpu.memory_space<vmem>> -> memref<80x128xf32, #tpu.memory_space<vmem>>
    %dma_wait3A_83 = arith.constant 0 : i32
    %dma_wait3A_84 = tpu.memref_slice %arg2[%multiple_of3A_66, %dma_wait3A_83] : memref<320000x128xf32, #tpu.memory_space<hbm>> -> memref<80x128xf32, #tpu.memory_space<hbm>>
    %dma_wait3A_85 = arith.constant 0 : i32
    %dma_wait3A_86 = arith.constant 0 : i32
    %dma_wait3A_87 = tpu.memref_slice %arg8[%dma_wait3A, %dma_wait3A_85, %dma_wait3A_86] : memref<3x80x128xf32, #tpu.memory_space<vmem>> -> memref<1x80x128xf32, #tpu.memory_space<vmem>>
    %dma_wait3A_88 = tpu.memref_squeeze %dma_wait3A_87 : memref<1x80x128xf32, #tpu.memory_space<vmem>> -> memref<80x128xf32, #tpu.memory_space<vmem>>
    %dma_wait3A_89 = arith.constant 0 : i32
    %dma_wait3A_90 = tpu.memref_slice %arg2[%multiple_of3A_66, %dma_wait3A_89] : memref<320000x128xf32, #tpu.memory_space<hbm>> -> memref<80x128xf32, #tpu.memory_space<hbm>>
    tpu.wait_dma2 semaphore(%arg11 : memref<!tpu.dma_semaphore, #tpu.memory_space<semaphore_mem>>) src(%dma_wait3A_90 : memref<80x128xf32, #tpu.memory_space<hbm>>) dst(%dma_wait3A_88 : memref<80x128xf32, #tpu.memory_space<vmem>>)
    %scan3A_91 = arith.constant 0 : i32
    %scan3A_92 = arith.constant 0 : i32
    %scan3A_93 = arith.constant 80 : i32
    %scan3A_94 = arith.addi %scan3A_92, %scan3A_93 : i32
    %scan3A_95 = arith.constant 1 : i32
    scf.for %scan3A_186 = %scan3A_92 to %scan3A_94 step %scan3A_95  : i32 {
      %get3A_187 = arith.constant 0 : i32
      %get3A_188 = arith.index_cast %get3A_187 : i32 to index
      %get3A_189 = arith.index_cast %scan3A_186 : i32 to index
      %get3A_190 = arith.constant 0 : index
      %get3A_191 = tpu.vector_load %arg8[%get3A_188, %get3A_189, %get3A_190] {strides = array<i32>} : memref<3x80x128xf32, #tpu.memory_space<vmem>>, vector<1x1x16xf32>,
      %get3A_192 = vector.shape_cast %get3A_191 : vector<1x1x16xf32> to vector<16xf32>
      %mul3A_193 = arith.mulf %get3A_192, %get3A_8 : vector<16xf32>
      %add3A_194 = arith.addf %mul3A_193, %get3A_32 : vector<16xf32>
      %max3A = arith.constant 0.000000e+00 : f32
      %max3A_195 = vector.broadcast %max3A : f32 to vector<16xf32>
      %max3A_196 = arith.maximumf %add3A_194, %max3A_195 : vector<16xf32>
      %swap3A = arith.constant 0 : i32
      %swap3A_197 = arith.index_cast %swap3A : i32 to index
      %swap3A_198 = arith.index_cast %scan3A_186 : i32 to index
      %swap3A_199 = arith.constant 0 : index
      %swap3A_200 = tpu.vector_load %arg8[%swap3A_197, %swap3A_198, %swap3A_199] {strides = array<i32>} : memref<3x80x128xf32, #tpu.memory_space<vmem>>, vector<1x1x16xf32>,
      %swap3A_201 = vector.shape_cast %swap3A_200 : vector<1x1x16xf32> to vector<16xf32>
      %swap3A_202 = vector.shape_cast %max3A_196 : vector<16xf32> to vector<1x1x16xf32>
      tpu.vector_store %arg8[%swap3A_197, %swap3A_198, %swap3A_199], %swap3A_202 {strides = array<i32>} : memref<3x80x128xf32, #tpu.memory_space<vmem>>, vector<1x1x16xf32>,
      %get3A_203 = arith.constant 0 : i32
      %get3A_204 = arith.index_cast %get3A_203 : i32 to index
      %get3A_205 = arith.index_cast %scan3A_186 : i32 to index
      %get3A_206 = arith.constant 16 : index
      %get3A_207 = tpu.vector_load %arg8[%get3A_204, %get3A_205, %get3A_206] {strides = array<i32>} : memref<3x80x128xf32, #tpu.memory_space<vmem>>, vector<1x1x16xf32>,
      %get3A_208 = vector.shape_cast %get3A_207 : vector<1x1x16xf32> to vector<16xf32>
      %mul3A_209 = arith.mulf %get3A_208, %get3A_11 : vector<16xf32>
      %add3A_210 = arith.addf %mul3A_209, %get3A_35 : vector<16xf32>
      %max3A_211 = arith.constant 0.000000e+00 : f32
      %max3A_212 = vector.broadcast %max3A_211 : f32 to vector<16xf32>
      %max3A_213 = arith.maximumf %add3A_210, %max3A_212 : vector<16xf32>
      %swap3A_214 = arith.constant 0 : i32
      %swap3A_215 = arith.index_cast %swap3A_214 : i32 to index
      %swap3A_216 = arith.index_cast %scan3A_186 : i32 to index
      %swap3A_217 = arith.constant 16 : index
      %swap3A_218 = tpu.vector_load %arg8[%swap3A_215, %swap3A_216, %swap3A_217] {strides = array<i32>} : memref<3x80x128xf32, #tpu.memory_space<vmem>>, vector<1x1x16xf32>,
      %swap3A_219 = vector.shape_cast %swap3A_218 : vector<1x1x16xf32> to vector<16xf32>
      %swap3A_220 = vector.shape_cast %max3A_213 : vector<16xf32> to vector<1x1x16xf32>
      tpu.vector_store %arg8[%swap3A_215, %swap3A_216, %swap3A_217], %swap3A_220 {strides = array<i32>} : memref<3x80x128xf32, #tpu.memory_space<vmem>>, vector<1x1x16xf32>,
      %get3A_221 = arith.constant 0 : i32
      %get3A_222 = arith.index_cast %get3A_221 : i32 to index
      %get3A_223 = arith.index_cast %scan3A_186 : i32 to index
      %get3A_224 = arith.constant 32 : index
      %get3A_225 = tpu.vector_load %arg8[%get3A_222, %get3A_223, %get3A_224] {strides = array<i32>} : memref<3x80x128xf32, #tpu.memory_space<vmem>>, vector<1x1x16xf32>,
      %get3A_226 = vector.shape_cast %get3A_225 : vector<1x1x16xf32> to vector<16xf32>
      %mul3A_227 = arith.mulf %get3A_226, %get3A_14 : vector<16xf32>
      %add3A_228 = arith.addf %mul3A_227, %get3A_38 : vector<16xf32>
      %max3A_229 = arith.constant 0.000000e+00 : f32
      %max3A_230 = vector.broadcast %max3A_229 : f32 to vector<16xf32>
      %max3A_231 = arith.maximumf %add3A_228, %max3A_230 : vector<16xf32>
      %swap3A_232 = arith.constant 0 : i32
      %swap3A_233 = arith.index_cast %swap3A_232 : i32 to index
      %swap3A_234 = arith.index_cast %scan3A_186 : i32 to index
      %swap3A_235 = arith.constant 32 : index
      %swap3A_236 = tpu.vector_load %arg8[%swap3A_233, %swap3A_234, %swap3A_235] {strides = array<i32>} : memref<3x80x128xf32, #tpu.memory_space<vmem>>, vector<1x1x16xf32>,
      %swap3A_237 = vector.shape_cast %swap3A_236 : vector<1x1x16xf32> to vector<16xf32>
      %swap3A_238 = vector.shape_cast %max3A_231 : vector<16xf32> to vector<1x1x16xf32>
      tpu.vector_store %arg8[%swap3A_233, %swap3A_234, %swap3A_235], %swap3A_238 {strides = array<i32>} : memref<3x80x128xf32, #tpu.memory_space<vmem>>, vector<1x1x16xf32>,
      %get3A_239 = arith.constant 0 : i32
      %get3A_240 = arith.index_cast %get3A_239 : i32 to index
      %get3A_241 = arith.index_cast %scan3A_186 : i32 to index
      %get3A_242 = arith.constant 48 : index
      %get3A_243 = tpu.vector_load %arg8[%get3A_240, %get3A_241, %get3A_242] {strides = array<i32>} : memref<3x80x128xf32, #tpu.memory_space<vmem>>, vector<1x1x16xf32>,
      %get3A_244 = vector.shape_cast %get3A_243 : vector<1x1x16xf32> to vector<16xf32>
      %mul3A_245 = arith.mulf %get3A_244, %get3A_17 : vector<16xf32>
      %add3A_246 = arith.addf %mul3A_245, %get3A_41 : vector<16xf32>
      %max3A_247 = arith.constant 0.000000e+00 : f32
      %max3A_248 = vector.broadcast %max3A_247 : f32 to vector<16xf32>
      %max3A_249 = arith.maximumf %add3A_246, %max3A_248 : vector<16xf32>
      %swap3A_250 = arith.constant 0 : i32
      %swap3A_251 = arith.index_cast %swap3A_250 : i32 to index
      %swap3A_252 = arith.index_cast %scan3A_186 : i32 to index
      %swap3A_253 = arith.constant 48 : index
      %swap3A_254 = tpu.vector_load %arg8[%swap3A_251, %swap3A_252, %swap3A_253] {strides = array<i32>} : memref<3x80x128xf32, #tpu.memory_space<vmem>>, vector<1x1x16xf32>,
      %swap3A_255 = vector.shape_cast %swap3A_254 : vector<1x1x16xf32> to vector<16xf32>
      %swap3A_256 = vector.shape_cast %max3A_249 : vector<16xf32> to vector<1x1x16xf32>
      tpu.vector_store %arg8[%swap3A_251, %swap3A_252, %swap3A_253], %swap3A_256 {strides = array<i32>} : memref<3x80x128xf32, #tpu.memory_space<vmem>>, vector<1x1x16xf32>,
      %get3A_257 = arith.constant 0 : i32
      %get3A_258 = arith.index_cast %get3A_257 : i32 to index
      %get3A_259 = arith.index_cast %scan3A_186 : i32 to index
      %get3A_260 = arith.constant 64 : index
      %get3A_261 = tpu.vector_load %arg8[%get3A_258, %get3A_259, %get3A_260] {strides = array<i32>} : memref<3x80x128xf32, #tpu.memory_space<vmem>>, vector<1x1x16xf32>,
      %get3A_262 = vector.shape_cast %get3A_261 : vector<1x1x16xf32> to vector<16xf32>
      %mul3A_263 = arith.mulf %get3A_262, %get3A_20 : vector<16xf32>
      %add3A_264 = arith.addf %mul3A_263, %get3A_44 : vector<16xf32>
      %max3A_265 = arith.constant 0.000000e+00 : f32
      %max3A_266 = vector.broadcast %max3A_265 : f32 to vector<16xf32>
      %max3A_267 = arith.maximumf %add3A_264, %max3A_266 : vector<16xf32>
      %swap3A_268 = arith.constant 0 : i32
      %swap3A_269 = arith.index_cast %swap3A_268 : i32 to index
      %swap3A_270 = arith.index_cast %scan3A_186 : i32 to index
      %swap3A_271 = arith.constant 64 : index
      %swap3A_272 = tpu.vector_load %arg8[%swap3A_269, %swap3A_270, %swap3A_271] {strides = array<i32>} : memref<3x80x128xf32, #tpu.memory_space<vmem>>, vector<1x1x16xf32>,
      %swap3A_273 = vector.shape_cast %swap3A_272 : vector<1x1x16xf32> to vector<16xf32>
      %swap3A_274 = vector.shape_cast %max3A_267 : vector<16xf32> to vector<1x1x16xf32>
      tpu.vector_store %arg8[%swap3A_269, %swap3A_270, %swap3A_271], %swap3A_274 {strides = array<i32>} : memref<3x80x128xf32, #tpu.memory_space<vmem>>, vector<1x1x16xf32>,
      %get3A_275 = arith.constant 0 : i32
      %get3A_276 = arith.index_cast %get3A_275 : i32 to index
      %get3A_277 = arith.index_cast %scan3A_186 : i32 to index
      %get3A_278 = arith.constant 80 : index
      %get3A_279 = tpu.vector_load %arg8[%get3A_276, %get3A_277, %get3A_278] {strides = array<i32>} : memref<3x80x128xf32, #tpu.memory_space<vmem>>, vector<1x1x16xf32>,
      %get3A_280 = vector.shape_cast %get3A_279 : vector<1x1x16xf32> to vector<16xf32>
      %mul3A_281 = arith.mulf %get3A_280, %get3A_23 : vector<16xf32>
      %add3A_282 = arith.addf %mul3A_281, %get3A_47 : vector<16xf32>
      %max3A_283 = arith.constant 0.000000e+00 : f32
      %max3A_284 = vector.broadcast %max3A_283 : f32 to vector<16xf32>
      %max3A_285 = arith.maximumf %add3A_282, %max3A_284 : vector<16xf32>
      %swap3A_286 = arith.constant 0 : i32
      %swap3A_287 = arith.index_cast %swap3A_286 : i32 to index
      %swap3A_288 = arith.index_cast %scan3A_186 : i32 to index
      %swap3A_289 = arith.constant 80 : index
      %swap3A_290 = tpu.vector_load %arg8[%swap3A_287, %swap3A_288, %swap3A_289] {strides = array<i32>} : memref<3x80x128xf32, #tpu.memory_space<vmem>>, vector<1x1x16xf32>,
      %swap3A_291 = vector.shape_cast %swap3A_290 : vector<1x1x16xf32> to vector<16xf32>
      %swap3A_292 = vector.shape_cast %max3A_285 : vector<16xf32> to vector<1x1x16xf32>
      tpu.vector_store %arg8[%swap3A_287, %swap3A_288, %swap3A_289], %swap3A_292 {strides = array<i32>} : memref<3x80x128xf32, #tpu.memory_space<vmem>>, vector<1x1x16xf32>,
      %get3A_293 = arith.constant 0 : i32
      %get3A_294 = arith.index_cast %get3A_293 : i32 to index
      %get3A_295 = arith.index_cast %scan3A_186 : i32 to index
      %get3A_296 = arith.constant 96 : index
      %get3A_297 = tpu.vector_load %arg8[%get3A_294, %get3A_295, %get3A_296] {strides = array<i32>} : memref<3x80x128xf32, #tpu.memory_space<vmem>>, vector<1x1x16xf32>,
      %get3A_298 = vector.shape_cast %get3A_297 : vector<1x1x16xf32> to vector<16xf32>
      %mul3A_299 = arith.mulf %get3A_298, %get3A_26 : vector<16xf32>
      %add3A_300 = arith.addf %mul3A_299, %get3A_50 : vector<16xf32>
      %max3A_301 = arith.constant 0.000000e+00 : f32
      %max3A_302 = vector.broadcast %max3A_301 : f32 to vector<16xf32>
      %max3A_303 = arith.maximumf %add3A_300, %max3A_302 : vector<16xf32>
      %swap3A_304 = arith.constant 0 : i32
      %swap3A_305 = arith.index_cast %swap3A_304 : i32 to index
      %swap3A_306 = arith.index_cast %scan3A_186 : i32 to index
      %swap3A_307 = arith.constant 96 : index
      %swap3A_308 = tpu.vector_load %arg8[%swap3A_305, %swap3A_306, %swap3A_307] {strides = array<i32>} : memref<3x80x128xf32, #tpu.memory_space<vmem>>, vector<1x1x16xf32>,
      %swap3A_309 = vector.shape_cast %swap3A_308 : vector<1x1x16xf32> to vector<16xf32>
      %swap3A_310 = vector.shape_cast %max3A_303 : vector<16xf32> to vector<1x1x16xf32>
      tpu.vector_store %arg8[%swap3A_305, %swap3A_306, %swap3A_307], %swap3A_310 {strides = array<i32>} : memref<3x80x128xf32, #tpu.memory_space<vmem>>, vector<1x1x16xf32>,
      %get3A_311 = arith.constant 0 : i32
      %get3A_312 = arith.index_cast %get3A_311 : i32 to index
      %get3A_313 = arith.index_cast %scan3A_186 : i32 to index
      %get3A_314 = arith.constant 112 : index
      %get3A_315 = tpu.vector_load %arg8[%get3A_312, %get3A_313, %get3A_314] {strides = array<i32>} : memref<3x80x128xf32, #tpu.memory_space<vmem>>, vector<1x1x16xf32>,
      %get3A_316 = vector.shape_cast %get3A_315 : vector<1x1x16xf32> to vector<16xf32>
      %mul3A_317 = arith.mulf %get3A_316, %get3A_29 : vector<16xf32>
      %add3A_318 = arith.addf %mul3A_317, %get3A_53 : vector<16xf32>
      %max3A_319 = arith.constant 0.000000e+00 : f32
      %max3A_320 = vector.broadcast %max3A_319 : f32 to vector<16xf32>
      %max3A_321 = arith.maximumf %add3A_318, %max3A_320 : vector<16xf32>
      %add3A_322 = arith.addf %max3A_321, %select_n3A : vector<16xf32>
      %swap3A_323 = arith.constant 0 : i32
      %swap3A_324 = arith.index_cast %swap3A_323 : i32 to index
      %swap3A_325 = arith.index_cast %scan3A_186 : i32 to index
      %swap3A_326 = arith.constant 112 : index
      %swap3A_327 = tpu.vector_load %arg8[%swap3A_324, %swap3A_325, %swap3A_326] {strides = array<i32>} : memref<3x80x128xf32, #tpu.memory_space<vmem>>, vector<1x1x16xf32>,
      %swap3A_328 = vector.shape_cast %swap3A_327 : vector<1x1x16xf32> to vector<16xf32>
      %swap3A_329 = vector.shape_cast %add3A_322 : vector<16xf32> to vector<1x1x16xf32>
      tpu.vector_store %arg8[%swap3A_324, %swap3A_325, %swap3A_326], %swap3A_329 {strides = array<i32>} : memref<3x80x128xf32, #tpu.memory_space<vmem>>, vector<1x1x16xf32>,
    }
    %scan3A_96 = arith.constant 80 : i32
    %dma_start3A_97 = arith.constant 0 : i32
    %dma_start3A_98 = arith.constant 123 : i32
    %dma_start3A_99 = arith.constant 0 : i32
    %dma_start3A_100 = arith.constant 0 : i32
    %dma_start3A_101 = tpu.memref_slice %arg8[%dma_start3A_97, %dma_start3A_99, %dma_start3A_100] : memref<3x80x128xf32, #tpu.memory_space<vmem>> -> memref<1x80x128xf32, #tpu.memory_space<vmem>>
    %dma_start3A_102 = tpu.memref_squeeze %dma_start3A_101 : memref<1x80x128xf32, #tpu.memory_space<vmem>> -> memref<80x128xf32, #tpu.memory_space<vmem>>
    %dma_start3A_103 = arith.constant 0 : i32
    %dma_start3A_104 = tpu.memref_slice %arg7[%dma_start3A_98, %dma_start3A_103] : memref<125x80xi32, #tpu.memory_space<vmem>> -> memref<1x80xi32, #tpu.memory_space<vmem>>
    %dma_start3A_105 = tpu.memref_squeeze %dma_start3A_104 : memref<1x80xi32, #tpu.memory_space<vmem>> -> memref<80xi32, #tpu.memory_space<vmem>>
    %dma_start3A_106 = arith.constant 0 : i32
    %dma_start3A_107 = arith.constant 0 : i32
    %dma_start3A_108 = tpu.memref_slice %arg10[%dma_start3A_106, %dma_start3A_107] : memref<10000x128xf32, #tpu.memory_space<vmem_shared>> -> memref<10000x128xf32, #tpu.memory_space<vmem_shared>>
    tpu.enqueue_indirect_dma source(%dma_start3A_102 : memref<80x128xf32, #tpu.memory_space<vmem>>) target(%dma_start3A_108 : memref<10000x128xf32, #tpu.memory_space<vmem_shared>>) offsets(%dma_start3A_105 : memref<80xi32, #tpu.memory_space<vmem>>) semaphore(%arg14 : memref<!tpu.dma_semaphore, #tpu.memory_space<semaphore_mem>>) {add = true}
    %dma_wait3A_109 = arith.constant 0 : i32
    %dma_wait3A_110 = arith.constant 123 : i32
    %dma_wait3A_111 = arith.constant 0 : i32
    %dma_wait3A_112 = arith.constant 0 : i32
    %dma_wait3A_113 = tpu.memref_slice %arg8[%dma_wait3A_109, %dma_wait3A_111, %dma_wait3A_112] : memref<3x80x128xf32, #tpu.memory_space<vmem>> -> memref<1x80x128xf32, #tpu.memory_space<vmem>>
    %dma_wait3A_114 = tpu.memref_squeeze %dma_wait3A_113 : memref<1x80x128xf32, #tpu.memory_space<vmem>> -> memref<80x128xf32, #tpu.memory_space<vmem>>
    %dma_wait3A_115 = arith.constant 0 : i32
    %dma_wait3A_116 = tpu.memref_slice %arg7[%dma_wait3A_110, %dma_wait3A_115] : memref<125x80xi32, #tpu.memory_space<vmem>> -> memref<1x80xi32, #tpu.memory_space<vmem>>
    %dma_wait3A_117 = tpu.memref_squeeze %dma_wait3A_116 : memref<1x80xi32, #tpu.memory_space<vmem>> -> memref<80xi32, #tpu.memory_space<vmem>>
    %dma_wait3A_118 = arith.constant 0 : i32
    %dma_wait3A_119 = arith.constant 0 : i32
    %dma_wait3A_120 = tpu.memref_slice %arg10[%dma_wait3A_118, %dma_wait3A_119] : memref<10000x128xf32, #tpu.memory_space<vmem_shared>> -> memref<10000x128xf32, #tpu.memory_space<vmem_shared>>
    tpu.wait_indirect_dma semaphore(%arg14 : memref<!tpu.dma_semaphore, #tpu.memory_space<semaphore_mem>>) src(%dma_wait3A_114 : memref<80x128xf32, #tpu.memory_space<vmem>>) dst(%dma_wait3A_120 : memref<10000x128xf32, #tpu.memory_space<vmem_shared>>)
    %add3A_121 = arith.constant 9920 : i32
    %add3A_122 = arith.addi %mul3A_2, %add3A_121 : i32
    %multiple_of3A_123 = tpu.assume_multiple %add3A_122, 8 : i32
    %dma_start3A_124 = arith.constant 0 : i32
    %dma_start3A_125 = arith.constant 0 : i32
    %dma_start3A_126 = arith.constant 0 : i32
    %dma_start3A_127 = tpu.memref_slice %arg8[%dma_start3A_124, %dma_start3A_125, %dma_start3A_126] : memref<3x80x128xf32, #tpu.memory_space<vmem>> -> memref<1x80x128xf32, #tpu.memory_space<vmem>>
    %dma_start3A_128 = tpu.memref_squeeze %dma_start3A_127 : memref<1x80x128xf32, #tpu.memory_space<vmem>> -> memref<80x128xf32, #tpu.memory_space<vmem>>
    %dma_start3A_129 = arith.constant 0 : i32
    %dma_start3A_130 = tpu.memref_slice %arg2[%multiple_of3A_123, %dma_start3A_129] : memref<320000x128xf32, #tpu.memory_space<hbm>> -> memref<80x128xf32, #tpu.memory_space<hbm>>
    %dma_start3A_131 = arith.constant 0 : i32
    %dma_start3A_132 = arith.constant 0 : i32
    %dma_start3A_133 = tpu.memref_slice %arg8[%dma_start3A_124, %dma_start3A_131, %dma_start3A_132] : memref<3x80x128xf32, #tpu.memory_space<vmem>> -> memref<1x80x128xf32, #tpu.memory_space<vmem>>
    %dma_start3A_134 = tpu.memref_squeeze %dma_start3A_133 : memref<1x80x128xf32, #tpu.memory_space<vmem>> -> memref<80x128xf32, #tpu.memory_space<vmem>>
    %dma_start3A_135 = arith.constant 0 : i32
    %dma_start3A_136 = tpu.memref_slice %arg2[%multiple_of3A_123, %dma_start3A_135] : memref<320000x128xf32, #tpu.memory_space<hbm>> -> memref<80x128xf32, #tpu.memory_space<hbm>>
    tpu.enqueue_dma source(%dma_start3A_136 : memref<80x128xf32, #tpu.memory_space<hbm>>) target(%dma_start3A_134 : memref<80x128xf32, #tpu.memory_space<vmem>>) target_semaphore(%arg11 : memref<!tpu.dma_semaphore, #tpu.memory_space<semaphore_mem>>)
    %dma_wait3A_137 = arith.constant 0 : i32
    %dma_wait3A_138 = arith.constant 0 : i32
    %dma_wait3A_139 = arith.constant 0 : i32
    %dma_wait3A_140 = tpu.memref_slice %arg8[%dma_wait3A_137, %dma_wait3A_138, %dma_wait3A_139] : memref<3x80x128xf32, #tpu.memory_space<vmem>> -> memref<1x80x128xf32, #tpu.memory_space<vmem>>
    %dma_wait3A_141 = tpu.memref_squeeze %dma_wait3A_140 : memref<1x80x128xf32, #tpu.memory_space<vmem>> -> memref<80x128xf32, #tpu.memory_space<vmem>>
    %dma_wait3A_142 = arith.constant 0 : i32
    %dma_wait3A_143 = tpu.memref_slice %arg2[%multiple_of3A_123, %dma_wait3A_142] : memref<320000x128xf32, #tpu.memory_space<hbm>> -> memref<80x128xf32, #tpu.memory_space<hbm>>
    %dma_wait3A_144 = arith.constant 0 : i32
    %dma_wait3A_145 = arith.constant 0 : i32
    %dma_wait3A_146 = tpu.memref_slice %arg8[%dma_wait3A_137, %dma_wait3A_144, %dma_wait3A_145] : memref<3x80x128xf32, #tpu.memory_space<vmem>> -> memref<1x80x128xf32, #tpu.memory_space<vmem>>
    %dma_wait3A_147 = tpu.memref_squeeze %dma_wait3A_146 : memref<1x80x128xf32, #tpu.memory_space<vmem>> -> memref<80x128xf32, #tpu.memory_space<vmem>>
    %dma_wait3A_148 = arith.constant 0 : i32
    %dma_wait3A_149 = tpu.memref_slice %arg2[%multiple_of3A_123, %dma_wait3A_148] : memref<320000x128xf32, #tpu.memory_space<hbm>> -> memref<80x128xf32, #tpu.memory_space<hbm>>
    tpu.wait_dma2 semaphore(%arg11 : memref<!tpu.dma_semaphore, #tpu.memory_space<semaphore_mem>>) src(%dma_wait3A_149 : memref<80x128xf32, #tpu.memory_space<hbm>>) dst(%dma_wait3A_147 : memref<80x128xf32, #tpu.memory_space<vmem>>)
    %scan3A_150 = arith.constant 0 : i32
    %scan3A_151 = arith.constant 0 : i32
    %scan3A_152 = arith.constant 80 : i32
    %scan3A_153 = arith.addi %scan3A_151, %scan3A_152 : i32
    %scan3A_154 = arith.constant 1 : i32
    scf.for %scan3A_186 = %scan3A_151 to %scan3A_153 step %scan3A_154  : i32 {
      %get3A_187 = arith.constant 0 : i32
      %get3A_188 = arith.index_cast %get3A_187 : i32 to index
      %get3A_189 = arith.index_cast %scan3A_186 : i32 to index
      %get3A_190 = arith.constant 0 : index
      %get3A_191 = tpu.vector_load %arg8[%get3A_188, %get3A_189, %get3A_190] {strides = array<i32>} : memref<3x80x128xf32, #tpu.memory_space<vmem>>, vector<1x1x16xf32>,
      %get3A_192 = vector.shape_cast %get3A_191 : vector<1x1x16xf32> to vector<16xf32>
      %mul3A_193 = arith.mulf %get3A_192, %get3A_8 : vector<16xf32>
      %add3A_194 = arith.addf %mul3A_193, %get3A_32 : vector<16xf32>
      %max3A = arith.constant 0.000000e+00 : f32
      %max3A_195 = vector.broadcast %max3A : f32 to vector<16xf32>
      %max3A_196 = arith.maximumf %add3A_194, %max3A_195 : vector<16xf32>
      %swap3A = arith.constant 0 : i32
      %swap3A_197 = arith.index_cast %swap3A : i32 to index
      %swap3A_198 = arith.index_cast %scan3A_186 : i32 to index
      %swap3A_199 = arith.constant 0 : index
      %swap3A_200 = tpu.vector_load %arg8[%swap3A_197, %swap3A_198, %swap3A_199] {strides = array<i32>} : memref<3x80x128xf32, #tpu.memory_space<vmem>>, vector<1x1x16xf32>,
      %swap3A_201 = vector.shape_cast %swap3A_200 : vector<1x1x16xf32> to vector<16xf32>
      %swap3A_202 = vector.shape_cast %max3A_196 : vector<16xf32> to vector<1x1x16xf32>
      tpu.vector_store %arg8[%swap3A_197, %swap3A_198, %swap3A_199], %swap3A_202 {strides = array<i32>} : memref<3x80x128xf32, #tpu.memory_space<vmem>>, vector<1x1x16xf32>,
      %get3A_203 = arith.constant 0 : i32
      %get3A_204 = arith.index_cast %get3A_203 : i32 to index
      %get3A_205 = arith.index_cast %scan3A_186 : i32 to index
      %get3A_206 = arith.constant 16 : index
      %get3A_207 = tpu.vector_load %arg8[%get3A_204, %get3A_205, %get3A_206] {strides = array<i32>} : memref<3x80x128xf32, #tpu.memory_space<vmem>>, vector<1x1x16xf32>,
      %get3A_208 = vector.shape_cast %get3A_207 : vector<1x1x16xf32> to vector<16xf32>
      %mul3A_209 = arith.mulf %get3A_208, %get3A_11 : vector<16xf32>
      %add3A_210 = arith.addf %mul3A_209, %get3A_35 : vector<16xf32>
      %max3A_211 = arith.constant 0.000000e+00 : f32
      %max3A_212 = vector.broadcast %max3A_211 : f32 to vector<16xf32>
      %max3A_213 = arith.maximumf %add3A_210, %max3A_212 : vector<16xf32>
      %swap3A_214 = arith.constant 0 : i32
      %swap3A_215 = arith.index_cast %swap3A_214 : i32 to index
      %swap3A_216 = arith.index_cast %scan3A_186 : i32 to index
      %swap3A_217 = arith.constant 16 : index
      %swap3A_218 = tpu.vector_load %arg8[%swap3A_215, %swap3A_216, %swap3A_217] {strides = array<i32>} : memref<3x80x128xf32, #tpu.memory_space<vmem>>, vector<1x1x16xf32>,
      %swap3A_219 = vector.shape_cast %swap3A_218 : vector<1x1x16xf32> to vector<16xf32>
      %swap3A_220 = vector.shape_cast %max3A_213 : vector<16xf32> to vector<1x1x16xf32>
      tpu.vector_store %arg8[%swap3A_215, %swap3A_216, %swap3A_217], %swap3A_220 {strides = array<i32>} : memref<3x80x128xf32, #tpu.memory_space<vmem>>, vector<1x1x16xf32>,
      %get3A_221 = arith.constant 0 : i32
      %get3A_222 = arith.index_cast %get3A_221 : i32 to index
      %get3A_223 = arith.index_cast %scan3A_186 : i32 to index
      %get3A_224 = arith.constant 32 : index
      %get3A_225 = tpu.vector_load %arg8[%get3A_222, %get3A_223, %get3A_224] {strides = array<i32>} : memref<3x80x128xf32, #tpu.memory_space<vmem>>, vector<1x1x16xf32>,
      %get3A_226 = vector.shape_cast %get3A_225 : vector<1x1x16xf32> to vector<16xf32>
      %mul3A_227 = arith.mulf %get3A_226, %get3A_14 : vector<16xf32>
      %add3A_228 = arith.addf %mul3A_227, %get3A_38 : vector<16xf32>
      %max3A_229 = arith.constant 0.000000e+00 : f32
      %max3A_230 = vector.broadcast %max3A_229 : f32 to vector<16xf32>
      %max3A_231 = arith.maximumf %add3A_228, %max3A_230 : vector<16xf32>
      %swap3A_232 = arith.constant 0 : i32
      %swap3A_233 = arith.index_cast %swap3A_232 : i32 to index
      %swap3A_234 = arith.index_cast %scan3A_186 : i32 to index
      %swap3A_235 = arith.constant 32 : index
      %swap3A_236 = tpu.vector_load %arg8[%swap3A_233, %swap3A_234, %swap3A_235] {strides = array<i32>} : memref<3x80x128xf32, #tpu.memory_space<vmem>>, vector<1x1x16xf32>,
      %swap3A_237 = vector.shape_cast %swap3A_236 : vector<1x1x16xf32> to vector<16xf32>
      %swap3A_238 = vector.shape_cast %max3A_231 : vector<16xf32> to vector<1x1x16xf32>
      tpu.vector_store %arg8[%swap3A_233, %swap3A_234, %swap3A_235], %swap3A_238 {strides = array<i32>} : memref<3x80x128xf32, #tpu.memory_space<vmem>>, vector<1x1x16xf32>,
      %get3A_239 = arith.constant 0 : i32
      %get3A_240 = arith.index_cast %get3A_239 : i32 to index
      %get3A_241 = arith.index_cast %scan3A_186 : i32 to index
      %get3A_242 = arith.constant 48 : index
      %get3A_243 = tpu.vector_load %arg8[%get3A_240, %get3A_241, %get3A_242] {strides = array<i32>} : memref<3x80x128xf32, #tpu.memory_space<vmem>>, vector<1x1x16xf32>,
      %get3A_244 = vector.shape_cast %get3A_243 : vector<1x1x16xf32> to vector<16xf32>
      %mul3A_245 = arith.mulf %get3A_244, %get3A_17 : vector<16xf32>
      %add3A_246 = arith.addf %mul3A_245, %get3A_41 : vector<16xf32>
      %max3A_247 = arith.constant 0.000000e+00 : f32
      %max3A_248 = vector.broadcast %max3A_247 : f32 to vector<16xf32>
      %max3A_249 = arith.maximumf %add3A_246, %max3A_248 : vector<16xf32>
      %swap3A_250 = arith.constant 0 : i32
      %swap3A_251 = arith.index_cast %swap3A_250 : i32 to index
      %swap3A_252 = arith.index_cast %scan3A_186 : i32 to index
      %swap3A_253 = arith.constant 48 : index
      %swap3A_254 = tpu.vector_load %arg8[%swap3A_251, %swap3A_252, %swap3A_253] {strides = array<i32>} : memref<3x80x128xf32, #tpu.memory_space<vmem>>, vector<1x1x16xf32>,
      %swap3A_255 = vector.shape_cast %swap3A_254 : vector<1x1x16xf32> to vector<16xf32>
      %swap3A_256 = vector.shape_cast %max3A_249 : vector<16xf32> to vector<1x1x16xf32>
      tpu.vector_store %arg8[%swap3A_251, %swap3A_252, %swap3A_253], %swap3A_256 {strides = array<i32>} : memref<3x80x128xf32, #tpu.memory_space<vmem>>, vector<1x1x16xf32>,
      %get3A_257 = arith.constant 0 : i32
      %get3A_258 = arith.index_cast %get3A_257 : i32 to index
      %get3A_259 = arith.index_cast %scan3A_186 : i32 to index
      %get3A_260 = arith.constant 64 : index
      %get3A_261 = tpu.vector_load %arg8[%get3A_258, %get3A_259, %get3A_260] {strides = array<i32>} : memref<3x80x128xf32, #tpu.memory_space<vmem>>, vector<1x1x16xf32>,
      %get3A_262 = vector.shape_cast %get3A_261 : vector<1x1x16xf32> to vector<16xf32>
      %mul3A_263 = arith.mulf %get3A_262, %get3A_20 : vector<16xf32>
      %add3A_264 = arith.addf %mul3A_263, %get3A_44 : vector<16xf32>
      %max3A_265 = arith.constant 0.000000e+00 : f32
      %max3A_266 = vector.broadcast %max3A_265 : f32 to vector<16xf32>
      %max3A_267 = arith.maximumf %add3A_264, %max3A_266 : vector<16xf32>
      %swap3A_268 = arith.constant 0 : i32
      %swap3A_269 = arith.index_cast %swap3A_268 : i32 to index
      %swap3A_270 = arith.index_cast %scan3A_186 : i32 to index
      %swap3A_271 = arith.constant 64 : index
      %swap3A_272 = tpu.vector_load %arg8[%swap3A_269, %swap3A_270, %swap3A_271] {strides = array<i32>} : memref<3x80x128xf32, #tpu.memory_space<vmem>>, vector<1x1x16xf32>,
      %swap3A_273 = vector.shape_cast %swap3A_272 : vector<1x1x16xf32> to vector<16xf32>
      %swap3A_274 = vector.shape_cast %max3A_267 : vector<16xf32> to vector<1x1x16xf32>
      tpu.vector_store %arg8[%swap3A_269, %swap3A_270, %swap3A_271], %swap3A_274 {strides = array<i32>} : memref<3x80x128xf32, #tpu.memory_space<vmem>>, vector<1x1x16xf32>,
      %get3A_275 = arith.constant 0 : i32
      %get3A_276 = arith.index_cast %get3A_275 : i32 to index
      %get3A_277 = arith.index_cast %scan3A_186 : i32 to index
      %get3A_278 = arith.constant 80 : index
      %get3A_279 = tpu.vector_load %arg8[%get3A_276, %get3A_277, %get3A_278] {strides = array<i32>} : memref<3x80x128xf32, #tpu.memory_space<vmem>>, vector<1x1x16xf32>,
      %get3A_280 = vector.shape_cast %get3A_279 : vector<1x1x16xf32> to vector<16xf32>
      %mul3A_281 = arith.mulf %get3A_280, %get3A_23 : vector<16xf32>
      %add3A_282 = arith.addf %mul3A_281, %get3A_47 : vector<16xf32>
      %max3A_283 = arith.constant 0.000000e+00 : f32
      %max3A_284 = vector.broadcast %max3A_283 : f32 to vector<16xf32>
      %max3A_285 = arith.maximumf %add3A_282, %max3A_284 : vector<16xf32>
      %swap3A_286 = arith.constant 0 : i32
      %swap3A_287 = arith.index_cast %swap3A_286 : i32 to index
      %swap3A_288 = arith.index_cast %scan3A_186 : i32 to index
      %swap3A_289 = arith.constant 80 : index
      %swap3A_290 = tpu.vector_load %arg8[%swap3A_287, %swap3A_288, %swap3A_289] {strides = array<i32>} : memref<3x80x128xf32, #tpu.memory_space<vmem>>, vector<1x1x16xf32>,
      %swap3A_291 = vector.shape_cast %swap3A_290 : vector<1x1x16xf32> to vector<16xf32>
      %swap3A_292 = vector.shape_cast %max3A_285 : vector<16xf32> to vector<1x1x16xf32>
      tpu.vector_store %arg8[%swap3A_287, %swap3A_288, %swap3A_289], %swap3A_292 {strides = array<i32>} : memref<3x80x128xf32, #tpu.memory_space<vmem>>, vector<1x1x16xf32>,
      %get3A_293 = arith.constant 0 : i32
      %get3A_294 = arith.index_cast %get3A_293 : i32 to index
      %get3A_295 = arith.index_cast %scan3A_186 : i32 to index
      %get3A_296 = arith.constant 96 : index
      %get3A_297 = tpu.vector_load %arg8[%get3A_294, %get3A_295, %get3A_296] {strides = array<i32>} : memref<3x80x128xf32, #tpu.memory_space<vmem>>, vector<1x1x16xf32>,
      %get3A_298 = vector.shape_cast %get3A_297 : vector<1x1x16xf32> to vector<16xf32>
      %mul3A_299 = arith.mulf %get3A_298, %get3A_26 : vector<16xf32>
      %add3A_300 = arith.addf %mul3A_299, %get3A_50 : vector<16xf32>
      %max3A_301 = arith.constant 0.000000e+00 : f32
      %max3A_302 = vector.broadcast %max3A_301 : f32 to vector<16xf32>
      %max3A_303 = arith.maximumf %add3A_300, %max3A_302 : vector<16xf32>
      %swap3A_304 = arith.constant 0 : i32
      %swap3A_305 = arith.index_cast %swap3A_304 : i32 to index
      %swap3A_306 = arith.index_cast %scan3A_186 : i32 to index
      %swap3A_307 = arith.constant 96 : index
      %swap3A_308 = tpu.vector_load %arg8[%swap3A_305, %swap3A_306, %swap3A_307] {strides = array<i32>} : memref<3x80x128xf32, #tpu.memory_space<vmem>>, vector<1x1x16xf32>,
      %swap3A_309 = vector.shape_cast %swap3A_308 : vector<1x1x16xf32> to vector<16xf32>
      %swap3A_310 = vector.shape_cast %max3A_303 : vector<16xf32> to vector<1x1x16xf32>
      tpu.vector_store %arg8[%swap3A_305, %swap3A_306, %swap3A_307], %swap3A_310 {strides = array<i32>} : memref<3x80x128xf32, #tpu.memory_space<vmem>>, vector<1x1x16xf32>,
      %get3A_311 = arith.constant 0 : i32
      %get3A_312 = arith.index_cast %get3A_311 : i32 to index
      %get3A_313 = arith.index_cast %scan3A_186 : i32 to index
      %get3A_314 = arith.constant 112 : index
      %get3A_315 = tpu.vector_load %arg8[%get3A_312, %get3A_313, %get3A_314] {strides = array<i32>} : memref<3x80x128xf32, #tpu.memory_space<vmem>>, vector<1x1x16xf32>,
      %get3A_316 = vector.shape_cast %get3A_315 : vector<1x1x16xf32> to vector<16xf32>
      %mul3A_317 = arith.mulf %get3A_316, %get3A_29 : vector<16xf32>
      %add3A_318 = arith.addf %mul3A_317, %get3A_53 : vector<16xf32>
      %max3A_319 = arith.constant 0.000000e+00 : f32
      %max3A_320 = vector.broadcast %max3A_319 : f32 to vector<16xf32>
      %max3A_321 = arith.maximumf %add3A_318, %max3A_320 : vector<16xf32>
      %add3A_322 = arith.addf %max3A_321, %select_n3A : vector<16xf32>
      %swap3A_323 = arith.constant 0 : i32
      %swap3A_324 = arith.index_cast %swap3A_323 : i32 to index
      %swap3A_325 = arith.index_cast %scan3A_186 : i32 to index
      %swap3A_326 = arith.constant 112 : index
      %swap3A_327 = tpu.vector_load %arg8[%swap3A_324, %swap3A_325, %swap3A_326] {strides = array<i32>} : memref<3x80x128xf32, #tpu.memory_space<vmem>>, vector<1x1x16xf32>,
      %swap3A_328 = vector.shape_cast %swap3A_327 : vector<1x1x16xf32> to vector<16xf32>
      %swap3A_329 = vector.shape_cast %add3A_322 : vector<16xf32> to vector<1x1x16xf32>
      tpu.vector_store %arg8[%swap3A_324, %swap3A_325, %swap3A_326], %swap3A_329 {strides = array<i32>} : memref<3x80x128xf32, #tpu.memory_space<vmem>>, vector<1x1x16xf32>,
    }
    %scan3A_155 = arith.constant 80 : i32
    %dma_start3A_156 = arith.constant 0 : i32
    %dma_start3A_157 = arith.constant 124 : i32
    %dma_start3A_158 = arith.constant 0 : i32
    %dma_start3A_159 = arith.constant 0 : i32
    %dma_start3A_160 = tpu.memref_slice %arg8[%dma_start3A_156, %dma_start3A_158, %dma_start3A_159] : memref<3x80x128xf32, #tpu.memory_space<vmem>> -> memref<1x80x128xf32, #tpu.memory_space<vmem>>
    %dma_start3A_161 = tpu.memref_squeeze %dma_start3A_160 : memref<1x80x128xf32, #tpu.memory_space<vmem>> -> memref<80x128xf32, #tpu.memory_space<vmem>>
    %dma_start3A_162 = arith.constant 0 : i32
    %dma_start3A_163 = tpu.memref_slice %arg7[%dma_start3A_157, %dma_start3A_162] : memref<125x80xi32, #tpu.memory_space<vmem>> -> memref<1x80xi32, #tpu.memory_space<vmem>>
    %dma_start3A_164 = tpu.memref_squeeze %dma_start3A_163 : memref<1x80xi32, #tpu.memory_space<vmem>> -> memref<80xi32, #tpu.memory_space<vmem>>
    %dma_start3A_165 = arith.constant 0 : i32
    %dma_start3A_166 = arith.constant 0 : i32
    %dma_start3A_167 = tpu.memref_slice %arg10[%dma_start3A_165, %dma_start3A_166] : memref<10000x128xf32, #tpu.memory_space<vmem_shared>> -> memref<10000x128xf32, #tpu.memory_space<vmem_shared>>
    tpu.enqueue_indirect_dma source(%dma_start3A_161 : memref<80x128xf32, #tpu.memory_space<vmem>>) target(%dma_start3A_167 : memref<10000x128xf32, #tpu.memory_space<vmem_shared>>) offsets(%dma_start3A_164 : memref<80xi32, #tpu.memory_space<vmem>>) semaphore(%arg14 : memref<!tpu.dma_semaphore, #tpu.memory_space<semaphore_mem>>) {add = true}
    %dma_wait3A_168 = arith.constant 0 : i32
    %dma_wait3A_169 = arith.constant 124 : i32
    %dma_wait3A_170 = arith.constant 0 : i32
    %dma_wait3A_171 = arith.constant 0 : i32
    %dma_wait3A_172 = tpu.memref_slice %arg8[%dma_wait3A_168, %dma_wait3A_170, %dma_wait3A_171] : memref<3x80x128xf32, #tpu.memory_space<vmem>> -> memref<1x80x128xf32, #tpu.memory_space<vmem>>
    %dma_wait3A_173 = tpu.memref_squeeze %dma_wait3A_172 : memref<1x80x128xf32, #tpu.memory_space<vmem>> -> memref<80x128xf32, #tpu.memory_space<vmem>>
    %dma_wait3A_174 = arith.constant 0 : i32
    %dma_wait3A_175 = tpu.memref_slice %arg7[%dma_wait3A_169, %dma_wait3A_174] : memref<125x80xi32, #tpu.memory_space<vmem>> -> memref<1x80xi32, #tpu.memory_space<vmem>>
    %dma_wait3A_176 = tpu.memref_squeeze %dma_wait3A_175 : memref<1x80xi32, #tpu.memory_space<vmem>> -> memref<80xi32, #tpu.memory_space<vmem>>
    %dma_wait3A_177 = arith.constant 0 : i32
    %dma_wait3A_178 = arith.constant 0 : i32
    %dma_wait3A_179 = tpu.memref_slice %arg10[%dma_wait3A_177, %dma_wait3A_178] : memref<10000x128xf32, #tpu.memory_space<vmem_shared>> -> memref<10000x128xf32, #tpu.memory_space<vmem_shared>>
    tpu.wait_indirect_dma semaphore(%arg14 : memref<!tpu.dma_semaphore, #tpu.memory_space<semaphore_mem>>) src(%dma_wait3A_173 : memref<80x128xf32, #tpu.memory_space<vmem>>) dst(%dma_wait3A_179 : memref<10000x128xf32, #tpu.memory_space<vmem_shared>>)
    %barrier3A_180 = arith.constant 0 : index
    tpu.barrier barrier_id(%barrier3A_180)
    "tpu.region"() ({
      %run_scoped3A = tpu.sem_alloc : memref<!tpu.dma_semaphore, #tpu.memory_space<semaphore_mem>>
      %dma_start3A_186 = arith.constant 0 : i32
      %dma_start3A_187 = arith.constant 0 : i32
      %dma_start3A_188 = tpu.memref_slice %arg6[%arg0, %dma_start3A_186, %dma_start3A_187] : memref<2x10000x128xf32, #tpu.memory_space<hbm>> -> memref<1x10000x128xf32, #tpu.memory_space<hbm>>
      %dma_start3A_189 = tpu.memref_squeeze %dma_start3A_188 : memref<1x10000x128xf32, #tpu.memory_space<hbm>> -> memref<10000x128xf32, #tpu.memory_space<hbm>>
      %dma_start3A_190 = arith.constant 0 : i32
      %dma_start3A_191 = tpu.memref_slice %dma_start3A_189[%multiple_of3A, %dma_start3A_190] : memref<10000x128xf32, #tpu.memory_space<hbm>> -> memref<624x128xf32, #tpu.memory_space<hbm>>
      %dma_start3A_192 = arith.constant 0 : i32
      %dma_start3A_193 = tpu.memref_slice %arg10[%multiple_of3A, %dma_start3A_192] : memref<10000x128xf32, #tpu.memory_space<vmem_shared>> -> memref<624x128xf32, #tpu.memory_space<vmem_shared>>
      tpu.enqueue_dma source(%dma_start3A_193 : memref<624x128xf32, #tpu.memory_space<vmem_shared>>) target(%dma_start3A_191 : memref<624x128xf32, #tpu.memory_space<hbm>>) target_semaphore(%run_scoped3A : memref<!tpu.dma_semaphore, #tpu.memory_space<semaphore_mem>>)
      %dma_wait3A_194 = arith.constant 0 : i32
      %dma_wait3A_195 = arith.constant 0 : i32
      %dma_wait3A_196 = tpu.memref_slice %arg6[%arg0, %dma_wait3A_194, %dma_wait3A_195] : memref<2x10000x128xf32, #tpu.memory_space<hbm>> -> memref<1x10000x128xf32, #tpu.memory_space<hbm>>
      %dma_wait3A_197 = tpu.memref_squeeze %dma_wait3A_196 : memref<1x10000x128xf32, #tpu.memory_space<hbm>> -> memref<10000x128xf32, #tpu.memory_space<hbm>>
      %dma_wait3A_198 = arith.constant 0 : i32
      %dma_wait3A_199 = tpu.memref_slice %dma_wait3A_197[%multiple_of3A, %dma_wait3A_198] : memref<10000x128xf32, #tpu.memory_space<hbm>> -> memref<624x128xf32, #tpu.memory_space<hbm>>
      %dma_wait3A_200 = arith.constant 0 : i32
      %dma_wait3A_201 = tpu.memref_slice %arg10[%multiple_of3A, %dma_wait3A_200] : memref<10000x128xf32, #tpu.memory_space<vmem_shared>> -> memref<624x128xf32, #tpu.memory_space<vmem_shared>>
      tpu.wait_dma2 semaphore(%run_scoped3A : memref<!tpu.dma_semaphore, #tpu.memory_space<semaphore_mem>>) src(%dma_wait3A_201 : memref<624x128xf32, #tpu.memory_space<vmem_shared>>) dst(%dma_wait3A_199 : memref<624x128xf32, #tpu.memory_space<hbm>>)
      tpu.yield
    }) : () -> ()
    %eq3A_181 = arith.constant 15 : i32
    %eq3A_182 = arith.cmpi eq, %arg1, %eq3A_181 : i32
    %convert_element_type3A_183 = arith.extui %eq3A_182 : i1 to i32
    %cond3A_184 = arith.constant 0 : i32
    %cond3A_185 = arith.cmpi ne, %convert_element_type3A_183, %cond3A_184 : i32
    scf.if %cond3A_185 {
      "tpu.region"() ({
        %run_scoped3A = tpu.sem_alloc : memref<!tpu.dma_semaphore, #tpu.memory_space<semaphore_mem>>
        %dma_start3A_186 = arith.constant 0 : i32
        %dma_start3A_187 = arith.constant 0 : i32
        %dma_start3A_188 = tpu.memref_slice %arg6[%arg0, %dma_start3A_186, %dma_start3A_187] : memref<2x10000x128xf32, #tpu.memory_space<hbm>> -> memref<1x10000x128xf32, #tpu.memory_space<hbm>>
        %dma_start3A_189 = tpu.memref_squeeze %dma_start3A_188 : memref<1x10000x128xf32, #tpu.memory_space<hbm>> -> memref<10000x128xf32, #tpu.memory_space<hbm>>
        %dma_start3A_190 = arith.constant 9984 : i32
        %dma_start3A_191 = arith.constant 0 : i32
        %dma_start3A_192 = tpu.memref_slice %dma_start3A_189[%dma_start3A_190, %dma_start3A_191] : memref<10000x128xf32, #tpu.memory_space<hbm>> -> memref<16x128xf32, #tpu.memory_space<hbm>>
        %dma_start3A_193 = arith.constant 9984 : i32
        %dma_start3A_194 = arith.constant 0 : i32
        %dma_start3A_195 = tpu.memref_slice %arg10[%dma_start3A_193, %dma_start3A_194] : memref<10000x128xf32, #tpu.memory_space<vmem_shared>> -> memref<16x128xf32, #tpu.memory_space<vmem_shared>>
        tpu.enqueue_dma source(%dma_start3A_195 : memref<16x128xf32, #tpu.memory_space<vmem_shared>>) target(%dma_start3A_192 : memref<16x128xf32, #tpu.memory_space<hbm>>) target_semaphore(%run_scoped3A : memref<!tpu.dma_semaphore, #tpu.memory_space<semaphore_mem>>)
        %dma_wait3A_196 = arith.constant 0 : i32
        %dma_wait3A_197 = arith.constant 0 : i32
        %dma_wait3A_198 = tpu.memref_slice %arg6[%arg0, %dma_wait3A_196, %dma_wait3A_197] : memref<2x10000x128xf32, #tpu.memory_space<hbm>> -> memref<1x10000x128xf32, #tpu.memory_space<hbm>>
        %dma_wait3A_199 = tpu.memref_squeeze %dma_wait3A_198 : memref<1x10000x128xf32, #tpu.memory_space<hbm>> -> memref<10000x128xf32, #tpu.memory_space<hbm>>
        %dma_wait3A_200 = arith.constant 9984 : i32
        %dma_wait3A_201 = arith.constant 0 : i32
        %dma_wait3A_202 = tpu.memref_slice %dma_wait3A_199[%dma_wait3A_200, %dma_wait3A_201] : memref<10000x128xf32, #tpu.memory_space<hbm>> -> memref<16x128xf32, #tpu.memory_space<hbm>>
        %dma_wait3A_203 = arith.constant 9984 : i32
        %dma_wait3A_204 = arith.constant 0 : i32
        %dma_wait3A_205 = tpu.memref_slice %arg10[%dma_wait3A_203, %dma_wait3A_204] : memref<10000x128xf32, #tpu.memory_space<vmem_shared>> -> memref<16x128xf32, #tpu.memory_space<vmem_shared>>
        tpu.wait_dma2 semaphore(%run_scoped3A : memref<!tpu.dma_semaphore, #tpu.memory_space<semaphore_mem>>) src(%dma_wait3A_205 : memref<16x128xf32, #tpu.memory_space<vmem_shared>>) dst(%dma_wait3A_202 : memref<16x128xf32, #tpu.memory_space<hbm>>)
        tpu.yield
      }) : () -> ()
    } else {
    }
    return
  }
}

#map = affine_map<(d0, d1) -> (0, 0)>
#map1 = affine_map<(d0, d1) -> (0, 0, 0)>
module attributes {stable_mosaic.version = 14 : i64} {
  func.func @_sc_pass1(%arg0: i32, %arg1: i32, %arg2: memref<10000x128xf32, #tpu.memory_space<hbm>>, %arg3: memref<32x125x80xi32, #tpu.memory_space<hbm>>, %arg4: memref<32x125x80xi32, #tpu.memory_space<hbm>>, %arg5: memref<320000x128xf32, #tpu.memory_space<hbm>>, %arg6: memref<32x256xf32, #tpu.memory_space<hbm>>, %arg7: memref<125x80xi32, #tpu.memory_space<vmem>>, %arg8: memref<125x80xi32, #tpu.memory_space<vmem>>, %arg9: memref<4x80x128xf32, #tpu.memory_space<vmem>>, %arg10: memref<4x80x128xf32, #tpu.memory_space<vmem>>, %arg11: memref<256xf32, #tpu.memory_space<vmem>>, %arg12: memref<!tpu.dma_semaphore, #tpu.memory_space<semaphore_mem>>, %arg13: memref<!tpu.dma_semaphore, #tpu.memory_space<semaphore_mem>>, %arg14: memref<!tpu.dma_semaphore, #tpu.memory_space<semaphore_mem>>, %arg15: memref<!tpu.dma_semaphore, #tpu.memory_space<semaphore_mem>>, %arg16: memref<!tpu.dma_semaphore, #tpu.memory_space<semaphore_mem>>, %arg17: memref<!tpu.dma_semaphore, #tpu.memory_space<semaphore_mem>>, %arg18: memref<!tpu.dma_semaphore, #tpu.memory_space<semaphore_mem>>, %arg19: memref<!tpu.dma_semaphore, #tpu.memory_space<semaphore_mem>>, %arg20: memref<!tpu.dma_semaphore, #tpu.memory_space<semaphore_mem>>, %arg21: memref<!tpu.dma_semaphore, #tpu.memory_space<semaphore_mem>>, %arg22: memref<!tpu.dma_semaphore, #tpu.memory_space<semaphore_mem>>, %arg23: memref<!tpu.dma_semaphore, #tpu.memory_space<semaphore_mem>>) attributes {dimension_semantics = [#tpu.dimension_semantics<core_parallel>, #tpu.dimension_semantics<subcore_parallel>], iteration_bounds = array<i64: 2, 16>, scalar_prefetch = 0 : i64, scratch_operands = 17 : i64, tpu.core_type = #tpu.core_type<sc_vector_subcore>, window_params = [{transform_indices = #map}, {transform_indices = #map1}, {transform_indices = #map1}, {transform_indices = #map}, {transform_indices = #map}]} {
    %mul3A = arith.constant 2 : i32
    %mul3A_0 = arith.muli %arg1, %mul3A : i32
    %add3A = arith.addi %mul3A_0, %arg0 : i32
    %mul3A_1 = arith.constant 10000 : i32
    %mul3A_2 = arith.muli %add3A, %mul3A_1 : i32
    "tpu.region"() ({
      %run_scoped3A = tpu.sem_alloc : memref<!tpu.dma_semaphore, #tpu.memory_space<semaphore_mem>>
      %dma_start3A_152 = arith.constant 0 : i32
      %dma_start3A_153 = arith.constant 0 : i32
      %dma_start3A_154 = tpu.memref_slice %arg3[%add3A, %dma_start3A_152, %dma_start3A_153] : memref<32x125x80xi32, #tpu.memory_space<hbm>> -> memref<1x125x80xi32, #tpu.memory_space<hbm>>
      %dma_start3A_155 = tpu.memref_squeeze %dma_start3A_154 : memref<1x125x80xi32, #tpu.memory_space<hbm>> -> memref<125x80xi32, #tpu.memory_space<hbm>>
      %dma_start3A_156 = arith.constant 0 : i32
      %dma_start3A_157 = arith.constant 0 : i32
      %dma_start3A_158 = tpu.memref_slice %arg3[%add3A, %dma_start3A_156, %dma_start3A_157] : memref<32x125x80xi32, #tpu.memory_space<hbm>> -> memref<1x125x80xi32, #tpu.memory_space<hbm>>
      %dma_start3A_159 = tpu.memref_squeeze %dma_start3A_158 : memref<1x125x80xi32, #tpu.memory_space<hbm>> -> memref<125x80xi32, #tpu.memory_space<hbm>>
      tpu.enqueue_dma source(%dma_start3A_159 : memref<125x80xi32, #tpu.memory_space<hbm>>) target(%arg7 : memref<125x80xi32, #tpu.memory_space<vmem>>) target_semaphore(%run_scoped3A : memref<!tpu.dma_semaphore, #tpu.memory_space<semaphore_mem>>)
      %dma_wait3A_160 = arith.constant 0 : i32
      %dma_wait3A_161 = arith.constant 0 : i32
      %dma_wait3A_162 = tpu.memref_slice %arg3[%add3A, %dma_wait3A_160, %dma_wait3A_161] : memref<32x125x80xi32, #tpu.memory_space<hbm>> -> memref<1x125x80xi32, #tpu.memory_space<hbm>>
      %dma_wait3A_163 = tpu.memref_squeeze %dma_wait3A_162 : memref<1x125x80xi32, #tpu.memory_space<hbm>> -> memref<125x80xi32, #tpu.memory_space<hbm>>
      %dma_wait3A_164 = arith.constant 0 : i32
      %dma_wait3A_165 = arith.constant 0 : i32
      %dma_wait3A_166 = tpu.memref_slice %arg3[%add3A, %dma_wait3A_164, %dma_wait3A_165] : memref<32x125x80xi32, #tpu.memory_space<hbm>> -> memref<1x125x80xi32, #tpu.memory_space<hbm>>
      %dma_wait3A_167 = tpu.memref_squeeze %dma_wait3A_166 : memref<1x125x80xi32, #tpu.memory_space<hbm>> -> memref<125x80xi32, #tpu.memory_space<hbm>>
      tpu.wait_dma2 semaphore(%run_scoped3A : memref<!tpu.dma_semaphore, #tpu.memory_space<semaphore_mem>>) src(%dma_wait3A_167 : memref<125x80xi32, #tpu.memory_space<hbm>>) dst(%arg7 : memref<125x80xi32, #tpu.memory_space<vmem>>)
      tpu.yield
    }) : () -> ()
    "tpu.region"() ({
      %run_scoped3A = tpu.sem_alloc : memref<!tpu.dma_semaphore, #tpu.memory_space<semaphore_mem>>
      %dma_start3A_152 = arith.constant 0 : i32
      %dma_start3A_153 = arith.constant 0 : i32
      %dma_start3A_154 = tpu.memref_slice %arg4[%add3A, %dma_start3A_152, %dma_start3A_153] : memref<32x125x80xi32, #tpu.memory_space<hbm>> -> memref<1x125x80xi32, #tpu.memory_space<hbm>>
      %dma_start3A_155 = tpu.memref_squeeze %dma_start3A_154 : memref<1x125x80xi32, #tpu.memory_space<hbm>> -> memref<125x80xi32, #tpu.memory_space<hbm>>
      %dma_start3A_156 = arith.constant 0 : i32
      %dma_start3A_157 = arith.constant 0 : i32
      %dma_start3A_158 = tpu.memref_slice %arg4[%add3A, %dma_start3A_156, %dma_start3A_157] : memref<32x125x80xi32, #tpu.memory_space<hbm>> -> memref<1x125x80xi32, #tpu.memory_space<hbm>>
      %dma_start3A_159 = tpu.memref_squeeze %dma_start3A_158 : memref<1x125x80xi32, #tpu.memory_space<hbm>> -> memref<125x80xi32, #tpu.memory_space<hbm>>
      tpu.enqueue_dma source(%dma_start3A_159 : memref<125x80xi32, #tpu.memory_space<hbm>>) target(%arg8 : memref<125x80xi32, #tpu.memory_space<vmem>>) target_semaphore(%run_scoped3A : memref<!tpu.dma_semaphore, #tpu.memory_space<semaphore_mem>>)
      %dma_wait3A_160 = arith.constant 0 : i32
      %dma_wait3A_161 = arith.constant 0 : i32
      %dma_wait3A_162 = tpu.memref_slice %arg4[%add3A, %dma_wait3A_160, %dma_wait3A_161] : memref<32x125x80xi32, #tpu.memory_space<hbm>> -> memref<1x125x80xi32, #tpu.memory_space<hbm>>
      %dma_wait3A_163 = tpu.memref_squeeze %dma_wait3A_162 : memref<1x125x80xi32, #tpu.memory_space<hbm>> -> memref<125x80xi32, #tpu.memory_space<hbm>>
      %dma_wait3A_164 = arith.constant 0 : i32
      %dma_wait3A_165 = arith.constant 0 : i32
      %dma_wait3A_166 = tpu.memref_slice %arg4[%add3A, %dma_wait3A_164, %dma_wait3A_165] : memref<32x125x80xi32, #tpu.memory_space<hbm>> -> memref<1x125x80xi32, #tpu.memory_space<hbm>>
      %dma_wait3A_167 = tpu.memref_squeeze %dma_wait3A_166 : memref<1x125x80xi32, #tpu.memory_space<hbm>> -> memref<125x80xi32, #tpu.memory_space<hbm>>
      tpu.wait_dma2 semaphore(%run_scoped3A : memref<!tpu.dma_semaphore, #tpu.memory_space<semaphore_mem>>) src(%dma_wait3A_167 : memref<125x80xi32, #tpu.memory_space<hbm>>) dst(%arg8 : memref<125x80xi32, #tpu.memory_space<vmem>>)
      tpu.yield
    }) : () -> ()
    %broadcast_in_dim3A = arith.constant 0.000000e+00 : f32
    %broadcast_in_dim3A_3 = vector.broadcast %broadcast_in_dim3A : f32 to vector<16xf32>
    %scan3A = arith.constant 0 : i32
    %scan3A_4 = arith.constant 31 : i32
    %scan3A_5 = arith.addi %scan3A, %scan3A_4 : i32
    %scan3A_6 = arith.constant 1 : i32
    %scan3A_7:16 = scf.for %scan3A_152 = %scan3A to %scan3A_5 step %scan3A_6 iter_args(%scan3A_153 = %broadcast_in_dim3A_3, %scan3A_154 = %broadcast_in_dim3A_3, %scan3A_155 = %broadcast_in_dim3A_3, %scan3A_156 = %broadcast_in_dim3A_3, %scan3A_157 = %broadcast_in_dim3A_3, %scan3A_158 = %broadcast_in_dim3A_3, %scan3A_159 = %broadcast_in_dim3A_3, %scan3A_160 = %broadcast_in_dim3A_3, %scan3A_161 = %broadcast_in_dim3A_3, %scan3A_162 = %broadcast_in_dim3A_3, %scan3A_163 = %broadcast_in_dim3A_3, %scan3A_164 = %broadcast_in_dim3A_3, %scan3A_165 = %broadcast_in_dim3A_3, %scan3A_166 = %broadcast_in_dim3A_3, %scan3A_167 = %broadcast_in_dim3A_3, %scan3A_168 = %broadcast_in_dim3A_3) -> (vector<16xf32>, vector<16xf32>, vector<16xf32>, vector<16xf32>, vector<16xf32>, vector<16xf32>, vector<16xf32>, vector<16xf32>, vector<16xf32>, vector<16xf32>, vector<16xf32>, vector<16xf32>, vector<16xf32>, vector<16xf32>, vector<16xf32>, vector<16xf32>)  : i32 {
      %mul3A_169 = arith.constant 4 : i32
      %mul3A_170 = arith.muli %mul3A_169, %scan3A_152 : i32
      %add3A_171 = arith.constant 0 : i32
      %add3A_172 = arith.addi %mul3A_170, %add3A_171 : i32
      %dma_start3A_173 = arith.constant 0 : i32
      %dma_start3A_174 = arith.constant 0 : i32
      %dma_start3A_175 = arith.constant 0 : i32
      %dma_start3A_176 = tpu.memref_slice %arg9[%dma_start3A_173, %dma_start3A_174, %dma_start3A_175] : memref<4x80x128xf32, #tpu.memory_space<vmem>> -> memref<1x80x128xf32, #tpu.memory_space<vmem>>
      %dma_start3A_177 = tpu.memref_squeeze %dma_start3A_176 : memref<1x80x128xf32, #tpu.memory_space<vmem>> -> memref<80x128xf32, #tpu.memory_space<vmem>>
      %dma_start3A_178 = arith.constant 0 : i32
      %dma_start3A_179 = tpu.memref_slice %arg7[%add3A_172, %dma_start3A_178] : memref<125x80xi32, #tpu.memory_space<vmem>> -> memref<1x80xi32, #tpu.memory_space<vmem>>
      %dma_start3A_180 = tpu.memref_squeeze %dma_start3A_179 : memref<1x80xi32, #tpu.memory_space<vmem>> -> memref<80xi32, #tpu.memory_space<vmem>>
      %dma_start3A_181 = arith.constant 0 : i32
      %dma_start3A_182 = arith.constant 0 : i32
      %dma_start3A_183 = tpu.memref_slice %arg2[%dma_start3A_181, %dma_start3A_182] : memref<10000x128xf32, #tpu.memory_space<hbm>> -> memref<10000x128xf32, #tpu.memory_space<hbm>>
      tpu.enqueue_indirect_dma source(%dma_start3A_183 : memref<10000x128xf32, #tpu.memory_space<hbm>>) target(%dma_start3A_177 : memref<80x128xf32, #tpu.memory_space<vmem>>) offsets(%dma_start3A_180 : memref<80xi32, #tpu.memory_space<vmem>>) semaphore(%arg12 : memref<!tpu.dma_semaphore, #tpu.memory_space<semaphore_mem>>)
      %dma_start3A_184 = arith.constant 0 : i32
      %dma_start3A_185 = arith.constant 0 : i32
      %dma_start3A_186 = arith.constant 0 : i32
      %dma_start3A_187 = tpu.memref_slice %arg10[%dma_start3A_184, %dma_start3A_185, %dma_start3A_186] : memref<4x80x128xf32, #tpu.memory_space<vmem>> -> memref<1x80x128xf32, #tpu.memory_space<vmem>>
      %dma_start3A_188 = tpu.memref_squeeze %dma_start3A_187 : memref<1x80x128xf32, #tpu.memory_space<vmem>> -> memref<80x128xf32, #tpu.memory_space<vmem>>
      %dma_start3A_189 = arith.constant 0 : i32
      %dma_start3A_190 = tpu.memref_slice %arg8[%add3A_172, %dma_start3A_189] : memref<125x80xi32, #tpu.memory_space<vmem>> -> memref<1x80xi32, #tpu.memory_space<vmem>>
      %dma_start3A_191 = tpu.memref_squeeze %dma_start3A_190 : memref<1x80xi32, #tpu.memory_space<vmem>> -> memref<80xi32, #tpu.memory_space<vmem>>
      %dma_start3A_192 = arith.constant 0 : i32
      %dma_start3A_193 = arith.constant 0 : i32
      %dma_start3A_194 = tpu.memref_slice %arg2[%dma_start3A_192, %dma_start3A_193] : memref<10000x128xf32, #tpu.memory_space<hbm>> -> memref<10000x128xf32, #tpu.memory_space<hbm>>
      tpu.enqueue_indirect_dma source(%dma_start3A_194 : memref<10000x128xf32, #tpu.memory_space<hbm>>) target(%dma_start3A_188 : memref<80x128xf32, #tpu.memory_space<vmem>>) offsets(%dma_start3A_191 : memref<80xi32, #tpu.memory_space<vmem>>) semaphore(%arg13 : memref<!tpu.dma_semaphore, #tpu.memory_space<semaphore_mem>>)
      %add3A_195 = arith.constant 1 : i32
      %add3A_196 = arith.addi %mul3A_170, %add3A_195 : i32
      %dma_start3A_197 = arith.constant 1 : i32
      %dma_start3A_198 = arith.constant 0 : i32
      %dma_start3A_199 = arith.constant 0 : i32
      %dma_start3A_200 = tpu.memref_slice %arg9[%dma_start3A_197, %dma_start3A_198, %dma_start3A_199] : memref<4x80x128xf32, #tpu.memory_space<vmem>> -> memref<1x80x128xf32, #tpu.memory_space<vmem>>
      %dma_start3A_201 = tpu.memref_squeeze %dma_start3A_200 : memref<1x80x128xf32, #tpu.memory_space<vmem>> -> memref<80x128xf32, #tpu.memory_space<vmem>>
      %dma_start3A_202 = arith.constant 0 : i32
      %dma_start3A_203 = tpu.memref_slice %arg7[%add3A_196, %dma_start3A_202] : memref<125x80xi32, #tpu.memory_space<vmem>> -> memref<1x80xi32, #tpu.memory_space<vmem>>
      %dma_start3A_204 = tpu.memref_squeeze %dma_start3A_203 : memref<1x80xi32, #tpu.memory_space<vmem>> -> memref<80xi32, #tpu.memory_space<vmem>>
      %dma_start3A_205 = arith.constant 0 : i32
      %dma_start3A_206 = arith.constant 0 : i32
      %dma_start3A_207 = tpu.memref_slice %arg2[%dma_start3A_205, %dma_start3A_206] : memref<10000x128xf32, #tpu.memory_space<hbm>> -> memref<10000x128xf32, #tpu.memory_space<hbm>>
      tpu.enqueue_indirect_dma source(%dma_start3A_207 : memref<10000x128xf32, #tpu.memory_space<hbm>>) target(%dma_start3A_201 : memref<80x128xf32, #tpu.memory_space<vmem>>) offsets(%dma_start3A_204 : memref<80xi32, #tpu.memory_space<vmem>>) semaphore(%arg14 : memref<!tpu.dma_semaphore, #tpu.memory_space<semaphore_mem>>)
      %dma_start3A_208 = arith.constant 1 : i32
      %dma_start3A_209 = arith.constant 0 : i32
      %dma_start3A_210 = arith.constant 0 : i32
      %dma_start3A_211 = tpu.memref_slice %arg10[%dma_start3A_208, %dma_start3A_209, %dma_start3A_210] : memref<4x80x128xf32, #tpu.memory_space<vmem>> -> memref<1x80x128xf32, #tpu.memory_space<vmem>>
      %dma_start3A_212 = tpu.memref_squeeze %dma_start3A_211 : memref<1x80x128xf32, #tpu.memory_space<vmem>> -> memref<80x128xf32, #tpu.memory_space<vmem>>
      %dma_start3A_213 = arith.constant 0 : i32
      %dma_start3A_214 = tpu.memref_slice %arg8[%add3A_196, %dma_start3A_213] : memref<125x80xi32, #tpu.memory_space<vmem>> -> memref<1x80xi32, #tpu.memory_space<vmem>>
      %dma_start3A_215 = tpu.memref_squeeze %dma_start3A_214 : memref<1x80xi32, #tpu.memory_space<vmem>> -> memref<80xi32, #tpu.memory_space<vmem>>
      %dma_start3A_216 = arith.constant 0 : i32
      %dma_start3A_217 = arith.constant 0 : i32
      %dma_start3A_218 = tpu.memref_slice %arg2[%dma_start3A_216, %dma_start3A_217] : memref<10000x128xf32, #tpu.memory_space<hbm>> -> memref<10000x128xf32, #tpu.memory_space<hbm>>
      tpu.enqueue_indirect_dma source(%dma_start3A_218 : memref<10000x128xf32, #tpu.memory_space<hbm>>) target(%dma_start3A_212 : memref<80x128xf32, #tpu.memory_space<vmem>>) offsets(%dma_start3A_215 : memref<80xi32, #tpu.memory_space<vmem>>) semaphore(%arg15 : memref<!tpu.dma_semaphore, #tpu.memory_space<semaphore_mem>>)
      %add3A_219 = arith.constant 2 : i32
      %add3A_220 = arith.addi %mul3A_170, %add3A_219 : i32
      %dma_start3A_221 = arith.constant 2 : i32
      %dma_start3A_222 = arith.constant 0 : i32
      %dma_start3A_223 = arith.constant 0 : i32
      %dma_start3A_224 = tpu.memref_slice %arg9[%dma_start3A_221, %dma_start3A_222, %dma_start3A_223] : memref<4x80x128xf32, #tpu.memory_space<vmem>> -> memref<1x80x128xf32, #tpu.memory_space<vmem>>
      %dma_start3A_225 = tpu.memref_squeeze %dma_start3A_224 : memref<1x80x128xf32, #tpu.memory_space<vmem>> -> memref<80x128xf32, #tpu.memory_space<vmem>>
      %dma_start3A_226 = arith.constant 0 : i32
      %dma_start3A_227 = tpu.memref_slice %arg7[%add3A_220, %dma_start3A_226] : memref<125x80xi32, #tpu.memory_space<vmem>> -> memref<1x80xi32, #tpu.memory_space<vmem>>
      %dma_start3A_228 = tpu.memref_squeeze %dma_start3A_227 : memref<1x80xi32, #tpu.memory_space<vmem>> -> memref<80xi32, #tpu.memory_space<vmem>>
      %dma_start3A_229 = arith.constant 0 : i32
      %dma_start3A_230 = arith.constant 0 : i32
      %dma_start3A_231 = tpu.memref_slice %arg2[%dma_start3A_229, %dma_start3A_230] : memref<10000x128xf32, #tpu.memory_space<hbm>> -> memref<10000x128xf32, #tpu.memory_space<hbm>>
      tpu.enqueue_indirect_dma source(%dma_start3A_231 : memref<10000x128xf32, #tpu.memory_space<hbm>>) target(%dma_start3A_225 : memref<80x128xf32, #tpu.memory_space<vmem>>) offsets(%dma_start3A_228 : memref<80xi32, #tpu.memory_space<vmem>>) semaphore(%arg16 : memref<!tpu.dma_semaphore, #tpu.memory_space<semaphore_mem>>)
      %dma_start3A_232 = arith.constant 2 : i32
      %dma_start3A_233 = arith.constant 0 : i32
      %dma_start3A_234 = arith.constant 0 : i32
      %dma_start3A_235 = tpu.memref_slice %arg10[%dma_start3A_232, %dma_start3A_233, %dma_start3A_234] : memref<4x80x128xf32, #tpu.memory_space<vmem>> -> memref<1x80x128xf32, #tpu.memory_space<vmem>>
      %dma_start3A_236 = tpu.memref_squeeze %dma_start3A_235 : memref<1x80x128xf32, #tpu.memory_space<vmem>> -> memref<80x128xf32, #tpu.memory_space<vmem>>
      %dma_start3A_237 = arith.constant 0 : i32
      %dma_start3A_238 = tpu.memref_slice %arg8[%add3A_220, %dma_start3A_237] : memref<125x80xi32, #tpu.memory_space<vmem>> -> memref<1x80xi32, #tpu.memory_space<vmem>>
      %dma_start3A_239 = tpu.memref_squeeze %dma_start3A_238 : memref<1x80xi32, #tpu.memory_space<vmem>> -> memref<80xi32, #tpu.memory_space<vmem>>
      %dma_start3A_240 = arith.constant 0 : i32
      %dma_start3A_241 = arith.constant 0 : i32
      %dma_start3A_242 = tpu.memref_slice %arg2[%dma_start3A_240, %dma_start3A_241] : memref<10000x128xf32, #tpu.memory_space<hbm>> -> memref<10000x128xf32, #tpu.memory_space<hbm>>
      tpu.enqueue_indirect_dma source(%dma_start3A_242 : memref<10000x128xf32, #tpu.memory_space<hbm>>) target(%dma_start3A_236 : memref<80x128xf32, #tpu.memory_space<vmem>>) offsets(%dma_start3A_239 : memref<80xi32, #tpu.memory_space<vmem>>) semaphore(%arg17 : memref<!tpu.dma_semaphore, #tpu.memory_space<semaphore_mem>>)
      %add3A_243 = arith.constant 3 : i32
      %add3A_244 = arith.addi %mul3A_170, %add3A_243 : i32
      %dma_start3A_245 = arith.constant 3 : i32
      %dma_start3A_246 = arith.constant 0 : i32
      %dma_start3A_247 = arith.constant 0 : i32
      %dma_start3A_248 = tpu.memref_slice %arg9[%dma_start3A_245, %dma_start3A_246, %dma_start3A_247] : memref<4x80x128xf32, #tpu.memory_space<vmem>> -> memref<1x80x128xf32, #tpu.memory_space<vmem>>
      %dma_start3A_249 = tpu.memref_squeeze %dma_start3A_248 : memref<1x80x128xf32, #tpu.memory_space<vmem>> -> memref<80x128xf32, #tpu.memory_space<vmem>>
      %dma_start3A_250 = arith.constant 0 : i32
      %dma_start3A_251 = tpu.memref_slice %arg7[%add3A_244, %dma_start3A_250] : memref<125x80xi32, #tpu.memory_space<vmem>> -> memref<1x80xi32, #tpu.memory_space<vmem>>
      %dma_start3A_252 = tpu.memref_squeeze %dma_start3A_251 : memref<1x80xi32, #tpu.memory_space<vmem>> -> memref<80xi32, #tpu.memory_space<vmem>>
      %dma_start3A_253 = arith.constant 0 : i32
      %dma_start3A_254 = arith.constant 0 : i32
      %dma_start3A_255 = tpu.memref_slice %arg2[%dma_start3A_253, %dma_start3A_254] : memref<10000x128xf32, #tpu.memory_space<hbm>> -> memref<10000x128xf32, #tpu.memory_space<hbm>>
      tpu.enqueue_indirect_dma source(%dma_start3A_255 : memref<10000x128xf32, #tpu.memory_space<hbm>>) target(%dma_start3A_249 : memref<80x128xf32, #tpu.memory_space<vmem>>) offsets(%dma_start3A_252 : memref<80xi32, #tpu.memory_space<vmem>>) semaphore(%arg18 : memref<!tpu.dma_semaphore, #tpu.memory_space<semaphore_mem>>)
      %dma_start3A_256 = arith.constant 3 : i32
      %dma_start3A_257 = arith.constant 0 : i32
      %dma_start3A_258 = arith.constant 0 : i32
      %dma_start3A_259 = tpu.memref_slice %arg10[%dma_start3A_256, %dma_start3A_257, %dma_start3A_258] : memref<4x80x128xf32, #tpu.memory_space<vmem>> -> memref<1x80x128xf32, #tpu.memory_space<vmem>>
      %dma_start3A_260 = tpu.memref_squeeze %dma_start3A_259 : memref<1x80x128xf32, #tpu.memory_space<vmem>> -> memref<80x128xf32, #tpu.memory_space<vmem>>
      %dma_start3A_261 = arith.constant 0 : i32
      %dma_start3A_262 = tpu.memref_slice %arg8[%add3A_244, %dma_start3A_261] : memref<125x80xi32, #tpu.memory_space<vmem>> -> memref<1x80xi32, #tpu.memory_space<vmem>>
      %dma_start3A_263 = tpu.memref_squeeze %dma_start3A_262 : memref<1x80xi32, #tpu.memory_space<vmem>> -> memref<80xi32, #tpu.memory_space<vmem>>
      %dma_start3A_264 = arith.constant 0 : i32
      %dma_start3A_265 = arith.constant 0 : i32
      %dma_start3A_266 = tpu.memref_slice %arg2[%dma_start3A_264, %dma_start3A_265] : memref<10000x128xf32, #tpu.memory_space<hbm>> -> memref<10000x128xf32, #tpu.memory_space<hbm>>
      tpu.enqueue_indirect_dma source(%dma_start3A_266 : memref<10000x128xf32, #tpu.memory_space<hbm>>) target(%dma_start3A_260 : memref<80x128xf32, #tpu.memory_space<vmem>>) offsets(%dma_start3A_263 : memref<80xi32, #tpu.memory_space<vmem>>) semaphore(%arg19 : memref<!tpu.dma_semaphore, #tpu.memory_space<semaphore_mem>>)
      %dma_wait3A_267 = arith.constant 0 : i32
      %dma_wait3A_268 = arith.constant 0 : i32
      %dma_wait3A_269 = arith.constant 0 : i32
      %dma_wait3A_270 = tpu.memref_slice %arg9[%dma_wait3A_267, %dma_wait3A_268, %dma_wait3A_269] : memref<4x80x128xf32, #tpu.memory_space<vmem>> -> memref<1x80x128xf32, #tpu.memory_space<vmem>>
      %dma_wait3A_271 = tpu.memref_squeeze %dma_wait3A_270 : memref<1x80x128xf32, #tpu.memory_space<vmem>> -> memref<80x128xf32, #tpu.memory_space<vmem>>
      %dma_wait3A_272 = arith.constant 0 : i32
      %dma_wait3A_273 = tpu.memref_slice %arg7[%add3A_172, %dma_wait3A_272] : memref<125x80xi32, #tpu.memory_space<vmem>> -> memref<1x80xi32, #tpu.memory_space<vmem>>
      %dma_wait3A_274 = tpu.memref_squeeze %dma_wait3A_273 : memref<1x80xi32, #tpu.memory_space<vmem>> -> memref<80xi32, #tpu.memory_space<vmem>>
      %dma_wait3A_275 = arith.constant 0 : i32
      %dma_wait3A_276 = arith.constant 0 : i32
      %dma_wait3A_277 = tpu.memref_slice %arg2[%dma_wait3A_275, %dma_wait3A_276] : memref<10000x128xf32, #tpu.memory_space<hbm>> -> memref<10000x128xf32, #tpu.memory_space<hbm>>
      tpu.wait_indirect_dma semaphore(%arg12 : memref<!tpu.dma_semaphore, #tpu.memory_space<semaphore_mem>>) src(%dma_wait3A_277 : memref<10000x128xf32, #tpu.memory_space<hbm>>) dst(%dma_wait3A_271 : memref<80x128xf32, #tpu.memory_space<vmem>>)
      %dma_wait3A_278 = arith.constant 0 : i32
      %dma_wait3A_279 = arith.constant 0 : i32
      %dma_wait3A_280 = arith.constant 0 : i32
      %dma_wait3A_281 = tpu.memref_slice %arg10[%dma_wait3A_278, %dma_wait3A_279, %dma_wait3A_280] : memref<4x80x128xf32, #tpu.memory_space<vmem>> -> memref<1x80x128xf32, #tpu.memory_space<vmem>>
      %dma_wait3A_282 = tpu.memref_squeeze %dma_wait3A_281 : memref<1x80x128xf32, #tpu.memory_space<vmem>> -> memref<80x128xf32, #tpu.memory_space<vmem>>
      %dma_wait3A_283 = arith.constant 0 : i32
      %dma_wait3A_284 = tpu.memref_slice %arg8[%add3A_172, %dma_wait3A_283] : memref<125x80xi32, #tpu.memory_space<vmem>> -> memref<1x80xi32, #tpu.memory_space<vmem>>
      %dma_wait3A_285 = tpu.memref_squeeze %dma_wait3A_284 : memref<1x80xi32, #tpu.memory_space<vmem>> -> memref<80xi32, #tpu.memory_space<vmem>>
      %dma_wait3A_286 = arith.constant 0 : i32
      %dma_wait3A_287 = arith.constant 0 : i32
      %dma_wait3A_288 = tpu.memref_slice %arg2[%dma_wait3A_286, %dma_wait3A_287] : memref<10000x128xf32, #tpu.memory_space<hbm>> -> memref<10000x128xf32, #tpu.memory_space<hbm>>
      tpu.wait_indirect_dma semaphore(%arg13 : memref<!tpu.dma_semaphore, #tpu.memory_space<semaphore_mem>>) src(%dma_wait3A_288 : memref<10000x128xf32, #tpu.memory_space<hbm>>) dst(%dma_wait3A_282 : memref<80x128xf32, #tpu.memory_space<vmem>>)
      %scan3A_289 = arith.constant 0 : i32
      %scan3A_290 = arith.constant 80 : i32
      %scan3A_291 = arith.addi %scan3A_289, %scan3A_290 : i32
      %scan3A_292 = arith.constant 1 : i32
      %scan3A_293:16 = scf.for %scan3A_507 = %scan3A_289 to %scan3A_291 step %scan3A_292 iter_args(%scan3A_508 = %scan3A_153, %scan3A_509 = %scan3A_154, %scan3A_510 = %scan3A_155, %scan3A_511 = %scan3A_156, %scan3A_512 = %scan3A_157, %scan3A_513 = %scan3A_158, %scan3A_514 = %scan3A_159, %scan3A_515 = %scan3A_160, %scan3A_516 = %scan3A_161, %scan3A_517 = %scan3A_162, %scan3A_518 = %scan3A_163, %scan3A_519 = %scan3A_164, %scan3A_520 = %scan3A_165, %scan3A_521 = %scan3A_166, %scan3A_522 = %scan3A_167, %scan3A_523 = %scan3A_168) -> (vector<16xf32>, vector<16xf32>, vector<16xf32>, vector<16xf32>, vector<16xf32>, vector<16xf32>, vector<16xf32>, vector<16xf32>, vector<16xf32>, vector<16xf32>, vector<16xf32>, vector<16xf32>, vector<16xf32>, vector<16xf32>, vector<16xf32>, vector<16xf32>)  : i32 {
        %get3A = arith.constant 0 : i32
        %get3A_524 = arith.index_cast %get3A : i32 to index
        %get3A_525 = arith.index_cast %scan3A_507 : i32 to index
        %get3A_526 = arith.constant 0 : index
        %get3A_527 = tpu.vector_load %arg9[%get3A_524, %get3A_525, %get3A_526] {strides = array<i32>} : memref<4x80x128xf32, #tpu.memory_space<vmem>>, vector<1x1x16xf32>,
        %get3A_528 = vector.shape_cast %get3A_527 : vector<1x1x16xf32> to vector<16xf32>
        %get3A_529 = arith.constant 0 : i32
        %get3A_530 = arith.index_cast %get3A_529 : i32 to index
        %get3A_531 = arith.index_cast %scan3A_507 : i32 to index
        %get3A_532 = arith.constant 0 : index
        %get3A_533 = tpu.vector_load %arg10[%get3A_530, %get3A_531, %get3A_532] {strides = array<i32>} : memref<4x80x128xf32, #tpu.memory_space<vmem>>, vector<1x1x16xf32>,
        %get3A_534 = vector.shape_cast %get3A_533 : vector<1x1x16xf32> to vector<16xf32>
        %sub3A = arith.subf %get3A_528, %get3A_534 : vector<16xf32>
        %swap3A_535 = arith.constant 0 : i32
        %swap3A_536 = arith.index_cast %swap3A_535 : i32 to index
        %swap3A_537 = arith.index_cast %scan3A_507 : i32 to index
        %swap3A_538 = arith.constant 0 : index
        %swap3A_539 = tpu.vector_load %arg9[%swap3A_536, %swap3A_537, %swap3A_538] {strides = array<i32>} : memref<4x80x128xf32, #tpu.memory_space<vmem>>, vector<1x1x16xf32>,
        %swap3A_540 = vector.shape_cast %swap3A_539 : vector<1x1x16xf32> to vector<16xf32>
        %swap3A_541 = vector.shape_cast %sub3A : vector<16xf32> to vector<1x1x16xf32>
        tpu.vector_store %arg9[%swap3A_536, %swap3A_537, %swap3A_538], %swap3A_541 {strides = array<i32>} : memref<4x80x128xf32, #tpu.memory_space<vmem>>, vector<1x1x16xf32>,
        %add3A_542 = arith.addf %scan3A_508, %sub3A : vector<16xf32>
        %mul3A_543 = arith.mulf %sub3A, %sub3A : vector<16xf32>
        %add3A_544 = arith.addf %scan3A_516, %mul3A_543 : vector<16xf32>
        %get3A_545 = arith.constant 0 : i32
        %get3A_546 = arith.index_cast %get3A_545 : i32 to index
        %get3A_547 = arith.index_cast %scan3A_507 : i32 to index
        %get3A_548 = arith.constant 16 : index
        %get3A_549 = tpu.vector_load %arg9[%get3A_546, %get3A_547, %get3A_548] {strides = array<i32>} : memref<4x80x128xf32, #tpu.memory_space<vmem>>, vector<1x1x16xf32>,
        %get3A_550 = vector.shape_cast %get3A_549 : vector<1x1x16xf32> to vector<16xf32>
        %get3A_551 = arith.constant 0 : i32
        %get3A_552 = arith.index_cast %get3A_551 : i32 to index
        %get3A_553 = arith.index_cast %scan3A_507 : i32 to index
        %get3A_554 = arith.constant 16 : index
        %get3A_555 = tpu.vector_load %arg10[%get3A_552, %get3A_553, %get3A_554] {strides = array<i32>} : memref<4x80x128xf32, #tpu.memory_space<vmem>>, vector<1x1x16xf32>,
        %get3A_556 = vector.shape_cast %get3A_555 : vector<1x1x16xf32> to vector<16xf32>
        %sub3A_557 = arith.subf %get3A_550, %get3A_556 : vector<16xf32>
        %swap3A_558 = arith.constant 0 : i32
        %swap3A_559 = arith.index_cast %swap3A_558 : i32 to index
        %swap3A_560 = arith.index_cast %scan3A_507 : i32 to index
        %swap3A_561 = arith.constant 16 : index
        %swap3A_562 = tpu.vector_load %arg9[%swap3A_559, %swap3A_560, %swap3A_561] {strides = array<i32>} : memref<4x80x128xf32, #tpu.memory_space<vmem>>, vector<1x1x16xf32>,
        %swap3A_563 = vector.shape_cast %swap3A_562 : vector<1x1x16xf32> to vector<16xf32>
        %swap3A_564 = vector.shape_cast %sub3A_557 : vector<16xf32> to vector<1x1x16xf32>
        tpu.vector_store %arg9[%swap3A_559, %swap3A_560, %swap3A_561], %swap3A_564 {strides = array<i32>} : memref<4x80x128xf32, #tpu.memory_space<vmem>>, vector<1x1x16xf32>,
        %add3A_565 = arith.addf %scan3A_509, %sub3A_557 : vector<16xf32>
        %mul3A_566 = arith.mulf %sub3A_557, %sub3A_557 : vector<16xf32>
        %add3A_567 = arith.addf %scan3A_517, %mul3A_566 : vector<16xf32>
        %get3A_568 = arith.constant 0 : i32
        %get3A_569 = arith.index_cast %get3A_568 : i32 to index
        %get3A_570 = arith.index_cast %scan3A_507 : i32 to index
        %get3A_571 = arith.constant 32 : index
        %get3A_572 = tpu.vector_load %arg9[%get3A_569, %get3A_570, %get3A_571] {strides = array<i32>} : memref<4x80x128xf32, #tpu.memory_space<vmem>>, vector<1x1x16xf32>,
        %get3A_573 = vector.shape_cast %get3A_572 : vector<1x1x16xf32> to vector<16xf32>
        %get3A_574 = arith.constant 0 : i32
        %get3A_575 = arith.index_cast %get3A_574 : i32 to index
        %get3A_576 = arith.index_cast %scan3A_507 : i32 to index
        %get3A_577 = arith.constant 32 : index
        %get3A_578 = tpu.vector_load %arg10[%get3A_575, %get3A_576, %get3A_577] {strides = array<i32>} : memref<4x80x128xf32, #tpu.memory_space<vmem>>, vector<1x1x16xf32>,
        %get3A_579 = vector.shape_cast %get3A_578 : vector<1x1x16xf32> to vector<16xf32>
        %sub3A_580 = arith.subf %get3A_573, %get3A_579 : vector<16xf32>
        %swap3A_581 = arith.constant 0 : i32
        %swap3A_582 = arith.index_cast %swap3A_581 : i32 to index
        %swap3A_583 = arith.index_cast %scan3A_507 : i32 to index
        %swap3A_584 = arith.constant 32 : index
        %swap3A_585 = tpu.vector_load %arg9[%swap3A_582, %swap3A_583, %swap3A_584] {strides = array<i32>} : memref<4x80x128xf32, #tpu.memory_space<vmem>>, vector<1x1x16xf32>,
        %swap3A_586 = vector.shape_cast %swap3A_585 : vector<1x1x16xf32> to vector<16xf32>
        %swap3A_587 = vector.shape_cast %sub3A_580 : vector<16xf32> to vector<1x1x16xf32>
        tpu.vector_store %arg9[%swap3A_582, %swap3A_583, %swap3A_584], %swap3A_587 {strides = array<i32>} : memref<4x80x128xf32, #tpu.memory_space<vmem>>, vector<1x1x16xf32>,
        %add3A_588 = arith.addf %scan3A_510, %sub3A_580 : vector<16xf32>
        %mul3A_589 = arith.mulf %sub3A_580, %sub3A_580 : vector<16xf32>
        %add3A_590 = arith.addf %scan3A_518, %mul3A_589 : vector<16xf32>
        %get3A_591 = arith.constant 0 : i32
        %get3A_592 = arith.index_cast %get3A_591 : i32 to index
        %get3A_593 = arith.index_cast %scan3A_507 : i32 to index
        %get3A_594 = arith.constant 48 : index
        %get3A_595 = tpu.vector_load %arg9[%get3A_592, %get3A_593, %get3A_594] {strides = array<i32>} : memref<4x80x128xf32, #tpu.memory_space<vmem>>, vector<1x1x16xf32>,
        %get3A_596 = vector.shape_cast %get3A_595 : vector<1x1x16xf32> to vector<16xf32>
        %get3A_597 = arith.constant 0 : i32
        %get3A_598 = arith.index_cast %get3A_597 : i32 to index
        %get3A_599 = arith.index_cast %scan3A_507 : i32 to index
        %get3A_600 = arith.constant 48 : index
        %get3A_601 = tpu.vector_load %arg10[%get3A_598, %get3A_599, %get3A_600] {strides = array<i32>} : memref<4x80x128xf32, #tpu.memory_space<vmem>>, vector<1x1x16xf32>,
        %get3A_602 = vector.shape_cast %get3A_601 : vector<1x1x16xf32> to vector<16xf32>
        %sub3A_603 = arith.subf %get3A_596, %get3A_602 : vector<16xf32>
        %swap3A_604 = arith.constant 0 : i32
        %swap3A_605 = arith.index_cast %swap3A_604 : i32 to index
        %swap3A_606 = arith.index_cast %scan3A_507 : i32 to index
        %swap3A_607 = arith.constant 48 : index
        %swap3A_608 = tpu.vector_load %arg9[%swap3A_605, %swap3A_606, %swap3A_607] {strides = array<i32>} : memref<4x80x128xf32, #tpu.memory_space<vmem>>, vector<1x1x16xf32>,
        %swap3A_609 = vector.shape_cast %swap3A_608 : vector<1x1x16xf32> to vector<16xf32>
        %swap3A_610 = vector.shape_cast %sub3A_603 : vector<16xf32> to vector<1x1x16xf32>
        tpu.vector_store %arg9[%swap3A_605, %swap3A_606, %swap3A_607], %swap3A_610 {strides = array<i32>} : memref<4x80x128xf32, #tpu.memory_space<vmem>>, vector<1x1x16xf32>,
        %add3A_611 = arith.addf %scan3A_511, %sub3A_603 : vector<16xf32>
        %mul3A_612 = arith.mulf %sub3A_603, %sub3A_603 : vector<16xf32>
        %add3A_613 = arith.addf %scan3A_519, %mul3A_612 : vector<16xf32>
        %get3A_614 = arith.constant 0 : i32
        %get3A_615 = arith.index_cast %get3A_614 : i32 to index
        %get3A_616 = arith.index_cast %scan3A_507 : i32 to index
        %get3A_617 = arith.constant 64 : index
        %get3A_618 = tpu.vector_load %arg9[%get3A_615, %get3A_616, %get3A_617] {strides = array<i32>} : memref<4x80x128xf32, #tpu.memory_space<vmem>>, vector<1x1x16xf32>,
        %get3A_619 = vector.shape_cast %get3A_618 : vector<1x1x16xf32> to vector<16xf32>
        %get3A_620 = arith.constant 0 : i32
        %get3A_621 = arith.index_cast %get3A_620 : i32 to index
        %get3A_622 = arith.index_cast %scan3A_507 : i32 to index
        %get3A_623 = arith.constant 64 : index
        %get3A_624 = tpu.vector_load %arg10[%get3A_621, %get3A_622, %get3A_623] {strides = array<i32>} : memref<4x80x128xf32, #tpu.memory_space<vmem>>, vector<1x1x16xf32>,
        %get3A_625 = vector.shape_cast %get3A_624 : vector<1x1x16xf32> to vector<16xf32>
        %sub3A_626 = arith.subf %get3A_619, %get3A_625 : vector<16xf32>
        %swap3A_627 = arith.constant 0 : i32
        %swap3A_628 = arith.index_cast %swap3A_627 : i32 to index
        %swap3A_629 = arith.index_cast %scan3A_507 : i32 to index
        %swap3A_630 = arith.constant 64 : index
        %swap3A_631 = tpu.vector_load %arg9[%swap3A_628, %swap3A_629, %swap3A_630] {strides = array<i32>} : memref<4x80x128xf32, #tpu.memory_space<vmem>>, vector<1x1x16xf32>,
        %swap3A_632 = vector.shape_cast %swap3A_631 : vector<1x1x16xf32> to vector<16xf32>
        %swap3A_633 = vector.shape_cast %sub3A_626 : vector<16xf32> to vector<1x1x16xf32>
        tpu.vector_store %arg9[%swap3A_628, %swap3A_629, %swap3A_630], %swap3A_633 {strides = array<i32>} : memref<4x80x128xf32, #tpu.memory_space<vmem>>, vector<1x1x16xf32>,
        %add3A_634 = arith.addf %scan3A_512, %sub3A_626 : vector<16xf32>
        %mul3A_635 = arith.mulf %sub3A_626, %sub3A_626 : vector<16xf32>
        %add3A_636 = arith.addf %scan3A_520, %mul3A_635 : vector<16xf32>
        %get3A_637 = arith.constant 0 : i32
        %get3A_638 = arith.index_cast %get3A_637 : i32 to index
        %get3A_639 = arith.index_cast %scan3A_507 : i32 to index
        %get3A_640 = arith.constant 80 : index
        %get3A_641 = tpu.vector_load %arg9[%get3A_638, %get3A_639, %get3A_640] {strides = array<i32>} : memref<4x80x128xf32, #tpu.memory_space<vmem>>, vector<1x1x16xf32>,
        %get3A_642 = vector.shape_cast %get3A_641 : vector<1x1x16xf32> to vector<16xf32>
        %get3A_643 = arith.constant 0 : i32
        %get3A_644 = arith.index_cast %get3A_643 : i32 to index
        %get3A_645 = arith.index_cast %scan3A_507 : i32 to index
        %get3A_646 = arith.constant 80 : index
        %get3A_647 = tpu.vector_load %arg10[%get3A_644, %get3A_645, %get3A_646] {strides = array<i32>} : memref<4x80x128xf32, #tpu.memory_space<vmem>>, vector<1x1x16xf32>,
        %get3A_648 = vector.shape_cast %get3A_647 : vector<1x1x16xf32> to vector<16xf32>
        %sub3A_649 = arith.subf %get3A_642, %get3A_648 : vector<16xf32>
        %swap3A_650 = arith.constant 0 : i32
        %swap3A_651 = arith.index_cast %swap3A_650 : i32 to index
        %swap3A_652 = arith.index_cast %scan3A_507 : i32 to index
        %swap3A_653 = arith.constant 80 : index
        %swap3A_654 = tpu.vector_load %arg9[%swap3A_651, %swap3A_652, %swap3A_653] {strides = array<i32>} : memref<4x80x128xf32, #tpu.memory_space<vmem>>, vector<1x1x16xf32>,
        %swap3A_655 = vector.shape_cast %swap3A_654 : vector<1x1x16xf32> to vector<16xf32>
        %swap3A_656 = vector.shape_cast %sub3A_649 : vector<16xf32> to vector<1x1x16xf32>
        tpu.vector_store %arg9[%swap3A_651, %swap3A_652, %swap3A_653], %swap3A_656 {strides = array<i32>} : memref<4x80x128xf32, #tpu.memory_space<vmem>>, vector<1x1x16xf32>,
        %add3A_657 = arith.addf %scan3A_513, %sub3A_649 : vector<16xf32>
        %mul3A_658 = arith.mulf %sub3A_649, %sub3A_649 : vector<16xf32>
        %add3A_659 = arith.addf %scan3A_521, %mul3A_658 : vector<16xf32>
        %get3A_660 = arith.constant 0 : i32
        %get3A_661 = arith.index_cast %get3A_660 : i32 to index
        %get3A_662 = arith.index_cast %scan3A_507 : i32 to index
        %get3A_663 = arith.constant 96 : index
        %get3A_664 = tpu.vector_load %arg9[%get3A_661, %get3A_662, %get3A_663] {strides = array<i32>} : memref<4x80x128xf32, #tpu.memory_space<vmem>>, vector<1x1x16xf32>,
        %get3A_665 = vector.shape_cast %get3A_664 : vector<1x1x16xf32> to vector<16xf32>
        %get3A_666 = arith.constant 0 : i32
        %get3A_667 = arith.index_cast %get3A_666 : i32 to index
        %get3A_668 = arith.index_cast %scan3A_507 : i32 to index
        %get3A_669 = arith.constant 96 : index
        %get3A_670 = tpu.vector_load %arg10[%get3A_667, %get3A_668, %get3A_669] {strides = array<i32>} : memref<4x80x128xf32, #tpu.memory_space<vmem>>, vector<1x1x16xf32>,
        %get3A_671 = vector.shape_cast %get3A_670 : vector<1x1x16xf32> to vector<16xf32>
        %sub3A_672 = arith.subf %get3A_665, %get3A_671 : vector<16xf32>
        %swap3A_673 = arith.constant 0 : i32
        %swap3A_674 = arith.index_cast %swap3A_673 : i32 to index
        %swap3A_675 = arith.index_cast %scan3A_507 : i32 to index
        %swap3A_676 = arith.constant 96 : index
        %swap3A_677 = tpu.vector_load %arg9[%swap3A_674, %swap3A_675, %swap3A_676] {strides = array<i32>} : memref<4x80x128xf32, #tpu.memory_space<vmem>>, vector<1x1x16xf32>,
        %swap3A_678 = vector.shape_cast %swap3A_677 : vector<1x1x16xf32> to vector<16xf32>
        %swap3A_679 = vector.shape_cast %sub3A_672 : vector<16xf32> to vector<1x1x16xf32>
        tpu.vector_store %arg9[%swap3A_674, %swap3A_675, %swap3A_676], %swap3A_679 {strides = array<i32>} : memref<4x80x128xf32, #tpu.memory_space<vmem>>, vector<1x1x16xf32>,
        %add3A_680 = arith.addf %scan3A_514, %sub3A_672 : vector<16xf32>
        %mul3A_681 = arith.mulf %sub3A_672, %sub3A_672 : vector<16xf32>
        %add3A_682 = arith.addf %scan3A_522, %mul3A_681 : vector<16xf32>
        %get3A_683 = arith.constant 0 : i32
        %get3A_684 = arith.index_cast %get3A_683 : i32 to index
        %get3A_685 = arith.index_cast %scan3A_507 : i32 to index
        %get3A_686 = arith.constant 112 : index
        %get3A_687 = tpu.vector_load %arg9[%get3A_684, %get3A_685, %get3A_686] {strides = array<i32>} : memref<4x80x128xf32, #tpu.memory_space<vmem>>, vector<1x1x16xf32>,
        %get3A_688 = vector.shape_cast %get3A_687 : vector<1x1x16xf32> to vector<16xf32>
        %get3A_689 = arith.constant 0 : i32
        %get3A_690 = arith.index_cast %get3A_689 : i32 to index
        %get3A_691 = arith.index_cast %scan3A_507 : i32 to index
        %get3A_692 = arith.constant 112 : index
        %get3A_693 = tpu.vector_load %arg10[%get3A_690, %get3A_691, %get3A_692] {strides = array<i32>} : memref<4x80x128xf32, #tpu.memory_space<vmem>>, vector<1x1x16xf32>,
        %get3A_694 = vector.shape_cast %get3A_693 : vector<1x1x16xf32> to vector<16xf32>
        %sub3A_695 = arith.subf %get3A_688, %get3A_694 : vector<16xf32>
        %swap3A_696 = arith.constant 0 : i32
        %swap3A_697 = arith.index_cast %swap3A_696 : i32 to index
        %swap3A_698 = arith.index_cast %scan3A_507 : i32 to index
        %swap3A_699 = arith.constant 112 : index
        %swap3A_700 = tpu.vector_load %arg9[%swap3A_697, %swap3A_698, %swap3A_699] {strides = array<i32>} : memref<4x80x128xf32, #tpu.memory_space<vmem>>, vector<1x1x16xf32>,
        %swap3A_701 = vector.shape_cast %swap3A_700 : vector<1x1x16xf32> to vector<16xf32>
        %swap3A_702 = vector.shape_cast %sub3A_695 : vector<16xf32> to vector<1x1x16xf32>
        tpu.vector_store %arg9[%swap3A_697, %swap3A_698, %swap3A_699], %swap3A_702 {strides = array<i32>} : memref<4x80x128xf32, #tpu.memory_space<vmem>>, vector<1x1x16xf32>,
        %add3A_703 = arith.addf %scan3A_515, %sub3A_695 : vector<16xf32>
        %mul3A_704 = arith.mulf %sub3A_695, %sub3A_695 : vector<16xf32>
        %add3A_705 = arith.addf %scan3A_523, %mul3A_704 : vector<16xf32>
        scf.yield %add3A_542, %add3A_565, %add3A_588, %add3A_611, %add3A_634, %add3A_657, %add3A_680, %add3A_703, %add3A_544, %add3A_567, %add3A_590, %add3A_613, %add3A_636, %add3A_659, %add3A_682, %add3A_705 : vector<16xf32>, vector<16xf32>, vector<16xf32>, vector<16xf32>, vector<16xf32>, vector<16xf32>, vector<16xf32>, vector<16xf32>, vector<16xf32>, vector<16xf32>, vector<16xf32>, vector<16xf32>, vector<16xf32>, vector<16xf32>, vector<16xf32>, vector<16xf32>
      }
      %scan3A_294 = arith.constant 80 : i32
      %add3A_295 = arith.constant 0 : i32
      %add3A_296 = arith.addi %mul3A_170, %add3A_295 : i32
      %mul3A_297 = arith.constant 80 : i32
      %mul3A_298 = arith.muli %add3A_296, %mul3A_297 : i32
      %add3A_299 = arith.addi %mul3A_2, %mul3A_298 : i32
      %multiple_of3A_300 = tpu.assume_multiple %add3A_299, 8 : i32
      %dma_start3A_301 = arith.constant 0 : i32
      %dma_start3A_302 = arith.constant 0 : i32
      %dma_start3A_303 = arith.constant 0 : i32
      %dma_start3A_304 = tpu.memref_slice %arg9[%dma_start3A_301, %dma_start3A_302, %dma_start3A_303] : memref<4x80x128xf32, #tpu.memory_space<vmem>> -> memref<1x80x128xf32, #tpu.memory_space<vmem>>
      %dma_start3A_305 = tpu.memref_squeeze %dma_start3A_304 : memref<1x80x128xf32, #tpu.memory_space<vmem>> -> memref<80x128xf32, #tpu.memory_space<vmem>>
      %dma_start3A_306 = arith.constant 0 : i32
      %dma_start3A_307 = tpu.memref_slice %arg5[%multiple_of3A_300, %dma_start3A_306] : memref<320000x128xf32, #tpu.memory_space<hbm>> -> memref<80x128xf32, #tpu.memory_space<hbm>>
      %dma_start3A_308 = arith.constant 0 : i32
      %dma_start3A_309 = tpu.memref_slice %arg5[%multiple_of3A_300, %dma_start3A_308] : memref<320000x128xf32, #tpu.memory_space<hbm>> -> memref<80x128xf32, #tpu.memory_space<hbm>>
      %dma_start3A_310 = arith.constant 0 : i32
      %dma_start3A_311 = arith.constant 0 : i32
      %dma_start3A_312 = tpu.memref_slice %arg9[%dma_start3A_301, %dma_start3A_310, %dma_start3A_311] : memref<4x80x128xf32, #tpu.memory_space<vmem>> -> memref<1x80x128xf32, #tpu.memory_space<vmem>>
      %dma_start3A_313 = tpu.memref_squeeze %dma_start3A_312 : memref<1x80x128xf32, #tpu.memory_space<vmem>> -> memref<80x128xf32, #tpu.memory_space<vmem>>
      tpu.enqueue_dma source(%dma_start3A_313 : memref<80x128xf32, #tpu.memory_space<vmem>>) target(%dma_start3A_309 : memref<80x128xf32, #tpu.memory_space<hbm>>) target_semaphore(%arg20 : memref<!tpu.dma_semaphore, #tpu.memory_space<semaphore_mem>>)
      %dma_wait3A_314 = arith.constant 1 : i32
      %dma_wait3A_315 = arith.constant 0 : i32
      %dma_wait3A_316 = arith.constant 0 : i32
      %dma_wait3A_317 = tpu.memref_slice %arg9[%dma_wait3A_314, %dma_wait3A_315, %dma_wait3A_316] : memref<4x80x128xf32, #tpu.memory_space<vmem>> -> memref<1x80x128xf32, #tpu.memory_space<vmem>>
      %dma_wait3A_318 = tpu.memref_squeeze %dma_wait3A_317 : memref<1x80x128xf32, #tpu.memory_space<vmem>> -> memref<80x128xf32, #tpu.memory_space<vmem>>
      %dma_wait3A_319 = arith.constant 0 : i32
      %dma_wait3A_320 = tpu.memref_slice %arg7[%add3A_196, %dma_wait3A_319] : memref<125x80xi32, #tpu.memory_space<vmem>> -> memref<1x80xi32, #tpu.memory_space<vmem>>
      %dma_wait3A_321 = tpu.memref_squeeze %dma_wait3A_320 : memref<1x80xi32, #tpu.memory_space<vmem>> -> memref<80xi32, #tpu.memory_space<vmem>>
      %dma_wait3A_322 = arith.constant 0 : i32
      %dma_wait3A_323 = arith.constant 0 : i32
      %dma_wait3A_324 = tpu.memref_slice %arg2[%dma_wait3A_322, %dma_wait3A_323] : memref<10000x128xf32, #tpu.memory_space<hbm>> -> memref<10000x128xf32, #tpu.memory_space<hbm>>
      tpu.wait_indirect_dma semaphore(%arg14 : memref<!tpu.dma_semaphore, #tpu.memory_space<semaphore_mem>>) src(%dma_wait3A_324 : memref<10000x128xf32, #tpu.memory_space<hbm>>) dst(%dma_wait3A_318 : memref<80x128xf32, #tpu.memory_space<vmem>>)
      %dma_wait3A_325 = arith.constant 1 : i32
      %dma_wait3A_326 = arith.constant 0 : i32
      %dma_wait3A_327 = arith.constant 0 : i32
      %dma_wait3A_328 = tpu.memref_slice %arg10[%dma_wait3A_325, %dma_wait3A_326, %dma_wait3A_327] : memref<4x80x128xf32, #tpu.memory_space<vmem>> -> memref<1x80x128xf32, #tpu.memory_space<vmem>>
      %dma_wait3A_329 = tpu.memref_squeeze %dma_wait3A_328 : memref<1x80x128xf32, #tpu.memory_space<vmem>> -> memref<80x128xf32, #tpu.memory_space<vmem>>
      %dma_wait3A_330 = arith.constant 0 : i32
      %dma_wait3A_331 = tpu.memref_slice %arg8[%add3A_196, %dma_wait3A_330] : memref<125x80xi32, #tpu.memory_space<vmem>> -> memref<1x80xi32, #tpu.memory_space<vmem>>
      %dma_wait3A_332 = tpu.memref_squeeze %dma_wait3A_331 : memref<1x80xi32, #tpu.memory_space<vmem>> -> memref<80xi32, #tpu.memory_space<vmem>>
      %dma_wait3A_333 = arith.constant 0 : i32
      %dma_wait3A_334 = arith.constant 0 : i32
      %dma_wait3A_335 = tpu.memref_slice %arg2[%dma_wait3A_333, %dma_wait3A_334] : memref<10000x128xf32, #tpu.memory_space<hbm>> -> memref<10000x128xf32, #tpu.memory_space<hbm>>
      tpu.wait_indirect_dma semaphore(%arg15 : memref<!tpu.dma_semaphore, #tpu.memory_space<semaphore_mem>>) src(%dma_wait3A_335 : memref<10000x128xf32, #tpu.memory_space<hbm>>) dst(%dma_wait3A_329 : memref<80x128xf32, #tpu.memory_space<vmem>>)
      %scan3A_336 = arith.constant 0 : i32
      %scan3A_337 = arith.constant 80 : i32
      %scan3A_338 = arith.addi %scan3A_336, %scan3A_337 : i32
      %scan3A_339 = arith.constant 1 : i32
      %scan3A_340:16 = scf.for %scan3A_507 = %scan3A_336 to %scan3A_338 step %scan3A_339 iter_args(%scan3A_508 = %scan3A_293#0, %scan3A_509 = %scan3A_293#1, %scan3A_510 = %scan3A_293#2, %scan3A_511 = %scan3A_293#3, %scan3A_512 = %scan3A_293#4, %scan3A_513 = %scan3A_293#5, %scan3A_514 = %scan3A_293#6, %scan3A_515 = %scan3A_293#7, %scan3A_516 = %scan3A_293#8, %scan3A_517 = %scan3A_293#9, %scan3A_518 = %scan3A_293#10, %scan3A_519 = %scan3A_293#11, %scan3A_520 = %scan3A_293#12, %scan3A_521 = %scan3A_293#13, %scan3A_522 = %scan3A_293#14, %scan3A_523 = %scan3A_293#15) -> (vector<16xf32>, vector<16xf32>, vector<16xf32>, vector<16xf32>, vector<16xf32>, vector<16xf32>, vector<16xf32>, vector<16xf32>, vector<16xf32>, vector<16xf32>, vector<16xf32>, vector<16xf32>, vector<16xf32>, vector<16xf32>, vector<16xf32>, vector<16xf32>)  : i32 {
        %get3A = arith.constant 1 : i32
        %get3A_524 = arith.index_cast %get3A : i32 to index
        %get3A_525 = arith.index_cast %scan3A_507 : i32 to index
        %get3A_526 = arith.constant 0 : index
        %get3A_527 = tpu.vector_load %arg9[%get3A_524, %get3A_525, %get3A_526] {strides = array<i32>} : memref<4x80x128xf32, #tpu.memory_space<vmem>>, vector<1x1x16xf32>,
        %get3A_528 = vector.shape_cast %get3A_527 : vector<1x1x16xf32> to vector<16xf32>
        %get3A_529 = arith.constant 1 : i32
        %get3A_530 = arith.index_cast %get3A_529 : i32 to index
        %get3A_531 = arith.index_cast %scan3A_507 : i32 to index
        %get3A_532 = arith.constant 0 : index
        %get3A_533 = tpu.vector_load %arg10[%get3A_530, %get3A_531, %get3A_532] {strides = array<i32>} : memref<4x80x128xf32, #tpu.memory_space<vmem>>, vector<1x1x16xf32>,
        %get3A_534 = vector.shape_cast %get3A_533 : vector<1x1x16xf32> to vector<16xf32>
        %sub3A = arith.subf %get3A_528, %get3A_534 : vector<16xf32>
        %swap3A_535 = arith.constant 1 : i32
        %swap3A_536 = arith.index_cast %swap3A_535 : i32 to index
        %swap3A_537 = arith.index_cast %scan3A_507 : i32 to index
        %swap3A_538 = arith.constant 0 : index
        %swap3A_539 = tpu.vector_load %arg9[%swap3A_536, %swap3A_537, %swap3A_538] {strides = array<i32>} : memref<4x80x128xf32, #tpu.memory_space<vmem>>, vector<1x1x16xf32>,
        %swap3A_540 = vector.shape_cast %swap3A_539 : vector<1x1x16xf32> to vector<16xf32>
        %swap3A_541 = vector.shape_cast %sub3A : vector<16xf32> to vector<1x1x16xf32>
        tpu.vector_store %arg9[%swap3A_536, %swap3A_537, %swap3A_538], %swap3A_541 {strides = array<i32>} : memref<4x80x128xf32, #tpu.memory_space<vmem>>, vector<1x1x16xf32>,
        %add3A_542 = arith.addf %scan3A_508, %sub3A : vector<16xf32>
        %mul3A_543 = arith.mulf %sub3A, %sub3A : vector<16xf32>
        %add3A_544 = arith.addf %scan3A_516, %mul3A_543 : vector<16xf32>
        %get3A_545 = arith.constant 1 : i32
        %get3A_546 = arith.index_cast %get3A_545 : i32 to index
        %get3A_547 = arith.index_cast %scan3A_507 : i32 to index
        %get3A_548 = arith.constant 16 : index
        %get3A_549 = tpu.vector_load %arg9[%get3A_546, %get3A_547, %get3A_548] {strides = array<i32>} : memref<4x80x128xf32, #tpu.memory_space<vmem>>, vector<1x1x16xf32>,
        %get3A_550 = vector.shape_cast %get3A_549 : vector<1x1x16xf32> to vector<16xf32>
        %get3A_551 = arith.constant 1 : i32
        %get3A_552 = arith.index_cast %get3A_551 : i32 to index
        %get3A_553 = arith.index_cast %scan3A_507 : i32 to index
        %get3A_554 = arith.constant 16 : index
        %get3A_555 = tpu.vector_load %arg10[%get3A_552, %get3A_553, %get3A_554] {strides = array<i32>} : memref<4x80x128xf32, #tpu.memory_space<vmem>>, vector<1x1x16xf32>,
        %get3A_556 = vector.shape_cast %get3A_555 : vector<1x1x16xf32> to vector<16xf32>
        %sub3A_557 = arith.subf %get3A_550, %get3A_556 : vector<16xf32>
        %swap3A_558 = arith.constant 1 : i32
        %swap3A_559 = arith.index_cast %swap3A_558 : i32 to index
        %swap3A_560 = arith.index_cast %scan3A_507 : i32 to index
        %swap3A_561 = arith.constant 16 : index
        %swap3A_562 = tpu.vector_load %arg9[%swap3A_559, %swap3A_560, %swap3A_561] {strides = array<i32>} : memref<4x80x128xf32, #tpu.memory_space<vmem>>, vector<1x1x16xf32>,
        %swap3A_563 = vector.shape_cast %swap3A_562 : vector<1x1x16xf32> to vector<16xf32>
        %swap3A_564 = vector.shape_cast %sub3A_557 : vector<16xf32> to vector<1x1x16xf32>
        tpu.vector_store %arg9[%swap3A_559, %swap3A_560, %swap3A_561], %swap3A_564 {strides = array<i32>} : memref<4x80x128xf32, #tpu.memory_space<vmem>>, vector<1x1x16xf32>,
        %add3A_565 = arith.addf %scan3A_509, %sub3A_557 : vector<16xf32>
        %mul3A_566 = arith.mulf %sub3A_557, %sub3A_557 : vector<16xf32>
        %add3A_567 = arith.addf %scan3A_517, %mul3A_566 : vector<16xf32>
        %get3A_568 = arith.constant 1 : i32
        %get3A_569 = arith.index_cast %get3A_568 : i32 to index
        %get3A_570 = arith.index_cast %scan3A_507 : i32 to index
        %get3A_571 = arith.constant 32 : index
        %get3A_572 = tpu.vector_load %arg9[%get3A_569, %get3A_570, %get3A_571] {strides = array<i32>} : memref<4x80x128xf32, #tpu.memory_space<vmem>>, vector<1x1x16xf32>,
        %get3A_573 = vector.shape_cast %get3A_572 : vector<1x1x16xf32> to vector<16xf32>
        %get3A_574 = arith.constant 1 : i32
        %get3A_575 = arith.index_cast %get3A_574 : i32 to index
        %get3A_576 = arith.index_cast %scan3A_507 : i32 to index
        %get3A_577 = arith.constant 32 : index
        %get3A_578 = tpu.vector_load %arg10[%get3A_575, %get3A_576, %get3A_577] {strides = array<i32>} : memref<4x80x128xf32, #tpu.memory_space<vmem>>, vector<1x1x16xf32>,
        %get3A_579 = vector.shape_cast %get3A_578 : vector<1x1x16xf32> to vector<16xf32>
        %sub3A_580 = arith.subf %get3A_573, %get3A_579 : vector<16xf32>
        %swap3A_581 = arith.constant 1 : i32
        %swap3A_582 = arith.index_cast %swap3A_581 : i32 to index
        %swap3A_583 = arith.index_cast %scan3A_507 : i32 to index
        %swap3A_584 = arith.constant 32 : index
        %swap3A_585 = tpu.vector_load %arg9[%swap3A_582, %swap3A_583, %swap3A_584] {strides = array<i32>} : memref<4x80x128xf32, #tpu.memory_space<vmem>>, vector<1x1x16xf32>,
        %swap3A_586 = vector.shape_cast %swap3A_585 : vector<1x1x16xf32> to vector<16xf32>
        %swap3A_587 = vector.shape_cast %sub3A_580 : vector<16xf32> to vector<1x1x16xf32>
        tpu.vector_store %arg9[%swap3A_582, %swap3A_583, %swap3A_584], %swap3A_587 {strides = array<i32>} : memref<4x80x128xf32, #tpu.memory_space<vmem>>, vector<1x1x16xf32>,
        %add3A_588 = arith.addf %scan3A_510, %sub3A_580 : vector<16xf32>
        %mul3A_589 = arith.mulf %sub3A_580, %sub3A_580 : vector<16xf32>
        %add3A_590 = arith.addf %scan3A_518, %mul3A_589 : vector<16xf32>
        %get3A_591 = arith.constant 1 : i32
        %get3A_592 = arith.index_cast %get3A_591 : i32 to index
        %get3A_593 = arith.index_cast %scan3A_507 : i32 to index
        %get3A_594 = arith.constant 48 : index
        %get3A_595 = tpu.vector_load %arg9[%get3A_592, %get3A_593, %get3A_594] {strides = array<i32>} : memref<4x80x128xf32, #tpu.memory_space<vmem>>, vector<1x1x16xf32>,
        %get3A_596 = vector.shape_cast %get3A_595 : vector<1x1x16xf32> to vector<16xf32>
        %get3A_597 = arith.constant 1 : i32
        %get3A_598 = arith.index_cast %get3A_597 : i32 to index
        %get3A_599 = arith.index_cast %scan3A_507 : i32 to index
        %get3A_600 = arith.constant 48 : index
        %get3A_601 = tpu.vector_load %arg10[%get3A_598, %get3A_599, %get3A_600] {strides = array<i32>} : memref<4x80x128xf32, #tpu.memory_space<vmem>>, vector<1x1x16xf32>,
        %get3A_602 = vector.shape_cast %get3A_601 : vector<1x1x16xf32> to vector<16xf32>
        %sub3A_603 = arith.subf %get3A_596, %get3A_602 : vector<16xf32>
        %swap3A_604 = arith.constant 1 : i32
        %swap3A_605 = arith.index_cast %swap3A_604 : i32 to index
        %swap3A_606 = arith.index_cast %scan3A_507 : i32 to index
        %swap3A_607 = arith.constant 48 : index
        %swap3A_608 = tpu.vector_load %arg9[%swap3A_605, %swap3A_606, %swap3A_607] {strides = array<i32>} : memref<4x80x128xf32, #tpu.memory_space<vmem>>, vector<1x1x16xf32>,
        %swap3A_609 = vector.shape_cast %swap3A_608 : vector<1x1x16xf32> to vector<16xf32>
        %swap3A_610 = vector.shape_cast %sub3A_603 : vector<16xf32> to vector<1x1x16xf32>
        tpu.vector_store %arg9[%swap3A_605, %swap3A_606, %swap3A_607], %swap3A_610 {strides = array<i32>} : memref<4x80x128xf32, #tpu.memory_space<vmem>>, vector<1x1x16xf32>,
        %add3A_611 = arith.addf %scan3A_511, %sub3A_603 : vector<16xf32>
        %mul3A_612 = arith.mulf %sub3A_603, %sub3A_603 : vector<16xf32>
        %add3A_613 = arith.addf %scan3A_519, %mul3A_612 : vector<16xf32>
        %get3A_614 = arith.constant 1 : i32
        %get3A_615 = arith.index_cast %get3A_614 : i32 to index
        %get3A_616 = arith.index_cast %scan3A_507 : i32 to index
        %get3A_617 = arith.constant 64 : index
        %get3A_618 = tpu.vector_load %arg9[%get3A_615, %get3A_616, %get3A_617] {strides = array<i32>} : memref<4x80x128xf32, #tpu.memory_space<vmem>>, vector<1x1x16xf32>,
        %get3A_619 = vector.shape_cast %get3A_618 : vector<1x1x16xf32> to vector<16xf32>
        %get3A_620 = arith.constant 1 : i32
        %get3A_621 = arith.index_cast %get3A_620 : i32 to index
        %get3A_622 = arith.index_cast %scan3A_507 : i32 to index
        %get3A_623 = arith.constant 64 : index
        %get3A_624 = tpu.vector_load %arg10[%get3A_621, %get3A_622, %get3A_623] {strides = array<i32>} : memref<4x80x128xf32, #tpu.memory_space<vmem>>, vector<1x1x16xf32>,
        %get3A_625 = vector.shape_cast %get3A_624 : vector<1x1x16xf32> to vector<16xf32>
        %sub3A_626 = arith.subf %get3A_619, %get3A_625 : vector<16xf32>
        %swap3A_627 = arith.constant 1 : i32
        %swap3A_628 = arith.index_cast %swap3A_627 : i32 to index
        %swap3A_629 = arith.index_cast %scan3A_507 : i32 to index
        %swap3A_630 = arith.constant 64 : index
        %swap3A_631 = tpu.vector_load %arg9[%swap3A_628, %swap3A_629, %swap3A_630] {strides = array<i32>} : memref<4x80x128xf32, #tpu.memory_space<vmem>>, vector<1x1x16xf32>,
        %swap3A_632 = vector.shape_cast %swap3A_631 : vector<1x1x16xf32> to vector<16xf32>
        %swap3A_633 = vector.shape_cast %sub3A_626 : vector<16xf32> to vector<1x1x16xf32>
        tpu.vector_store %arg9[%swap3A_628, %swap3A_629, %swap3A_630], %swap3A_633 {strides = array<i32>} : memref<4x80x128xf32, #tpu.memory_space<vmem>>, vector<1x1x16xf32>,
        %add3A_634 = arith.addf %scan3A_512, %sub3A_626 : vector<16xf32>
        %mul3A_635 = arith.mulf %sub3A_626, %sub3A_626 : vector<16xf32>
        %add3A_636 = arith.addf %scan3A_520, %mul3A_635 : vector<16xf32>
        %get3A_637 = arith.constant 1 : i32
        %get3A_638 = arith.index_cast %get3A_637 : i32 to index
        %get3A_639 = arith.index_cast %scan3A_507 : i32 to index
        %get3A_640 = arith.constant 80 : index
        %get3A_641 = tpu.vector_load %arg9[%get3A_638, %get3A_639, %get3A_640] {strides = array<i32>} : memref<4x80x128xf32, #tpu.memory_space<vmem>>, vector<1x1x16xf32>,
        %get3A_642 = vector.shape_cast %get3A_641 : vector<1x1x16xf32> to vector<16xf32>
        %get3A_643 = arith.constant 1 : i32
        %get3A_644 = arith.index_cast %get3A_643 : i32 to index
        %get3A_645 = arith.index_cast %scan3A_507 : i32 to index
        %get3A_646 = arith.constant 80 : index
        %get3A_647 = tpu.vector_load %arg10[%get3A_644, %get3A_645, %get3A_646] {strides = array<i32>} : memref<4x80x128xf32, #tpu.memory_space<vmem>>, vector<1x1x16xf32>,
        %get3A_648 = vector.shape_cast %get3A_647 : vector<1x1x16xf32> to vector<16xf32>
        %sub3A_649 = arith.subf %get3A_642, %get3A_648 : vector<16xf32>
        %swap3A_650 = arith.constant 1 : i32
        %swap3A_651 = arith.index_cast %swap3A_650 : i32 to index
        %swap3A_652 = arith.index_cast %scan3A_507 : i32 to index
        %swap3A_653 = arith.constant 80 : index
        %swap3A_654 = tpu.vector_load %arg9[%swap3A_651, %swap3A_652, %swap3A_653] {strides = array<i32>} : memref<4x80x128xf32, #tpu.memory_space<vmem>>, vector<1x1x16xf32>,
        %swap3A_655 = vector.shape_cast %swap3A_654 : vector<1x1x16xf32> to vector<16xf32>
        %swap3A_656 = vector.shape_cast %sub3A_649 : vector<16xf32> to vector<1x1x16xf32>
        tpu.vector_store %arg9[%swap3A_651, %swap3A_652, %swap3A_653], %swap3A_656 {strides = array<i32>} : memref<4x80x128xf32, #tpu.memory_space<vmem>>, vector<1x1x16xf32>,
        %add3A_657 = arith.addf %scan3A_513, %sub3A_649 : vector<16xf32>
        %mul3A_658 = arith.mulf %sub3A_649, %sub3A_649 : vector<16xf32>
        %add3A_659 = arith.addf %scan3A_521, %mul3A_658 : vector<16xf32>
        %get3A_660 = arith.constant 1 : i32
        %get3A_661 = arith.index_cast %get3A_660 : i32 to index
        %get3A_662 = arith.index_cast %scan3A_507 : i32 to index
        %get3A_663 = arith.constant 96 : index
        %get3A_664 = tpu.vector_load %arg9[%get3A_661, %get3A_662, %get3A_663] {strides = array<i32>} : memref<4x80x128xf32, #tpu.memory_space<vmem>>, vector<1x1x16xf32>,
        %get3A_665 = vector.shape_cast %get3A_664 : vector<1x1x16xf32> to vector<16xf32>
        %get3A_666 = arith.constant 1 : i32
        %get3A_667 = arith.index_cast %get3A_666 : i32 to index
        %get3A_668 = arith.index_cast %scan3A_507 : i32 to index
        %get3A_669 = arith.constant 96 : index
        %get3A_670 = tpu.vector_load %arg10[%get3A_667, %get3A_668, %get3A_669] {strides = array<i32>} : memref<4x80x128xf32, #tpu.memory_space<vmem>>, vector<1x1x16xf32>,
        %get3A_671 = vector.shape_cast %get3A_670 : vector<1x1x16xf32> to vector<16xf32>
        %sub3A_672 = arith.subf %get3A_665, %get3A_671 : vector<16xf32>
        %swap3A_673 = arith.constant 1 : i32
        %swap3A_674 = arith.index_cast %swap3A_673 : i32 to index
        %swap3A_675 = arith.index_cast %scan3A_507 : i32 to index
        %swap3A_676 = arith.constant 96 : index
        %swap3A_677 = tpu.vector_load %arg9[%swap3A_674, %swap3A_675, %swap3A_676] {strides = array<i32>} : memref<4x80x128xf32, #tpu.memory_space<vmem>>, vector<1x1x16xf32>,
        %swap3A_678 = vector.shape_cast %swap3A_677 : vector<1x1x16xf32> to vector<16xf32>
        %swap3A_679 = vector.shape_cast %sub3A_672 : vector<16xf32> to vector<1x1x16xf32>
        tpu.vector_store %arg9[%swap3A_674, %swap3A_675, %swap3A_676], %swap3A_679 {strides = array<i32>} : memref<4x80x128xf32, #tpu.memory_space<vmem>>, vector<1x1x16xf32>,
        %add3A_680 = arith.addf %scan3A_514, %sub3A_672 : vector<16xf32>
        %mul3A_681 = arith.mulf %sub3A_672, %sub3A_672 : vector<16xf32>
        %add3A_682 = arith.addf %scan3A_522, %mul3A_681 : vector<16xf32>
        %get3A_683 = arith.constant 1 : i32
        %get3A_684 = arith.index_cast %get3A_683 : i32 to index
        %get3A_685 = arith.index_cast %scan3A_507 : i32 to index
        %get3A_686 = arith.constant 112 : index
        %get3A_687 = tpu.vector_load %arg9[%get3A_684, %get3A_685, %get3A_686] {strides = array<i32>} : memref<4x80x128xf32, #tpu.memory_space<vmem>>, vector<1x1x16xf32>,
        %get3A_688 = vector.shape_cast %get3A_687 : vector<1x1x16xf32> to vector<16xf32>
        %get3A_689 = arith.constant 1 : i32
        %get3A_690 = arith.index_cast %get3A_689 : i32 to index
        %get3A_691 = arith.index_cast %scan3A_507 : i32 to index
        %get3A_692 = arith.constant 112 : index
        %get3A_693 = tpu.vector_load %arg10[%get3A_690, %get3A_691, %get3A_692] {strides = array<i32>} : memref<4x80x128xf32, #tpu.memory_space<vmem>>, vector<1x1x16xf32>,
        %get3A_694 = vector.shape_cast %get3A_693 : vector<1x1x16xf32> to vector<16xf32>
        %sub3A_695 = arith.subf %get3A_688, %get3A_694 : vector<16xf32>
        %swap3A_696 = arith.constant 1 : i32
        %swap3A_697 = arith.index_cast %swap3A_696 : i32 to index
        %swap3A_698 = arith.index_cast %scan3A_507 : i32 to index
        %swap3A_699 = arith.constant 112 : index
        %swap3A_700 = tpu.vector_load %arg9[%swap3A_697, %swap3A_698, %swap3A_699] {strides = array<i32>} : memref<4x80x128xf32, #tpu.memory_space<vmem>>, vector<1x1x16xf32>,
        %swap3A_701 = vector.shape_cast %swap3A_700 : vector<1x1x16xf32> to vector<16xf32>
        %swap3A_702 = vector.shape_cast %sub3A_695 : vector<16xf32> to vector<1x1x16xf32>
        tpu.vector_store %arg9[%swap3A_697, %swap3A_698, %swap3A_699], %swap3A_702 {strides = array<i32>} : memref<4x80x128xf32, #tpu.memory_space<vmem>>, vector<1x1x16xf32>,
        %add3A_703 = arith.addf %scan3A_515, %sub3A_695 : vector<16xf32>
        %mul3A_704 = arith.mulf %sub3A_695, %sub3A_695 : vector<16xf32>
        %add3A_705 = arith.addf %scan3A_523, %mul3A_704 : vector<16xf32>
        scf.yield %add3A_542, %add3A_565, %add3A_588, %add3A_611, %add3A_634, %add3A_657, %add3A_680, %add3A_703, %add3A_544, %add3A_567, %add3A_590, %add3A_613, %add3A_636, %add3A_659, %add3A_682, %add3A_705 : vector<16xf32>, vector<16xf32>, vector<16xf32>, vector<16xf32>, vector<16xf32>, vector<16xf32>, vector<16xf32>, vector<16xf32>, vector<16xf32>, vector<16xf32>, vector<16xf32>, vector<16xf32>, vector<16xf32>, vector<16xf32>, vector<16xf32>, vector<16xf32>
      }
      %scan3A_341 = arith.constant 80 : i32
      %add3A_342 = arith.constant 1 : i32
      %add3A_343 = arith.addi %mul3A_170, %add3A_342 : i32
      %mul3A_344 = arith.constant 80 : i32
      %mul3A_345 = arith.muli %add3A_343, %mul3A_344 : i32
      %add3A_346 = arith.addi %mul3A_2, %mul3A_345 : i32
      %multiple_of3A_347 = tpu.assume_multiple %add3A_346, 8 : i32
      %dma_start3A_348 = arith.constant 1 : i32
      %dma_start3A_349 = arith.constant 0 : i32
      %dma_start3A_350 = arith.constant 0 : i32
      %dma_start3A_351 = tpu.memref_slice %arg9[%dma_start3A_348, %dma_start3A_349, %dma_start3A_350] : memref<4x80x128xf32, #tpu.memory_space<vmem>> -> memref<1x80x128xf32, #tpu.memory_space<vmem>>
      %dma_start3A_352 = tpu.memref_squeeze %dma_start3A_351 : memref<1x80x128xf32, #tpu.memory_space<vmem>> -> memref<80x128xf32, #tpu.memory_space<vmem>>
      %dma_start3A_353 = arith.constant 0 : i32
      %dma_start3A_354 = tpu.memref_slice %arg5[%multiple_of3A_347, %dma_start3A_353] : memref<320000x128xf32, #tpu.memory_space<hbm>> -> memref<80x128xf32, #tpu.memory_space<hbm>>
      %dma_start3A_355 = arith.constant 0 : i32
      %dma_start3A_356 = tpu.memref_slice %arg5[%multiple_of3A_347, %dma_start3A_355] : memref<320000x128xf32, #tpu.memory_space<hbm>> -> memref<80x128xf32, #tpu.memory_space<hbm>>
      %dma_start3A_357 = arith.constant 0 : i32
      %dma_start3A_358 = arith.constant 0 : i32
      %dma_start3A_359 = tpu.memref_slice %arg9[%dma_start3A_348, %dma_start3A_357, %dma_start3A_358] : memref<4x80x128xf32, #tpu.memory_space<vmem>> -> memref<1x80x128xf32, #tpu.memory_space<vmem>>
      %dma_start3A_360 = tpu.memref_squeeze %dma_start3A_359 : memref<1x80x128xf32, #tpu.memory_space<vmem>> -> memref<80x128xf32, #tpu.memory_space<vmem>>
      tpu.enqueue_dma source(%dma_start3A_360 : memref<80x128xf32, #tpu.memory_space<vmem>>) target(%dma_start3A_356 : memref<80x128xf32, #tpu.memory_space<hbm>>) target_semaphore(%arg21 : memref<!tpu.dma_semaphore, #tpu.memory_space<semaphore_mem>>)
      %dma_wait3A_361 = arith.constant 2 : i32
      %dma_wait3A_362 = arith.constant 0 : i32
      %dma_wait3A_363 = arith.constant 0 : i32
      %dma_wait3A_364 = tpu.memref_slice %arg9[%dma_wait3A_361, %dma_wait3A_362, %dma_wait3A_363] : memref<4x80x128xf32, #tpu.memory_space<vmem>> -> memref<1x80x128xf32, #tpu.memory_space<vmem>>
      %dma_wait3A_365 = tpu.memref_squeeze %dma_wait3A_364 : memref<1x80x128xf32, #tpu.memory_space<vmem>> -> memref<80x128xf32, #tpu.memory_space<vmem>>
      %dma_wait3A_366 = arith.constant 0 : i32
      %dma_wait3A_367 = tpu.memref_slice %arg7[%add3A_220, %dma_wait3A_366] : memref<125x80xi32, #tpu.memory_space<vmem>> -> memref<1x80xi32, #tpu.memory_space<vmem>>
      %dma_wait3A_368 = tpu.memref_squeeze %dma_wait3A_367 : memref<1x80xi32, #tpu.memory_space<vmem>> -> memref<80xi32, #tpu.memory_space<vmem>>
      %dma_wait3A_369 = arith.constant 0 : i32
      %dma_wait3A_370 = arith.constant 0 : i32
      %dma_wait3A_371 = tpu.memref_slice %arg2[%dma_wait3A_369, %dma_wait3A_370] : memref<10000x128xf32, #tpu.memory_space<hbm>> -> memref<10000x128xf32, #tpu.memory_space<hbm>>
      tpu.wait_indirect_dma semaphore(%arg16 : memref<!tpu.dma_semaphore, #tpu.memory_space<semaphore_mem>>) src(%dma_wait3A_371 : memref<10000x128xf32, #tpu.memory_space<hbm>>) dst(%dma_wait3A_365 : memref<80x128xf32, #tpu.memory_space<vmem>>)
      %dma_wait3A_372 = arith.constant 2 : i32
      %dma_wait3A_373 = arith.constant 0 : i32
      %dma_wait3A_374 = arith.constant 0 : i32
      %dma_wait3A_375 = tpu.memref_slice %arg10[%dma_wait3A_372, %dma_wait3A_373, %dma_wait3A_374] : memref<4x80x128xf32, #tpu.memory_space<vmem>> -> memref<1x80x128xf32, #tpu.memory_space<vmem>>
      %dma_wait3A_376 = tpu.memref_squeeze %dma_wait3A_375 : memref<1x80x128xf32, #tpu.memory_space<vmem>> -> memref<80x128xf32, #tpu.memory_space<vmem>>
      %dma_wait3A_377 = arith.constant 0 : i32
      %dma_wait3A_378 = tpu.memref_slice %arg8[%add3A_220, %dma_wait3A_377] : memref<125x80xi32, #tpu.memory_space<vmem>> -> memref<1x80xi32, #tpu.memory_space<vmem>>
      %dma_wait3A_379 = tpu.memref_squeeze %dma_wait3A_378 : memref<1x80xi32, #tpu.memory_space<vmem>> -> memref<80xi32, #tpu.memory_space<vmem>>
      %dma_wait3A_380 = arith.constant 0 : i32
      %dma_wait3A_381 = arith.constant 0 : i32
      %dma_wait3A_382 = tpu.memref_slice %arg2[%dma_wait3A_380, %dma_wait3A_381] : memref<10000x128xf32, #tpu.memory_space<hbm>> -> memref<10000x128xf32, #tpu.memory_space<hbm>>
      tpu.wait_indirect_dma semaphore(%arg17 : memref<!tpu.dma_semaphore, #tpu.memory_space<semaphore_mem>>) src(%dma_wait3A_382 : memref<10000x128xf32, #tpu.memory_space<hbm>>) dst(%dma_wait3A_376 : memref<80x128xf32, #tpu.memory_space<vmem>>)
      %scan3A_383 = arith.constant 0 : i32
      %scan3A_384 = arith.constant 80 : i32
      %scan3A_385 = arith.addi %scan3A_383, %scan3A_384 : i32
      %scan3A_386 = arith.constant 1 : i32
      %scan3A_387:16 = scf.for %scan3A_507 = %scan3A_383 to %scan3A_385 step %scan3A_386 iter_args(%scan3A_508 = %scan3A_340#0, %scan3A_509 = %scan3A_340#1, %scan3A_510 = %scan3A_340#2, %scan3A_511 = %scan3A_340#3, %scan3A_512 = %scan3A_340#4, %scan3A_513 = %scan3A_340#5, %scan3A_514 = %scan3A_340#6, %scan3A_515 = %scan3A_340#7, %scan3A_516 = %scan3A_340#8, %scan3A_517 = %scan3A_340#9, %scan3A_518 = %scan3A_340#10, %scan3A_519 = %scan3A_340#11, %scan3A_520 = %scan3A_340#12, %scan3A_521 = %scan3A_340#13, %scan3A_522 = %scan3A_340#14, %scan3A_523 = %scan3A_340#15) -> (vector<16xf32>, vector<16xf32>, vector<16xf32>, vector<16xf32>, vector<16xf32>, vector<16xf32>, vector<16xf32>, vector<16xf32>, vector<16xf32>, vector<16xf32>, vector<16xf32>, vector<16xf32>, vector<16xf32>, vector<16xf32>, vector<16xf32>, vector<16xf32>)  : i32 {
        %get3A = arith.constant 2 : i32
        %get3A_524 = arith.index_cast %get3A : i32 to index
        %get3A_525 = arith.index_cast %scan3A_507 : i32 to index
        %get3A_526 = arith.constant 0 : index
        %get3A_527 = tpu.vector_load %arg9[%get3A_524, %get3A_525, %get3A_526] {strides = array<i32>} : memref<4x80x128xf32, #tpu.memory_space<vmem>>, vector<1x1x16xf32>,
        %get3A_528 = vector.shape_cast %get3A_527 : vector<1x1x16xf32> to vector<16xf32>
        %get3A_529 = arith.constant 2 : i32
        %get3A_530 = arith.index_cast %get3A_529 : i32 to index
        %get3A_531 = arith.index_cast %scan3A_507 : i32 to index
        %get3A_532 = arith.constant 0 : index
        %get3A_533 = tpu.vector_load %arg10[%get3A_530, %get3A_531, %get3A_532] {strides = array<i32>} : memref<4x80x128xf32, #tpu.memory_space<vmem>>, vector<1x1x16xf32>,
        %get3A_534 = vector.shape_cast %get3A_533 : vector<1x1x16xf32> to vector<16xf32>
        %sub3A = arith.subf %get3A_528, %get3A_534 : vector<16xf32>
        %swap3A_535 = arith.constant 2 : i32
        %swap3A_536 = arith.index_cast %swap3A_535 : i32 to index
        %swap3A_537 = arith.index_cast %scan3A_507 : i32 to index
        %swap3A_538 = arith.constant 0 : index
        %swap3A_539 = tpu.vector_load %arg9[%swap3A_536, %swap3A_537, %swap3A_538] {strides = array<i32>} : memref<4x80x128xf32, #tpu.memory_space<vmem>>, vector<1x1x16xf32>,
        %swap3A_540 = vector.shape_cast %swap3A_539 : vector<1x1x16xf32> to vector<16xf32>
        %swap3A_541 = vector.shape_cast %sub3A : vector<16xf32> to vector<1x1x16xf32>
        tpu.vector_store %arg9[%swap3A_536, %swap3A_537, %swap3A_538], %swap3A_541 {strides = array<i32>} : memref<4x80x128xf32, #tpu.memory_space<vmem>>, vector<1x1x16xf32>,
        %add3A_542 = arith.addf %scan3A_508, %sub3A : vector<16xf32>
        %mul3A_543 = arith.mulf %sub3A, %sub3A : vector<16xf32>
        %add3A_544 = arith.addf %scan3A_516, %mul3A_543 : vector<16xf32>
        %get3A_545 = arith.constant 2 : i32
        %get3A_546 = arith.index_cast %get3A_545 : i32 to index
        %get3A_547 = arith.index_cast %scan3A_507 : i32 to index
        %get3A_548 = arith.constant 16 : index
        %get3A_549 = tpu.vector_load %arg9[%get3A_546, %get3A_547, %get3A_548] {strides = array<i32>} : memref<4x80x128xf32, #tpu.memory_space<vmem>>, vector<1x1x16xf32>,
        %get3A_550 = vector.shape_cast %get3A_549 : vector<1x1x16xf32> to vector<16xf32>
        %get3A_551 = arith.constant 2 : i32
        %get3A_552 = arith.index_cast %get3A_551 : i32 to index
        %get3A_553 = arith.index_cast %scan3A_507 : i32 to index
        %get3A_554 = arith.constant 16 : index
        %get3A_555 = tpu.vector_load %arg10[%get3A_552, %get3A_553, %get3A_554] {strides = array<i32>} : memref<4x80x128xf32, #tpu.memory_space<vmem>>, vector<1x1x16xf32>,
        %get3A_556 = vector.shape_cast %get3A_555 : vector<1x1x16xf32> to vector<16xf32>
        %sub3A_557 = arith.subf %get3A_550, %get3A_556 : vector<16xf32>
        %swap3A_558 = arith.constant 2 : i32
        %swap3A_559 = arith.index_cast %swap3A_558 : i32 to index
        %swap3A_560 = arith.index_cast %scan3A_507 : i32 to index
        %swap3A_561 = arith.constant 16 : index
        %swap3A_562 = tpu.vector_load %arg9[%swap3A_559, %swap3A_560, %swap3A_561] {strides = array<i32>} : memref<4x80x128xf32, #tpu.memory_space<vmem>>, vector<1x1x16xf32>,
        %swap3A_563 = vector.shape_cast %swap3A_562 : vector<1x1x16xf32> to vector<16xf32>
        %swap3A_564 = vector.shape_cast %sub3A_557 : vector<16xf32> to vector<1x1x16xf32>
        tpu.vector_store %arg9[%swap3A_559, %swap3A_560, %swap3A_561], %swap3A_564 {strides = array<i32>} : memref<4x80x128xf32, #tpu.memory_space<vmem>>, vector<1x1x16xf32>,
        %add3A_565 = arith.addf %scan3A_509, %sub3A_557 : vector<16xf32>
        %mul3A_566 = arith.mulf %sub3A_557, %sub3A_557 : vector<16xf32>
        %add3A_567 = arith.addf %scan3A_517, %mul3A_566 : vector<16xf32>
        %get3A_568 = arith.constant 2 : i32
        %get3A_569 = arith.index_cast %get3A_568 : i32 to index
        %get3A_570 = arith.index_cast %scan3A_507 : i32 to index
        %get3A_571 = arith.constant 32 : index
        %get3A_572 = tpu.vector_load %arg9[%get3A_569, %get3A_570, %get3A_571] {strides = array<i32>} : memref<4x80x128xf32, #tpu.memory_space<vmem>>, vector<1x1x16xf32>,
        %get3A_573 = vector.shape_cast %get3A_572 : vector<1x1x16xf32> to vector<16xf32>
        %get3A_574 = arith.constant 2 : i32
        %get3A_575 = arith.index_cast %get3A_574 : i32 to index
        %get3A_576 = arith.index_cast %scan3A_507 : i32 to index
        %get3A_577 = arith.constant 32 : index
        %get3A_578 = tpu.vector_load %arg10[%get3A_575, %get3A_576, %get3A_577] {strides = array<i32>} : memref<4x80x128xf32, #tpu.memory_space<vmem>>, vector<1x1x16xf32>,
        %get3A_579 = vector.shape_cast %get3A_578 : vector<1x1x16xf32> to vector<16xf32>
        %sub3A_580 = arith.subf %get3A_573, %get3A_579 : vector<16xf32>
        %swap3A_581 = arith.constant 2 : i32
        %swap3A_582 = arith.index_cast %swap3A_581 : i32 to index
        %swap3A_583 = arith.index_cast %scan3A_507 : i32 to index
        %swap3A_584 = arith.constant 32 : index
        %swap3A_585 = tpu.vector_load %arg9[%swap3A_582, %swap3A_583, %swap3A_584] {strides = array<i32>} : memref<4x80x128xf32, #tpu.memory_space<vmem>>, vector<1x1x16xf32>,
        %swap3A_586 = vector.shape_cast %swap3A_585 : vector<1x1x16xf32> to vector<16xf32>
        %swap3A_587 = vector.shape_cast %sub3A_580 : vector<16xf32> to vector<1x1x16xf32>
        tpu.vector_store %arg9[%swap3A_582, %swap3A_583, %swap3A_584], %swap3A_587 {strides = array<i32>} : memref<4x80x128xf32, #tpu.memory_space<vmem>>, vector<1x1x16xf32>,
        %add3A_588 = arith.addf %scan3A_510, %sub3A_580 : vector<16xf32>
        %mul3A_589 = arith.mulf %sub3A_580, %sub3A_580 : vector<16xf32>
        %add3A_590 = arith.addf %scan3A_518, %mul3A_589 : vector<16xf32>
        %get3A_591 = arith.constant 2 : i32
        %get3A_592 = arith.index_cast %get3A_591 : i32 to index
        %get3A_593 = arith.index_cast %scan3A_507 : i32 to index
        %get3A_594 = arith.constant 48 : index
        %get3A_595 = tpu.vector_load %arg9[%get3A_592, %get3A_593, %get3A_594] {strides = array<i32>} : memref<4x80x128xf32, #tpu.memory_space<vmem>>, vector<1x1x16xf32>,
        %get3A_596 = vector.shape_cast %get3A_595 : vector<1x1x16xf32> to vector<16xf32>
        %get3A_597 = arith.constant 2 : i32
        %get3A_598 = arith.index_cast %get3A_597 : i32 to index
        %get3A_599 = arith.index_cast %scan3A_507 : i32 to index
        %get3A_600 = arith.constant 48 : index
        %get3A_601 = tpu.vector_load %arg10[%get3A_598, %get3A_599, %get3A_600] {strides = array<i32>} : memref<4x80x128xf32, #tpu.memory_space<vmem>>, vector<1x1x16xf32>,
        %get3A_602 = vector.shape_cast %get3A_601 : vector<1x1x16xf32> to vector<16xf32>
        %sub3A_603 = arith.subf %get3A_596, %get3A_602 : vector<16xf32>
        %swap3A_604 = arith.constant 2 : i32
        %swap3A_605 = arith.index_cast %swap3A_604 : i32 to index
        %swap3A_606 = arith.index_cast %scan3A_507 : i32 to index
        %swap3A_607 = arith.constant 48 : index
        %swap3A_608 = tpu.vector_load %arg9[%swap3A_605, %swap3A_606, %swap3A_607] {strides = array<i32>} : memref<4x80x128xf32, #tpu.memory_space<vmem>>, vector<1x1x16xf32>,
        %swap3A_609 = vector.shape_cast %swap3A_608 : vector<1x1x16xf32> to vector<16xf32>
        %swap3A_610 = vector.shape_cast %sub3A_603 : vector<16xf32> to vector<1x1x16xf32>
        tpu.vector_store %arg9[%swap3A_605, %swap3A_606, %swap3A_607], %swap3A_610 {strides = array<i32>} : memref<4x80x128xf32, #tpu.memory_space<vmem>>, vector<1x1x16xf32>,
        %add3A_611 = arith.addf %scan3A_511, %sub3A_603 : vector<16xf32>
        %mul3A_612 = arith.mulf %sub3A_603, %sub3A_603 : vector<16xf32>
        %add3A_613 = arith.addf %scan3A_519, %mul3A_612 : vector<16xf32>
        %get3A_614 = arith.constant 2 : i32
        %get3A_615 = arith.index_cast %get3A_614 : i32 to index
        %get3A_616 = arith.index_cast %scan3A_507 : i32 to index
        %get3A_617 = arith.constant 64 : index
        %get3A_618 = tpu.vector_load %arg9[%get3A_615, %get3A_616, %get3A_617] {strides = array<i32>} : memref<4x80x128xf32, #tpu.memory_space<vmem>>, vector<1x1x16xf32>,
        %get3A_619 = vector.shape_cast %get3A_618 : vector<1x1x16xf32> to vector<16xf32>
        %get3A_620 = arith.constant 2 : i32
        %get3A_621 = arith.index_cast %get3A_620 : i32 to index
        %get3A_622 = arith.index_cast %scan3A_507 : i32 to index
        %get3A_623 = arith.constant 64 : index
        %get3A_624 = tpu.vector_load %arg10[%get3A_621, %get3A_622, %get3A_623] {strides = array<i32>} : memref<4x80x128xf32, #tpu.memory_space<vmem>>, vector<1x1x16xf32>,
        %get3A_625 = vector.shape_cast %get3A_624 : vector<1x1x16xf32> to vector<16xf32>
        %sub3A_626 = arith.subf %get3A_619, %get3A_625 : vector<16xf32>
        %swap3A_627 = arith.constant 2 : i32
        %swap3A_628 = arith.index_cast %swap3A_627 : i32 to index
        %swap3A_629 = arith.index_cast %scan3A_507 : i32 to index
        %swap3A_630 = arith.constant 64 : index
        %swap3A_631 = tpu.vector_load %arg9[%swap3A_628, %swap3A_629, %swap3A_630] {strides = array<i32>} : memref<4x80x128xf32, #tpu.memory_space<vmem>>, vector<1x1x16xf32>,
        %swap3A_632 = vector.shape_cast %swap3A_631 : vector<1x1x16xf32> to vector<16xf32>
        %swap3A_633 = vector.shape_cast %sub3A_626 : vector<16xf32> to vector<1x1x16xf32>
        tpu.vector_store %arg9[%swap3A_628, %swap3A_629, %swap3A_630], %swap3A_633 {strides = array<i32>} : memref<4x80x128xf32, #tpu.memory_space<vmem>>, vector<1x1x16xf32>,
        %add3A_634 = arith.addf %scan3A_512, %sub3A_626 : vector<16xf32>
        %mul3A_635 = arith.mulf %sub3A_626, %sub3A_626 : vector<16xf32>
        %add3A_636 = arith.addf %scan3A_520, %mul3A_635 : vector<16xf32>
        %get3A_637 = arith.constant 2 : i32
        %get3A_638 = arith.index_cast %get3A_637 : i32 to index
        %get3A_639 = arith.index_cast %scan3A_507 : i32 to index
        %get3A_640 = arith.constant 80 : index
        %get3A_641 = tpu.vector_load %arg9[%get3A_638, %get3A_639, %get3A_640] {strides = array<i32>} : memref<4x80x128xf32, #tpu.memory_space<vmem>>, vector<1x1x16xf32>,
        %get3A_642 = vector.shape_cast %get3A_641 : vector<1x1x16xf32> to vector<16xf32>
        %get3A_643 = arith.constant 2 : i32
        %get3A_644 = arith.index_cast %get3A_643 : i32 to index
        %get3A_645 = arith.index_cast %scan3A_507 : i32 to index
        %get3A_646 = arith.constant 80 : index
        %get3A_647 = tpu.vector_load %arg10[%get3A_644, %get3A_645, %get3A_646] {strides = array<i32>} : memref<4x80x128xf32, #tpu.memory_space<vmem>>, vector<1x1x16xf32>,
        %get3A_648 = vector.shape_cast %get3A_647 : vector<1x1x16xf32> to vector<16xf32>
        %sub3A_649 = arith.subf %get3A_642, %get3A_648 : vector<16xf32>
        %swap3A_650 = arith.constant 2 : i32
        %swap3A_651 = arith.index_cast %swap3A_650 : i32 to index
        %swap3A_652 = arith.index_cast %scan3A_507 : i32 to index
        %swap3A_653 = arith.constant 80 : index
        %swap3A_654 = tpu.vector_load %arg9[%swap3A_651, %swap3A_652, %swap3A_653] {strides = array<i32>} : memref<4x80x128xf32, #tpu.memory_space<vmem>>, vector<1x1x16xf32>,
        %swap3A_655 = vector.shape_cast %swap3A_654 : vector<1x1x16xf32> to vector<16xf32>
        %swap3A_656 = vector.shape_cast %sub3A_649 : vector<16xf32> to vector<1x1x16xf32>
        tpu.vector_store %arg9[%swap3A_651, %swap3A_652, %swap3A_653], %swap3A_656 {strides = array<i32>} : memref<4x80x128xf32, #tpu.memory_space<vmem>>, vector<1x1x16xf32>,
        %add3A_657 = arith.addf %scan3A_513, %sub3A_649 : vector<16xf32>
        %mul3A_658 = arith.mulf %sub3A_649, %sub3A_649 : vector<16xf32>
        %add3A_659 = arith.addf %scan3A_521, %mul3A_658 : vector<16xf32>
        %get3A_660 = arith.constant 2 : i32
        %get3A_661 = arith.index_cast %get3A_660 : i32 to index
        %get3A_662 = arith.index_cast %scan3A_507 : i32 to index
        %get3A_663 = arith.constant 96 : index
        %get3A_664 = tpu.vector_load %arg9[%get3A_661, %get3A_662, %get3A_663] {strides = array<i32>} : memref<4x80x128xf32, #tpu.memory_space<vmem>>, vector<1x1x16xf32>,
        %get3A_665 = vector.shape_cast %get3A_664 : vector<1x1x16xf32> to vector<16xf32>
        %get3A_666 = arith.constant 2 : i32
        %get3A_667 = arith.index_cast %get3A_666 : i32 to index
        %get3A_668 = arith.index_cast %scan3A_507 : i32 to index
        %get3A_669 = arith.constant 96 : index
        %get3A_670 = tpu.vector_load %arg10[%get3A_667, %get3A_668, %get3A_669] {strides = array<i32>} : memref<4x80x128xf32, #tpu.memory_space<vmem>>, vector<1x1x16xf32>,
        %get3A_671 = vector.shape_cast %get3A_670 : vector<1x1x16xf32> to vector<16xf32>
        %sub3A_672 = arith.subf %get3A_665, %get3A_671 : vector<16xf32>
        %swap3A_673 = arith.constant 2 : i32
        %swap3A_674 = arith.index_cast %swap3A_673 : i32 to index
        %swap3A_675 = arith.index_cast %scan3A_507 : i32 to index
        %swap3A_676 = arith.constant 96 : index
        %swap3A_677 = tpu.vector_load %arg9[%swap3A_674, %swap3A_675, %swap3A_676] {strides = array<i32>} : memref<4x80x128xf32, #tpu.memory_space<vmem>>, vector<1x1x16xf32>,
        %swap3A_678 = vector.shape_cast %swap3A_677 : vector<1x1x16xf32> to vector<16xf32>
        %swap3A_679 = vector.shape_cast %sub3A_672 : vector<16xf32> to vector<1x1x16xf32>
        tpu.vector_store %arg9[%swap3A_674, %swap3A_675, %swap3A_676], %swap3A_679 {strides = array<i32>} : memref<4x80x128xf32, #tpu.memory_space<vmem>>, vector<1x1x16xf32>,
        %add3A_680 = arith.addf %scan3A_514, %sub3A_672 : vector<16xf32>
        %mul3A_681 = arith.mulf %sub3A_672, %sub3A_672 : vector<16xf32>
        %add3A_682 = arith.addf %scan3A_522, %mul3A_681 : vector<16xf32>
        %get3A_683 = arith.constant 2 : i32
        %get3A_684 = arith.index_cast %get3A_683 : i32 to index
        %get3A_685 = arith.index_cast %scan3A_507 : i32 to index
        %get3A_686 = arith.constant 112 : index
        %get3A_687 = tpu.vector_load %arg9[%get3A_684, %get3A_685, %get3A_686] {strides = array<i32>} : memref<4x80x128xf32, #tpu.memory_space<vmem>>, vector<1x1x16xf32>,
        %get3A_688 = vector.shape_cast %get3A_687 : vector<1x1x16xf32> to vector<16xf32>
        %get3A_689 = arith.constant 2 : i32
        %get3A_690 = arith.index_cast %get3A_689 : i32 to index
        %get3A_691 = arith.index_cast %scan3A_507 : i32 to index
        %get3A_692 = arith.constant 112 : index
        %get3A_693 = tpu.vector_load %arg10[%get3A_690, %get3A_691, %get3A_692] {strides = array<i32>} : memref<4x80x128xf32, #tpu.memory_space<vmem>>, vector<1x1x16xf32>,
        %get3A_694 = vector.shape_cast %get3A_693 : vector<1x1x16xf32> to vector<16xf32>
        %sub3A_695 = arith.subf %get3A_688, %get3A_694 : vector<16xf32>
        %swap3A_696 = arith.constant 2 : i32
        %swap3A_697 = arith.index_cast %swap3A_696 : i32 to index
        %swap3A_698 = arith.index_cast %scan3A_507 : i32 to index
        %swap3A_699 = arith.constant 112 : index
        %swap3A_700 = tpu.vector_load %arg9[%swap3A_697, %swap3A_698, %swap3A_699] {strides = array<i32>} : memref<4x80x128xf32, #tpu.memory_space<vmem>>, vector<1x1x16xf32>,
        %swap3A_701 = vector.shape_cast %swap3A_700 : vector<1x1x16xf32> to vector<16xf32>
        %swap3A_702 = vector.shape_cast %sub3A_695 : vector<16xf32> to vector<1x1x16xf32>
        tpu.vector_store %arg9[%swap3A_697, %swap3A_698, %swap3A_699], %swap3A_702 {strides = array<i32>} : memref<4x80x128xf32, #tpu.memory_space<vmem>>, vector<1x1x16xf32>,
        %add3A_703 = arith.addf %scan3A_515, %sub3A_695 : vector<16xf32>
        %mul3A_704 = arith.mulf %sub3A_695, %sub3A_695 : vector<16xf32>
        %add3A_705 = arith.addf %scan3A_523, %mul3A_704 : vector<16xf32>
        scf.yield %add3A_542, %add3A_565, %add3A_588, %add3A_611, %add3A_634, %add3A_657, %add3A_680, %add3A_703, %add3A_544, %add3A_567, %add3A_590, %add3A_613, %add3A_636, %add3A_659, %add3A_682, %add3A_705 : vector<16xf32>, vector<16xf32>, vector<16xf32>, vector<16xf32>, vector<16xf32>, vector<16xf32>, vector<16xf32>, vector<16xf32>, vector<16xf32>, vector<16xf32>, vector<16xf32>, vector<16xf32>, vector<16xf32>, vector<16xf32>, vector<16xf32>, vector<16xf32>
      }
      %scan3A_388 = arith.constant 80 : i32
      %add3A_389 = arith.constant 2 : i32
      %add3A_390 = arith.addi %mul3A_170, %add3A_389 : i32
      %mul3A_391 = arith.constant 80 : i32
      %mul3A_392 = arith.muli %add3A_390, %mul3A_391 : i32
      %add3A_393 = arith.addi %mul3A_2, %mul3A_392 : i32
      %multiple_of3A_394 = tpu.assume_multiple %add3A_393, 8 : i32
      %dma_start3A_395 = arith.constant 2 : i32
      %dma_start3A_396 = arith.constant 0 : i32
      %dma_start3A_397 = arith.constant 0 : i32
      %dma_start3A_398 = tpu.memref_slice %arg9[%dma_start3A_395, %dma_start3A_396, %dma_start3A_397] : memref<4x80x128xf32, #tpu.memory_space<vmem>> -> memref<1x80x128xf32, #tpu.memory_space<vmem>>
      %dma_start3A_399 = tpu.memref_squeeze %dma_start3A_398 : memref<1x80x128xf32, #tpu.memory_space<vmem>> -> memref<80x128xf32, #tpu.memory_space<vmem>>
      %dma_start3A_400 = arith.constant 0 : i32
      %dma_start3A_401 = tpu.memref_slice %arg5[%multiple_of3A_394, %dma_start3A_400] : memref<320000x128xf32, #tpu.memory_space<hbm>> -> memref<80x128xf32, #tpu.memory_space<hbm>>
      %dma_start3A_402 = arith.constant 0 : i32
      %dma_start3A_403 = tpu.memref_slice %arg5[%multiple_of3A_394, %dma_start3A_402] : memref<320000x128xf32, #tpu.memory_space<hbm>> -> memref<80x128xf32, #tpu.memory_space<hbm>>
      %dma_start3A_404 = arith.constant 0 : i32
      %dma_start3A_405 = arith.constant 0 : i32
      %dma_start3A_406 = tpu.memref_slice %arg9[%dma_start3A_395, %dma_start3A_404, %dma_start3A_405] : memref<4x80x128xf32, #tpu.memory_space<vmem>> -> memref<1x80x128xf32, #tpu.memory_space<vmem>>
      %dma_start3A_407 = tpu.memref_squeeze %dma_start3A_406 : memref<1x80x128xf32, #tpu.memory_space<vmem>> -> memref<80x128xf32, #tpu.memory_space<vmem>>
      tpu.enqueue_dma source(%dma_start3A_407 : memref<80x128xf32, #tpu.memory_space<vmem>>) target(%dma_start3A_403 : memref<80x128xf32, #tpu.memory_space<hbm>>) target_semaphore(%arg22 : memref<!tpu.dma_semaphore, #tpu.memory_space<semaphore_mem>>)
      %dma_wait3A_408 = arith.constant 3 : i32
      %dma_wait3A_409 = arith.constant 0 : i32
      %dma_wait3A_410 = arith.constant 0 : i32
      %dma_wait3A_411 = tpu.memref_slice %arg9[%dma_wait3A_408, %dma_wait3A_409, %dma_wait3A_410] : memref<4x80x128xf32, #tpu.memory_space<vmem>> -> memref<1x80x128xf32, #tpu.memory_space<vmem>>
      %dma_wait3A_412 = tpu.memref_squeeze %dma_wait3A_411 : memref<1x80x128xf32, #tpu.memory_space<vmem>> -> memref<80x128xf32, #tpu.memory_space<vmem>>
      %dma_wait3A_413 = arith.constant 0 : i32
      %dma_wait3A_414 = tpu.memref_slice %arg7[%add3A_244, %dma_wait3A_413] : memref<125x80xi32, #tpu.memory_space<vmem>> -> memref<1x80xi32, #tpu.memory_space<vmem>>
      %dma_wait3A_415 = tpu.memref_squeeze %dma_wait3A_414 : memref<1x80xi32, #tpu.memory_space<vmem>> -> memref<80xi32, #tpu.memory_space<vmem>>
      %dma_wait3A_416 = arith.constant 0 : i32
      %dma_wait3A_417 = arith.constant 0 : i32
      %dma_wait3A_418 = tpu.memref_slice %arg2[%dma_wait3A_416, %dma_wait3A_417] : memref<10000x128xf32, #tpu.memory_space<hbm>> -> memref<10000x128xf32, #tpu.memory_space<hbm>>
      tpu.wait_indirect_dma semaphore(%arg18 : memref<!tpu.dma_semaphore, #tpu.memory_space<semaphore_mem>>) src(%dma_wait3A_418 : memref<10000x128xf32, #tpu.memory_space<hbm>>) dst(%dma_wait3A_412 : memref<80x128xf32, #tpu.memory_space<vmem>>)
      %dma_wait3A_419 = arith.constant 3 : i32
      %dma_wait3A_420 = arith.constant 0 : i32
      %dma_wait3A_421 = arith.constant 0 : i32
      %dma_wait3A_422 = tpu.memref_slice %arg10[%dma_wait3A_419, %dma_wait3A_420, %dma_wait3A_421] : memref<4x80x128xf32, #tpu.memory_space<vmem>> -> memref<1x80x128xf32, #tpu.memory_space<vmem>>
      %dma_wait3A_423 = tpu.memref_squeeze %dma_wait3A_422 : memref<1x80x128xf32, #tpu.memory_space<vmem>> -> memref<80x128xf32, #tpu.memory_space<vmem>>
      %dma_wait3A_424 = arith.constant 0 : i32
      %dma_wait3A_425 = tpu.memref_slice %arg8[%add3A_244, %dma_wait3A_424] : memref<125x80xi32, #tpu.memory_space<vmem>> -> memref<1x80xi32, #tpu.memory_space<vmem>>
      %dma_wait3A_426 = tpu.memref_squeeze %dma_wait3A_425 : memref<1x80xi32, #tpu.memory_space<vmem>> -> memref<80xi32, #tpu.memory_space<vmem>>
      %dma_wait3A_427 = arith.constant 0 : i32
      %dma_wait3A_428 = arith.constant 0 : i32
      %dma_wait3A_429 = tpu.memref_slice %arg2[%dma_wait3A_427, %dma_wait3A_428] : memref<10000x128xf32, #tpu.memory_space<hbm>> -> memref<10000x128xf32, #tpu.memory_space<hbm>>
      tpu.wait_indirect_dma semaphore(%arg19 : memref<!tpu.dma_semaphore, #tpu.memory_space<semaphore_mem>>) src(%dma_wait3A_429 : memref<10000x128xf32, #tpu.memory_space<hbm>>) dst(%dma_wait3A_423 : memref<80x128xf32, #tpu.memory_space<vmem>>)
      %scan3A_430 = arith.constant 0 : i32
      %scan3A_431 = arith.constant 80 : i32
      %scan3A_432 = arith.addi %scan3A_430, %scan3A_431 : i32
      %scan3A_433 = arith.constant 1 : i32
      %scan3A_434:16 = scf.for %scan3A_507 = %scan3A_430 to %scan3A_432 step %scan3A_433 iter_args(%scan3A_508 = %scan3A_387#0, %scan3A_509 = %scan3A_387#1, %scan3A_510 = %scan3A_387#2, %scan3A_511 = %scan3A_387#3, %scan3A_512 = %scan3A_387#4, %scan3A_513 = %scan3A_387#5, %scan3A_514 = %scan3A_387#6, %scan3A_515 = %scan3A_387#7, %scan3A_516 = %scan3A_387#8, %scan3A_517 = %scan3A_387#9, %scan3A_518 = %scan3A_387#10, %scan3A_519 = %scan3A_387#11, %scan3A_520 = %scan3A_387#12, %scan3A_521 = %scan3A_387#13, %scan3A_522 = %scan3A_387#14, %scan3A_523 = %scan3A_387#15) -> (vector<16xf32>, vector<16xf32>, vector<16xf32>, vector<16xf32>, vector<16xf32>, vector<16xf32>, vector<16xf32>, vector<16xf32>, vector<16xf32>, vector<16xf32>, vector<16xf32>, vector<16xf32>, vector<16xf32>, vector<16xf32>, vector<16xf32>, vector<16xf32>)  : i32 {
        %get3A = arith.constant 3 : i32
        %get3A_524 = arith.index_cast %get3A : i32 to index
        %get3A_525 = arith.index_cast %scan3A_507 : i32 to index
        %get3A_526 = arith.constant 0 : index
        %get3A_527 = tpu.vector_load %arg9[%get3A_524, %get3A_525, %get3A_526] {strides = array<i32>} : memref<4x80x128xf32, #tpu.memory_space<vmem>>, vector<1x1x16xf32>,
        %get3A_528 = vector.shape_cast %get3A_527 : vector<1x1x16xf32> to vector<16xf32>
        %get3A_529 = arith.constant 3 : i32
        %get3A_530 = arith.index_cast %get3A_529 : i32 to index
        %get3A_531 = arith.index_cast %scan3A_507 : i32 to index
        %get3A_532 = arith.constant 0 : index
        %get3A_533 = tpu.vector_load %arg10[%get3A_530, %get3A_531, %get3A_532] {strides = array<i32>} : memref<4x80x128xf32, #tpu.memory_space<vmem>>, vector<1x1x16xf32>,
        %get3A_534 = vector.shape_cast %get3A_533 : vector<1x1x16xf32> to vector<16xf32>
        %sub3A = arith.subf %get3A_528, %get3A_534 : vector<16xf32>
        %swap3A_535 = arith.constant 3 : i32
        %swap3A_536 = arith.index_cast %swap3A_535 : i32 to index
        %swap3A_537 = arith.index_cast %scan3A_507 : i32 to index
        %swap3A_538 = arith.constant 0 : index
        %swap3A_539 = tpu.vector_load %arg9[%swap3A_536, %swap3A_537, %swap3A_538] {strides = array<i32>} : memref<4x80x128xf32, #tpu.memory_space<vmem>>, vector<1x1x16xf32>,
        %swap3A_540 = vector.shape_cast %swap3A_539 : vector<1x1x16xf32> to vector<16xf32>
        %swap3A_541 = vector.shape_cast %sub3A : vector<16xf32> to vector<1x1x16xf32>
        tpu.vector_store %arg9[%swap3A_536, %swap3A_537, %swap3A_538], %swap3A_541 {strides = array<i32>} : memref<4x80x128xf32, #tpu.memory_space<vmem>>, vector<1x1x16xf32>,
        %add3A_542 = arith.addf %scan3A_508, %sub3A : vector<16xf32>
        %mul3A_543 = arith.mulf %sub3A, %sub3A : vector<16xf32>
        %add3A_544 = arith.addf %scan3A_516, %mul3A_543 : vector<16xf32>
        %get3A_545 = arith.constant 3 : i32
        %get3A_546 = arith.index_cast %get3A_545 : i32 to index
        %get3A_547 = arith.index_cast %scan3A_507 : i32 to index
        %get3A_548 = arith.constant 16 : index
        %get3A_549 = tpu.vector_load %arg9[%get3A_546, %get3A_547, %get3A_548] {strides = array<i32>} : memref<4x80x128xf32, #tpu.memory_space<vmem>>, vector<1x1x16xf32>,
        %get3A_550 = vector.shape_cast %get3A_549 : vector<1x1x16xf32> to vector<16xf32>
        %get3A_551 = arith.constant 3 : i32
        %get3A_552 = arith.index_cast %get3A_551 : i32 to index
        %get3A_553 = arith.index_cast %scan3A_507 : i32 to index
        %get3A_554 = arith.constant 16 : index
        %get3A_555 = tpu.vector_load %arg10[%get3A_552, %get3A_553, %get3A_554] {strides = array<i32>} : memref<4x80x128xf32, #tpu.memory_space<vmem>>, vector<1x1x16xf32>,
        %get3A_556 = vector.shape_cast %get3A_555 : vector<1x1x16xf32> to vector<16xf32>
        %sub3A_557 = arith.subf %get3A_550, %get3A_556 : vector<16xf32>
        %swap3A_558 = arith.constant 3 : i32
        %swap3A_559 = arith.index_cast %swap3A_558 : i32 to index
        %swap3A_560 = arith.index_cast %scan3A_507 : i32 to index
        %swap3A_561 = arith.constant 16 : index
        %swap3A_562 = tpu.vector_load %arg9[%swap3A_559, %swap3A_560, %swap3A_561] {strides = array<i32>} : memref<4x80x128xf32, #tpu.memory_space<vmem>>, vector<1x1x16xf32>,
        %swap3A_563 = vector.shape_cast %swap3A_562 : vector<1x1x16xf32> to vector<16xf32>
        %swap3A_564 = vector.shape_cast %sub3A_557 : vector<16xf32> to vector<1x1x16xf32>
        tpu.vector_store %arg9[%swap3A_559, %swap3A_560, %swap3A_561], %swap3A_564 {strides = array<i32>} : memref<4x80x128xf32, #tpu.memory_space<vmem>>, vector<1x1x16xf32>,
        %add3A_565 = arith.addf %scan3A_509, %sub3A_557 : vector<16xf32>
        %mul3A_566 = arith.mulf %sub3A_557, %sub3A_557 : vector<16xf32>
        %add3A_567 = arith.addf %scan3A_517, %mul3A_566 : vector<16xf32>
        %get3A_568 = arith.constant 3 : i32
        %get3A_569 = arith.index_cast %get3A_568 : i32 to index
        %get3A_570 = arith.index_cast %scan3A_507 : i32 to index
        %get3A_571 = arith.constant 32 : index
        %get3A_572 = tpu.vector_load %arg9[%get3A_569, %get3A_570, %get3A_571] {strides = array<i32>} : memref<4x80x128xf32, #tpu.memory_space<vmem>>, vector<1x1x16xf32>,
        %get3A_573 = vector.shape_cast %get3A_572 : vector<1x1x16xf32> to vector<16xf32>
        %get3A_574 = arith.constant 3 : i32
        %get3A_575 = arith.index_cast %get3A_574 : i32 to index
        %get3A_576 = arith.index_cast %scan3A_507 : i32 to index
        %get3A_577 = arith.constant 32 : index
        %get3A_578 = tpu.vector_load %arg10[%get3A_575, %get3A_576, %get3A_577] {strides = array<i32>} : memref<4x80x128xf32, #tpu.memory_space<vmem>>, vector<1x1x16xf32>,
        %get3A_579 = vector.shape_cast %get3A_578 : vector<1x1x16xf32> to vector<16xf32>
        %sub3A_580 = arith.subf %get3A_573, %get3A_579 : vector<16xf32>
        %swap3A_581 = arith.constant 3 : i32
        %swap3A_582 = arith.index_cast %swap3A_581 : i32 to index
        %swap3A_583 = arith.index_cast %scan3A_507 : i32 to index
        %swap3A_584 = arith.constant 32 : index
        %swap3A_585 = tpu.vector_load %arg9[%swap3A_582, %swap3A_583, %swap3A_584] {strides = array<i32>} : memref<4x80x128xf32, #tpu.memory_space<vmem>>, vector<1x1x16xf32>,
        %swap3A_586 = vector.shape_cast %swap3A_585 : vector<1x1x16xf32> to vector<16xf32>
        %swap3A_587 = vector.shape_cast %sub3A_580 : vector<16xf32> to vector<1x1x16xf32>
        tpu.vector_store %arg9[%swap3A_582, %swap3A_583, %swap3A_584], %swap3A_587 {strides = array<i32>} : memref<4x80x128xf32, #tpu.memory_space<vmem>>, vector<1x1x16xf32>,
        %add3A_588 = arith.addf %scan3A_510, %sub3A_580 : vector<16xf32>
        %mul3A_589 = arith.mulf %sub3A_580, %sub3A_580 : vector<16xf32>
        %add3A_590 = arith.addf %scan3A_518, %mul3A_589 : vector<16xf32>
        %get3A_591 = arith.constant 3 : i32
        %get3A_592 = arith.index_cast %get3A_591 : i32 to index
        %get3A_593 = arith.index_cast %scan3A_507 : i32 to index
        %get3A_594 = arith.constant 48 : index
        %get3A_595 = tpu.vector_load %arg9[%get3A_592, %get3A_593, %get3A_594] {strides = array<i32>} : memref<4x80x128xf32, #tpu.memory_space<vmem>>, vector<1x1x16xf32>,
        %get3A_596 = vector.shape_cast %get3A_595 : vector<1x1x16xf32> to vector<16xf32>
        %get3A_597 = arith.constant 3 : i32
        %get3A_598 = arith.index_cast %get3A_597 : i32 to index
        %get3A_599 = arith.index_cast %scan3A_507 : i32 to index
        %get3A_600 = arith.constant 48 : index
        %get3A_601 = tpu.vector_load %arg10[%get3A_598, %get3A_599, %get3A_600] {strides = array<i32>} : memref<4x80x128xf32, #tpu.memory_space<vmem>>, vector<1x1x16xf32>,
        %get3A_602 = vector.shape_cast %get3A_601 : vector<1x1x16xf32> to vector<16xf32>
        %sub3A_603 = arith.subf %get3A_596, %get3A_602 : vector<16xf32>
        %swap3A_604 = arith.constant 3 : i32
        %swap3A_605 = arith.index_cast %swap3A_604 : i32 to index
        %swap3A_606 = arith.index_cast %scan3A_507 : i32 to index
        %swap3A_607 = arith.constant 48 : index
        %swap3A_608 = tpu.vector_load %arg9[%swap3A_605, %swap3A_606, %swap3A_607] {strides = array<i32>} : memref<4x80x128xf32, #tpu.memory_space<vmem>>, vector<1x1x16xf32>,
        %swap3A_609 = vector.shape_cast %swap3A_608 : vector<1x1x16xf32> to vector<16xf32>
        %swap3A_610 = vector.shape_cast %sub3A_603 : vector<16xf32> to vector<1x1x16xf32>
        tpu.vector_store %arg9[%swap3A_605, %swap3A_606, %swap3A_607], %swap3A_610 {strides = array<i32>} : memref<4x80x128xf32, #tpu.memory_space<vmem>>, vector<1x1x16xf32>,
        %add3A_611 = arith.addf %scan3A_511, %sub3A_603 : vector<16xf32>
        %mul3A_612 = arith.mulf %sub3A_603, %sub3A_603 : vector<16xf32>
        %add3A_613 = arith.addf %scan3A_519, %mul3A_612 : vector<16xf32>
        %get3A_614 = arith.constant 3 : i32
        %get3A_615 = arith.index_cast %get3A_614 : i32 to index
        %get3A_616 = arith.index_cast %scan3A_507 : i32 to index
        %get3A_617 = arith.constant 64 : index
        %get3A_618 = tpu.vector_load %arg9[%get3A_615, %get3A_616, %get3A_617] {strides = array<i32>} : memref<4x80x128xf32, #tpu.memory_space<vmem>>, vector<1x1x16xf32>,
        %get3A_619 = vector.shape_cast %get3A_618 : vector<1x1x16xf32> to vector<16xf32>
        %get3A_620 = arith.constant 3 : i32
        %get3A_621 = arith.index_cast %get3A_620 : i32 to index
        %get3A_622 = arith.index_cast %scan3A_507 : i32 to index
        %get3A_623 = arith.constant 64 : index
        %get3A_624 = tpu.vector_load %arg10[%get3A_621, %get3A_622, %get3A_623] {strides = array<i32>} : memref<4x80x128xf32, #tpu.memory_space<vmem>>, vector<1x1x16xf32>,
        %get3A_625 = vector.shape_cast %get3A_624 : vector<1x1x16xf32> to vector<16xf32>
        %sub3A_626 = arith.subf %get3A_619, %get3A_625 : vector<16xf32>
        %swap3A_627 = arith.constant 3 : i32
        %swap3A_628 = arith.index_cast %swap3A_627 : i32 to index
        %swap3A_629 = arith.index_cast %scan3A_507 : i32 to index
        %swap3A_630 = arith.constant 64 : index
        %swap3A_631 = tpu.vector_load %arg9[%swap3A_628, %swap3A_629, %swap3A_630] {strides = array<i32>} : memref<4x80x128xf32, #tpu.memory_space<vmem>>, vector<1x1x16xf32>,
        %swap3A_632 = vector.shape_cast %swap3A_631 : vector<1x1x16xf32> to vector<16xf32>
        %swap3A_633 = vector.shape_cast %sub3A_626 : vector<16xf32> to vector<1x1x16xf32>
        tpu.vector_store %arg9[%swap3A_628, %swap3A_629, %swap3A_630], %swap3A_633 {strides = array<i32>} : memref<4x80x128xf32, #tpu.memory_space<vmem>>, vector<1x1x16xf32>,
        %add3A_634 = arith.addf %scan3A_512, %sub3A_626 : vector<16xf32>
        %mul3A_635 = arith.mulf %sub3A_626, %sub3A_626 : vector<16xf32>
        %add3A_636 = arith.addf %scan3A_520, %mul3A_635 : vector<16xf32>
        %get3A_637 = arith.constant 3 : i32
        %get3A_638 = arith.index_cast %get3A_637 : i32 to index
        %get3A_639 = arith.index_cast %scan3A_507 : i32 to index
        %get3A_640 = arith.constant 80 : index
        %get3A_641 = tpu.vector_load %arg9[%get3A_638, %get3A_639, %get3A_640] {strides = array<i32>} : memref<4x80x128xf32, #tpu.memory_space<vmem>>, vector<1x1x16xf32>,
        %get3A_642 = vector.shape_cast %get3A_641 : vector<1x1x16xf32> to vector<16xf32>
        %get3A_643 = arith.constant 3 : i32
        %get3A_644 = arith.index_cast %get3A_643 : i32 to index
        %get3A_645 = arith.index_cast %scan3A_507 : i32 to index
        %get3A_646 = arith.constant 80 : index
        %get3A_647 = tpu.vector_load %arg10[%get3A_644, %get3A_645, %get3A_646] {strides = array<i32>} : memref<4x80x128xf32, #tpu.memory_space<vmem>>, vector<1x1x16xf32>,
        %get3A_648 = vector.shape_cast %get3A_647 : vector<1x1x16xf32> to vector<16xf32>
        %sub3A_649 = arith.subf %get3A_642, %get3A_648 : vector<16xf32>
        %swap3A_650 = arith.constant 3 : i32
        %swap3A_651 = arith.index_cast %swap3A_650 : i32 to index
        %swap3A_652 = arith.index_cast %scan3A_507 : i32 to index
        %swap3A_653 = arith.constant 80 : index
        %swap3A_654 = tpu.vector_load %arg9[%swap3A_651, %swap3A_652, %swap3A_653] {strides = array<i32>} : memref<4x80x128xf32, #tpu.memory_space<vmem>>, vector<1x1x16xf32>,
        %swap3A_655 = vector.shape_cast %swap3A_654 : vector<1x1x16xf32> to vector<16xf32>
        %swap3A_656 = vector.shape_cast %sub3A_649 : vector<16xf32> to vector<1x1x16xf32>
        tpu.vector_store %arg9[%swap3A_651, %swap3A_652, %swap3A_653], %swap3A_656 {strides = array<i32>} : memref<4x80x128xf32, #tpu.memory_space<vmem>>, vector<1x1x16xf32>,
        %add3A_657 = arith.addf %scan3A_513, %sub3A_649 : vector<16xf32>
        %mul3A_658 = arith.mulf %sub3A_649, %sub3A_649 : vector<16xf32>
        %add3A_659 = arith.addf %scan3A_521, %mul3A_658 : vector<16xf32>
        %get3A_660 = arith.constant 3 : i32
        %get3A_661 = arith.index_cast %get3A_660 : i32 to index
        %get3A_662 = arith.index_cast %scan3A_507 : i32 to index
        %get3A_663 = arith.constant 96 : index
        %get3A_664 = tpu.vector_load %arg9[%get3A_661, %get3A_662, %get3A_663] {strides = array<i32>} : memref<4x80x128xf32, #tpu.memory_space<vmem>>, vector<1x1x16xf32>,
        %get3A_665 = vector.shape_cast %get3A_664 : vector<1x1x16xf32> to vector<16xf32>
        %get3A_666 = arith.constant 3 : i32
        %get3A_667 = arith.index_cast %get3A_666 : i32 to index
        %get3A_668 = arith.index_cast %scan3A_507 : i32 to index
        %get3A_669 = arith.constant 96 : index
        %get3A_670 = tpu.vector_load %arg10[%get3A_667, %get3A_668, %get3A_669] {strides = array<i32>} : memref<4x80x128xf32, #tpu.memory_space<vmem>>, vector<1x1x16xf32>,
        %get3A_671 = vector.shape_cast %get3A_670 : vector<1x1x16xf32> to vector<16xf32>
        %sub3A_672 = arith.subf %get3A_665, %get3A_671 : vector<16xf32>
        %swap3A_673 = arith.constant 3 : i32
        %swap3A_674 = arith.index_cast %swap3A_673 : i32 to index
        %swap3A_675 = arith.index_cast %scan3A_507 : i32 to index
        %swap3A_676 = arith.constant 96 : index
        %swap3A_677 = tpu.vector_load %arg9[%swap3A_674, %swap3A_675, %swap3A_676] {strides = array<i32>} : memref<4x80x128xf32, #tpu.memory_space<vmem>>, vector<1x1x16xf32>,
        %swap3A_678 = vector.shape_cast %swap3A_677 : vector<1x1x16xf32> to vector<16xf32>
        %swap3A_679 = vector.shape_cast %sub3A_672 : vector<16xf32> to vector<1x1x16xf32>
        tpu.vector_store %arg9[%swap3A_674, %swap3A_675, %swap3A_676], %swap3A_679 {strides = array<i32>} : memref<4x80x128xf32, #tpu.memory_space<vmem>>, vector<1x1x16xf32>,
        %add3A_680 = arith.addf %scan3A_514, %sub3A_672 : vector<16xf32>
        %mul3A_681 = arith.mulf %sub3A_672, %sub3A_672 : vector<16xf32>
        %add3A_682 = arith.addf %scan3A_522, %mul3A_681 : vector<16xf32>
        %get3A_683 = arith.constant 3 : i32
        %get3A_684 = arith.index_cast %get3A_683 : i32 to index
        %get3A_685 = arith.index_cast %scan3A_507 : i32 to index
        %get3A_686 = arith.constant 112 : index
        %get3A_687 = tpu.vector_load %arg9[%get3A_684, %get3A_685, %get3A_686] {strides = array<i32>} : memref<4x80x128xf32, #tpu.memory_space<vmem>>, vector<1x1x16xf32>,
        %get3A_688 = vector.shape_cast %get3A_687 : vector<1x1x16xf32> to vector<16xf32>
        %get3A_689 = arith.constant 3 : i32
        %get3A_690 = arith.index_cast %get3A_689 : i32 to index
        %get3A_691 = arith.index_cast %scan3A_507 : i32 to index
        %get3A_692 = arith.constant 112 : index
        %get3A_693 = tpu.vector_load %arg10[%get3A_690, %get3A_691, %get3A_692] {strides = array<i32>} : memref<4x80x128xf32, #tpu.memory_space<vmem>>, vector<1x1x16xf32>,
        %get3A_694 = vector.shape_cast %get3A_693 : vector<1x1x16xf32> to vector<16xf32>
        %sub3A_695 = arith.subf %get3A_688, %get3A_694 : vector<16xf32>
        %swap3A_696 = arith.constant 3 : i32
        %swap3A_697 = arith.index_cast %swap3A_696 : i32 to index
        %swap3A_698 = arith.index_cast %scan3A_507 : i32 to index
        %swap3A_699 = arith.constant 112 : index
        %swap3A_700 = tpu.vector_load %arg9[%swap3A_697, %swap3A_698, %swap3A_699] {strides = array<i32>} : memref<4x80x128xf32, #tpu.memory_space<vmem>>, vector<1x1x16xf32>,
        %swap3A_701 = vector.shape_cast %swap3A_700 : vector<1x1x16xf32> to vector<16xf32>
        %swap3A_702 = vector.shape_cast %sub3A_695 : vector<16xf32> to vector<1x1x16xf32>
        tpu.vector_store %arg9[%swap3A_697, %swap3A_698, %swap3A_699], %swap3A_702 {strides = array<i32>} : memref<4x80x128xf32, #tpu.memory_space<vmem>>, vector<1x1x16xf32>,
        %add3A_703 = arith.addf %scan3A_515, %sub3A_695 : vector<16xf32>
        %mul3A_704 = arith.mulf %sub3A_695, %sub3A_695 : vector<16xf32>
        %add3A_705 = arith.addf %scan3A_523, %mul3A_704 : vector<16xf32>
        scf.yield %add3A_542, %add3A_565, %add3A_588, %add3A_611, %add3A_634, %add3A_657, %add3A_680, %add3A_703, %add3A_544, %add3A_567, %add3A_590, %add3A_613, %add3A_636, %add3A_659, %add3A_682, %add3A_705 : vector<16xf32>, vector<16xf32>, vector<16xf32>, vector<16xf32>, vector<16xf32>, vector<16xf32>, vector<16xf32>, vector<16xf32>, vector<16xf32>, vector<16xf32>, vector<16xf32>, vector<16xf32>, vector<16xf32>, vector<16xf32>, vector<16xf32>, vector<16xf32>
      }
      %scan3A_435 = arith.constant 80 : i32
      %add3A_436 = arith.constant 3 : i32
      %add3A_437 = arith.addi %mul3A_170, %add3A_436 : i32
      %mul3A_438 = arith.constant 80 : i32
      %mul3A_439 = arith.muli %add3A_437, %mul3A_438 : i32
      %add3A_440 = arith.addi %mul3A_2, %mul3A_439 : i32
      %multiple_of3A_441 = tpu.assume_multiple %add3A_440, 8 : i32
      %dma_start3A_442 = arith.constant 3 : i32
      %dma_start3A_443 = arith.constant 0 : i32
      %dma_start3A_444 = arith.constant 0 : i32
      %dma_start3A_445 = tpu.memref_slice %arg9[%dma_start3A_442, %dma_start3A_443, %dma_start3A_444] : memref<4x80x128xf32, #tpu.memory_space<vmem>> -> memref<1x80x128xf32, #tpu.memory_space<vmem>>
      %dma_start3A_446 = tpu.memref_squeeze %dma_start3A_445 : memref<1x80x128xf32, #tpu.memory_space<vmem>> -> memref<80x128xf32, #tpu.memory_space<vmem>>
      %dma_start3A_447 = arith.constant 0 : i32
      %dma_start3A_448 = tpu.memref_slice %arg5[%multiple_of3A_441, %dma_start3A_447] : memref<320000x128xf32, #tpu.memory_space<hbm>> -> memref<80x128xf32, #tpu.memory_space<hbm>>
      %dma_start3A_449 = arith.constant 0 : i32
      %dma_start3A_450 = tpu.memref_slice %arg5[%multiple_of3A_441, %dma_start3A_449] : memref<320000x128xf32, #tpu.memory_space<hbm>> -> memref<80x128xf32, #tpu.memory_space<hbm>>
      %dma_start3A_451 = arith.constant 0 : i32
      %dma_start3A_452 = arith.constant 0 : i32
      %dma_start3A_453 = tpu.memref_slice %arg9[%dma_start3A_442, %dma_start3A_451, %dma_start3A_452] : memref<4x80x128xf32, #tpu.memory_space<vmem>> -> memref<1x80x128xf32, #tpu.memory_space<vmem>>
      %dma_start3A_454 = tpu.memref_squeeze %dma_start3A_453 : memref<1x80x128xf32, #tpu.memory_space<vmem>> -> memref<80x128xf32, #tpu.memory_space<vmem>>
      tpu.enqueue_dma source(%dma_start3A_454 : memref<80x128xf32, #tpu.memory_space<vmem>>) target(%dma_start3A_450 : memref<80x128xf32, #tpu.memory_space<hbm>>) target_semaphore(%arg23 : memref<!tpu.dma_semaphore, #tpu.memory_space<semaphore_mem>>)
      %dma_wait3A_455 = arith.constant 0 : i32
      %dma_wait3A_456 = arith.constant 0 : i32
      %dma_wait3A_457 = arith.constant 0 : i32
      %dma_wait3A_458 = tpu.memref_slice %arg9[%dma_wait3A_455, %dma_wait3A_456, %dma_wait3A_457] : memref<4x80x128xf32, #tpu.memory_space<vmem>> -> memref<1x80x128xf32, #tpu.memory_space<vmem>>
      %dma_wait3A_459 = tpu.memref_squeeze %dma_wait3A_458 : memref<1x80x128xf32, #tpu.memory_space<vmem>> -> memref<80x128xf32, #tpu.memory_space<vmem>>
      %dma_wait3A_460 = arith.constant 0 : i32
      %dma_wait3A_461 = tpu.memref_slice %arg5[%multiple_of3A_300, %dma_wait3A_460] : memref<320000x128xf32, #tpu.memory_space<hbm>> -> memref<80x128xf32, #tpu.memory_space<hbm>>
      %dma_wait3A_462 = arith.constant 0 : i32
      %dma_wait3A_463 = tpu.memref_slice %arg5[%multiple_of3A_300, %dma_wait3A_462] : memref<320000x128xf32, #tpu.memory_space<hbm>> -> memref<80x128xf32, #tpu.memory_space<hbm>>
      %dma_wait3A_464 = arith.constant 0 : i32
      %dma_wait3A_465 = arith.constant 0 : i32
      %dma_wait3A_466 = tpu.memref_slice %arg9[%dma_wait3A_455, %dma_wait3A_464, %dma_wait3A_465] : memref<4x80x128xf32, #tpu.memory_space<vmem>> -> memref<1x80x128xf32, #tpu.memory_space<vmem>>
      %dma_wait3A_467 = tpu.memref_squeeze %dma_wait3A_466 : memref<1x80x128xf32, #tpu.memory_space<vmem>> -> memref<80x128xf32, #tpu.memory_space<vmem>>
      tpu.wait_dma2 semaphore(%arg20 : memref<!tpu.dma_semaphore, #tpu.memory_space<semaphore_mem>>) src(%dma_wait3A_467 : memref<80x128xf32, #tpu.memory_space<vmem>>) dst(%dma_wait3A_463 : memref<80x128xf32, #tpu.memory_space<hbm>>)
      %dma_wait3A_468 = arith.constant 1 : i32
      %dma_wait3A_469 = arith.constant 0 : i32
      %dma_wait3A_470 = arith.constant 0 : i32
      %dma_wait3A_471 = tpu.memref_slice %arg9[%dma_wait3A_468, %dma_wait3A_469, %dma_wait3A_470] : memref<4x80x128xf32, #tpu.memory_space<vmem>> -> memref<1x80x128xf32, #tpu.memory_space<vmem>>
      %dma_wait3A_472 = tpu.memref_squeeze %dma_wait3A_471 : memref<1x80x128xf32, #tpu.memory_space<vmem>> -> memref<80x128xf32, #tpu.memory_space<vmem>>
      %dma_wait3A_473 = arith.constant 0 : i32
      %dma_wait3A_474 = tpu.memref_slice %arg5[%multiple_of3A_347, %dma_wait3A_473] : memref<320000x128xf32, #tpu.memory_space<hbm>> -> memref<80x128xf32, #tpu.memory_space<hbm>>
      %dma_wait3A_475 = arith.constant 0 : i32
      %dma_wait3A_476 = tpu.memref_slice %arg5[%multiple_of3A_347, %dma_wait3A_475] : memref<320000x128xf32, #tpu.memory_space<hbm>> -> memref<80x128xf32, #tpu.memory_space<hbm>>
      %dma_wait3A_477 = arith.constant 0 : i32
      %dma_wait3A_478 = arith.constant 0 : i32
      %dma_wait3A_479 = tpu.memref_slice %arg9[%dma_wait3A_468, %dma_wait3A_477, %dma_wait3A_478] : memref<4x80x128xf32, #tpu.memory_space<vmem>> -> memref<1x80x128xf32, #tpu.memory_space<vmem>>
      %dma_wait3A_480 = tpu.memref_squeeze %dma_wait3A_479 : memref<1x80x128xf32, #tpu.memory_space<vmem>> -> memref<80x128xf32, #tpu.memory_space<vmem>>
      tpu.wait_dma2 semaphore(%arg21 : memref<!tpu.dma_semaphore, #tpu.memory_space<semaphore_mem>>) src(%dma_wait3A_480 : memref<80x128xf32, #tpu.memory_space<vmem>>) dst(%dma_wait3A_476 : memref<80x128xf32, #tpu.memory_space<hbm>>)
      %dma_wait3A_481 = arith.constant 2 : i32
      %dma_wait3A_482 = arith.constant 0 : i32
      %dma_wait3A_483 = arith.constant 0 : i32
      %dma_wait3A_484 = tpu.memref_slice %arg9[%dma_wait3A_481, %dma_wait3A_482, %dma_wait3A_483] : memref<4x80x128xf32, #tpu.memory_space<vmem>> -> memref<1x80x128xf32, #tpu.memory_space<vmem>>
      %dma_wait3A_485 = tpu.memref_squeeze %dma_wait3A_484 : memref<1x80x128xf32, #tpu.memory_space<vmem>> -> memref<80x128xf32, #tpu.memory_space<vmem>>
      %dma_wait3A_486 = arith.constant 0 : i32
      %dma_wait3A_487 = tpu.memref_slice %arg5[%multiple_of3A_394, %dma_wait3A_486] : memref<320000x128xf32, #tpu.memory_space<hbm>> -> memref<80x128xf32, #tpu.memory_space<hbm>>
      %dma_wait3A_488 = arith.constant 0 : i32
      %dma_wait3A_489 = tpu.memref_slice %arg5[%multiple_of3A_394, %dma_wait3A_488] : memref<320000x128xf32, #tpu.memory_space<hbm>> -> memref<80x128xf32, #tpu.memory_space<hbm>>
      %dma_wait3A_490 = arith.constant 0 : i32
      %dma_wait3A_491 = arith.constant 0 : i32
      %dma_wait3A_492 = tpu.memref_slice %arg9[%dma_wait3A_481, %dma_wait3A_490, %dma_wait3A_491] : memref<4x80x128xf32, #tpu.memory_space<vmem>> -> memref<1x80x128xf32, #tpu.memory_space<vmem>>
      %dma_wait3A_493 = tpu.memref_squeeze %dma_wait3A_492 : memref<1x80x128xf32, #tpu.memory_space<vmem>> -> memref<80x128xf32, #tpu.memory_space<vmem>>
      tpu.wait_dma2 semaphore(%arg22 : memref<!tpu.dma_semaphore, #tpu.memory_space<semaphore_mem>>) src(%dma_wait3A_493 : memref<80x128xf32, #tpu.memory_space<vmem>>) dst(%dma_wait3A_489 : memref<80x128xf32, #tpu.memory_space<hbm>>)
      %dma_wait3A_494 = arith.constant 3 : i32
      %dma_wait3A_495 = arith.constant 0 : i32
      %dma_wait3A_496 = arith.constant 0 : i32
      %dma_wait3A_497 = tpu.memref_slice %arg9[%dma_wait3A_494, %dma_wait3A_495, %dma_wait3A_496] : memref<4x80x128xf32, #tpu.memory_space<vmem>> -> memref<1x80x128xf32, #tpu.memory_space<vmem>>
      %dma_wait3A_498 = tpu.memref_squeeze %dma_wait3A_497 : memref<1x80x128xf32, #tpu.memory_space<vmem>> -> memref<80x128xf32, #tpu.memory_space<vmem>>
      %dma_wait3A_499 = arith.constant 0 : i32
      %dma_wait3A_500 = tpu.memref_slice %arg5[%multiple_of3A_441, %dma_wait3A_499] : memref<320000x128xf32, #tpu.memory_space<hbm>> -> memref<80x128xf32, #tpu.memory_space<hbm>>
      %dma_wait3A_501 = arith.constant 0 : i32
      %dma_wait3A_502 = tpu.memref_slice %arg5[%multiple_of3A_441, %dma_wait3A_501] : memref<320000x128xf32, #tpu.memory_space<hbm>> -> memref<80x128xf32, #tpu.memory_space<hbm>>
      %dma_wait3A_503 = arith.constant 0 : i32
      %dma_wait3A_504 = arith.constant 0 : i32
      %dma_wait3A_505 = tpu.memref_slice %arg9[%dma_wait3A_494, %dma_wait3A_503, %dma_wait3A_504] : memref<4x80x128xf32, #tpu.memory_space<vmem>> -> memref<1x80x128xf32, #tpu.memory_space<vmem>>
      %dma_wait3A_506 = tpu.memref_squeeze %dma_wait3A_505 : memref<1x80x128xf32, #tpu.memory_space<vmem>> -> memref<80x128xf32, #tpu.memory_space<vmem>>
      tpu.wait_dma2 semaphore(%arg23 : memref<!tpu.dma_semaphore, #tpu.memory_space<semaphore_mem>>) src(%dma_wait3A_506 : memref<80x128xf32, #tpu.memory_space<vmem>>) dst(%dma_wait3A_502 : memref<80x128xf32, #tpu.memory_space<hbm>>)
      scf.yield %scan3A_434#0, %scan3A_434#1, %scan3A_434#2, %scan3A_434#3, %scan3A_434#4, %scan3A_434#5, %scan3A_434#6, %scan3A_434#7, %scan3A_434#8, %scan3A_434#9, %scan3A_434#10, %scan3A_434#11, %scan3A_434#12, %scan3A_434#13, %scan3A_434#14, %scan3A_434#15 : vector<16xf32>, vector<16xf32>, vector<16xf32>, vector<16xf32>, vector<16xf32>, vector<16xf32>, vector<16xf32>, vector<16xf32>, vector<16xf32>, vector<16xf32>, vector<16xf32>, vector<16xf32>, vector<16xf32>, vector<16xf32>, vector<16xf32>, vector<16xf32>
    }
    %scan3A_8 = arith.constant 31 : i32
    %dma_start3A = arith.constant 124 : i32
    %dma_start3A_9 = arith.constant 0 : i32
    %dma_start3A_10 = arith.constant 0 : i32
    %dma_start3A_11 = arith.constant 0 : i32
    %dma_start3A_12 = tpu.memref_slice %arg9[%dma_start3A_9, %dma_start3A_10, %dma_start3A_11] : memref<4x80x128xf32, #tpu.memory_space<vmem>> -> memref<1x80x128xf32, #tpu.memory_space<vmem>>
    %dma_start3A_13 = tpu.memref_squeeze %dma_start3A_12 : memref<1x80x128xf32, #tpu.memory_space<vmem>> -> memref<80x128xf32, #tpu.memory_space<vmem>>
    %dma_start3A_14 = arith.constant 0 : i32
    %dma_start3A_15 = tpu.memref_slice %arg7[%dma_start3A, %dma_start3A_14] : memref<125x80xi32, #tpu.memory_space<vmem>> -> memref<1x80xi32, #tpu.memory_space<vmem>>
    %dma_start3A_16 = tpu.memref_squeeze %dma_start3A_15 : memref<1x80xi32, #tpu.memory_space<vmem>> -> memref<80xi32, #tpu.memory_space<vmem>>
    %dma_start3A_17 = arith.constant 0 : i32
    %dma_start3A_18 = arith.constant 0 : i32
    %dma_start3A_19 = tpu.memref_slice %arg2[%dma_start3A_17, %dma_start3A_18] : memref<10000x128xf32, #tpu.memory_space<hbm>> -> memref<10000x128xf32, #tpu.memory_space<hbm>>
    tpu.enqueue_indirect_dma source(%dma_start3A_19 : memref<10000x128xf32, #tpu.memory_space<hbm>>) target(%dma_start3A_13 : memref<80x128xf32, #tpu.memory_space<vmem>>) offsets(%dma_start3A_16 : memref<80xi32, #tpu.memory_space<vmem>>) semaphore(%arg12 : memref<!tpu.dma_semaphore, #tpu.memory_space<semaphore_mem>>)
    %dma_start3A_20 = arith.constant 124 : i32
    %dma_start3A_21 = arith.constant 0 : i32
    %dma_start3A_22 = arith.constant 0 : i32
    %dma_start3A_23 = arith.constant 0 : i32
    %dma_start3A_24 = tpu.memref_slice %arg10[%dma_start3A_21, %dma_start3A_22, %dma_start3A_23] : memref<4x80x128xf32, #tpu.memory_space<vmem>> -> memref<1x80x128xf32, #tpu.memory_space<vmem>>
    %dma_start3A_25 = tpu.memref_squeeze %dma_start3A_24 : memref<1x80x128xf32, #tpu.memory_space<vmem>> -> memref<80x128xf32, #tpu.memory_space<vmem>>
    %dma_start3A_26 = arith.constant 0 : i32
    %dma_start3A_27 = tpu.memref_slice %arg8[%dma_start3A_20, %dma_start3A_26] : memref<125x80xi32, #tpu.memory_space<vmem>> -> memref<1x80xi32, #tpu.memory_space<vmem>>
    %dma_start3A_28 = tpu.memref_squeeze %dma_start3A_27 : memref<1x80xi32, #tpu.memory_space<vmem>> -> memref<80xi32, #tpu.memory_space<vmem>>
    %dma_start3A_29 = arith.constant 0 : i32
    %dma_start3A_30 = arith.constant 0 : i32
    %dma_start3A_31 = tpu.memref_slice %arg2[%dma_start3A_29, %dma_start3A_30] : memref<10000x128xf32, #tpu.memory_space<hbm>> -> memref<10000x128xf32, #tpu.memory_space<hbm>>
    tpu.enqueue_indirect_dma source(%dma_start3A_31 : memref<10000x128xf32, #tpu.memory_space<hbm>>) target(%dma_start3A_25 : memref<80x128xf32, #tpu.memory_space<vmem>>) offsets(%dma_start3A_28 : memref<80xi32, #tpu.memory_space<vmem>>) semaphore(%arg13 : memref<!tpu.dma_semaphore, #tpu.memory_space<semaphore_mem>>)
    %dma_wait3A = arith.constant 124 : i32
    %dma_wait3A_32 = arith.constant 0 : i32
    %dma_wait3A_33 = arith.constant 0 : i32
    %dma_wait3A_34 = arith.constant 0 : i32
    %dma_wait3A_35 = tpu.memref_slice %arg9[%dma_wait3A_32, %dma_wait3A_33, %dma_wait3A_34] : memref<4x80x128xf32, #tpu.memory_space<vmem>> -> memref<1x80x128xf32, #tpu.memory_space<vmem>>
    %dma_wait3A_36 = tpu.memref_squeeze %dma_wait3A_35 : memref<1x80x128xf32, #tpu.memory_space<vmem>> -> memref<80x128xf32, #tpu.memory_space<vmem>>
    %dma_wait3A_37 = arith.constant 0 : i32
    %dma_wait3A_38 = tpu.memref_slice %arg7[%dma_wait3A, %dma_wait3A_37] : memref<125x80xi32, #tpu.memory_space<vmem>> -> memref<1x80xi32, #tpu.memory_space<vmem>>
    %dma_wait3A_39 = tpu.memref_squeeze %dma_wait3A_38 : memref<1x80xi32, #tpu.memory_space<vmem>> -> memref<80xi32, #tpu.memory_space<vmem>>
    %dma_wait3A_40 = arith.constant 0 : i32
    %dma_wait3A_41 = arith.constant 0 : i32
    %dma_wait3A_42 = tpu.memref_slice %arg2[%dma_wait3A_40, %dma_wait3A_41] : memref<10000x128xf32, #tpu.memory_space<hbm>> -> memref<10000x128xf32, #tpu.memory_space<hbm>>
    tpu.wait_indirect_dma semaphore(%arg12 : memref<!tpu.dma_semaphore, #tpu.memory_space<semaphore_mem>>) src(%dma_wait3A_42 : memref<10000x128xf32, #tpu.memory_space<hbm>>) dst(%dma_wait3A_36 : memref<80x128xf32, #tpu.memory_space<vmem>>)
    %dma_wait3A_43 = arith.constant 124 : i32
    %dma_wait3A_44 = arith.constant 0 : i32
    %dma_wait3A_45 = arith.constant 0 : i32
    %dma_wait3A_46 = arith.constant 0 : i32
    %dma_wait3A_47 = tpu.memref_slice %arg10[%dma_wait3A_44, %dma_wait3A_45, %dma_wait3A_46] : memref<4x80x128xf32, #tpu.memory_space<vmem>> -> memref<1x80x128xf32, #tpu.memory_space<vmem>>
    %dma_wait3A_48 = tpu.memref_squeeze %dma_wait3A_47 : memref<1x80x128xf32, #tpu.memory_space<vmem>> -> memref<80x128xf32, #tpu.memory_space<vmem>>
    %dma_wait3A_49 = arith.constant 0 : i32
    %dma_wait3A_50 = tpu.memref_slice %arg8[%dma_wait3A_43, %dma_wait3A_49] : memref<125x80xi32, #tpu.memory_space<vmem>> -> memref<1x80xi32, #tpu.memory_space<vmem>>
    %dma_wait3A_51 = tpu.memref_squeeze %dma_wait3A_50 : memref<1x80xi32, #tpu.memory_space<vmem>> -> memref<80xi32, #tpu.memory_space<vmem>>
    %dma_wait3A_52 = arith.constant 0 : i32
    %dma_wait3A_53 = arith.constant 0 : i32
    %dma_wait3A_54 = tpu.memref_slice %arg2[%dma_wait3A_52, %dma_wait3A_53] : memref<10000x128xf32, #tpu.memory_space<hbm>> -> memref<10000x128xf32, #tpu.memory_space<hbm>>
    tpu.wait_indirect_dma semaphore(%arg13 : memref<!tpu.dma_semaphore, #tpu.memory_space<semaphore_mem>>) src(%dma_wait3A_54 : memref<10000x128xf32, #tpu.memory_space<hbm>>) dst(%dma_wait3A_48 : memref<80x128xf32, #tpu.memory_space<vmem>>)
    %scan3A_55 = arith.constant 0 : i32
    %scan3A_56 = arith.constant 80 : i32
    %scan3A_57 = arith.addi %scan3A_55, %scan3A_56 : i32
    %scan3A_58 = arith.constant 1 : i32
    %scan3A_59:16 = scf.for %scan3A_152 = %scan3A_55 to %scan3A_57 step %scan3A_58 iter_args(%scan3A_153 = %scan3A_7#0, %scan3A_154 = %scan3A_7#1, %scan3A_155 = %scan3A_7#2, %scan3A_156 = %scan3A_7#3, %scan3A_157 = %scan3A_7#4, %scan3A_158 = %scan3A_7#5, %scan3A_159 = %scan3A_7#6, %scan3A_160 = %scan3A_7#7, %scan3A_161 = %scan3A_7#8, %scan3A_162 = %scan3A_7#9, %scan3A_163 = %scan3A_7#10, %scan3A_164 = %scan3A_7#11, %scan3A_165 = %scan3A_7#12, %scan3A_166 = %scan3A_7#13, %scan3A_167 = %scan3A_7#14, %scan3A_168 = %scan3A_7#15) -> (vector<16xf32>, vector<16xf32>, vector<16xf32>, vector<16xf32>, vector<16xf32>, vector<16xf32>, vector<16xf32>, vector<16xf32>, vector<16xf32>, vector<16xf32>, vector<16xf32>, vector<16xf32>, vector<16xf32>, vector<16xf32>, vector<16xf32>, vector<16xf32>)  : i32 {
      %get3A = arith.constant 0 : i32
      %get3A_169 = arith.index_cast %get3A : i32 to index
      %get3A_170 = arith.index_cast %scan3A_152 : i32 to index
      %get3A_171 = arith.constant 0 : index
      %get3A_172 = tpu.vector_load %arg9[%get3A_169, %get3A_170, %get3A_171] {strides = array<i32>} : memref<4x80x128xf32, #tpu.memory_space<vmem>>, vector<1x1x16xf32>,
      %get3A_173 = vector.shape_cast %get3A_172 : vector<1x1x16xf32> to vector<16xf32>
      %get3A_174 = arith.constant 0 : i32
      %get3A_175 = arith.index_cast %get3A_174 : i32 to index
      %get3A_176 = arith.index_cast %scan3A_152 : i32 to index
      %get3A_177 = arith.constant 0 : index
      %get3A_178 = tpu.vector_load %arg10[%get3A_175, %get3A_176, %get3A_177] {strides = array<i32>} : memref<4x80x128xf32, #tpu.memory_space<vmem>>, vector<1x1x16xf32>,
      %get3A_179 = vector.shape_cast %get3A_178 : vector<1x1x16xf32> to vector<16xf32>
      %sub3A = arith.subf %get3A_173, %get3A_179 : vector<16xf32>
      %swap3A_180 = arith.constant 0 : i32
      %swap3A_181 = arith.index_cast %swap3A_180 : i32 to index
      %swap3A_182 = arith.index_cast %scan3A_152 : i32 to index
      %swap3A_183 = arith.constant 0 : index
      %swap3A_184 = tpu.vector_load %arg9[%swap3A_181, %swap3A_182, %swap3A_183] {strides = array<i32>} : memref<4x80x128xf32, #tpu.memory_space<vmem>>, vector<1x1x16xf32>,
      %swap3A_185 = vector.shape_cast %swap3A_184 : vector<1x1x16xf32> to vector<16xf32>
      %swap3A_186 = vector.shape_cast %sub3A : vector<16xf32> to vector<1x1x16xf32>
      tpu.vector_store %arg9[%swap3A_181, %swap3A_182, %swap3A_183], %swap3A_186 {strides = array<i32>} : memref<4x80x128xf32, #tpu.memory_space<vmem>>, vector<1x1x16xf32>,
      %add3A_187 = arith.addf %scan3A_153, %sub3A : vector<16xf32>
      %mul3A_188 = arith.mulf %sub3A, %sub3A : vector<16xf32>
      %add3A_189 = arith.addf %scan3A_161, %mul3A_188 : vector<16xf32>
      %get3A_190 = arith.constant 0 : i32
      %get3A_191 = arith.index_cast %get3A_190 : i32 to index
      %get3A_192 = arith.index_cast %scan3A_152 : i32 to index
      %get3A_193 = arith.constant 16 : index
      %get3A_194 = tpu.vector_load %arg9[%get3A_191, %get3A_192, %get3A_193] {strides = array<i32>} : memref<4x80x128xf32, #tpu.memory_space<vmem>>, vector<1x1x16xf32>,
      %get3A_195 = vector.shape_cast %get3A_194 : vector<1x1x16xf32> to vector<16xf32>
      %get3A_196 = arith.constant 0 : i32
      %get3A_197 = arith.index_cast %get3A_196 : i32 to index
      %get3A_198 = arith.index_cast %scan3A_152 : i32 to index
      %get3A_199 = arith.constant 16 : index
      %get3A_200 = tpu.vector_load %arg10[%get3A_197, %get3A_198, %get3A_199] {strides = array<i32>} : memref<4x80x128xf32, #tpu.memory_space<vmem>>, vector<1x1x16xf32>,
      %get3A_201 = vector.shape_cast %get3A_200 : vector<1x1x16xf32> to vector<16xf32>
      %sub3A_202 = arith.subf %get3A_195, %get3A_201 : vector<16xf32>
      %swap3A_203 = arith.constant 0 : i32
      %swap3A_204 = arith.index_cast %swap3A_203 : i32 to index
      %swap3A_205 = arith.index_cast %scan3A_152 : i32 to index
      %swap3A_206 = arith.constant 16 : index
      %swap3A_207 = tpu.vector_load %arg9[%swap3A_204, %swap3A_205, %swap3A_206] {strides = array<i32>} : memref<4x80x128xf32, #tpu.memory_space<vmem>>, vector<1x1x16xf32>,
      %swap3A_208 = vector.shape_cast %swap3A_207 : vector<1x1x16xf32> to vector<16xf32>
      %swap3A_209 = vector.shape_cast %sub3A_202 : vector<16xf32> to vector<1x1x16xf32>
      tpu.vector_store %arg9[%swap3A_204, %swap3A_205, %swap3A_206], %swap3A_209 {strides = array<i32>} : memref<4x80x128xf32, #tpu.memory_space<vmem>>, vector<1x1x16xf32>,
      %add3A_210 = arith.addf %scan3A_154, %sub3A_202 : vector<16xf32>
      %mul3A_211 = arith.mulf %sub3A_202, %sub3A_202 : vector<16xf32>
      %add3A_212 = arith.addf %scan3A_162, %mul3A_211 : vector<16xf32>
      %get3A_213 = arith.constant 0 : i32
      %get3A_214 = arith.index_cast %get3A_213 : i32 to index
      %get3A_215 = arith.index_cast %scan3A_152 : i32 to index
      %get3A_216 = arith.constant 32 : index
      %get3A_217 = tpu.vector_load %arg9[%get3A_214, %get3A_215, %get3A_216] {strides = array<i32>} : memref<4x80x128xf32, #tpu.memory_space<vmem>>, vector<1x1x16xf32>,
      %get3A_218 = vector.shape_cast %get3A_217 : vector<1x1x16xf32> to vector<16xf32>
      %get3A_219 = arith.constant 0 : i32
      %get3A_220 = arith.index_cast %get3A_219 : i32 to index
      %get3A_221 = arith.index_cast %scan3A_152 : i32 to index
      %get3A_222 = arith.constant 32 : index
      %get3A_223 = tpu.vector_load %arg10[%get3A_220, %get3A_221, %get3A_222] {strides = array<i32>} : memref<4x80x128xf32, #tpu.memory_space<vmem>>, vector<1x1x16xf32>,
      %get3A_224 = vector.shape_cast %get3A_223 : vector<1x1x16xf32> to vector<16xf32>
      %sub3A_225 = arith.subf %get3A_218, %get3A_224 : vector<16xf32>
      %swap3A_226 = arith.constant 0 : i32
      %swap3A_227 = arith.index_cast %swap3A_226 : i32 to index
      %swap3A_228 = arith.index_cast %scan3A_152 : i32 to index
      %swap3A_229 = arith.constant 32 : index
      %swap3A_230 = tpu.vector_load %arg9[%swap3A_227, %swap3A_228, %swap3A_229] {strides = array<i32>} : memref<4x80x128xf32, #tpu.memory_space<vmem>>, vector<1x1x16xf32>,
      %swap3A_231 = vector.shape_cast %swap3A_230 : vector<1x1x16xf32> to vector<16xf32>
      %swap3A_232 = vector.shape_cast %sub3A_225 : vector<16xf32> to vector<1x1x16xf32>
      tpu.vector_store %arg9[%swap3A_227, %swap3A_228, %swap3A_229], %swap3A_232 {strides = array<i32>} : memref<4x80x128xf32, #tpu.memory_space<vmem>>, vector<1x1x16xf32>,
      %add3A_233 = arith.addf %scan3A_155, %sub3A_225 : vector<16xf32>
      %mul3A_234 = arith.mulf %sub3A_225, %sub3A_225 : vector<16xf32>
      %add3A_235 = arith.addf %scan3A_163, %mul3A_234 : vector<16xf32>
      %get3A_236 = arith.constant 0 : i32
      %get3A_237 = arith.index_cast %get3A_236 : i32 to index
      %get3A_238 = arith.index_cast %scan3A_152 : i32 to index
      %get3A_239 = arith.constant 48 : index
      %get3A_240 = tpu.vector_load %arg9[%get3A_237, %get3A_238, %get3A_239] {strides = array<i32>} : memref<4x80x128xf32, #tpu.memory_space<vmem>>, vector<1x1x16xf32>,
      %get3A_241 = vector.shape_cast %get3A_240 : vector<1x1x16xf32> to vector<16xf32>
      %get3A_242 = arith.constant 0 : i32
      %get3A_243 = arith.index_cast %get3A_242 : i32 to index
      %get3A_244 = arith.index_cast %scan3A_152 : i32 to index
      %get3A_245 = arith.constant 48 : index
      %get3A_246 = tpu.vector_load %arg10[%get3A_243, %get3A_244, %get3A_245] {strides = array<i32>} : memref<4x80x128xf32, #tpu.memory_space<vmem>>, vector<1x1x16xf32>,
      %get3A_247 = vector.shape_cast %get3A_246 : vector<1x1x16xf32> to vector<16xf32>
      %sub3A_248 = arith.subf %get3A_241, %get3A_247 : vector<16xf32>
      %swap3A_249 = arith.constant 0 : i32
      %swap3A_250 = arith.index_cast %swap3A_249 : i32 to index
      %swap3A_251 = arith.index_cast %scan3A_152 : i32 to index
      %swap3A_252 = arith.constant 48 : index
      %swap3A_253 = tpu.vector_load %arg9[%swap3A_250, %swap3A_251, %swap3A_252] {strides = array<i32>} : memref<4x80x128xf32, #tpu.memory_space<vmem>>, vector<1x1x16xf32>,
      %swap3A_254 = vector.shape_cast %swap3A_253 : vector<1x1x16xf32> to vector<16xf32>
      %swap3A_255 = vector.shape_cast %sub3A_248 : vector<16xf32> to vector<1x1x16xf32>
      tpu.vector_store %arg9[%swap3A_250, %swap3A_251, %swap3A_252], %swap3A_255 {strides = array<i32>} : memref<4x80x128xf32, #tpu.memory_space<vmem>>, vector<1x1x16xf32>,
      %add3A_256 = arith.addf %scan3A_156, %sub3A_248 : vector<16xf32>
      %mul3A_257 = arith.mulf %sub3A_248, %sub3A_248 : vector<16xf32>
      %add3A_258 = arith.addf %scan3A_164, %mul3A_257 : vector<16xf32>
      %get3A_259 = arith.constant 0 : i32
      %get3A_260 = arith.index_cast %get3A_259 : i32 to index
      %get3A_261 = arith.index_cast %scan3A_152 : i32 to index
      %get3A_262 = arith.constant 64 : index
      %get3A_263 = tpu.vector_load %arg9[%get3A_260, %get3A_261, %get3A_262] {strides = array<i32>} : memref<4x80x128xf32, #tpu.memory_space<vmem>>, vector<1x1x16xf32>,
      %get3A_264 = vector.shape_cast %get3A_263 : vector<1x1x16xf32> to vector<16xf32>
      %get3A_265 = arith.constant 0 : i32
      %get3A_266 = arith.index_cast %get3A_265 : i32 to index
      %get3A_267 = arith.index_cast %scan3A_152 : i32 to index
      %get3A_268 = arith.constant 64 : index
      %get3A_269 = tpu.vector_load %arg10[%get3A_266, %get3A_267, %get3A_268] {strides = array<i32>} : memref<4x80x128xf32, #tpu.memory_space<vmem>>, vector<1x1x16xf32>,
      %get3A_270 = vector.shape_cast %get3A_269 : vector<1x1x16xf32> to vector<16xf32>
      %sub3A_271 = arith.subf %get3A_264, %get3A_270 : vector<16xf32>
      %swap3A_272 = arith.constant 0 : i32
      %swap3A_273 = arith.index_cast %swap3A_272 : i32 to index
      %swap3A_274 = arith.index_cast %scan3A_152 : i32 to index
      %swap3A_275 = arith.constant 64 : index
      %swap3A_276 = tpu.vector_load %arg9[%swap3A_273, %swap3A_274, %swap3A_275] {strides = array<i32>} : memref<4x80x128xf32, #tpu.memory_space<vmem>>, vector<1x1x16xf32>,
      %swap3A_277 = vector.shape_cast %swap3A_276 : vector<1x1x16xf32> to vector<16xf32>
      %swap3A_278 = vector.shape_cast %sub3A_271 : vector<16xf32> to vector<1x1x16xf32>
      tpu.vector_store %arg9[%swap3A_273, %swap3A_274, %swap3A_275], %swap3A_278 {strides = array<i32>} : memref<4x80x128xf32, #tpu.memory_space<vmem>>, vector<1x1x16xf32>,
      %add3A_279 = arith.addf %scan3A_157, %sub3A_271 : vector<16xf32>
      %mul3A_280 = arith.mulf %sub3A_271, %sub3A_271 : vector<16xf32>
      %add3A_281 = arith.addf %scan3A_165, %mul3A_280 : vector<16xf32>
      %get3A_282 = arith.constant 0 : i32
      %get3A_283 = arith.index_cast %get3A_282 : i32 to index
      %get3A_284 = arith.index_cast %scan3A_152 : i32 to index
      %get3A_285 = arith.constant 80 : index
      %get3A_286 = tpu.vector_load %arg9[%get3A_283, %get3A_284, %get3A_285] {strides = array<i32>} : memref<4x80x128xf32, #tpu.memory_space<vmem>>, vector<1x1x16xf32>,
      %get3A_287 = vector.shape_cast %get3A_286 : vector<1x1x16xf32> to vector<16xf32>
      %get3A_288 = arith.constant 0 : i32
      %get3A_289 = arith.index_cast %get3A_288 : i32 to index
      %get3A_290 = arith.index_cast %scan3A_152 : i32 to index
      %get3A_291 = arith.constant 80 : index
      %get3A_292 = tpu.vector_load %arg10[%get3A_289, %get3A_290, %get3A_291] {strides = array<i32>} : memref<4x80x128xf32, #tpu.memory_space<vmem>>, vector<1x1x16xf32>,
      %get3A_293 = vector.shape_cast %get3A_292 : vector<1x1x16xf32> to vector<16xf32>
      %sub3A_294 = arith.subf %get3A_287, %get3A_293 : vector<16xf32>
      %swap3A_295 = arith.constant 0 : i32
      %swap3A_296 = arith.index_cast %swap3A_295 : i32 to index
      %swap3A_297 = arith.index_cast %scan3A_152 : i32 to index
      %swap3A_298 = arith.constant 80 : index
      %swap3A_299 = tpu.vector_load %arg9[%swap3A_296, %swap3A_297, %swap3A_298] {strides = array<i32>} : memref<4x80x128xf32, #tpu.memory_space<vmem>>, vector<1x1x16xf32>,
      %swap3A_300 = vector.shape_cast %swap3A_299 : vector<1x1x16xf32> to vector<16xf32>
      %swap3A_301 = vector.shape_cast %sub3A_294 : vector<16xf32> to vector<1x1x16xf32>
      tpu.vector_store %arg9[%swap3A_296, %swap3A_297, %swap3A_298], %swap3A_301 {strides = array<i32>} : memref<4x80x128xf32, #tpu.memory_space<vmem>>, vector<1x1x16xf32>,
      %add3A_302 = arith.addf %scan3A_158, %sub3A_294 : vector<16xf32>
      %mul3A_303 = arith.mulf %sub3A_294, %sub3A_294 : vector<16xf32>
      %add3A_304 = arith.addf %scan3A_166, %mul3A_303 : vector<16xf32>
      %get3A_305 = arith.constant 0 : i32
      %get3A_306 = arith.index_cast %get3A_305 : i32 to index
      %get3A_307 = arith.index_cast %scan3A_152 : i32 to index
      %get3A_308 = arith.constant 96 : index
      %get3A_309 = tpu.vector_load %arg9[%get3A_306, %get3A_307, %get3A_308] {strides = array<i32>} : memref<4x80x128xf32, #tpu.memory_space<vmem>>, vector<1x1x16xf32>,
      %get3A_310 = vector.shape_cast %get3A_309 : vector<1x1x16xf32> to vector<16xf32>
      %get3A_311 = arith.constant 0 : i32
      %get3A_312 = arith.index_cast %get3A_311 : i32 to index
      %get3A_313 = arith.index_cast %scan3A_152 : i32 to index
      %get3A_314 = arith.constant 96 : index
      %get3A_315 = tpu.vector_load %arg10[%get3A_312, %get3A_313, %get3A_314] {strides = array<i32>} : memref<4x80x128xf32, #tpu.memory_space<vmem>>, vector<1x1x16xf32>,
      %get3A_316 = vector.shape_cast %get3A_315 : vector<1x1x16xf32> to vector<16xf32>
      %sub3A_317 = arith.subf %get3A_310, %get3A_316 : vector<16xf32>
      %swap3A_318 = arith.constant 0 : i32
      %swap3A_319 = arith.index_cast %swap3A_318 : i32 to index
      %swap3A_320 = arith.index_cast %scan3A_152 : i32 to index
      %swap3A_321 = arith.constant 96 : index
      %swap3A_322 = tpu.vector_load %arg9[%swap3A_319, %swap3A_320, %swap3A_321] {strides = array<i32>} : memref<4x80x128xf32, #tpu.memory_space<vmem>>, vector<1x1x16xf32>,
      %swap3A_323 = vector.shape_cast %swap3A_322 : vector<1x1x16xf32> to vector<16xf32>
      %swap3A_324 = vector.shape_cast %sub3A_317 : vector<16xf32> to vector<1x1x16xf32>
      tpu.vector_store %arg9[%swap3A_319, %swap3A_320, %swap3A_321], %swap3A_324 {strides = array<i32>} : memref<4x80x128xf32, #tpu.memory_space<vmem>>, vector<1x1x16xf32>,
      %add3A_325 = arith.addf %scan3A_159, %sub3A_317 : vector<16xf32>
      %mul3A_326 = arith.mulf %sub3A_317, %sub3A_317 : vector<16xf32>
      %add3A_327 = arith.addf %scan3A_167, %mul3A_326 : vector<16xf32>
      %get3A_328 = arith.constant 0 : i32
      %get3A_329 = arith.index_cast %get3A_328 : i32 to index
      %get3A_330 = arith.index_cast %scan3A_152 : i32 to index
      %get3A_331 = arith.constant 112 : index
      %get3A_332 = tpu.vector_load %arg9[%get3A_329, %get3A_330, %get3A_331] {strides = array<i32>} : memref<4x80x128xf32, #tpu.memory_space<vmem>>, vector<1x1x16xf32>,
      %get3A_333 = vector.shape_cast %get3A_332 : vector<1x1x16xf32> to vector<16xf32>
      %get3A_334 = arith.constant 0 : i32
      %get3A_335 = arith.index_cast %get3A_334 : i32 to index
      %get3A_336 = arith.index_cast %scan3A_152 : i32 to index
      %get3A_337 = arith.constant 112 : index
      %get3A_338 = tpu.vector_load %arg10[%get3A_335, %get3A_336, %get3A_337] {strides = array<i32>} : memref<4x80x128xf32, #tpu.memory_space<vmem>>, vector<1x1x16xf32>,
      %get3A_339 = vector.shape_cast %get3A_338 : vector<1x1x16xf32> to vector<16xf32>
      %sub3A_340 = arith.subf %get3A_333, %get3A_339 : vector<16xf32>
      %swap3A_341 = arith.constant 0 : i32
      %swap3A_342 = arith.index_cast %swap3A_341 : i32 to index
      %swap3A_343 = arith.index_cast %scan3A_152 : i32 to index
      %swap3A_344 = arith.constant 112 : index
      %swap3A_345 = tpu.vector_load %arg9[%swap3A_342, %swap3A_343, %swap3A_344] {strides = array<i32>} : memref<4x80x128xf32, #tpu.memory_space<vmem>>, vector<1x1x16xf32>,
      %swap3A_346 = vector.shape_cast %swap3A_345 : vector<1x1x16xf32> to vector<16xf32>
      %swap3A_347 = vector.shape_cast %sub3A_340 : vector<16xf32> to vector<1x1x16xf32>
      tpu.vector_store %arg9[%swap3A_342, %swap3A_343, %swap3A_344], %swap3A_347 {strides = array<i32>} : memref<4x80x128xf32, #tpu.memory_space<vmem>>, vector<1x1x16xf32>,
      %add3A_348 = arith.addf %scan3A_160, %sub3A_340 : vector<16xf32>
      %mul3A_349 = arith.mulf %sub3A_340, %sub3A_340 : vector<16xf32>
      %add3A_350 = arith.addf %scan3A_168, %mul3A_349 : vector<16xf32>
      scf.yield %add3A_187, %add3A_210, %add3A_233, %add3A_256, %add3A_279, %add3A_302, %add3A_325, %add3A_348, %add3A_189, %add3A_212, %add3A_235, %add3A_258, %add3A_281, %add3A_304, %add3A_327, %add3A_350 : vector<16xf32>, vector<16xf32>, vector<16xf32>, vector<16xf32>, vector<16xf32>, vector<16xf32>, vector<16xf32>, vector<16xf32>, vector<16xf32>, vector<16xf32>, vector<16xf32>, vector<16xf32>, vector<16xf32>, vector<16xf32>, vector<16xf32>, vector<16xf32>
    }
    %scan3A_60 = arith.constant 80 : i32
    %add3A_61 = arith.constant 9920 : i32
    %add3A_62 = arith.addi %mul3A_2, %add3A_61 : i32
    %multiple_of3A = tpu.assume_multiple %add3A_62, 8 : i32
    %dma_start3A_63 = arith.constant 0 : i32
    %dma_start3A_64 = arith.constant 0 : i32
    %dma_start3A_65 = arith.constant 0 : i32
    %dma_start3A_66 = tpu.memref_slice %arg9[%dma_start3A_63, %dma_start3A_64, %dma_start3A_65] : memref<4x80x128xf32, #tpu.memory_space<vmem>> -> memref<1x80x128xf32, #tpu.memory_space<vmem>>
    %dma_start3A_67 = tpu.memref_squeeze %dma_start3A_66 : memref<1x80x128xf32, #tpu.memory_space<vmem>> -> memref<80x128xf32, #tpu.memory_space<vmem>>
    %dma_start3A_68 = arith.constant 0 : i32
    %dma_start3A_69 = tpu.memref_slice %arg5[%multiple_of3A, %dma_start3A_68] : memref<320000x128xf32, #tpu.memory_space<hbm>> -> memref<80x128xf32, #tpu.memory_space<hbm>>
    %dma_start3A_70 = arith.constant 0 : i32
    %dma_start3A_71 = tpu.memref_slice %arg5[%multiple_of3A, %dma_start3A_70] : memref<320000x128xf32, #tpu.memory_space<hbm>> -> memref<80x128xf32, #tpu.memory_space<hbm>>
    %dma_start3A_72 = arith.constant 0 : i32
    %dma_start3A_73 = arith.constant 0 : i32
    %dma_start3A_74 = tpu.memref_slice %arg9[%dma_start3A_63, %dma_start3A_72, %dma_start3A_73] : memref<4x80x128xf32, #tpu.memory_space<vmem>> -> memref<1x80x128xf32, #tpu.memory_space<vmem>>
    %dma_start3A_75 = tpu.memref_squeeze %dma_start3A_74 : memref<1x80x128xf32, #tpu.memory_space<vmem>> -> memref<80x128xf32, #tpu.memory_space<vmem>>
    tpu.enqueue_dma source(%dma_start3A_75 : memref<80x128xf32, #tpu.memory_space<vmem>>) target(%dma_start3A_71 : memref<80x128xf32, #tpu.memory_space<hbm>>) target_semaphore(%arg20 : memref<!tpu.dma_semaphore, #tpu.memory_space<semaphore_mem>>)
    %dma_wait3A_76 = arith.constant 0 : i32
    %dma_wait3A_77 = arith.constant 0 : i32
    %dma_wait3A_78 = arith.constant 0 : i32
    %dma_wait3A_79 = tpu.memref_slice %arg9[%dma_wait3A_76, %dma_wait3A_77, %dma_wait3A_78] : memref<4x80x128xf32, #tpu.memory_space<vmem>> -> memref<1x80x128xf32, #tpu.memory_space<vmem>>
    %dma_wait3A_80 = tpu.memref_squeeze %dma_wait3A_79 : memref<1x80x128xf32, #tpu.memory_space<vmem>> -> memref<80x128xf32, #tpu.memory_space<vmem>>
    %dma_wait3A_81 = arith.constant 0 : i32
    %dma_wait3A_82 = tpu.memref_slice %arg5[%multiple_of3A, %dma_wait3A_81] : memref<320000x128xf32, #tpu.memory_space<hbm>> -> memref<80x128xf32, #tpu.memory_space<hbm>>
    %dma_wait3A_83 = arith.constant 0 : i32
    %dma_wait3A_84 = tpu.memref_slice %arg5[%multiple_of3A, %dma_wait3A_83] : memref<320000x128xf32, #tpu.memory_space<hbm>> -> memref<80x128xf32, #tpu.memory_space<hbm>>
    %dma_wait3A_85 = arith.constant 0 : i32
    %dma_wait3A_86 = arith.constant 0 : i32
    %dma_wait3A_87 = tpu.memref_slice %arg9[%dma_wait3A_76, %dma_wait3A_85, %dma_wait3A_86] : memref<4x80x128xf32, #tpu.memory_space<vmem>> -> memref<1x80x128xf32, #tpu.memory_space<vmem>>
    %dma_wait3A_88 = tpu.memref_squeeze %dma_wait3A_87 : memref<1x80x128xf32, #tpu.memory_space<vmem>> -> memref<80x128xf32, #tpu.memory_space<vmem>>
    tpu.wait_dma2 semaphore(%arg20 : memref<!tpu.dma_semaphore, #tpu.memory_space<semaphore_mem>>) src(%dma_wait3A_88 : memref<80x128xf32, #tpu.memory_space<vmem>>) dst(%dma_wait3A_84 : memref<80x128xf32, #tpu.memory_space<hbm>>)
    %swap3A = arith.constant 0 : index
    %swap3A_89 = tpu.vector_load %arg11[%swap3A] {strides = array<i32>} : memref<256xf32, #tpu.memory_space<vmem>>, vector<16xf32>,
    %swap3A_90 = vector.shape_cast %swap3A_89 : vector<16xf32> to vector<16xf32>
    %swap3A_91 = vector.shape_cast %scan3A_59#0 : vector<16xf32> to vector<16xf32>
    tpu.vector_store %arg11[%swap3A], %swap3A_91 {strides = array<i32>} : memref<256xf32, #tpu.memory_space<vmem>>, vector<16xf32>,
    %swap3A_92 = arith.constant 128 : index
    %swap3A_93 = tpu.vector_load %arg11[%swap3A_92] {strides = array<i32>} : memref<256xf32, #tpu.memory_space<vmem>>, vector<16xf32>,
    %swap3A_94 = vector.shape_cast %swap3A_93 : vector<16xf32> to vector<16xf32>
    %swap3A_95 = vector.shape_cast %scan3A_59#8 : vector<16xf32> to vector<16xf32>
    tpu.vector_store %arg11[%swap3A_92], %swap3A_95 {strides = array<i32>} : memref<256xf32, #tpu.memory_space<vmem>>, vector<16xf32>,
    %swap3A_96 = arith.constant 16 : index
    %swap3A_97 = tpu.vector_load %arg11[%swap3A_96] {strides = array<i32>} : memref<256xf32, #tpu.memory_space<vmem>>, vector<16xf32>,
    %swap3A_98 = vector.shape_cast %swap3A_97 : vector<16xf32> to vector<16xf32>
    %swap3A_99 = vector.shape_cast %scan3A_59#1 : vector<16xf32> to vector<16xf32>
    tpu.vector_store %arg11[%swap3A_96], %swap3A_99 {strides = array<i32>} : memref<256xf32, #tpu.memory_space<vmem>>, vector<16xf32>,
    %swap3A_100 = arith.constant 144 : index
    %swap3A_101 = tpu.vector_load %arg11[%swap3A_100] {strides = array<i32>} : memref<256xf32, #tpu.memory_space<vmem>>, vector<16xf32>,
    %swap3A_102 = vector.shape_cast %swap3A_101 : vector<16xf32> to vector<16xf32>
    %swap3A_103 = vector.shape_cast %scan3A_59#9 : vector<16xf32> to vector<16xf32>
    tpu.vector_store %arg11[%swap3A_100], %swap3A_103 {strides = array<i32>} : memref<256xf32, #tpu.memory_space<vmem>>, vector<16xf32>,
    %swap3A_104 = arith.constant 32 : index
    %swap3A_105 = tpu.vector_load %arg11[%swap3A_104] {strides = array<i32>} : memref<256xf32, #tpu.memory_space<vmem>>, vector<16xf32>,
    %swap3A_106 = vector.shape_cast %swap3A_105 : vector<16xf32> to vector<16xf32>
    %swap3A_107 = vector.shape_cast %scan3A_59#2 : vector<16xf32> to vector<16xf32>
    tpu.vector_store %arg11[%swap3A_104], %swap3A_107 {strides = array<i32>} : memref<256xf32, #tpu.memory_space<vmem>>, vector<16xf32>,
    %swap3A_108 = arith.constant 160 : index
    %swap3A_109 = tpu.vector_load %arg11[%swap3A_108] {strides = array<i32>} : memref<256xf32, #tpu.memory_space<vmem>>, vector<16xf32>,
    %swap3A_110 = vector.shape_cast %swap3A_109 : vector<16xf32> to vector<16xf32>
    %swap3A_111 = vector.shape_cast %scan3A_59#10 : vector<16xf32> to vector<16xf32>
    tpu.vector_store %arg11[%swap3A_108], %swap3A_111 {strides = array<i32>} : memref<256xf32, #tpu.memory_space<vmem>>, vector<16xf32>,
    %swap3A_112 = arith.constant 48 : index
    %swap3A_113 = tpu.vector_load %arg11[%swap3A_112] {strides = array<i32>} : memref<256xf32, #tpu.memory_space<vmem>>, vector<16xf32>,
    %swap3A_114 = vector.shape_cast %swap3A_113 : vector<16xf32> to vector<16xf32>
    %swap3A_115 = vector.shape_cast %scan3A_59#3 : vector<16xf32> to vector<16xf32>
    tpu.vector_store %arg11[%swap3A_112], %swap3A_115 {strides = array<i32>} : memref<256xf32, #tpu.memory_space<vmem>>, vector<16xf32>,
    %swap3A_116 = arith.constant 176 : index
    %swap3A_117 = tpu.vector_load %arg11[%swap3A_116] {strides = array<i32>} : memref<256xf32, #tpu.memory_space<vmem>>, vector<16xf32>,
    %swap3A_118 = vector.shape_cast %swap3A_117 : vector<16xf32> to vector<16xf32>
    %swap3A_119 = vector.shape_cast %scan3A_59#11 : vector<16xf32> to vector<16xf32>
    tpu.vector_store %arg11[%swap3A_116], %swap3A_119 {strides = array<i32>} : memref<256xf32, #tpu.memory_space<vmem>>, vector<16xf32>,
    %swap3A_120 = arith.constant 64 : index
    %swap3A_121 = tpu.vector_load %arg11[%swap3A_120] {strides = array<i32>} : memref<256xf32, #tpu.memory_space<vmem>>, vector<16xf32>,
    %swap3A_122 = vector.shape_cast %swap3A_121 : vector<16xf32> to vector<16xf32>
    %swap3A_123 = vector.shape_cast %scan3A_59#4 : vector<16xf32> to vector<16xf32>
    tpu.vector_store %arg11[%swap3A_120], %swap3A_123 {strides = array<i32>} : memref<256xf32, #tpu.memory_space<vmem>>, vector<16xf32>,
    %swap3A_124 = arith.constant 192 : index
    %swap3A_125 = tpu.vector_load %arg11[%swap3A_124] {strides = array<i32>} : memref<256xf32, #tpu.memory_space<vmem>>, vector<16xf32>,
    %swap3A_126 = vector.shape_cast %swap3A_125 : vector<16xf32> to vector<16xf32>
    %swap3A_127 = vector.shape_cast %scan3A_59#12 : vector<16xf32> to vector<16xf32>
    tpu.vector_store %arg11[%swap3A_124], %swap3A_127 {strides = array<i32>} : memref<256xf32, #tpu.memory_space<vmem>>, vector<16xf32>,
    %swap3A_128 = arith.constant 80 : index
    %swap3A_129 = tpu.vector_load %arg11[%swap3A_128] {strides = array<i32>} : memref<256xf32, #tpu.memory_space<vmem>>, vector<16xf32>,
    %swap3A_130 = vector.shape_cast %swap3A_129 : vector<16xf32> to vector<16xf32>
    %swap3A_131 = vector.shape_cast %scan3A_59#5 : vector<16xf32> to vector<16xf32>
    tpu.vector_store %arg11[%swap3A_128], %swap3A_131 {strides = array<i32>} : memref<256xf32, #tpu.memory_space<vmem>>, vector<16xf32>,
    %swap3A_132 = arith.constant 208 : index
    %swap3A_133 = tpu.vector_load %arg11[%swap3A_132] {strides = array<i32>} : memref<256xf32, #tpu.memory_space<vmem>>, vector<16xf32>,
    %swap3A_134 = vector.shape_cast %swap3A_133 : vector<16xf32> to vector<16xf32>
    %swap3A_135 = vector.shape_cast %scan3A_59#13 : vector<16xf32> to vector<16xf32>
    tpu.vector_store %arg11[%swap3A_132], %swap3A_135 {strides = array<i32>} : memref<256xf32, #tpu.memory_space<vmem>>, vector<16xf32>,
    %swap3A_136 = arith.constant 96 : index
    %swap3A_137 = tpu.vector_load %arg11[%swap3A_136] {strides = array<i32>} : memref<256xf32, #tpu.memory_space<vmem>>, vector<16xf32>,
    %swap3A_138 = vector.shape_cast %swap3A_137 : vector<16xf32> to vector<16xf32>
    %swap3A_139 = vector.shape_cast %scan3A_59#6 : vector<16xf32> to vector<16xf32>
    tpu.vector_store %arg11[%swap3A_136], %swap3A_139 {strides = array<i32>} : memref<256xf32, #tpu.memory_space<vmem>>, vector<16xf32>,
    %swap3A_140 = arith.constant 224 : index
    %swap3A_141 = tpu.vector_load %arg11[%swap3A_140] {strides = array<i32>} : memref<256xf32, #tpu.memory_space<vmem>>, vector<16xf32>,
    %swap3A_142 = vector.shape_cast %swap3A_141 : vector<16xf32> to vector<16xf32>
    %swap3A_143 = vector.shape_cast %scan3A_59#14 : vector<16xf32> to vector<16xf32>
    tpu.vector_store %arg11[%swap3A_140], %swap3A_143 {strides = array<i32>} : memref<256xf32, #tpu.memory_space<vmem>>, vector<16xf32>,
    %swap3A_144 = arith.constant 112 : index
    %swap3A_145 = tpu.vector_load %arg11[%swap3A_144] {strides = array<i32>} : memref<256xf32, #tpu.memory_space<vmem>>, vector<16xf32>,
    %swap3A_146 = vector.shape_cast %swap3A_145 : vector<16xf32> to vector<16xf32>
    %swap3A_147 = vector.shape_cast %scan3A_59#7 : vector<16xf32> to vector<16xf32>
    tpu.vector_store %arg11[%swap3A_144], %swap3A_147 {strides = array<i32>} : memref<256xf32, #tpu.memory_space<vmem>>, vector<16xf32>,
    %swap3A_148 = arith.constant 240 : index
    %swap3A_149 = tpu.vector_load %arg11[%swap3A_148] {strides = array<i32>} : memref<256xf32, #tpu.memory_space<vmem>>, vector<16xf32>,
    %swap3A_150 = vector.shape_cast %swap3A_149 : vector<16xf32> to vector<16xf32>
    %swap3A_151 = vector.shape_cast %scan3A_59#15 : vector<16xf32> to vector<16xf32>
    tpu.vector_store %arg11[%swap3A_148], %swap3A_151 {strides = array<i32>} : memref<256xf32, #tpu.memory_space<vmem>>, vector<16xf32>,
    "tpu.region"() ({
      %run_scoped3A = tpu.sem_alloc : memref<!tpu.dma_semaphore, #tpu.memory_space<semaphore_mem>>
      %dma_start3A_152 = arith.constant 0 : i32
      %dma_start3A_153 = tpu.memref_slice %arg6[%add3A, %dma_start3A_152] : memref<32x256xf32, #tpu.memory_space<hbm>> -> memref<1x256xf32, #tpu.memory_space<hbm>>
      %dma_start3A_154 = tpu.memref_squeeze %dma_start3A_153 : memref<1x256xf32, #tpu.memory_space<hbm>> -> memref<256xf32, #tpu.memory_space<hbm>>
      %dma_start3A_155 = arith.constant 0 : i32
      %dma_start3A_156 = tpu.memref_slice %arg6[%add3A, %dma_start3A_155] : memref<32x256xf32, #tpu.memory_space<hbm>> -> memref<1x256xf32, #tpu.memory_space<hbm>>
      %dma_start3A_157 = tpu.memref_squeeze %dma_start3A_156 : memref<1x256xf32, #tpu.memory_space<hbm>> -> memref<256xf32, #tpu.memory_space<hbm>>
      tpu.enqueue_dma source(%arg11 : memref<256xf32, #tpu.memory_space<vmem>>) target(%dma_start3A_157 : memref<256xf32, #tpu.memory_space<hbm>>) target_semaphore(%run_scoped3A : memref<!tpu.dma_semaphore, #tpu.memory_space<semaphore_mem>>)
      %dma_wait3A_158 = arith.constant 0 : i32
      %dma_wait3A_159 = tpu.memref_slice %arg6[%add3A, %dma_wait3A_158] : memref<32x256xf32, #tpu.memory_space<hbm>> -> memref<1x256xf32, #tpu.memory_space<hbm>>
      %dma_wait3A_160 = tpu.memref_squeeze %dma_wait3A_159 : memref<1x256xf32, #tpu.memory_space<hbm>> -> memref<256xf32, #tpu.memory_space<hbm>>
      %dma_wait3A_161 = arith.constant 0 : i32
      %dma_wait3A_162 = tpu.memref_slice %arg6[%add3A, %dma_wait3A_161] : memref<32x256xf32, #tpu.memory_space<hbm>> -> memref<1x256xf32, #tpu.memory_space<hbm>>
      %dma_wait3A_163 = tpu.memref_squeeze %dma_wait3A_162 : memref<1x256xf32, #tpu.memory_space<hbm>> -> memref<256xf32, #tpu.memory_space<hbm>>
      tpu.wait_dma2 semaphore(%run_scoped3A : memref<!tpu.dma_semaphore, #tpu.memory_space<semaphore_mem>>) src(%arg11 : memref<256xf32, #tpu.memory_space<vmem>>) dst(%dma_wait3A_163 : memref<256xf32, #tpu.memory_space<hbm>>)
      tpu.yield
    }) : () -> ()
    return
  }
}

module attributes {stable_mosaic.version = 14 : i64} {
  func.func @_tc_pre_body(%arg0: memref<10000x128xf32, #tpu.memory_space<vmem>>, %arg1: memref<128x128xf32, #tpu.memory_space<vmem>>, %arg2: memref<10000x128xf32, #tpu.memory_space<vmem>>) attributes {dimension_semantics = [], scalar_prefetch = 0 : i64, scratch_operands = 0 : i64, tpu.core_type = #tpu.core_type<tc>} {
    %get3A = arith.constant 0 : index
    %get3A_0 = arith.constant 0 : index
    %get3A_1 = vector.load %arg0[%get3A, %get3A_0] : memref<10000x128xf32, #tpu.memory_space<vmem>>, vector<10000x128xf32>
    %get3A_2 = arith.constant 0 : index
    %get3A_3 = arith.constant 0 : index
    %get3A_4 = vector.load %arg1[%get3A_2, %get3A_3] : memref<128x128xf32, #tpu.memory_space<vmem>>, vector<128x128xf32>
    %dot_general3A = arith.constant dense<0.000000e+00> : vector<10000x128xf32>
    %dot_general3A_5 = tpu.matmul %get3A_1, %get3A_4, %dot_general3A {dimension_numbers = #tpu.dot_dimension_numbers<[1], [0], [0], [1], [0, 0, 1, 1], [], []>, precision = #tpu.contract_precision<fp32>, transpose_lhs_hint = false} : vector<10000x128xf32>, vector<128x128xf32>, vector<10000x128xf32> -> vector<10000x128xf32>
    %swap3A = arith.constant 0 : index
    %swap3A_6 = arith.constant 0 : index
    %swap3A_7 = vector.load %arg2[%swap3A, %swap3A_6] : memref<10000x128xf32, #tpu.memory_space<vmem>>, vector<10000x128xf32>
    tpu.vector_store %arg2[%swap3A, %swap3A_6], %dot_general3A_5 {strides = array<i32>} : memref<10000x128xf32, #tpu.memory_space<vmem>>, vector<10000x128xf32>,
    return
  }
}

module attributes {stable_mosaic.version = 14 : i64} {
  func.func @_tc_post_body(%arg0: memref<10000x128xf32, #tpu.memory_space<vmem>>, %arg1: memref<2x10000x128xf32, #tpu.memory_space<vmem>>, %arg2: memref<128x128xf32, #tpu.memory_space<vmem>>, %arg3: memref<128xf32, #tpu.memory_space<vmem>>, %arg4: memref<2x128x128xf32, #tpu.memory_space<vmem>>, %arg5: memref<128xf32, #tpu.memory_space<vmem>>, %arg6: memref<128xf32, #tpu.memory_space<vmem>>, %arg7: memref<128x128xf32, #tpu.memory_space<vmem>>, %arg8: memref<128xf32, #tpu.memory_space<vmem>>, %arg9: memref<10000x128xf32, #tpu.memory_space<vmem>>) attributes {dimension_semantics = [], scalar_prefetch = 0 : i64, scratch_operands = 0 : i64, tpu.core_type = #tpu.core_type<tc>} {
    %get3A = arith.constant 0 : index
    %get3A_0 = arith.constant 0 : index
    %get3A_1 = arith.constant 0 : index
    %get3A_2 = vector.load %arg1[%get3A, %get3A_0, %get3A_1] : memref<2x10000x128xf32, #tpu.memory_space<vmem>>, vector<1x10000x128xf32>
    %get3A_3 = vector.shape_cast %get3A_2 : vector<1x10000x128xf32> to vector<10000x128xf32>
    %get3A_4 = arith.constant 1 : index
    %get3A_5 = arith.constant 0 : index
    %get3A_6 = arith.constant 0 : index
    %get3A_7 = vector.load %arg1[%get3A_4, %get3A_5, %get3A_6] : memref<2x10000x128xf32, #tpu.memory_space<vmem>>, vector<1x10000x128xf32>
    %get3A_8 = vector.shape_cast %get3A_7 : vector<1x10000x128xf32> to vector<10000x128xf32>
    %add3A = arith.addf %get3A_3, %get3A_8 : vector<10000x128xf32>
    %slice3A = vector.extract_strided_slice %add3A {offsets = [0, 127], sizes = [10000, 1], strides = [1, 1]} : vector<10000x128xf32> to vector<10000x1xf32>
    %squeeze3A = vector.shape_cast %slice3A : vector<10000x1xf32> to vector<10000xf32>
    %mul3A = arith.constant 4.8828125E-4 : f32
    %mul3A_9 = vector.broadcast %mul3A : f32 to vector<10000xf32>
    %mul3A_10 = arith.mulf %squeeze3A, %mul3A_9 : vector<10000xf32>
    %floor3A = math.floor %mul3A_10 : vector<10000xf32>
    %iota3A = tpu.iota {dimensions = array<i32: 1>} : vector<1x128xi32>
    %eq3A = arith.constant 127 : i32
    %eq3A_11 = vector.broadcast %eq3A : i32 to vector<1x128xi32>
    %eq3A_12 = arith.cmpi eq, %iota3A, %eq3A_11 : vector<1x128xi32>
    %mul3A_13 = arith.constant 2.048000e+03 : f32
    %mul3A_14 = vector.broadcast %mul3A_13 : f32 to vector<10000xf32>
    %mul3A_15 = arith.mulf %mul3A_14, %floor3A : vector<10000xf32>
    %broadcast_in_dim3A = vector.shape_cast %mul3A_15 : vector<10000xf32> to vector<10000x1xf32>
    %jit3A = arith.constant 0.000000e+00 : f32
    %broadcast_in_dim3A_16 = vector.shape_cast %eq3A_12 : vector<1x128xi1> to vector<1x128xi1>
    %broadcast_in_dim3A_17 = vector.broadcast %broadcast_in_dim3A_16 : vector<1x128xi1> to vector<10000x128xi1>
    %broadcast_in_dim3A_18 = vector.shape_cast %broadcast_in_dim3A : vector<10000x1xf32> to vector<10000x1xf32>
    %broadcast_in_dim3A_19 = vector.broadcast %broadcast_in_dim3A_18 : vector<10000x1xf32> to vector<10000x128xf32>
    %broadcast_in_dim3A_20 = vector.broadcast %jit3A : f32 to vector<10000x128xf32>
    %select_n3A = arith.select %broadcast_in_dim3A_17, %broadcast_in_dim3A_19, %broadcast_in_dim3A_20 : vector<10000x128xi1>, vector<10000x128xf32>
    %sub3A = arith.subf %add3A, %select_n3A : vector<10000x128xf32>
    %get3A_21 = arith.constant 0 : index
    %get3A_22 = arith.constant 0 : index
    %get3A_23 = vector.load %arg2[%get3A_21, %get3A_22] : memref<128x128xf32, #tpu.memory_space<vmem>>, vector<128x128xf32>
    %dot_general3A = arith.constant dense<0.000000e+00> : vector<10000x128xf32>
    %dot_general3A_24 = tpu.matmul %sub3A, %get3A_23, %dot_general3A {dimension_numbers = #tpu.dot_dimension_numbers<[1], [0], [0], [1], [0, 0, 1, 1], [], []>, precision = #tpu.contract_precision<fp32>, transpose_lhs_hint = false} : vector<10000x128xf32>, vector<128x128xf32>, vector<10000x128xf32> -> vector<10000x128xf32>
    %broadcast_in_dim3A_25 = vector.shape_cast %floor3A : vector<10000xf32> to vector<10000x1xf32>
    %get3A_26 = arith.constant 0 : index
    %get3A_27 = vector.load %arg3[%get3A_26] : memref<128xf32, #tpu.memory_space<vmem>>, vector<128xf32>
    %broadcast_in_dim3A_28 = vector.shape_cast %get3A_27 : vector<128xf32> to vector<1x128xf32>
    %mul3A_29 = vector.broadcast %broadcast_in_dim3A_25 : vector<10000x1xf32> to vector<10000x128xf32>
    %mul3A_30 = vector.broadcast %broadcast_in_dim3A_28 : vector<1x128xf32> to vector<10000x128xf32>
    %mul3A_31 = arith.mulf %mul3A_29, %mul3A_30 : vector<10000x128xf32>
    %add3A_32 = arith.addf %dot_general3A_24, %mul3A_31 : vector<10000x128xf32>
    %get3A_33 = arith.constant 0 : index
    %get3A_34 = arith.constant 0 : index
    %get3A_35 = vector.load %arg0[%get3A_33, %get3A_34] : memref<10000x128xf32, #tpu.memory_space<vmem>>, vector<10000x128xf32>
    %get3A_36 = arith.constant 0 : index
    %get3A_37 = arith.constant 0 : index
    %get3A_38 = arith.constant 0 : index
    %get3A_39 = vector.load %arg4[%get3A_36, %get3A_37, %get3A_38] : memref<2x128x128xf32, #tpu.memory_space<vmem>>, vector<1x128x128xf32>
    %get3A_40 = vector.shape_cast %get3A_39 : vector<1x128x128xf32> to vector<128x128xf32>
    %dot_general3A_41 = arith.constant dense<0.000000e+00> : vector<10000x128xf32>
    %dot_general3A_42 = tpu.matmul %get3A_35, %get3A_40, %dot_general3A_41 {dimension_numbers = #tpu.dot_dimension_numbers<[1], [0], [0], [1], [0, 0, 1, 1], [], []>, precision = #tpu.contract_precision<fp32>, transpose_lhs_hint = false} : vector<10000x128xf32>, vector<128x128xf32>, vector<10000x128xf32> -> vector<10000x128xf32>
    %get3A_43 = arith.constant 1 : index
    %get3A_44 = arith.constant 0 : index
    %get3A_45 = arith.constant 0 : index
    %get3A_46 = vector.load %arg4[%get3A_43, %get3A_44, %get3A_45] : memref<2x128x128xf32, #tpu.memory_space<vmem>>, vector<1x128x128xf32>
    %get3A_47 = vector.shape_cast %get3A_46 : vector<1x128x128xf32> to vector<128x128xf32>
    %dot_general3A_48 = arith.constant dense<0.000000e+00> : vector<10000x128xf32>
    %dot_general3A_49 = tpu.matmul %add3A_32, %get3A_47, %dot_general3A_48 {dimension_numbers = #tpu.dot_dimension_numbers<[1], [0], [0], [1], [0, 0, 1, 1], [], []>, precision = #tpu.contract_precision<fp32>, transpose_lhs_hint = false} : vector<10000x128xf32>, vector<128x128xf32>, vector<10000x128xf32> -> vector<10000x128xf32>
    %add3A_50 = arith.addf %dot_general3A_42, %dot_general3A_49 : vector<10000x128xf32>
    %reduce_sum3A = arith.constant dense<0.000000e+00> : vector<128xf32>
    %reduce_sum3A_51 = vector.multi_reduction <add>, %add3A_50, %reduce_sum3A [0] : vector<10000x128xf32> to vector<128xf32>
    %div3A = arith.constant 1.000000e+04 : f32
    %div3A_52 = vector.broadcast %div3A : f32 to vector<128xf32>
    %div3A_53 = arith.divf %reduce_sum3A_51, %div3A_52 : vector<128xf32>
    %broadcast_in_dim3A_54 = vector.shape_cast %div3A_53 : vector<128xf32> to vector<1x128xf32>
    %sub3A_55 = vector.broadcast %broadcast_in_dim3A_54 : vector<1x128xf32> to vector<10000x128xf32>
    %sub3A_56 = arith.subf %add3A_50, %sub3A_55 : vector<10000x128xf32>
    %mul3A_57 = arith.mulf %sub3A_56, %sub3A_56 : vector<10000x128xf32>
    %reduce_sum3A_58 = arith.constant dense<0.000000e+00> : vector<128xf32>
    %reduce_sum3A_59 = vector.multi_reduction <add>, %mul3A_57, %reduce_sum3A_58 [0] : vector<10000x128xf32> to vector<128xf32>
    %div3A_60 = arith.constant 1.000000e+04 : f32
    %div3A_61 = vector.broadcast %div3A_60 : f32 to vector<128xf32>
    %div3A_62 = arith.divf %reduce_sum3A_59, %div3A_61 : vector<128xf32>
    %add3A_63 = arith.constant 9.99999974E-6 : f32
    %add3A_64 = vector.broadcast %add3A_63 : f32 to vector<128xf32>
    %add3A_65 = arith.addf %div3A_62, %add3A_64 : vector<128xf32>
    %rsqrt3A = math.rsqrt %add3A_65 : vector<128xf32>
    %broadcast_in_dim3A_66 = vector.shape_cast %rsqrt3A : vector<128xf32> to vector<1x128xf32>
    %mul3A_67 = vector.broadcast %broadcast_in_dim3A_66 : vector<1x128xf32> to vector<10000x128xf32>
    %mul3A_68 = arith.mulf %sub3A_56, %mul3A_67 : vector<10000x128xf32>
    %get3A_69 = arith.constant 0 : index
    %get3A_70 = vector.load %arg5[%get3A_69] : memref<128xf32, #tpu.memory_space<vmem>>, vector<128xf32>
    %broadcast_in_dim3A_71 = vector.shape_cast %get3A_70 : vector<128xf32> to vector<1x128xf32>
    %mul3A_72 = vector.broadcast %broadcast_in_dim3A_71 : vector<1x128xf32> to vector<10000x128xf32>
    %mul3A_73 = arith.mulf %mul3A_68, %mul3A_72 : vector<10000x128xf32>
    %get3A_74 = arith.constant 0 : index
    %get3A_75 = vector.load %arg6[%get3A_74] : memref<128xf32, #tpu.memory_space<vmem>>, vector<128xf32>
    %broadcast_in_dim3A_76 = vector.shape_cast %get3A_75 : vector<128xf32> to vector<1x128xf32>
    %add3A_77 = vector.broadcast %broadcast_in_dim3A_76 : vector<1x128xf32> to vector<10000x128xf32>
    %add3A_78 = arith.addf %mul3A_73, %add3A_77 : vector<10000x128xf32>
    %max3A = arith.constant 0.000000e+00 : f32
    %max3A_79 = vector.broadcast %max3A : f32 to vector<10000x128xf32>
    %max3A_80 = arith.maximumf %add3A_78, %max3A_79 : vector<10000x128xf32>
    %get3A_81 = arith.constant 0 : index
    %get3A_82 = arith.constant 0 : index
    %get3A_83 = vector.load %arg7[%get3A_81, %get3A_82] : memref<128x128xf32, #tpu.memory_space<vmem>>, vector<128x128xf32>
    %dot_general3A_84 = arith.constant dense<0.000000e+00> : vector<10000x128xf32>
    %dot_general3A_85 = tpu.matmul %max3A_80, %get3A_83, %dot_general3A_84 {dimension_numbers = #tpu.dot_dimension_numbers<[1], [0], [0], [1], [0, 0, 1, 1], [], []>, precision = #tpu.contract_precision<fp32>, transpose_lhs_hint = false} : vector<10000x128xf32>, vector<128x128xf32>, vector<10000x128xf32> -> vector<10000x128xf32>
    %get3A_86 = arith.constant 0 : index
    %get3A_87 = vector.load %arg8[%get3A_86] : memref<128xf32, #tpu.memory_space<vmem>>, vector<128xf32>
    %broadcast_in_dim3A_88 = vector.shape_cast %get3A_87 : vector<128xf32> to vector<1x128xf32>
    %add3A_89 = vector.broadcast %broadcast_in_dim3A_88 : vector<1x128xf32> to vector<10000x128xf32>
    %add3A_90 = arith.addf %dot_general3A_85, %add3A_89 : vector<10000x128xf32>
    %swap3A = arith.constant 0 : index
    %swap3A_91 = arith.constant 0 : index
    %swap3A_92 = vector.load %arg9[%swap3A, %swap3A_91] : memref<10000x128xf32, #tpu.memory_space<vmem>>, vector<10000x128xf32>
    tpu.vector_store %arg9[%swap3A, %swap3A_91], %add3A_90 {strides = array<i32>} : memref<10000x128xf32, #tpu.memory_space<vmem>>, vector<10000x128xf32>,
    return
  }
}

</mosaic_0001>

<sc_bundles>
// kernel: kernel.6.cloned.1.call-start
scs
__scs_entry_jumppad:
0x0: {  	(pc) =	sbr.rel $0x88, $3  }
0x1: {  	(tag) =	ssettag $0x0;
	lr =	simm.s32 $0x1  }
0x2: {  	[smem:$0x3F95] =	sst lr;
	_ =	strace $0xD0000000  }
0x3: {  	_ = 	snop  }
0x4: {  	_ = 	snop  }
0x5: {  	_ = 	snop  }
0x6: {  	_ = 	snop  }
0x7: {  	_ = 	snop  }
__scs_overlays_trampoline_lowered:
0x8: {  	[smem:$0x3FA4] =	sst s0  }
0x9: {  	[smem:$0x3FA5] =	sst s1  }
0xa: {  	[smem:$0x3FA6] =	sst s2  }
0xb: {  	[smem:$0x3FA7] =	sst s3  }
0xc: {  	[smem:$0x3FA8] =	sst s4  }
0xd: {  	[smem:$0x3FA9] =	sst s5  }
0xe: {  	[smem:$0x3FAA] =	sst s6  }
0xf: {  	[smem:$0x3FAB] =	sst s7  }
0x10: {  	[smem:$0x3FAC] =	sst s8  }
0x11: {  	[smem:$0x3FAD] =	sst s9;
	s0 =	simm.s32 @!p0 $0x0  }
0x12: {  	s1 =	sld [smem:$0x3F93];
	s0 =	simm.s32 @p0 $0x1  }
0x13: {  	[smem:$0x3FAE] =	sst s0;
	s0 =	simm.s32 @!p1 $0x0  }
0x14: {  	s2 =	sld [smem:$0x3F92];
	s0 =	simm.s32 @p1 $0x1  }
0x15: {  	[smem:$0x3FAF] =	sst s0;
	s0 =	simm.s32 @!p2 $0x0  }
0x16: {  	s3 =	sld [smem:$0x3FDB];
	s0 =	simm.s32 @p2 $0x1  }
0x17: {  	s4 =	simm.s32 $0x1BF5;
	[smem:$0x3FB1] =	sst s0  }
0x18: {  	s0 =	sld [smem:$0x3F94];
	_ =	swait.ge [sflag:s4], $0x0  }
0x19: {  	s7 =	sld [smem:$0x3F95]  }
0x1a: {  	s8 =	sadd.s32 $0xFFFFE003, lr  }
0x1b: {  	s9 =	sadd.s32 $0xFFFFFEF7, lr;
	s5 =	simm.s32 $0xFFFFFFFF;
	p2 =	slt.u32 s8, $0xFFFFF086  }
0x1c: {  	p1 =	slt.u32 s9, $0xF7A;
	s5 =	simm.s32 @!p2 $0x0  }
0x1d: {  	s5 =	simm.s32 @p1 $0x1;
	p0 =	seq.s32 s7, s2  }
0x1e: {  	s7 =	smul.u32 @!p0 $0xF7A, s2;
	p2 =	seq.s32 @!p0 s5, $0x0  }
0x1f: {  	s9 =	smul.u32 $0xF7A, s1;
	s8 =	simm.s32 @!p0 $0x1BF5;
	p2 =	por !p2, p0  }
0x20: {  	[sflag:s8] =	ssyncset.s32 @!p0 $0xFFFFF086;
	s6 =	sadd.s32 @!p0 s3, s7;
	s7 =	simm.s32 @!p0 $0x108  }
0x21: {  	s3 =	sadd.s32 s3, s9;
	s6 =	sadd.s32 @!p0 $0x88, s6;
	s7 =	simm.s32 @p2 $0x1082  }
0x22: {  	[simem:s7], [sflag:s8] =	dma.local @!p0 [hbm:s6], $0xF7A  }
0x23: {  	s9 =	sor.u32 $0xD0000000, s2;
	s6 =	simm.s32 $0x108;
	_ =	swait.ge @!p0 [sflag:s8], $0x0  }
0x24: {  	s3 =	sadd.s32 $0x88, s3;
	s6 =	simm.s32 @!p1 $0x1082;
	[sflag:s4] =	ssyncset.s32 $0xFFFFF086  }
0x25: {  	[simem:s6], [sflag:s4] =	dma.local [hbm:s3], $0xF7A  }
0x26: {  	[smem:$0x3F95] =	sst s1;
	(tag) =	ssettag s2;
	_ =	strace s9  }
0x27: {  	s1 =	sld [smem:$0x3FA5]  }
0x28: {  	s2 =	sld [smem:$0x3FA6]  }
0x29: {  	s4 =	sld [smem:$0x3FA8]  }
0x2a: {  	p0 =	seq.s32 s5, $0x0;
	s5 =	sld [smem:$0x3FA9]  }
0x2b: {  	s6 =	sld [smem:$0x3FAA]  }
0x2c: {  	s7 =	sld [smem:$0x3FAB]  }
0x2d: {  	s3 =	simm.s32 $0x108;
	s8 =	sld [smem:$0x3FAC]  }
0x2e: {  	s3 =	simm.s32 @!p0 $0x1082;
	s9 =	sld [smem:$0x3FAD]  }
0x2f: {  	lr =	sadd.s32 s0, s3;
	s0 =	sld [smem:$0x3FA4]  }
0x30: {  	s3 =	sld [smem:$0x3FA7]  }
0x31: {  	[smem:$0x3FB0] =	sst s10  }
0x32: {  	s10 =	sld [smem:$0x3FAE];
	_ =	sdelay $0x3  }
0x33: {  	p0 =	seq.s32 s10, $0x1;
	s10 =	sld [smem:$0x3FB0];
	_ =	sdelay $0x3  }
0x34: {  	[smem:$0x3FB0] =	sst s10  }
0x35: {  	s10 =	sld [smem:$0x3FAF];
	_ =	sdelay $0x3  }
0x36: {  	p1 =	seq.s32 s10, $0x1;
	s10 =	sld [smem:$0x3FB0];
	_ =	sdelay $0x3  }
0x37: {  	[smem:$0x3FB0] =	sst s10  }
0x38: {  	s10 =	sld [smem:$0x3FB1]  }
0x39: {  	_ = 	snop;
	(pc) =	sbr.ind lr, $3  }
0x3a: {  	_ = 	snop  }
0x3b: {  	_ = 	snop  }
0x3c: {  	p2 =	seq.s32 s10, $0x1;
	s10 =	sld [smem:$0x3FB0]  }
0x3d: {  	_ =	shalt  }
0x3e: {  	_ =	shalt  }
0x3f: {  	_ =	shalt  }
0x40: {  	_ =	shalt  }
0x41: {  	_ =	shalt  }
0x42: {  	_ =	shalt  }
0x43: {  	_ =	shalt  }
0x44: {  	_ =	shalt  }
0x45: {  	_ =	shalt  }
0x46: {  	_ =	shalt  }
0x47: {  	_ =	shalt  }
0x48: {  	_ =	shalt  }
0x49: {  	_ =	shalt  }
0x4a: {  	_ =	shalt  }
0x4b: {  	_ =	shalt  }
0x4c: {  	_ =	shalt  }
0x4d: {  	_ =	shalt  }
0x4e: {  	_ =	shalt  }
0x4f: {  	_ =	shalt  }
0x50: {  	_ =	shalt  }
0x51: {  	_ =	shalt  }
0x52: {  	_ =	shalt  }
0x53: {  	_ =	shalt  }
0x54: {  	_ =	shalt  }
0x55: {  	_ =	shalt  }
0x56: {  	_ =	shalt  }
0x57: {  	_ =	shalt  }
0x58: {  	_ =	shalt  }
0x59: {  	_ =	shalt  }
0x5a: {  	_ =	shalt  }
0x5b: {  	_ =	shalt  }
0x5c: {  	_ =	shalt  }
0x5d: {  	_ =	shalt  }
0x5e: {  	_ =	shalt  }
0x5f: {  	_ =	shalt  }
0x60: {  	_ =	shalt  }
0x61: {  	_ =	shalt  }
0x62: {  	_ =	shalt  }
0x63: {  	_ =	shalt  }
0x64: {  	_ =	shalt  }
0x65: {  	_ =	shalt  }
0x66: {  	_ =	shalt  }
0x67: {  	_ =	shalt  }
0x68: {  	_ =	shalt  }
0x69: {  	_ =	shalt  }
0x6a: {  	_ =	shalt  }
0x6b: {  	_ =	shalt  }
0x6c: {  	_ =	shalt  }
0x6d: {  	_ =	shalt  }
0x6e: {  	_ =	shalt  }
0x6f: {  	_ =	shalt  }
0x70: {  	_ =	shalt  }
0x71: {  	_ =	shalt  }
0x72: {  	_ =	shalt  }
0x73: {  	_ =	shalt  }
0x74: {  	_ =	shalt  }
0x75: {  	_ =	shalt  }
0x76: {  	_ =	shalt  }
0x77: {  	_ =	shalt  }
0x78: {  	_ =	shalt  }
0x79: {  	_ =	shalt  }
0x7a: {  	_ =	shalt  }
0x7b: {  	_ =	shalt  }
0x7c: {  	_ =	shalt  }
0x7d: {  	_ =	shalt  }
0x7e: {  	_ =	shalt  }
0x7f: {  	_ =	shalt  }
0x80: {  	_ =	shalt  }
0x81: {  	_ =	shalt  }
0x82: {  	_ =	shalt  }
0x83: {  	_ =	shalt  }
0x84: {  	_ =	shalt  }
0x85: {  	_ =	shalt  }
0x86: {  	_ =	shalt  }
0x87: {  	_ =	shalt  }
.Lfunc_end0:
.L_simem_size_0:
called_computation_lowered:
.L_overlay_start_0:
0x88: {  	s2 =	sld [smem:$0x3FD9]  }
0x89: {  	s3 =	sld [smem:$0x3FFE];
	_ =	sdelay $0x1  }
0x8a: {  	s1 =	srdreg.scid  }
0x8b: {  	s0 =	sand.u32 $0x1, s1  }
0x8c: {  	s17 =	sshll.u32 s0, $0xA;
	s2 =	sadd.s32 s3, s2  }
0x8d: {  	s2 =	sadd.s32 s2, s17  }
0x8e: {  	[smem:$0x3FBC] =	sst s2  }
0x8f: {  	_ = 	snop  }
0x90: {  	s2 =	sld [smem:$0x3FD0];
	(tm) =	ssettm $0x1  }
0x91: {  	s18 =	sld [smem:$0x3FFB];
	_ =	sdelay $0x3  }
0x92: {  	_ =	strace s18  }
0x93: {  	s3 =	sld [smem:$0x3FFC];
	_ =	sdelay $0x3  }
0x94: {  	_ =	strace s3  }
0x95: {  	s3 =	sld [smem:$0x3FFD];
	_ =	sdelay $0x3  }
0x96: {  	_ =	strace s3  }
0x97: {  	_ =	strace $0x8FFFFFFF  }
0x98: {  	s19 =	sld [smem:$0x3FDB];
	_ =	sdelay $0x1  }
0x99: {  	s4 =	simm.s32 $_scs_section_size  }
0x9a: {  	s5 =	simm.s32 $_size__tile_overlayer_lowered;
	s6 =	simm.s32 $_tile_overlayer_lowered  }
0x9b: {  	s22 =	simm.s32 $0x1BFF;
	s21 =	sshll.u32 s6, $0x1;
	s3 =	sadd.s32 s4, s19  }
0x9c: {  	s7 =	simm.s32 $0x0;
	s20 =	sshll.u32 s5, $0x1;
	s5 =	sadd.s32 s21, s3  }
0x9d: {  	[timem:s7], [sflag:s22] =	dma.local [hbm:s5], s20  }
0x9e: {  	_ =	swait.ge [sflag:s22], s20  }
0x9f: {  	s4 =	ssub.s32 $0x0, s20;
	[sflag:s22] =	ssyncset.done $0x0  }
0xa0: {  	[sflag:s22] =	ssyncadd.s32 s4;
	_ =	sdelay $0x1  }
0xa1: {  	s23 =	simm.s32 $0x1B8B  }
0xa2: {  	_ =	swait.ge [sflag:s23], $0x1  }
0xa3: {  	[sflag:s23] =	ssyncset.done $0x0  }
0xa4: {  	s25 =	simm.s32 $0x1B8E;
	s24 =	sld [smem:$0x3FFE];
	[sflag:s23] =	ssyncadd.s32 $0xFFFFFFFF  }
0xa5: {  	s26 =	simm.s32 $execute0_lowered;
	[smem:$0x3FD2] =	sst s25  }
0xa6: {  	s5 =	sshll.u32 s26, $0x1;
	_ =	strace $0x80000046;
	[dreg:$0x1] =	wrdreg $0xFFFFFFFF  }
0xa7: {  	s28 =	simm.s32 $_size_execute0_lowered;
	s3 =	sadd.s32 s3, s5;
	[dreg:$0x0] =	wrdreg $0x0  }
0xa8: {  	s5 =	sshll.u32 s28, $0x1;
	[dreg:$0x2] =	wrdreg s3  }
0xa9: {  	[dreg:$0x3] =	wrdreg s5  }
0xaa: {  	[dreg:$0x4] =	wrdreg $0xC0  }
0xab: {  	_ =	task [dreg:s7], $0x5FFFF  }
0xac: {  	[dreg:$0x1] =	wrdreg $0xFFFFFFFF  }
0xad: {  	[dreg:$0x0] =	wrdreg $0x60  }
0xae: {  	[dreg:$0x2] =	wrdreg s2  }
0xaf: {  	[dreg:$0x3] =	wrdreg s24  }
0xb0: {  	[dreg:$0x4] =	wrdreg $0x9  }
0xb1: {  	_ =	task.clear_ibuf [dreg:s7], $0x5FFFF;
	_ =	strace $0x90000046  }
0xb2: {  	s29 =	simm.s32 $0x9;
	_ =	strace $0x80000048  }
0xb3: {  	_ =	swait.ge [sflag:s29], $0x1  }
0xb4: {  	[sflag:s29] =	ssyncadd.s32 $0xFFFFFFFF  }
0xb5: {  	_ =	strace $0x90000048  }
0xb6: {  	_ =	sfence  }
0xb7: {  	s30 =	sld [smem:$0x0];
	_ =	sdelay $0x2  }
0xb8: {  	s31 =	sshll.u32 s1, $0xD;
	s1 =	sshrl.u32 s1, $0x2  }
0xb9: {  	s3 =	sand.u32 $0x4000, s31;
	s1 =	sadd.s32 s1, s30  }
0xba: {  	s0 =	sor.u32 s3, s0;
	s1 =	sshll.u32 s1, $0x11  }
0xbb: {  	s0 =	sor.u32 s1, s0  }
0xbc: {  	s0 =	sadd.s32 $0x8F2B, s0  }
0xbd: {  	[sflag:s0] =	ssyncadd.remote.s32 $0x1  }
0xbe: {  	_ =	sfence.sel $0xFFFF  }
0xbf: {  	[dreg:$0x0] =	wrdreg $0xFFFFFFFF;
	(pc) =	sbr.abs _section_cstart, $3  }
0xc0: {  	[dreg:$0x1] =	wrdreg $0xFFFFFFFF  }
0xc1: {  	_ =	task.clear_ibuf [dreg:s7], $0x2FFFF;
	_ =	strace $0x9FFFFFFF  }
0xc2: {  	(tm) =	ssettm $0x7FFFFFFF  }
0xc3: {  	_ =	shalt  }
tec
execute0_lowered:
.L_overlay_start_1:
0x0: {  	(tag) =	ssettag $0x1  }
0x1: {  	s2 =	rddreg [dreg:$0x0];
	s0 =	srdreg.scid  }
0x2: {  	s7 =	stileid.u32;
	s1 =	rddreg [dreg:$0x1]  }
0x3: {  	s3 =	simm.s32 $0x0;
	s13 =	simm.s32 $0x50;
	s14 =	simm.s32 $0x8000  }
0x4: {  	s15 =	simm.s32 $0x12000;
	s16 =	simm.s32 $0xA800;
	s18 =	simm.s32 $0xD000  }
0x5: {  	s19 =	simm.s32 $0x17000;
	s20 =	simm.s32 $0xF800;
	s21 =	simm.s32 $0x19800  }
0x6: {  	s22 =	simm.s32 $0x1;
	s28 =	simm.s32 $0x6;
	s29 =	simm.s32 $0x7  }
0x7: {  	s30 =	simm.s32 $0x8;
	s31 =	simm.s32 $0x9;
	s12 =	simm.s32 $0xC  }
0x8: {  	s0 =	sand.u32 $0x1, s0;
	s4 =	sshll.u32 s7, $0x1;
	[smem:$0x7FF] =	sst s3  }
0x9: {  	s7 =	sshll.u32 s7, $0x6;
	s5 =	sor.u32 s0, s4;
	_ =	strace $0x80000047  }
0xa: {  	s0 =	ssub.s32 $0x2, s0;
	s7 =	sand.u32 $0x300, s7;
	s4 =	sshll.u32 s5, $0xB  }
0xb: {  	s8 =	sshrl.u32 s0, $0x1;
	s9 =	smul.u32 $0x138800, s5;
	s23 =	sshll.u32 s5, $0x4  }
0xc: {  	s5 =	smul.u32 $0x2710, s5;
	s6 =	sadd.s32 s4, s1;
	s4 =	sadd.s32 $0x21C00, s1  }
0xd: {  	s1 =	sadd.s32 s7, s1;
	s0 =	ssub.s32 s0, s8;
	s7 =	sand.u32 $0x70, s23  }
0xe: {  	s23 =	simm.s32 $0x2;
	s24 =	sshrl.u32 s9, $0x3;
	s25 =	sadd.s32 $0x11800, s6  }
0xf: {  	s1 =	sadd.s32 s7, s1;
	s6 =	sadd.s32 $0x1800, s6;
	[dreg:$0x3] =	wrdreg s25  }
0x10: {  	s0 =	smax.u32 s0, $0x1;
	s7 =	simm.s32 $0xD;
	[dreg:$0x4] =	wrdreg s6  }
0x11: {  	s8 =	sadd.s32 s4, s24;
	s1 =	sadd.s32 $0x21800, s1;
	[dreg:$0x7] =	wrdreg s0  }
0x12: {  	s24 =	simm.s32 $0x3;
	s25 =	simm.s32 $0x4;
	s0 =	simm.s32 $0xB  }
0x13: {  	s26 =	sadd.s32 $0x26C00, s8;
	[dreg:$0x6] =	wrdreg s1;
	s1 =	simm.s32 $0xA  }
0x14: {  	s8 =	simm.s32 $0x0;
	[dreg:$0x5] =	wrdreg s26;
	s26 =	simm.s32 $0x5  }
.LBB2_1:
0x15: {  	[dreg:$0x8] =	wrdreg s8  }
0x16: {  	s6 =	rddreg [dreg:$0x3]  }
0x17: {  	[tilespmem:s3], [sflag:$0xD] =	stream.linear.gather [hbm4b:s6+s3], $0x3E80, $0x38;
	[tilespmem:$0x1C100] =	vst v63  }
0x18: {  	_ =	swait.ge [sflag:s7], $0x3E80  }
0x19: {  	v0 =	vimm.f32 $0.0e+00;
	[sflag:s7] =	ssyncset.done $0x0  }
0x1a: {  	v1 =	vimm.f32 $0.0e+00;
	v2 =	vimm.f32 $0.0e+00;
	v4 =	vimm.f32 $0.0e+00;
	s17 =	simm.s32 $0x4000;
	s11 =	rddreg [dreg:$0x4];
	[sflag:s7] =	ssyncadd.s32 $0xFFFFC180  }
0x1b: {  	v6 =	vimm.f32 $0.0e+00;
	v8 =	vimm.f32 $0.0e+00;
	v10 =	vimm.f32 $0.0e+00;
	[tilespmem:s17], [sflag:$0xD] =	stream.linear.gather [hbm4b:s11+s3], $0x3E80, $0x38;
	[tilespmem:$0x1C100] =	vst v63  }
0x1c: {  	v12 =	vimm.f32 $0.0e+00;
	v3 =	vimm.f32 $0.0e+00;
	v5 =	vimm.f32 $0.0e+00;
	_ =	swait.ge [sflag:s7], $0x3E80  }
0x1d: {  	v7 =	vimm.f32 $0.0e+00;
	v9 =	vimm.f32 $0.0e+00;
	v11 =	vimm.f32 $0.0e+00;
	[sflag:s7] =	ssyncset.done $0x0  }
0x1e: {  	v13 =	vimm.f32 $0.0e+00;
	v14 =	vimm.f32 $0.0e+00;
	v15 =	vimm.f32 $0.0e+00;
	[sflag:s7] =	ssyncadd.s32 $0xFFFFC180;
	s7 =	simm.s32 $0x0  }
.LBB2_2:
0x1f: {  	s6 =	sshll.u32 s7, $0x9;
	s8 =	sshll.u32 s7, $0x2  }
0x20: {  	[tilespmem:s14], [sflag:$0x1] =	stream.indirect.gather [hbm4b:s2+s13], $0x80, s6, s13, $0xb8;
	[tilespmem:$0x1C100] =	vst v63  }
0x21: {  	s6 =	sadd.s32 $0x4000, s6;
	s10 =	sor.u32 $0x1, s8  }
0x22: {  	[tilespmem:s15], [sflag:$0x2] =	stream.indirect.gather [hbm4b:s2+s13], $0x80, s6, s13, $0xb8;
	[tilespmem:$0x1C100] =	vst v63  }
0x23: {  	s9 =	sshll.u32 s10, $0x7  }
0x24: {  	[tilespmem:s16], [sflag:$0x3] =	stream.indirect.gather [hbm4b:s2+s13], $0x80, s9, s13, $0xb8;
	[tilespmem:$0x1C100] =	vst v63  }
0x25: {  	s6 =	sadd.s32 $0x4000, s9;
	s9 =	simm.s32 $0x14800  }
0x26: {  	[tilespmem:s9], [sflag:$0x4] =	stream.indirect.gather [hbm4b:s2+s13], $0x80, s6, s13, $0xb8;
	[tilespmem:$0x1C100] =	vst v63  }
0x27: {  	s9 =	sor.u32 $0x2, s8  }
0x28: {  	s11 =	sshll.u32 s9, $0x7  }
0x29: {  	[tilespmem:s18], [sflag:$0x5] =	stream.indirect.gather [hbm4b:s2+s13], $0x80, s11, s13, $0xb8;
	[tilespmem:$0x1C100] =	vst v63  }
0x2a: {  	s8 =	sshllo.u32 s7, $0x2;
	s6 =	sadd.s32 $0x4000, s11  }
0x2b: {  	[tilespmem:s19], [sflag:$0x6] =	stream.indirect.gather [hbm4b:s2+s13], $0x80, s6, s13, $0xb8;
	[tilespmem:$0x1C100] =	vst v63  }
0x2c: {  	s17 =	sshll.u32 s8, $0x7  }
0x2d: {  	[tilespmem:s20], [sflag:$0x7] =	stream.indirect.gather [hbm4b:s2+s13], $0x80, s17, s13, $0xb8;
	[tilespmem:$0x1C100] =	vst v63  }
0x2e: {  	s6 =	sadd.s32 $0x4000, s17  }
0x2f: {  	[tilespmem:s21], [sflag:$0x8] =	stream.indirect.gather [hbm4b:s2+s13], $0x80, s6, s13, $0xb8;
	[tilespmem:$0x1C100] =	vst v63  }
0x30: {  	_ =	swait.ge [sflag:s22], $0x2800  }
0x31: {  	[sflag:s22] =	ssyncset.done $0x0  }
0x32: {  	[sflag:s22] =	ssyncadd.s32 $0xFFFFD800  }
0x33: {  	_ =	swait.ge [sflag:s23], $0x2800  }
0x34: {  	[sflag:s23] =	ssyncset.done $0x0  }
0x35: {  	s11 =	simm.s32 $0x0;
	[sflag:s23] =	ssyncadd.s32 $0xFFFFD800  }
0x36: {  	v22 =	vld [tilespmem:s11+$0x12000]  }
0x37: {  	v23 =	vld [tilespmem:s11+$0x12010]  }
0x38: {  	v21 =	vld [tilespmem:s11+$0x12020]  }
0x39: {  	v20 =	vld [tilespmem:s11+$0x12030]  }
0x3a: {  	v19 =	vld [tilespmem:s11+$0x12040]  }
0x3b: {  	v18 =	vld [tilespmem:s11+$0x12050]  }
0x3c: {  	v16 =	vld [tilespmem:s11+$0x12060]  }
0x3d: {  	v17 =	vld [tilespmem:s11+$0x12070]  }
0x3e: {  	v28 =	vld [tilespmem:s11+$0x8000]  }
0x3f: {  	v27 =	vld [tilespmem:s11+$0x8010]  }
0x40: {  	v26 =	vld [tilespmem:s11+$0x8020]  }
0x41: {  	v25 =	vld [tilespmem:s11+$0x8030]  }
0x42: {  	s6 =	simm.s32 $0x200;
	v24 =	vld [tilespmem:s11+$0x8040]  }
.LBB2_3:
0x43: {  	p0 =	sne.s32 s6, $0x9E00;
	v22 =	vsub.f32 v28, v22;
	v28 =	vld [tilespmem:s11+$0x8050]  }
0x44: {  	v23 =	vsub.f32 v27, v23;
	v27 =	vld [tilespmem:s11+$0x8060]  }
0x45: {  	s17 =	sshra.s32 s6, $0x2;
	[tilespmem:s11+$0x8000] =	vst v22;
	v15 =	vadd.f32 v22, v15;
	v29 =	vmul.f32 v22, v22;
	v26 =	vsub.f32 v26, v21;
	v30 =	vld [tilespmem:s11+$0x8070]  }
0x46: {  	v22 =	vld [tilespmem:s17+$0x12000];
	[tilespmem:s11+$0x8010] =	vst v23;
	v14 =	vadd.f32 v23, v14;
	v31 =	vmul.f32 v23, v23;
	v25 =	vsub.f32 v25, v20  }
0x47: {  	v23 =	vld [tilespmem:s17+$0x12010];
	v12 =	vadd.f32 v29, v12;
	[tilespmem:s11+$0x8020] =	vst v26;
	v29 =	vmul.f32 v26, v26;
	v24 =	vsub.f32 v24, v19  }
0x48: {  	v21 =	vld [tilespmem:s17+$0x12020];
	v10 =	vadd.f32 v31, v10;
	[tilespmem:s11+$0x8030] =	vst v25;
	v31 =	vmul.f32 v25, v25;
	v32 =	vsub.f32 v28, v18  }
0x49: {  	v20 =	vld [tilespmem:s17+$0x12030];
	v8 =	vadd.f32 v29, v8;
	[tilespmem:s11+$0x8040] =	vst v24;
	v28 =	vmul.f32 v24, v24;
	v29 =	vsub.f32 v27, v16  }
0x4a: {  	v19 =	vld [tilespmem:s17+$0x12040];
	v6 =	vadd.f32 v31, v6;
	[tilespmem:s11+$0x8050] =	vst v32;
	v27 =	vmul.f32 v32, v32;
	v30 =	vsub.f32 v30, v17  }
0x4b: {  	v13 =	vadd.f32 v26, v13;
	v18 =	vld [tilespmem:s17+$0x12050];
	v4 =	vadd.f32 v28, v4;
	[tilespmem:s11+$0x8060] =	vst v29;
	v26 =	vmul.f32 v29, v29  }
0x4c: {  	v11 =	vadd.f32 v25, v11;
	v16 =	vld [tilespmem:s17+$0x12060];
	v2 =	vadd.f32 v27, v2;
	[tilespmem:s11+$0x8070] =	vst v30;
	v25 =	vmul.f32 v30, v30;
	s11 =	smov.u32 s17  }
0x4d: {  	v9 =	vadd.f32 v24, v9;
	v17 =	vld [tilespmem:s11+$0x12070];
	v1 =	vadd.f32 v26, v1  }
.Ltmp0:
0x4e: {  	v7 =	vadd.f32 v32, v7;
	v28 =	vld [tilespmem:s11+$0x8000];
	v0 =	vadd.f32 v25, v0;
	(pc) =	sbr.rel @p0 .LBB2_3-.Ltmp0, $4  }
0x4f: {  	v5 =	vadd.f32 v29, v5;
	v3 =	vadd.f32 v30, v3;
	v27 =	vld [tilespmem:s11+$0x8010]  }
0x50: {  	v26 =	vld [tilespmem:s11+$0x8020]  }
0x51: {  	v25 =	vld [tilespmem:s11+$0x8030]  }
0x52: {  	s6 =	sadd.s32 $0x200, s6;
	v24 =	vld [tilespmem:s11+$0x8040]  }
0x53: {  	v22 =	vsub.f32 v28, v22;
	v28 =	vld [tilespmem:s11+$0x8050]  }
0x54: {  	v29 =	vld [tilespmem:s11+$0x8060];
	v23 =	vsub.f32 v27, v23  }
0x55: {  	[tilespmem:s11+$0x8000] =	vst v22;
	v26 =	vsub.f32 v26, v21;
	v21 =	vld [tilespmem:s11+$0x8070]  }
0x56: {  	[tilespmem:s11+$0x8010] =	vst v23;
	v25 =	vsub.f32 v25, v20  }
0x57: {  	[tilespmem:s11+$0x8020] =	vst v26;
	v24 =	vsub.f32 v24, v19  }
0x58: {  	s6 =	smul.u32 $0x140, s7;
	[tilespmem:s11+$0x8030] =	vst v25;
	v30 =	vsub.f32 v28, v18  }
0x59: {  	v29 =	vsub.f32 v29, v16;
	[tilespmem:s11+$0x8040] =	vst v24  }
0x5a: {  	s6 =	sadd.s32 s5, s6;
	[tilespmem:s11+$0x8050] =	vst v30;
	v31 =	vsub.f32 v21, v17  }
0x5b: {  	s6 =	sshll.u32 s6, $0x4;
	[tilespmem:s11+$0x8060] =	vst v29  }
0x5c: {  	s17 =	simm.s32 $0x0;
	s6 =	sadd.s32 s4, s6;
	[tilespmem:s11+$0x8070] =	vst v31  }
0x5d: {  	[hbm4b:s6+s17] =	stream.linear.scatter [tilespmem:s14], [sflag:$0x9], $0x2800, $0x38;
	[tilespmem:$0x1C100] =	vst v63  }
0x5e: {  	_ =	swait.ge [sflag:s24], $0x2800  }
0x5f: {  	[sflag:s24] =	ssyncset.done $0x0  }
0x60: {  	[sflag:s24] =	ssyncadd.s32 $0xFFFFD800  }
0x61: {  	_ =	swait.ge [sflag:s25], $0x2800  }
0x62: {  	[sflag:s25] =	ssyncset.done $0x0  }
0x63: {  	s11 =	simm.s32 $0x0;
	[sflag:s25] =	ssyncadd.s32 $0xFFFFD800  }
0x64: {  	v19 =	vld [tilespmem:s11+$0x14800]  }
0x65: {  	v21 =	vld [tilespmem:s11+$0x14810]  }
0x66: {  	v18 =	vld [tilespmem:s11+$0x14820]  }
0x67: {  	v16 =	vld [tilespmem:s11+$0x14830]  }
0x68: {  	v15 =	vadd.f32 v22, v15;
	v22 =	vmul.f32 v22, v22;
	v27 =	vmul.f32 v23, v23;
	v17 =	vld [tilespmem:s11+$0x14840]  }
0x69: {  	v14 =	vadd.f32 v23, v14;
	v23 =	vmul.f32 v26, v26;
	v28 =	vmul.f32 v25, v25;
	v20 =	vld [tilespmem:s11+$0x14850]  }
0x6a: {  	v12 =	vadd.f32 v22, v12;
	v10 =	vadd.f32 v27, v10;
	v27 =	vmul.f32 v24, v24;
	v22 =	vld [tilespmem:s11+$0x14860]  }
0x6b: {  	v8 =	vadd.f32 v23, v8;
	v6 =	vadd.f32 v28, v6;
	v28 =	vmul.f32 v30, v30;
	v23 =	vld [tilespmem:s11+$0x14870]  }
0x6c: {  	v13 =	vadd.f32 v26, v13;
	v4 =	vadd.f32 v27, v4;
	v27 =	vmul.f32 v29, v29;
	v26 =	vld [tilespmem:s11+$0xA800]  }
0x6d: {  	v11 =	vadd.f32 v25, v11;
	v2 =	vadd.f32 v28, v2;
	v25 =	vmul.f32 v31, v31;
	v28 =	vld [tilespmem:s11+$0xA810]  }
0x6e: {  	v9 =	vadd.f32 v24, v9;
	v1 =	vadd.f32 v27, v1;
	v27 =	vld [tilespmem:s11+$0xA820]  }
0x6f: {  	v7 =	vadd.f32 v30, v7;
	v0 =	vadd.f32 v25, v0;
	v25 =	vld [tilespmem:s11+$0xA830]  }
0x70: {  	v5 =	vadd.f32 v29, v5;
	v3 =	vadd.f32 v31, v3;
	s6 =	simm.s32 $0x200;
	v24 =	vld [tilespmem:s11+$0xA840]  }
.LBB2_5:
0x71: {  	p0 =	sne.s32 s6, $0x9E00;
	v19 =	vsub.f32 v26, v19;
	v26 =	vld [tilespmem:s11+$0xA850]  }
0x72: {  	v21 =	vsub.f32 v28, v21;
	v28 =	vld [tilespmem:s11+$0xA860]  }
0x73: {  	s17 =	sshra.s32 s6, $0x2;
	[tilespmem:s11+$0xA800] =	vst v19;
	v15 =	vadd.f32 v19, v15;
	v29 =	vmul.f32 v19, v19;
	v27 =	vsub.f32 v27, v18;
	v30 =	vld [tilespmem:s11+$0xA870]  }
0x74: {  	v19 =	vld [tilespmem:s17+$0x14800];
	[tilespmem:s11+$0xA810] =	vst v21;
	v14 =	vadd.f32 v21, v14;
	v31 =	vmul.f32 v21, v21;
	v25 =	vsub.f32 v25, v16  }
0x75: {  	v21 =	vld [tilespmem:s17+$0x14810];
	v12 =	vadd.f32 v29, v12;
	[tilespmem:s11+$0xA820] =	vst v27;
	v29 =	vmul.f32 v27, v27;
	v24 =	vsub.f32 v24, v17  }
0x76: {  	v18 =	vld [tilespmem:s17+$0x14820];
	v10 =	vadd.f32 v31, v10;
	[tilespmem:s11+$0xA830] =	vst v25;
	v31 =	vmul.f32 v25, v25;
	v32 =	vsub.f32 v26, v20  }
0x77: {  	v16 =	vld [tilespmem:s17+$0x14830];
	v8 =	vadd.f32 v29, v8;
	[tilespmem:s11+$0xA840] =	vst v24;
	v26 =	vmul.f32 v24, v24;
	v29 =	vsub.f32 v28, v22  }
0x78: {  	v17 =	vld [tilespmem:s17+$0x14840];
	v6 =	vadd.f32 v31, v6;
	[tilespmem:s11+$0xA850] =	vst v32;
	v28 =	vmul.f32 v32, v32;
	v30 =	vsub.f32 v30, v23  }
0x79: {  	v13 =	vadd.f32 v27, v13;
	v20 =	vld [tilespmem:s17+$0x14850];
	v4 =	vadd.f32 v26, v4;
	[tilespmem:s11+$0xA860] =	vst v29;
	v26 =	vmul.f32 v29, v29  }
0x7a: {  	v11 =	vadd.f32 v25, v11;
	v22 =	vld [tilespmem:s17+$0x14860];
	v2 =	vadd.f32 v28, v2;
	[tilespmem:s11+$0xA870] =	vst v30;
	v25 =	vmul.f32 v30, v30;
	s11 =	smov.u32 s17  }
0x7b: {  	v9 =	vadd.f32 v24, v9;
	v23 =	vld [tilespmem:s11+$0x14870];
	v1 =	vadd.f32 v26, v1  }
.Ltmp1:
0x7c: {  	v7 =	vadd.f32 v32, v7;
	v26 =	vld [tilespmem:s11+$0xA800];
	v0 =	vadd.f32 v25, v0;
	(pc) =	sbr.rel @p0 .LBB2_5-.Ltmp1, $4  }
0x7d: {  	v5 =	vadd.f32 v29, v5;
	v3 =	vadd.f32 v30, v3;
	v28 =	vld [tilespmem:s11+$0xA810]  }
0x7e: {  	v27 =	vld [tilespmem:s11+$0xA820]  }
0x7f: {  	v25 =	vld [tilespmem:s11+$0xA830]  }
0x80: {  	s6 =	sadd.s32 $0x200, s6;
	v24 =	vld [tilespmem:s11+$0xA840]  }
0x81: {  	v26 =	vsub.f32 v26, v19;
	v19 =	vld [tilespmem:s11+$0xA850]  }
0x82: {  	v29 =	vld [tilespmem:s11+$0xA860];
	v28 =	vsub.f32 v28, v21  }
0x83: {  	[tilespmem:s11+$0xA800] =	vst v26;
	v27 =	vsub.f32 v27, v18;
	v18 =	vld [tilespmem:s11+$0xA870]  }
0x84: {  	[tilespmem:s11+$0xA810] =	vst v28;
	v25 =	vsub.f32 v25, v16  }
0x85: {  	[tilespmem:s11+$0xA820] =	vst v27;
	v24 =	vsub.f32 v24, v17  }
0x86: {  	s6 =	smul.u32 $0x50, s10;
	[tilespmem:s11+$0xA830] =	vst v25;
	v30 =	vsub.f32 v19, v20  }
0x87: {  	v29 =	vsub.f32 v29, v22;
	[tilespmem:s11+$0xA840] =	vst v24  }
0x88: {  	s6 =	sadd.s32 s5, s6;
	[tilespmem:s11+$0xA850] =	vst v30;
	v31 =	vsub.f32 v18, v23  }
0x89: {  	s6 =	sshll.u32 s6, $0x4;
	[tilespmem:s11+$0xA860] =	vst v29  }
0x8a: {  	s17 =	simm.s32 $0x0;
	s6 =	sadd.s32 s4, s6;
	[tilespmem:s11+$0xA870] =	vst v31  }
0x8b: {  	[hbm4b:s6+s17] =	stream.linear.scatter [tilespmem:s16], [sflag:$0xA], $0x2800, $0x38;
	[tilespmem:$0x1C100] =	vst v63  }
0x8c: {  	_ =	swait.ge [sflag:s26], $0x2800  }
0x8d: {  	[sflag:s26] =	ssyncset.done $0x0  }
0x8e: {  	[sflag:s26] =	ssyncadd.s32 $0xFFFFD800  }
0x8f: {  	_ =	swait.ge [sflag:s28], $0x2800  }
0x90: {  	[sflag:s28] =	ssyncset.done $0x0  }
0x91: {  	s10 =	simm.s32 $0x0;
	[sflag:s28] =	ssyncadd.s32 $0xFFFFD800  }
0x92: {  	v19 =	vld [tilespmem:s10+$0x17000]  }
0x93: {  	v21 =	vld [tilespmem:s10+$0x17010]  }
0x94: {  	v18 =	vld [tilespmem:s10+$0x17020]  }
0x95: {  	v16 =	vld [tilespmem:s10+$0x17030]  }
0x96: {  	v15 =	vadd.f32 v26, v15;
	v22 =	vmul.f32 v26, v26;
	v17 =	vld [tilespmem:s10+$0x17040]  }
0x97: {  	v14 =	vadd.f32 v28, v14;
	v23 =	vmul.f32 v28, v28;
	v28 =	vmul.f32 v25, v25;
	v20 =	vld [tilespmem:s10+$0x17050]  }
0x98: {  	v13 =	vadd.f32 v27, v13;
	v26 =	vmul.f32 v27, v27;
	v12 =	vadd.f32 v22, v12;
	v22 =	vld [tilespmem:s10+$0x17060]  }
0x99: {  	v10 =	vadd.f32 v23, v10;
	v6 =	vadd.f32 v28, v6;
	v28 =	vmul.f32 v30, v30;
	v23 =	vld [tilespmem:s10+$0x17070]  }
0x9a: {  	v11 =	vadd.f32 v25, v11;
	v8 =	vadd.f32 v26, v8;
	v27 =	vmul.f32 v29, v29;
	v26 =	vld [tilespmem:s10+$0xD000]  }
0x9b: {  	v9 =	vadd.f32 v24, v9;
	v25 =	vmul.f32 v31, v31;
	v2 =	vadd.f32 v28, v2;
	v28 =	vld [tilespmem:s10+$0xD010]  }
0x9c: {  	v32 =	vmul.f32 v24, v24;
	v7 =	vadd.f32 v30, v7;
	v1 =	vadd.f32 v27, v1;
	v27 =	vld [tilespmem:s10+$0xD020]  }
0x9d: {  	v5 =	vadd.f32 v29, v5;
	v0 =	vadd.f32 v25, v0;
	v25 =	vld [tilespmem:s10+$0xD030]  }
0x9e: {  	v4 =	vadd.f32 v32, v4;
	v3 =	vadd.f32 v31, v3;
	s6 =	simm.s32 $0x200;
	v24 =	vld [tilespmem:s10+$0xD040]  }
.LBB2_7:
0x9f: {  	p0 =	sne.s32 s6, $0x9E00;
	v19 =	vsub.f32 v26, v19;
	v26 =	vld [tilespmem:s10+$0xD050]  }
0xa0: {  	v21 =	vsub.f32 v28, v21;
	v28 =	vld [tilespmem:s10+$0xD060]  }
0xa1: {  	s11 =	sshra.s32 s6, $0x2;
	[tilespmem:s10+$0xD000] =	vst v19;
	v15 =	vadd.f32 v19, v15;
	v29 =	vmul.f32 v19, v19;
	v27 =	vsub.f32 v27, v18;
	v30 =	vld [tilespmem:s10+$0xD070]  }
0xa2: {  	v19 =	vld [tilespmem:s11+$0x17000];
	[tilespmem:s10+$0xD010] =	vst v21;
	v14 =	vadd.f32 v21, v14;
	v31 =	vmul.f32 v21, v21;
	v25 =	vsub.f32 v25, v16  }
0xa3: {  	v21 =	vld [tilespmem:s11+$0x17010];
	v12 =	vadd.f32 v29, v12;
	[tilespmem:s10+$0xD020] =	vst v27;
	v29 =	vmul.f32 v27, v27;
	v24 =	vsub.f32 v24, v17  }
0xa4: {  	v18 =	vld [tilespmem:s11+$0x17020];
	v10 =	vadd.f32 v31, v10;
	[tilespmem:s10+$0xD030] =	vst v25;
	v31 =	vmul.f32 v25, v25;
	v32 =	vsub.f32 v26, v20  }
0xa5: {  	v16 =	vld [tilespmem:s11+$0x17030];
	v8 =	vadd.f32 v29, v8;
	[tilespmem:s10+$0xD040] =	vst v24;
	v26 =	vmul.f32 v24, v24;
	v29 =	vsub.f32 v28, v22  }
0xa6: {  	v17 =	vld [tilespmem:s11+$0x17040];
	v6 =	vadd.f32 v31, v6;
	[tilespmem:s10+$0xD050] =	vst v32;
	v28 =	vmul.f32 v32, v32;
	v30 =	vsub.f32 v30, v23  }
0xa7: {  	v13 =	vadd.f32 v27, v13;
	v20 =	vld [tilespmem:s11+$0x17050];
	v4 =	vadd.f32 v26, v4;
	[tilespmem:s10+$0xD060] =	vst v29;
	v26 =	vmul.f32 v29, v29  }
0xa8: {  	v11 =	vadd.f32 v25, v11;
	v22 =	vld [tilespmem:s11+$0x17060];
	v2 =	vadd.f32 v28, v2;
	[tilespmem:s10+$0xD070] =	vst v30;
	v25 =	vmul.f32 v30, v30;
	s10 =	smov.u32 s11  }
0xa9: {  	v9 =	vadd.f32 v24, v9;
	v23 =	vld [tilespmem:s10+$0x17070];
	v1 =	vadd.f32 v26, v1  }
.Ltmp2:
0xaa: {  	v7 =	vadd.f32 v32, v7;
	v26 =	vld [tilespmem:s10+$0xD000];
	v0 =	vadd.f32 v25, v0;
	(pc) =	sbr.rel @p0 .LBB2_7-.Ltmp2, $4  }
0xab: {  	v5 =	vadd.f32 v29, v5;
	v3 =	vadd.f32 v30, v3;
	v28 =	vld [tilespmem:s10+$0xD010]  }
0xac: {  	v27 =	vld [tilespmem:s10+$0xD020]  }
0xad: {  	v25 =	vld [tilespmem:s10+$0xD030]  }
0xae: {  	s6 =	sadd.s32 $0x200, s6;
	v24 =	vld [tilespmem:s10+$0xD040]  }
0xaf: {  	v26 =	vsub.f32 v26, v19;
	v19 =	vld [tilespmem:s10+$0xD050]  }
0xb0: {  	v29 =	vld [tilespmem:s10+$0xD060];
	v28 =	vsub.f32 v28, v21  }
0xb1: {  	[tilespmem:s10+$0xD000] =	vst v26;
	v27 =	vsub.f32 v27, v18;
	v18 =	vld [tilespmem:s10+$0xD070]  }
0xb2: {  	[tilespmem:s10+$0xD010] =	vst v28;
	v25 =	vsub.f32 v25, v16  }
0xb3: {  	[tilespmem:s10+$0xD020] =	vst v27;
	v24 =	vsub.f32 v24, v17  }
0xb4: {  	s6 =	smul.u32 $0x50, s9;
	[tilespmem:s10+$0xD030] =	vst v25;
	v30 =	vsub.f32 v19, v20  }
0xb5: {  	v29 =	vsub.f32 v29, v22;
	[tilespmem:s10+$0xD040] =	vst v24  }
0xb6: {  	s6 =	sadd.s32 s5, s6;
	[tilespmem:s10+$0xD050] =	vst v30;
	v31 =	vsub.f32 v18, v23  }
0xb7: {  	s6 =	sshll.u32 s6, $0x4;
	[tilespmem:s10+$0xD060] =	vst v29  }
0xb8: {  	s17 =	simm.s32 $0x0;
	s6 =	sadd.s32 s4, s6;
	[tilespmem:s10+$0xD070] =	vst v31  }
0xb9: {  	[hbm4b:s6+s17] =	stream.linear.scatter [tilespmem:s18], [sflag:$0xB], $0x2800, $0x38;
	[tilespmem:$0x1C100] =	vst v63  }
0xba: {  	_ =	swait.ge [sflag:s29], $0x2800  }
0xbb: {  	[sflag:s29] =	ssyncset.done $0x0  }
0xbc: {  	[sflag:s29] =	ssyncadd.s32 $0xFFFFD800  }
0xbd: {  	_ =	swait.ge [sflag:s30], $0x2800  }
0xbe: {  	[sflag:s30] =	ssyncset.done $0x0  }
0xbf: {  	s9 =	simm.s32 $0x0;
	[sflag:s30] =	ssyncadd.s32 $0xFFFFD800  }
0xc0: {  	v19 =	vld [tilespmem:s9+$0x19800]  }
0xc1: {  	v21 =	vld [tilespmem:s9+$0x19810]  }
0xc2: {  	v18 =	vld [tilespmem:s9+$0x19820]  }
0xc3: {  	v16 =	vld [tilespmem:s9+$0x19830]  }
0xc4: {  	v15 =	vadd.f32 v26, v15;
	v22 =	vmul.f32 v26, v26;
	v17 =	vld [tilespmem:s9+$0x19840]  }
0xc5: {  	v14 =	vadd.f32 v28, v14;
	v23 =	vmul.f32 v28, v28;
	v28 =	vmul.f32 v25, v25;
	v20 =	vld [tilespmem:s9+$0x19850]  }
0xc6: {  	v13 =	vadd.f32 v27, v13;
	v26 =	vmul.f32 v27, v27;
	v12 =	vadd.f32 v22, v12;
	v22 =	vld [tilespmem:s9+$0x19860]  }
0xc7: {  	v10 =	vadd.f32 v23, v10;
	v6 =	vadd.f32 v28, v6;
	v28 =	vmul.f32 v30, v30;
	v23 =	vld [tilespmem:s9+$0x19870]  }
0xc8: {  	v11 =	vadd.f32 v25, v11;
	v8 =	vadd.f32 v26, v8;
	v27 =	vmul.f32 v29, v29;
	v26 =	vld [tilespmem:s9+$0xF800]  }
0xc9: {  	v9 =	vadd.f32 v24, v9;
	v25 =	vmul.f32 v31, v31;
	v2 =	vadd.f32 v28, v2;
	v28 =	vld [tilespmem:s9+$0xF810]  }
0xca: {  	v32 =	vmul.f32 v24, v24;
	v7 =	vadd.f32 v30, v7;
	v1 =	vadd.f32 v27, v1;
	v27 =	vld [tilespmem:s9+$0xF820]  }
0xcb: {  	v5 =	vadd.f32 v29, v5;
	v0 =	vadd.f32 v25, v0;
	v25 =	vld [tilespmem:s9+$0xF830]  }
0xcc: {  	v4 =	vadd.f32 v32, v4;
	v3 =	vadd.f32 v31, v3;
	s6 =	simm.s32 $0x200;
	v24 =	vld [tilespmem:s9+$0xF840]  }
.LBB2_9:
0xcd: {  	p0 =	sne.s32 s6, $0x9E00;
	v19 =	vsub.f32 v26, v19;
	v26 =	vld [tilespmem:s9+$0xF850]  }
0xce: {  	v21 =	vsub.f32 v28, v21;
	v28 =	vld [tilespmem:s9+$0xF860]  }
0xcf: {  	s10 =	sshra.s32 s6, $0x2;
	[tilespmem:s9+$0xF800] =	vst v19;
	v15 =	vadd.f32 v19, v15;
	v29 =	vmul.f32 v19, v19;
	v27 =	vsub.f32 v27, v18;
	v30 =	vld [tilespmem:s9+$0xF870]  }
0xd0: {  	v19 =	vld [tilespmem:s10+$0x19800];
	[tilespmem:s9+$0xF810] =	vst v21;
	v14 =	vadd.f32 v21, v14;
	v31 =	vmul.f32 v21, v21;
	v25 =	vsub.f32 v25, v16  }
0xd1: {  	v21 =	vld [tilespmem:s10+$0x19810];
	v12 =	vadd.f32 v29, v12;
	[tilespmem:s9+$0xF820] =	vst v27;
	v29 =	vmul.f32 v27, v27;
	v24 =	vsub.f32 v24, v17  }
0xd2: {  	v18 =	vld [tilespmem:s10+$0x19820];
	v10 =	vadd.f32 v31, v10;
	[tilespmem:s9+$0xF830] =	vst v25;
	v31 =	vmul.f32 v25, v25;
	v32 =	vsub.f32 v26, v20  }
0xd3: {  	v16 =	vld [tilespmem:s10+$0x19830];
	v8 =	vadd.f32 v29, v8;
	[tilespmem:s9+$0xF840] =	vst v24;
	v26 =	vmul.f32 v24, v24;
	v29 =	vsub.f32 v28, v22  }
0xd4: {  	v17 =	vld [tilespmem:s10+$0x19840];
	v6 =	vadd.f32 v31, v6;
	[tilespmem:s9+$0xF850] =	vst v32;
	v28 =	vmul.f32 v32, v32;
	v30 =	vsub.f32 v30, v23  }
0xd5: {  	v13 =	vadd.f32 v27, v13;
	v20 =	vld [tilespmem:s10+$0x19850];
	v4 =	vadd.f32 v26, v4;
	[tilespmem:s9+$0xF860] =	vst v29;
	v26 =	vmul.f32 v29, v29  }
0xd6: {  	v11 =	vadd.f32 v25, v11;
	v22 =	vld [tilespmem:s10+$0x19860];
	v2 =	vadd.f32 v28, v2;
	[tilespmem:s9+$0xF870] =	vst v30;
	v25 =	vmul.f32 v30, v30;
	s9 =	smov.u32 s10  }
0xd7: {  	v9 =	vadd.f32 v24, v9;
	v23 =	vld [tilespmem:s9+$0x19870];
	v1 =	vadd.f32 v26, v1  }
.Ltmp3:
0xd8: {  	v7 =	vadd.f32 v32, v7;
	v26 =	vld [tilespmem:s9+$0xF800];
	v0 =	vadd.f32 v25, v0;
	(pc) =	sbr.rel @p0 .LBB2_9-.Ltmp3, $4  }
0xd9: {  	v5 =	vadd.f32 v29, v5;
	v3 =	vadd.f32 v30, v3;
	v28 =	vld [tilespmem:s9+$0xF810]  }
0xda: {  	v27 =	vld [tilespmem:s9+$0xF820]  }
0xdb: {  	v25 =	vld [tilespmem:s9+$0xF830]  }
0xdc: {  	s6 =	sadd.s32 $0x200, s6;
	v24 =	vld [tilespmem:s9+$0xF840]  }
0xdd: {  	v19 =	vsub.f32 v26, v19;
	v57 =	vld [tilespmem:s9+$0xF850]  }
0xde: {  	v29 =	vld [tilespmem:s9+$0xF860];
	v21 =	vsub.f32 v28, v21  }
0xdf: {  	v58 =	vld [tilespmem:s9+$0xF870];
	[tilespmem:s9+$0xF800] =	vst v19;
	v18 =	vsub.f32 v27, v18  }
0xe0: {  	[tilespmem:s9+$0xF810] =	vst v21;
	v16 =	vsub.f32 v25, v16  }
0xe1: {  	[tilespmem:s9+$0xF820] =	vst v18;
	v17 =	vsub.f32 v24, v17  }
0xe2: {  	s6 =	smul.u32 $0x50, s8;
	[tilespmem:s9+$0xF830] =	vst v16;
	v20 =	vsub.f32 v57, v20  }
0xe3: {  	v22 =	vsub.f32 v29, v22;
	[tilespmem:s9+$0xF840] =	vst v17  }
0xe4: {  	s6 =	sadd.s32 s5, s6;
	v23 =	vsub.f32 v58, v23;
	[tilespmem:s9+$0xF850] =	vst v20  }
0xe5: {  	s6 =	sshll.u32 s6, $0x4;
	[tilespmem:s9+$0xF860] =	vst v22  }
0xe6: {  	s6 =	sadd.s32 s4, s6;
	[tilespmem:s9+$0xF870] =	vst v23  }
0xe7: {  	[hbm4b:s6+s3] =	stream.linear.scatter [tilespmem:s20], [sflag:$0xC], $0x2800, $0x38;
	[tilespmem:$0x1C100] =	vst v63  }
0xe8: {  	_ =	swait.ge [sflag:s31], $0x2800  }
0xe9: {  	[sflag:s31] =	ssyncset.done $0x0  }
0xea: {  	v15 =	vadd.f32 v19, v15;
	v19 =	vmul.f32 v19, v19;
	[sflag:s31] =	ssyncadd.s32 $0xFFFFD800  }
0xeb: {  	v59 =	vmul.f32 v21, v21;
	_ =	swait.ge [sflag:s1], $0x2800  }
0xec: {  	v14 =	vadd.f32 v21, v14;
	v60 =	vmul.f32 v18, v18;
	v12 =	vadd.f32 v19, v12;
	[sflag:s1] =	ssyncset.done $0x0  }
0xed: {  	s7 =	sadd.s32 $0x1, s7;
	v13 =	vadd.f32 v18, v13;
	v25 =	vmul.f32 v16, v16;
	v10 =	vadd.f32 v59, v10;
	[sflag:s1] =	ssyncadd.s32 $0xFFFFD800  }
0xee: {  	p0 =	sne.s32 s7, $0x1F;
	v11 =	vadd.f32 v16, v11;
	v8 =	vadd.f32 v60, v8;
	_ =	swait.ge [sflag:s0], $0x2800  }
.Ltmp4:
0xef: {  	v61 =	vmul.f32 v17, v17;
	v9 =	vadd.f32 v17, v9;
	v6 =	vadd.f32 v25, v6;
	[sflag:s0] =	ssyncset.done $0x0;
	(pc) =	sbr.rel @p0 .LBB2_2-.Ltmp4, $4  }
0xf0: {  	v62 =	vmul.f32 v20, v20;
	v63 =	vmul.f32 v22, v22;
	v7 =	vadd.f32 v20, v7;
	[sflag:s0] =	ssyncadd.s32 $0xFFFFD800  }
0xf1: {  	v16 =	vmul.f32 v23, v23;
	v5 =	vadd.f32 v22, v5;
	v3 =	vadd.f32 v23, v3;
	_ =	swait.ge [sflag:s12], $0x2800  }
0xf2: {  	v4 =	vadd.f32 v61, v4;
	v2 =	vadd.f32 v62, v2;
	[sflag:s12] =	ssyncset.done $0x0  }
0xf3: {  	v1 =	vadd.f32 v63, v1;
	v0 =	vadd.f32 v16, v0;
	[sflag:s12] =	ssyncadd.s32 $0xFFFFD800  }
0xf4: {  	s6 =	simm.s32 $0x3E00  }
0xf5: {  	[tilespmem:s14], [sflag:$0x1] =	stream.indirect.gather [hbm4b:s2+s13], $0x80, s6, s13, $0xb8;
	[tilespmem:$0x1C100] =	vst v63  }
0xf6: {  	s17 =	simm.s32 $0x7E00  }
0xf7: {  	[tilespmem:s15], [sflag:$0x2] =	stream.indirect.gather [hbm4b:s2+s13], $0x80, s17, s13, $0xb8;
	[tilespmem:$0x1C100] =	vst v63  }
0xf8: {  	_ =	swait.ge [sflag:s22], $0x2800  }
0xf9: {  	[sflag:s22] =	ssyncset.done $0x0  }
0xfa: {  	[sflag:s22] =	ssyncadd.s32 $0xFFFFD800  }
0xfb: {  	_ =	swait.ge [sflag:s23], $0x2800  }
0xfc: {  	[sflag:s23] =	ssyncset.done $0x0  }
0xfd: {  	s7 =	simm.s32 $0x0;
	[sflag:s23] =	ssyncadd.s32 $0xFFFFD800  }
0xfe: {  	v22 =	vld [tilespmem:s7+$0x12000]  }
0xff: {  	v23 =	vld [tilespmem:s7+$0x12010]  }
0x100: {  	v21 =	vld [tilespmem:s7+$0x12020]  }
0x101: {  	v20 =	vld [tilespmem:s7+$0x12030]  }
0x102: {  	v19 =	vld [tilespmem:s7+$0x12040]  }
0x103: {  	v18 =	vld [tilespmem:s7+$0x12050]  }
0x104: {  	v16 =	vld [tilespmem:s7+$0x12060]  }
0x105: {  	v17 =	vld [tilespmem:s7+$0x12070]  }
0x106: {  	v28 =	vld [tilespmem:s7+$0x8000]  }
0x107: {  	v27 =	vld [tilespmem:s7+$0x8010]  }
0x108: {  	v26 =	vld [tilespmem:s7+$0x8020]  }
0x109: {  	v25 =	vld [tilespmem:s7+$0x8030]  }
0x10a: {  	s6 =	simm.s32 $0x200;
	v24 =	vld [tilespmem:s7+$0x8040]  }
.LBB2_12:
0x10b: {  	p0 =	sne.s32 s6, $0x9E00;
	v22 =	vsub.f32 v28, v22;
	v28 =	vld [tilespmem:s7+$0x8050]  }
0x10c: {  	v23 =	vsub.f32 v27, v23;
	v27 =	vld [tilespmem:s7+$0x8060]  }
0x10d: {  	s8 =	sshra.s32 s6, $0x2;
	[tilespmem:s7+$0x8000] =	vst v22;
	v15 =	vadd.f32 v22, v15;
	v29 =	vmul.f32 v22, v22;
	v26 =	vsub.f32 v26, v21;
	v30 =	vld [tilespmem:s7+$0x8070]  }
0x10e: {  	v22 =	vld [tilespmem:s8+$0x12000];
	[tilespmem:s7+$0x8010] =	vst v23;
	v14 =	vadd.f32 v23, v14;
	v31 =	vmul.f32 v23, v23;
	v25 =	vsub.f32 v25, v20  }
0x10f: {  	v23 =	vld [tilespmem:s8+$0x12010];
	v12 =	vadd.f32 v29, v12;
	[tilespmem:s7+$0x8020] =	vst v26;
	v29 =	vmul.f32 v26, v26;
	v24 =	vsub.f32 v24, v19  }
0x110: {  	v21 =	vld [tilespmem:s8+$0x12020];
	v10 =	vadd.f32 v31, v10;
	[tilespmem:s7+$0x8030] =	vst v25;
	v31 =	vmul.f32 v25, v25;
	v32 =	vsub.f32 v28, v18  }
0x111: {  	v20 =	vld [tilespmem:s8+$0x12030];
	v8 =	vadd.f32 v29, v8;
	[tilespmem:s7+$0x8040] =	vst v24;
	v28 =	vmul.f32 v24, v24;
	v29 =	vsub.f32 v27, v16  }
0x112: {  	v19 =	vld [tilespmem:s8+$0x12040];
	v6 =	vadd.f32 v31, v6;
	[tilespmem:s7+$0x8050] =	vst v32;
	v27 =	vmul.f32 v32, v32;
	v30 =	vsub.f32 v30, v17  }
0x113: {  	v13 =	vadd.f32 v26, v13;
	v18 =	vld [tilespmem:s8+$0x12050];
	v4 =	vadd.f32 v28, v4;
	[tilespmem:s7+$0x8060] =	vst v29;
	v26 =	vmul.f32 v29, v29  }
0x114: {  	v11 =	vadd.f32 v25, v11;
	v16 =	vld [tilespmem:s8+$0x12060];
	v2 =	vadd.f32 v27, v2;
	[tilespmem:s7+$0x8070] =	vst v30;
	v25 =	vmul.f32 v30, v30;
	s7 =	smov.u32 s8  }
0x115: {  	v9 =	vadd.f32 v24, v9;
	v17 =	vld [tilespmem:s7+$0x12070];
	v1 =	vadd.f32 v26, v1  }
.Ltmp5:
0x116: {  	v7 =	vadd.f32 v32, v7;
	v28 =	vld [tilespmem:s7+$0x8000];
	v0 =	vadd.f32 v25, v0;
	(pc) =	sbr.rel @p0 .LBB2_12-.Ltmp5, $4  }
0x117: {  	v5 =	vadd.f32 v29, v5;
	v3 =	vadd.f32 v30, v3;
	v27 =	vld [tilespmem:s7+$0x8010]  }
0x118: {  	v26 =	vld [tilespmem:s7+$0x8020]  }
0x119: {  	v25 =	vld [tilespmem:s7+$0x8030]  }
0x11a: {  	s6 =	sadd.s32 $0x200, s6;
	v24 =	vld [tilespmem:s7+$0x8040]  }
0x11b: {  	v22 =	vsub.f32 v28, v22;
	v48 =	vld [tilespmem:s7+$0x8050]  }
0x11c: {  	v29 =	vld [tilespmem:s7+$0x8060];
	v23 =	vsub.f32 v27, v23  }
0x11d: {  	v49 =	vld [tilespmem:s7+$0x8070];
	[tilespmem:s7+$0x8000] =	vst v22;
	v21 =	vsub.f32 v26, v21  }
0x11e: {  	[tilespmem:s7+$0x8010] =	vst v23;
	v20 =	vsub.f32 v25, v20  }
0x11f: {  	[tilespmem:s7+$0x8020] =	vst v21;
	v19 =	vsub.f32 v24, v19  }
0x120: {  	[tilespmem:s7+$0x8030] =	vst v20;
	v18 =	vsub.f32 v48, v18  }
0x121: {  	v16 =	vsub.f32 v29, v16;
	[tilespmem:s7+$0x8040] =	vst v19  }
0x122: {  	v17 =	vsub.f32 v49, v17;
	[tilespmem:s7+$0x8050] =	vst v18  }
0x123: {  	[tilespmem:s7+$0x8060] =	vst v16  }
0x124: {  	s6 =	rddreg [dreg:$0x5];
	[tilespmem:s7+$0x8070] =	vst v17  }
0x125: {  	[hbm4b:s6+s3] =	stream.linear.scatter [tilespmem:s14], [sflag:$0x9], $0x2800, $0x38;
	[tilespmem:$0x1C100] =	vst v63  }
0x126: {  	v50 =	vmul.f32 v22, v22;
	_ =	swait.ge [sflag:s31], $0x2800  }
0x127: {  	v15 =	vadd.f32 v22, v15;
	[sflag:s31] =	ssyncset.done $0x0  }
0x128: {  	v51 =	vmul.f32 v23, v23;
	v12 =	vadd.f32 v50, v12;
	[sflag:s31] =	ssyncadd.s32 $0xFFFFD800  }
0x129: {  	v14 =	vadd.f32 v23, v14;
	[tilespmem:$0x1C000] =	vst v15  }
0x12a: {  	v52 =	vmul.f32 v21, v21;
	v10 =	vadd.f32 v51, v10;
	[tilespmem:$0x1C080] =	vst v12  }
0x12b: {  	v53 =	vadd.f32 v21, v13;
	[tilespmem:$0x1C010] =	vst v14  }
0x12c: {  	v54 =	vmul.f32 v20, v20;
	v8 =	vadd.f32 v52, v8;
	[tilespmem:$0x1C090] =	vst v10  }
0x12d: {  	v55 =	vadd.f32 v20, v11;
	[tilespmem:$0x1C020] =	vst v53  }
0x12e: {  	v56 =	vmul.f32 v19, v19;
	v6 =	vadd.f32 v54, v6;
	[tilespmem:$0x1C0A0] =	vst v8  }
0x12f: {  	v57 =	vadd.f32 v19, v9;
	[tilespmem:$0x1C030] =	vst v55  }
0x130: {  	v58 =	vmul.f32 v18, v18;
	v4 =	vadd.f32 v56, v4;
	[tilespmem:$0x1C0B0] =	vst v6  }
0x131: {  	v59 =	vadd.f32 v18, v7;
	[tilespmem:$0x1C040] =	vst v57  }
0x132: {  	v60 =	vmul.f32 v16, v16;
	v2 =	vadd.f32 v58, v2;
	[tilespmem:$0x1C0C0] =	vst v4  }
0x133: {  	v61 =	vadd.f32 v16, v5;
	[tilespmem:$0x1C050] =	vst v59  }
0x134: {  	v62 =	vmul.f32 v17, v17;
	v1 =	vadd.f32 v60, v1;
	[tilespmem:$0x1C0D0] =	vst v2  }
0x135: {  	v63 =	vadd.f32 v17, v3;
	[tilespmem:$0x1C060] =	vst v61  }
0x136: {  	v0 =	vadd.f32 v62, v0;
	[tilespmem:$0x1C0E0] =	vst v1  }
0x137: {  	s10 =	simm.s32 $0x80;
	[tilespmem:$0x1C070] =	vst v63  }
0x138: {  	s8 =	simm.s32 $0x400;
	s9 =	simm.s32 $0x1C000;
	s7 =	rddreg [dreg:$0x6];
	[tilespmem:$0x1C0F0] =	vst v0  }
0x139: {  	[hbm4b:s7+s10] =	stream.strided.scatter [tilespmem:s9], [sflag:$0xD], $0x100, s8, s10, $0x38;
	[tilespmem:$0x1C100] =	vst v63  }
0x13a: {  	s7 =	simm.s32 $0xD  }
0x13b: {  	_ =	swait.ge [sflag:s7], $0x100  }
0x13c: {  	s11 =	rddreg [dreg:$0x8]  }
0x13d: {  	s17 =	rddreg [dreg:$0x7];
	s8 =	sadd.s32 $0x1, s11  }
0x13e: {  	p0 =	sne.s32 s8, s17  }
.Ltmp6:
0x13f: {  	_ = 	snop;
	(pc) =	sbr.rel @p0 .LBB2_1-.Ltmp6, $3  }
0x140: {  	_ =	sdelay $0x1  }
0x141: {  	[sflag:s7] =	ssyncset.done $0x0  }
0x142: {  	[sflag:s7] =	ssyncadd.s32 $0xFFFFFF00  }
0x143: {  	_ =	sfence.sel $0x180000  }
0x144: {  	[bflag:$0x0] =	sbarrier.arrive $0xFFFF  }
0x145: {  	_ =	strace $0x90000047  }
0x146: {  	s0 =	stileid.u32;
	[bflag:$0x2] =	sbarrier.arrive $0xFFFF  }
0x147: {  	p0 =	sne.s32 s0, $0x0;
	s0 =	rddreg [dreg:$0x2]  }
0x148: {  	s0 =	sadd.s32 @!p0 $0x100000, s0  }
0x149: {  	[sflag:s0] =	ssyncadd.tile.s32 @!p0 $0x1;
	_ =	shalt  }
.Lfunc_end2:
_tile_overlayer_lowered:
.L_overlay_start_2:
0x14a: {  	(tag) =	ssettag $0x2  }
0x14b: {  	s0 =	rddreg [dreg:$0x0];
	s2 =	stileid.u32  }
0x14c: {  	s1 =	rddreg [dreg:$0x1];
	p0 =	sne.s32 s2, $0x0  }
0x14d: {  	s3 =	rddreg [dreg:$0x2];
	[bflag:$0x3] =	sbarrier.arrive $0xFFFF;
	s2 =	simm.s32 @!p0 $0x1C0D  }
0x14e: {  	[timem:s3], [sflag:s2] =	dma.local @!p0 [hbm:s0], s1  }
0x14f: {  	s0 =	simm.s32 @!p0 $0xD  }
0x150: {  	_ =	swait.ge @!p0 [sflag:s0], s1  }
0x151: {  	s1 =	ssub.s32 @!p0 $0x0, s1;
	[sflag:s0] =	ssyncset.done @!p0 $0x0  }
0x152: {  	[sflag:s0] =	ssyncadd.s32 @!p0 s1  }
0x153: {  	[bflag:$0x3] =	sbarrier.arrive $0xFFFF  }
0x154: {  	_ =	shalt  }

// kernel: kernel.9.cloned.1.call-start
scs
__scs_entry_jumppad:
0x0: {  	(pc) =	sbr.rel $0x88, $3  }
0x1: {  	(tag) =	ssettag $0x0;
	lr =	simm.s32 $0x1  }
0x2: {  	[smem:$0x3F95] =	sst lr;
	_ =	strace $0xD0000000  }
0x3: {  	_ = 	snop  }
0x4: {  	_ = 	snop  }
0x5: {  	_ = 	snop  }
0x6: {  	_ = 	snop  }
0x7: {  	_ = 	snop  }
__scs_overlays_trampoline_lowered:
0x8: {  	[smem:$0x3FA4] =	sst s0  }
0x9: {  	[smem:$0x3FA5] =	sst s1  }
0xa: {  	[smem:$0x3FA6] =	sst s2  }
0xb: {  	[smem:$0x3FA7] =	sst s3  }
0xc: {  	[smem:$0x3FA8] =	sst s4  }
0xd: {  	[smem:$0x3FA9] =	sst s5  }
0xe: {  	[smem:$0x3FAA] =	sst s6  }
0xf: {  	[smem:$0x3FAB] =	sst s7  }
0x10: {  	[smem:$0x3FAC] =	sst s8  }
0x11: {  	[smem:$0x3FAD] =	sst s9;
	s0 =	simm.s32 @!p0 $0x0  }
0x12: {  	s1 =	sld [smem:$0x3F93];
	s0 =	simm.s32 @p0 $0x1  }
0x13: {  	[smem:$0x3FAE] =	sst s0;
	s0 =	simm.s32 @!p1 $0x0  }
0x14: {  	s2 =	sld [smem:$0x3F92];
	s0 =	simm.s32 @p1 $0x1  }
0x15: {  	[smem:$0x3FAF] =	sst s0;
	s0 =	simm.s32 @!p2 $0x0  }
0x16: {  	s3 =	sld [smem:$0x3FDB];
	s0 =	simm.s32 @p2 $0x1  }
0x17: {  	s4 =	simm.s32 $0x1BF5;
	[smem:$0x3FB1] =	sst s0  }
0x18: {  	s0 =	sld [smem:$0x3F94];
	_ =	swait.ge [sflag:s4], $0x0  }
0x19: {  	s7 =	sld [smem:$0x3F95]  }
0x1a: {  	s8 =	sadd.s32 $0xFFFFE003, lr  }
0x1b: {  	s9 =	sadd.s32 $0xFFFFFEF7, lr;
	s5 =	simm.s32 $0xFFFFFFFF;
	p2 =	slt.u32 s8, $0xFFFFF086  }
0x1c: {  	p1 =	slt.u32 s9, $0xF7A;
	s5 =	simm.s32 @!p2 $0x0  }
0x1d: {  	s5 =	simm.s32 @p1 $0x1;
	p0 =	seq.s32 s7, s2  }
0x1e: {  	s7 =	smul.u32 @!p0 $0xF7A, s2;
	p2 =	seq.s32 @!p0 s5, $0x0  }
0x1f: {  	s9 =	smul.u32 $0xF7A, s1;
	s8 =	simm.s32 @!p0 $0x1BF5;
	p2 =	por !p2, p0  }
0x20: {  	[sflag:s8] =	ssyncset.s32 @!p0 $0xFFFFF086;
	s6 =	sadd.s32 @!p0 s3, s7;
	s7 =	simm.s32 @!p0 $0x108  }
0x21: {  	s3 =	sadd.s32 s3, s9;
	s6 =	sadd.s32 @!p0 $0x88, s6;
	s7 =	simm.s32 @p2 $0x1082  }
0x22: {  	[simem:s7], [sflag:s8] =	dma.local @!p0 [hbm:s6], $0xF7A  }
0x23: {  	s9 =	sor.u32 $0xD0000000, s2;
	s6 =	simm.s32 $0x108;
	_ =	swait.ge @!p0 [sflag:s8], $0x0  }
0x24: {  	s3 =	sadd.s32 $0x88, s3;
	s6 =	simm.s32 @!p1 $0x1082;
	[sflag:s4] =	ssyncset.s32 $0xFFFFF086  }
0x25: {  	[simem:s6], [sflag:s4] =	dma.local [hbm:s3], $0xF7A  }
0x26: {  	[smem:$0x3F95] =	sst s1;
	(tag) =	ssettag s2;
	_ =	strace s9  }
0x27: {  	s1 =	sld [smem:$0x3FA5]  }
0x28: {  	s2 =	sld [smem:$0x3FA6]  }
0x29: {  	s4 =	sld [smem:$0x3FA8]  }
0x2a: {  	p0 =	seq.s32 s5, $0x0;
	s5 =	sld [smem:$0x3FA9]  }
0x2b: {  	s6 =	sld [smem:$0x3FAA]  }
0x2c: {  	s7 =	sld [smem:$0x3FAB]  }
0x2d: {  	s3 =	simm.s32 $0x108;
	s8 =	sld [smem:$0x3FAC]  }
0x2e: {  	s3 =	simm.s32 @!p0 $0x1082;
	s9 =	sld [smem:$0x3FAD]  }
0x2f: {  	lr =	sadd.s32 s0, s3;
	s0 =	sld [smem:$0x3FA4]  }
0x30: {  	s3 =	sld [smem:$0x3FA7]  }
0x31: {  	[smem:$0x3FB0] =	sst s10  }
0x32: {  	s10 =	sld [smem:$0x3FAE];
	_ =	sdelay $0x3  }
0x33: {  	p0 =	seq.s32 s10, $0x1;
	s10 =	sld [smem:$0x3FB0];
	_ =	sdelay $0x3  }
0x34: {  	[smem:$0x3FB0] =	sst s10  }
0x35: {  	s10 =	sld [smem:$0x3FAF];
	_ =	sdelay $0x3  }
0x36: {  	p1 =	seq.s32 s10, $0x1;
	s10 =	sld [smem:$0x3FB0];
	_ =	sdelay $0x3  }
0x37: {  	[smem:$0x3FB0] =	sst s10  }
0x38: {  	s10 =	sld [smem:$0x3FB1]  }
0x39: {  	_ = 	snop;
	(pc) =	sbr.ind lr, $3  }
0x3a: {  	_ = 	snop  }
0x3b: {  	_ = 	snop  }
0x3c: {  	p2 =	seq.s32 s10, $0x1;
	s10 =	sld [smem:$0x3FB0]  }
0x3d: {  	_ =	shalt  }
0x3e: {  	_ =	shalt  }
0x3f: {  	_ =	shalt  }
0x40: {  	_ =	shalt  }
0x41: {  	_ =	shalt  }
0x42: {  	_ =	shalt  }
0x43: {  	_ =	shalt  }
0x44: {  	_ =	shalt  }
0x45: {  	_ =	shalt  }
0x46: {  	_ =	shalt  }
0x47: {  	_ =	shalt  }
0x48: {  	_ =	shalt  }
0x49: {  	_ =	shalt  }
0x4a: {  	_ =	shalt  }
0x4b: {  	_ =	shalt  }
0x4c: {  	_ =	shalt  }
0x4d: {  	_ =	shalt  }
0x4e: {  	_ =	shalt  }
0x4f: {  	_ =	shalt  }
0x50: {  	_ =	shalt  }
0x51: {  	_ =	shalt  }
0x52: {  	_ =	shalt  }
0x53: {  	_ =	shalt  }
0x54: {  	_ =	shalt  }
0x55: {  	_ =	shalt  }
0x56: {  	_ =	shalt  }
0x57: {  	_ =	shalt  }
0x58: {  	_ =	shalt  }
0x59: {  	_ =	shalt  }
0x5a: {  	_ =	shalt  }
0x5b: {  	_ =	shalt  }
0x5c: {  	_ =	shalt  }
0x5d: {  	_ =	shalt  }
0x5e: {  	_ =	shalt  }
0x5f: {  	_ =	shalt  }
0x60: {  	_ =	shalt  }
0x61: {  	_ =	shalt  }
0x62: {  	_ =	shalt  }
0x63: {  	_ =	shalt  }
0x64: {  	_ =	shalt  }
0x65: {  	_ =	shalt  }
0x66: {  	_ =	shalt  }
0x67: {  	_ =	shalt  }
0x68: {  	_ =	shalt  }
0x69: {  	_ =	shalt  }
0x6a: {  	_ =	shalt  }
0x6b: {  	_ =	shalt  }
0x6c: {  	_ =	shalt  }
0x6d: {  	_ =	shalt  }
0x6e: {  	_ =	shalt  }
0x6f: {  	_ =	shalt  }
0x70: {  	_ =	shalt  }
0x71: {  	_ =	shalt  }
0x72: {  	_ =	shalt  }
0x73: {  	_ =	shalt  }
0x74: {  	_ =	shalt  }
0x75: {  	_ =	shalt  }
0x76: {  	_ =	shalt  }
0x77: {  	_ =	shalt  }
0x78: {  	_ =	shalt  }
0x79: {  	_ =	shalt  }
0x7a: {  	_ =	shalt  }
0x7b: {  	_ =	shalt  }
0x7c: {  	_ =	shalt  }
0x7d: {  	_ =	shalt  }
0x7e: {  	_ =	shalt  }
0x7f: {  	_ =	shalt  }
0x80: {  	_ =	shalt  }
0x81: {  	_ =	shalt  }
0x82: {  	_ =	shalt  }
0x83: {  	_ =	shalt  }
0x84: {  	_ =	shalt  }
0x85: {  	_ =	shalt  }
0x86: {  	_ =	shalt  }
0x87: {  	_ =	shalt  }
.Lfunc_end0:
.L_simem_size_0:
called_computation.1_lowered:
.L_overlay_start_0:
0x88: {  	s2 =	sld [smem:$0x3FD9]  }
0x89: {  	s3 =	sld [smem:$0x3FFE];
	_ =	sdelay $0x1  }
0x8a: {  	s1 =	srdreg.scid  }
0x8b: {  	s0 =	sand.u32 $0x1, s1  }
0x8c: {  	s17 =	sshll.u32 s0, $0xA;
	s2 =	sadd.s32 s3, s2  }
0x8d: {  	s2 =	sadd.s32 s2, s17  }
0x8e: {  	[smem:$0x3FBC] =	sst s2  }
0x8f: {  	_ = 	snop  }
0x90: {  	s2 =	sld [smem:$0x3FD0];
	(tm) =	ssettm $0x1  }
0x91: {  	s18 =	sld [smem:$0x3FFB];
	_ =	sdelay $0x3  }
0x92: {  	_ =	strace s18  }
0x93: {  	s3 =	sld [smem:$0x3FFC];
	_ =	sdelay $0x3  }
0x94: {  	_ =	strace s3  }
0x95: {  	s3 =	sld [smem:$0x3FFD];
	_ =	sdelay $0x3  }
0x96: {  	_ =	strace s3  }
0x97: {  	_ =	strace $0x8FFFFFFF  }
0x98: {  	s19 =	sld [smem:$0x3FDB];
	_ =	sdelay $0x1  }
0x99: {  	s4 =	simm.s32 $_scs_section_size  }
0x9a: {  	s5 =	simm.s32 $_size__tile_overlayer_lowered;
	s6 =	simm.s32 $_tile_overlayer_lowered  }
0x9b: {  	s22 =	simm.s32 $0x1BFF;
	s21 =	sshll.u32 s6, $0x1;
	s3 =	sadd.s32 s4, s19  }
0x9c: {  	s7 =	simm.s32 $0x0;
	s20 =	sshll.u32 s5, $0x1;
	s5 =	sadd.s32 s21, s3  }
0x9d: {  	[timem:s7], [sflag:s22] =	dma.local [hbm:s5], s20  }
0x9e: {  	_ =	swait.ge [sflag:s22], s20  }
0x9f: {  	s4 =	ssub.s32 $0x0, s20;
	[sflag:s22] =	ssyncset.done $0x0  }
0xa0: {  	[sflag:s22] =	ssyncadd.s32 s4;
	_ =	sdelay $0x1  }
0xa1: {  	s23 =	simm.s32 $0x1B8B  }
0xa2: {  	_ =	swait.ge [sflag:s23], $0x1  }
0xa3: {  	[sflag:s23] =	ssyncset.done $0x0  }
0xa4: {  	s25 =	simm.s32 $0x1B8E;
	s24 =	sld [smem:$0x3FFE];
	[sflag:s23] =	ssyncadd.s32 $0xFFFFFFFF  }
0xa5: {  	s26 =	simm.s32 $execute0_lowered;
	[smem:$0x3FD2] =	sst s25  }
0xa6: {  	s5 =	sshll.u32 s26, $0x1;
	_ =	strace $0x80000049;
	[dreg:$0x1] =	wrdreg $0xFFFFFFFF  }
0xa7: {  	s28 =	simm.s32 $_size_execute0_lowered;
	s3 =	sadd.s32 s3, s5;
	[dreg:$0x0] =	wrdreg $0x0  }
0xa8: {  	s5 =	sshll.u32 s28, $0x1;
	[dreg:$0x2] =	wrdreg s3  }
0xa9: {  	[dreg:$0x3] =	wrdreg s5  }
0xaa: {  	[dreg:$0x4] =	wrdreg $0xC0  }
0xab: {  	_ =	task [dreg:s7], $0x5FFFF  }
0xac: {  	[dreg:$0x1] =	wrdreg $0xFFFFFFFF  }
0xad: {  	[dreg:$0x0] =	wrdreg $0x60  }
0xae: {  	[dreg:$0x2] =	wrdreg s24  }
0xaf: {  	[dreg:$0x3] =	wrdreg s2  }
0xb0: {  	[dreg:$0x4] =	wrdreg $0xB9000  }
0xb1: {  	[dreg:$0x5] =	wrdreg $0x9  }
0xb2: {  	_ =	task.clear_ibuf [dreg:s7], $0x6FFFF;
	_ =	strace $0x90000049  }
0xb3: {  	s29 =	simm.s32 $0x9;
	_ =	strace $0x8000004B  }
0xb4: {  	_ =	swait.ge [sflag:s29], $0x1  }
0xb5: {  	[sflag:s29] =	ssyncadd.s32 $0xFFFFFFFF  }
0xb6: {  	_ =	strace $0x9000004B  }
0xb7: {  	_ =	sfence  }
0xb8: {  	s30 =	sld [smem:$0x0];
	_ =	sdelay $0x2  }
0xb9: {  	s31 =	sshll.u32 s1, $0xD;
	s1 =	sshrl.u32 s1, $0x2  }
0xba: {  	s3 =	sand.u32 $0x4000, s31;
	s1 =	sadd.s32 s1, s30  }
0xbb: {  	s0 =	sor.u32 s3, s0;
	s1 =	sshll.u32 s1, $0x11  }
0xbc: {  	s0 =	sor.u32 s1, s0  }
0xbd: {  	s0 =	sadd.s32 $0x8F2B, s0  }
0xbe: {  	[sflag:s0] =	ssyncadd.remote.s32 $0x1  }
0xbf: {  	_ =	sfence.sel $0xFFFF  }
0xc0: {  	[dreg:$0x0] =	wrdreg $0xFFFFFFFF;
	(pc) =	sbr.abs _section_cstart, $3  }
0xc1: {  	[dreg:$0x1] =	wrdreg $0xFFFFFFFF  }
0xc2: {  	_ =	task.clear_ibuf [dreg:s7], $0x2FFFF;
	_ =	strace $0x9FFFFFFF  }
0xc3: {  	(tm) =	ssettm $0x7FFFFFFF  }
tec
execute0_lowered:
.L_overlay_start_1:
0x0: {  	(tag) =	ssettag $0x1  }
0x1: {  	s0 =	rddreg [dreg:$0x0]  }
0x2: {  	s1 =	rddreg [dreg:$0x1]  }
0x3: {  	s2 =	rddreg [dreg:$0x2];
	s4 =	simm.s32 $0x0  }
0x4: {  	s3 =	srdreg.scid;
	s16 =	stileid.u32;
	s17 =	simm.s32 $0x7  }
0x5: {  	s20 =	simm.s32 $0x4000;
	s21 =	simm.s32 $0x6800;
	s22 =	simm.s32 $0x9000  }
0x6: {  	s28 =	simm.s32 $0x3;
	s29 =	simm.s32 $0x5;
	s30 =	simm.s32 $0x6  }
0x7: {  	[smem:$0x7FF] =	sst s4;
	s3 =	sand.u32 $0x1, s3;
	s23 =	sshll.u32 s16, $0x1  }
0x8: {  	s4 =	sadd.s32 $0x21C00, s0;
	s24 =	sadd.s32 $0x21800, s0;
	s8 =	smul.u32 $0x4E000, s16  }
0x9: {  	s10 =	sshll.u32 s16, $0x6;
	s18 =	sadd.s32 $0x138000, s2;
	p0 =	sne.s32 s16, $0xF  }
0xa: {  	_ =	strace $0x8000004A;
	s5 =	sor.u32 s3, s23;
	s7 =	smul.u32 $0x27100, s3  }
0xb: {  	[dreg:$0x4] =	wrdreg s24;
	s3 =	ssub.s32 $0x2, s3;
	s18 =	sshrl.u32 @!p0 s18, $0x3  }
0xc: {  	s23 =	simm.s32 $0x1;
	s24 =	simm.s32 $0x50;
	s6 =	sshll.u32 s5, $0xB  }
0xd: {  	s25 =	sshrl.u32 s3, $0x1;
	s8 =	sshrl.u32 s8, $0x2;
	s9 =	smul.u32 $0x138800, s5  }
0xe: {  	s11 =	sadd.s32 s6, s0;
	s0 =	sadd.s32 s7, s0;
	s6 =	smul.u32 $0x2700, s16  }
0xf: {  	s3 =	ssub.s32 s3, s25;
	s7 =	smul.u32 $0x2710, s5;
	s26 =	sadd.s32 s8, s2  }
0x10: {  	s25 =	simm.s32 $0x2;
	s12 =	sshrl.u32 s9, $0x3;
	s9 =	sor.u32 $0x1C07, s10  }
0x11: {  	s10 =	sadd.s32 $0x27000, s1;
	s11 =	sadd.s32 $0x11800, s11;
	s14 =	sadd.s32 $0x503C00, s0  }
0x12: {  	s15 =	smax.u32 s3, $0x1;
	s16 =	sshrl.u32 s26, $0x3;
	s26 =	simm.s32 $0x4  }
0x13: {  	v0 =	vimm.f32 $2.048000000e+03;
	vm0 =	vcmask $0x3B00;
	s31 =	sadd.s32 s1, s6;
	s13 =	sadd.s32 s4, s12;
	s1 =	simm.s32 $0x0  }
0x14: {  	v0 =	vsel vm0, $0x0, v0;
	[dreg:$0x5] =	wrdreg s31;
	s12 =	sadd.s32 $0x26700, s13;
	s13 =	sadd.s32 $0x26C00, s13  }
.LBB2_1:
0x15: {  	s0 =	rddreg [dreg:$0x5]  }
0x16: {  	[spmem:s16], [sflag:s9] =	dma.local [hbm:s0], $0x2700  }
0x17: {  	_ =	swait.ge [sflag:s17], $0x2700  }
0x18: {  	[sflag:s17] =	ssyncset.done $0x0  }
0x19: {  	s0 =	simm.s32 @!p0 $0x7;
	[sflag:s17] =	ssyncadd.s32 $0xFFFFD900  }
0x1a: {  	[spmem:s18], [sflag:s9] =	dma.local @!p0 [hbm:s10], $0x100  }
0x1b: {  	_ =	swait.ge @!p0 [sflag:s0], $0x100  }
0x1c: {  	[sflag:s0] =	ssyncset.done @!p0 $0x0  }
0x1d: {  	s31 =	simm.s32 $0x0;
	[sflag:s0] =	ssyncadd.s32 @!p0 $0xFFFFFF00  }
0x1e: {  	[tilespmem:s31], [sflag:$0x7] =	stream.linear.gather [hbm4b:s11+s31], $0x3E80, $0x38;
	[tilespmem:$0x1F180] =	vst v63  }
0x1f: {  	_ =	swait.ge [sflag:s17], $0x3E80  }
0x20: {  	[sflag:s17] =	ssyncset.done $0x0  }
0x21: {  	s5 =	simm.s32 $0xB800;
	s3 =	rddreg [dreg:$0x4];
	[sflag:s17] =	ssyncadd.s32 $0xFFFFC180  }
0x22: {  	[tilespmem:s5], [sflag:$0x7] =	stream.linear.gather [hbm4b:s3+s31], $0x100, $0x38;
	[tilespmem:$0x1F180] =	vst v63  }
0x23: {  	_ =	swait.ge [sflag:s17], $0x100  }
0x24: {  	[sflag:s17] =	ssyncset.done $0x0  }
0x25: {  	[sflag:s17] =	ssyncadd.s32 $0xFFFFFF00  }
0x26: {  	v14 =	vld [tilespmem:$0xB800]  }
0x27: {  	v12 =	vld [tilespmem:$0xB810]  }
0x28: {  	v10 =	vld [tilespmem:$0xB820]  }
0x29: {  	v9 =	vld [tilespmem:$0xB830]  }
0x2a: {  	v7 =	vld [tilespmem:$0xB840]  }
0x2b: {  	v3 =	vld [tilespmem:$0xB850]  }
0x2c: {  	v1 =	vld [tilespmem:$0xB860]  }
0x2d: {  	v5 =	vld [tilespmem:$0xB870]  }
0x2e: {  	v16 =	vld [tilespmem:$0xB880]  }
0x2f: {  	v15 =	vld [tilespmem:$0xB890]  }
0x30: {  	v13 =	vld [tilespmem:$0xB8A0]  }
0x31: {  	v11 =	vld [tilespmem:$0xB8B0]  }
0x32: {  	v8 =	vld [tilespmem:$0xB8C0]  }
0x33: {  	v4 =	vld [tilespmem:$0xB8D0]  }
0x34: {  	v2 =	vld [tilespmem:$0xB8E0]  }
0x35: {  	s19 =	simm.s32 $0x0;
	v6 =	vld [tilespmem:$0xB8F0];
	[bflag:$0x0] =	sbarrier.arrive $0xFFFF  }
.LBB2_2:
0x36: {  	s0 =	smul.u32 $0xF0, s19  }
0x37: {  	s5 =	smul.u32 $0x3, s19  }
0x38: {  	s0 =	sadd.s32 s7, s0  }
0x39: {  	s3 =	sshll.u32 s0, $0x4;
	s0 =	sadd.s32 $0x1, s5  }
0x3a: {  	s31 =	simm.s32 $0x0;
	s3 =	sadd.s32 s4, s3;
	s8 =	smul.u32 $0x50, s0  }
0x3b: {  	[tilespmem:s20], [sflag:$0x1] =	stream.linear.gather [hbm4b:s3+s31], $0x2800, $0x38;
	[tilespmem:$0x1F180] =	vst v63  }
0x3c: {  	s8 =	sadd.s32 s7, s8  }
0x3d: {  	s8 =	sshll.u32 s8, $0x4  }
0x3e: {  	s8 =	sadd.s32 s4, s8  }
0x3f: {  	[tilespmem:s21], [sflag:$0x2] =	stream.linear.gather [hbm4b:s8+s31], $0x2800, $0x38;
	[tilespmem:$0x1F180] =	vst v63  }
0x40: {  	s3 =	sadd.s32 $0xA00, s3  }
0x41: {  	[tilespmem:s22], [sflag:$0x3] =	stream.linear.gather [hbm4b:s3+s31], $0x2800, $0x38;
	[tilespmem:$0x1F180] =	vst v63  }
0x42: {  	_ =	swait.ge [sflag:s23], $0x2800  }
0x43: {  	[sflag:s23] =	ssyncset.done $0x0  }
0x44: {  	s3 =	simm.s32 $0x0;
	[sflag:s23] =	ssyncadd.s32 $0xFFFFD800  }
0x45: {  	v19 =	vld [tilespmem:s3+$0x4000]  }
0x46: {  	v21 =	vld [tilespmem:s3+$0x4010]  }
0x47: {  	v17 =	vld [tilespmem:s3+$0x4020]  }
0x48: {  	v20 =	vld [tilespmem:s3+$0x4030]  }
0x49: {  	v18 =	vld [tilespmem:s3+$0x4040]  }
0x4a: {  	s31 =	sadd.s32 $0x2, s5;
	s5 =	simm.s32 $0x200;
	v22 =	vmul.f32 v19, v14;
	v19 =	vld [tilespmem:s3+$0x4050]  }
.LBB2_3:
0x4b: {  	p1 =	sne.s32 s5, $0x9E00;
	v21 =	vmul.f32 v21, v12;
	v23 =	vld [tilespmem:s3+$0x4070]  }
0x4c: {  	v22 =	vadd.f32 v22, v16;
	v24 =	vld [tilespmem:s3+$0x4060]  }
0x4d: {  	v17 =	vmul.f32 v17, v10;
	v21 =	vadd.f32 v21, v15  }
0x4e: {  	v20 =	vmul.f32 v20, v9;
	v22 =	vmax.f32 v22, $0.0e+00  }
0x4f: {  	v17 =	vadd.f32 v17, v13;
	v18 =	vmul.f32 v18, v7;
	v21 =	vmax.f32 v21, $0.0e+00  }
0x50: {  	v20 =	vadd.f32 v20, v11;
	v19 =	vmul.f32 v19, v3;
	[tilespmem:s3+$0x4000] =	vst v22;
	v22 =	vmul.f32 v23, v5  }
0x51: {  	s8 =	sshra.s32 s5, $0x2;
	v17 =	vmax.f32 v17, $0.0e+00;
	v18 =	vadd.f32 v18, v8;
	[tilespmem:s3+$0x4010] =	vst v21;
	v23 =	vmul.f32 v24, v1  }
0x52: {  	v19 =	vadd.f32 v19, v4;
	v24 =	vld [tilespmem:s8+$0x4000];
	[tilespmem:s3+$0x4020] =	vst v17;
	v17 =	vmax.f32 v20, $0.0e+00;
	v20 =	vadd.f32 v22, v6  }
.Ltmp0:
0x53: {  	v18 =	vmax.f32 v18, $0.0e+00;
	v21 =	vld [tilespmem:s8+$0x4010];
	[tilespmem:s3+$0x4030] =	vst v17;
	v22 =	vadd.f32 v23, v2;
	(pc) =	sbr.rel @p1 .LBB2_3-.Ltmp0, $4  }
0x54: {  	v17 =	vld [tilespmem:s8+$0x4020];
	[tilespmem:s3+$0x4040] =	vst v18;
	v18 =	vmax.f32 v19, $0.0e+00;
	v19 =	vmax.f32 v20, $0.0e+00  }
0x55: {  	v20 =	vld [tilespmem:s8+$0x4030];
	[tilespmem:s3+$0x4050] =	vst v18;
	v22 =	vmax.f32 v22, $0.0e+00;
	v23 =	vadd.f32 v0, v19  }
0x56: {  	v18 =	vld [tilespmem:s8+$0x4040];
	[tilespmem:s3+$0x4060] =	vst v22  }
0x57: {  	s5 =	sadd.s32 $0x200, s5;
	v22 =	vmul.f32 v24, v14;
	v19 =	vld [tilespmem:s8+$0x4050];
	[tilespmem:s3+$0x4070] =	vst v23;
	s3 =	smov.u32 s8  }
0x58: {  	v21 =	vmul.f32 v21, v12;
	v23 =	vld [tilespmem:s3+$0x4070]  }
0x59: {  	v24 =	vld [tilespmem:s3+$0x4060];
	v22 =	vadd.f32 v22, v16  }
0x5a: {  	v17 =	vmul.f32 v17, v10;
	v21 =	vadd.f32 v21, v15  }
0x5b: {  	v20 =	vmul.f32 v20, v9;
	v22 =	vmax.f32 v22, $0.0e+00  }
0x5c: {  	v17 =	vadd.f32 v17, v13;
	v18 =	vmul.f32 v18, v7;
	v21 =	vmax.f32 v21, $0.0e+00  }
0x5d: {  	[tilespmem:s3+$0x4000] =	vst v22;
	v20 =	vadd.f32 v20, v11;
	v19 =	vmul.f32 v19, v3;
	v22 =	vmul.f32 v23, v5  }
0x5e: {  	[tilespmem:s3+$0x4010] =	vst v21;
	v17 =	vmax.f32 v17, $0.0e+00;
	v18 =	vadd.f32 v18, v8;
	v21 =	vmul.f32 v24, v1  }
0x5f: {  	[tilespmem:s3+$0x4020] =	vst v17;
	v17 =	vmax.f32 v20, $0.0e+00;
	v19 =	vadd.f32 v19, v4;
	v20 =	vadd.f32 v22, v6  }
0x60: {  	[tilespmem:s3+$0x4030] =	vst v17;
	v17 =	vmax.f32 v18, $0.0e+00;
	v18 =	vadd.f32 v21, v2  }
0x61: {  	[tilespmem:s3+$0x4040] =	vst v17;
	v17 =	vmax.f32 v19, $0.0e+00;
	v19 =	vmax.f32 v20, $0.0e+00  }
0x62: {  	s5 =	smul.u32 $0x600, s19;
	[tilespmem:s3+$0x4050] =	vst v17;
	v17 =	vmax.f32 v18, $0.0e+00;
	v18 =	vadd.f32 v0, v19  }
0x63: {  	[tilespmem:s3+$0x4060] =	vst v17  }
0x64: {  	s8 =	sshra.s32 s5, $0x2;
	[tilespmem:s3+$0x4070] =	vst v18  }
0x65: {  	[spmem:s2] =	stream.indirect.scatter.add.f32 [tilespmem:s20], [sflag:$0x4], $0x80, s8, s24, $0xb8;
	[tilespmem:$0x1F180] =	vst v63  }
0x66: {  	_ =	swait.ge [sflag:s25], $0x2800  }
0x67: {  	[sflag:s25] =	ssyncset.done $0x0  }
0x68: {  	s3 =	simm.s32 $0x0;
	[sflag:s25] =	ssyncadd.s32 $0xFFFFD800  }
0x69: {  	v17 =	vld [tilespmem:s3+$0x6800]  }
0x6a: {  	v21 =	vld [tilespmem:s3+$0x6810]  }
0x6b: {  	v18 =	vld [tilespmem:s3+$0x6820]  }
0x6c: {  	v20 =	vld [tilespmem:s3+$0x6830]  }
0x6d: {  	v19 =	vld [tilespmem:s3+$0x6840]  }
0x6e: {  	s5 =	simm.s32 $0x200;
	v22 =	vmul.f32 v17, v14;
	v17 =	vld [tilespmem:s3+$0x6850]  }
.LBB2_5:
0x6f: {  	p1 =	sne.s32 s5, $0x9E00;
	v21 =	vmul.f32 v21, v12;
	v23 =	vld [tilespmem:s3+$0x6870]  }
0x70: {  	v22 =	vadd.f32 v22, v16;
	v24 =	vld [tilespmem:s3+$0x6860]  }
0x71: {  	v18 =	vmul.f32 v18, v10;
	v21 =	vadd.f32 v21, v15  }
0x72: {  	v20 =	vmul.f32 v20, v9;
	v22 =	vmax.f32 v22, $0.0e+00  }
0x73: {  	v18 =	vadd.f32 v18, v13;
	v19 =	vmul.f32 v19, v7;
	v21 =	vmax.f32 v21, $0.0e+00  }
0x74: {  	v20 =	vadd.f32 v20, v11;
	v17 =	vmul.f32 v17, v3;
	[tilespmem:s3+$0x6800] =	vst v22;
	v22 =	vmul.f32 v23, v5  }
0x75: {  	s8 =	sshra.s32 s5, $0x2;
	v18 =	vmax.f32 v18, $0.0e+00;
	v19 =	vadd.f32 v19, v8;
	[tilespmem:s3+$0x6810] =	vst v21;
	v23 =	vmul.f32 v24, v1  }
0x76: {  	v17 =	vadd.f32 v17, v4;
	v24 =	vld [tilespmem:s8+$0x6800];
	[tilespmem:s3+$0x6820] =	vst v18;
	v18 =	vmax.f32 v20, $0.0e+00;
	v20 =	vadd.f32 v22, v6  }
.Ltmp1:
0x77: {  	v19 =	vmax.f32 v19, $0.0e+00;
	v21 =	vld [tilespmem:s8+$0x6810];
	[tilespmem:s3+$0x6830] =	vst v18;
	v22 =	vadd.f32 v23, v2;
	(pc) =	sbr.rel @p1 .LBB2_5-.Ltmp1, $4  }
0x78: {  	v17 =	vmax.f32 v17, $0.0e+00;
	v18 =	vld [tilespmem:s8+$0x6820];
	[tilespmem:s3+$0x6840] =	vst v19;
	v19 =	vmax.f32 v20, $0.0e+00  }
0x79: {  	v20 =	vld [tilespmem:s8+$0x6830];
	[tilespmem:s3+$0x6850] =	vst v17;
	v17 =	vmax.f32 v22, $0.0e+00;
	v23 =	vadd.f32 v0, v19  }
0x7a: {  	v19 =	vld [tilespmem:s8+$0x6840];
	[tilespmem:s3+$0x6860] =	vst v17  }
0x7b: {  	s5 =	sadd.s32 $0x200, s5;
	v22 =	vmul.f32 v24, v14;
	v17 =	vld [tilespmem:s8+$0x6850];
	[tilespmem:s3+$0x6870] =	vst v23;
	s3 =	smov.u32 s8  }
0x7c: {  	v21 =	vmul.f32 v21, v12;
	v23 =	vld [tilespmem:s3+$0x6870]  }
0x7d: {  	v24 =	vld [tilespmem:s3+$0x6860];
	v22 =	vadd.f32 v22, v16  }
0x7e: {  	v18 =	vmul.f32 v18, v10;
	v21 =	vadd.f32 v21, v15  }
0x7f: {  	v20 =	vmul.f32 v20, v9;
	v22 =	vmax.f32 v22, $0.0e+00  }
0x80: {  	v18 =	vadd.f32 v18, v13;
	v19 =	vmul.f32 v19, v7;
	v21 =	vmax.f32 v21, $0.0e+00  }
0x81: {  	[tilespmem:s3+$0x6800] =	vst v22;
	v20 =	vadd.f32 v20, v11;
	v17 =	vmul.f32 v17, v3;
	v22 =	vmul.f32 v23, v5  }
0x82: {  	[tilespmem:s3+$0x6810] =	vst v21;
	v18 =	vmax.f32 v18, $0.0e+00;
	v19 =	vadd.f32 v19, v8;
	v21 =	vmul.f32 v24, v1  }
0x83: {  	[tilespmem:s3+$0x6820] =	vst v18;
	v18 =	vmax.f32 v20, $0.0e+00;
	v17 =	vadd.f32 v17, v4;
	v20 =	vadd.f32 v22, v6  }
0x84: {  	[tilespmem:s3+$0x6830] =	vst v18;
	v18 =	vmax.f32 v19, $0.0e+00;
	v19 =	vadd.f32 v21, v2  }
0x85: {  	[tilespmem:s3+$0x6840] =	vst v18;
	v17 =	vmax.f32 v17, $0.0e+00;
	v18 =	vmax.f32 v20, $0.0e+00  }
0x86: {  	[tilespmem:s3+$0x6850] =	vst v17;
	v17 =	vmax.f32 v19, $0.0e+00;
	v18 =	vadd.f32 v0, v18  }
0x87: {  	[tilespmem:s3+$0x6860] =	vst v17  }
0x88: {  	[tilespmem:s3+$0x6870] =	vst v18  }
0x89: {  	_ =	swait.ge [sflag:s26], $0x2800  }
0x8a: {  	s0 =	sshll.u32 s0, $0x7;
	[sflag:s26] =	ssyncset.done $0x0  }
0x8b: {  	s0 =	sand.u32 $0x3FFFFF80, s0;
	[sflag:s26] =	ssyncadd.s32 $0xFFFFD800  }
0x8c: {  	[spmem:s2] =	stream.indirect.scatter.add.f32 [tilespmem:s21], [sflag:$0x5], $0x80, s0, s24, $0xb8;
	[tilespmem:$0x1F180] =	vst v63  }
0x8d: {  	_ =	swait.ge [sflag:s28], $0x2800  }
0x8e: {  	[sflag:s28] =	ssyncset.done $0x0  }
0x8f: {  	s0 =	simm.s32 $0x0;
	[sflag:s28] =	ssyncadd.s32 $0xFFFFD800  }
0x90: {  	v17 =	vld [tilespmem:s0+$0x9000]  }
0x91: {  	v21 =	vld [tilespmem:s0+$0x9010]  }
0x92: {  	v18 =	vld [tilespmem:s0+$0x9020]  }
0x93: {  	v20 =	vld [tilespmem:s0+$0x9030]  }
0x94: {  	v19 =	vld [tilespmem:s0+$0x9040]  }
0x95: {  	s3 =	simm.s32 $0x200;
	v22 =	vmul.f32 v17, v14;
	v17 =	vld [tilespmem:s0+$0x9050]  }
.LBB2_7:
0x96: {  	p1 =	sne.s32 s3, $0x9E00;
	v21 =	vmul.f32 v21, v12;
	v23 =	vld [tilespmem:s0+$0x9070]  }
0x97: {  	v22 =	vadd.f32 v22, v16;
	v24 =	vld [tilespmem:s0+$0x9060]  }
0x98: {  	v18 =	vmul.f32 v18, v10;
	v21 =	vadd.f32 v21, v15  }
0x99: {  	v20 =	vmul.f32 v20, v9;
	v22 =	vmax.f32 v22, $0.0e+00  }
0x9a: {  	v18 =	vadd.f32 v18, v13;
	v19 =	vmul.f32 v19, v7;
	v21 =	vmax.f32 v21, $0.0e+00  }
0x9b: {  	v20 =	vadd.f32 v20, v11;
	v17 =	vmul.f32 v17, v3;
	[tilespmem:s0+$0x9000] =	vst v22;
	v22 =	vmul.f32 v23, v5  }
0x9c: {  	s5 =	sshra.s32 s3, $0x2;
	v18 =	vmax.f32 v18, $0.0e+00;
	v19 =	vadd.f32 v19, v8;
	[tilespmem:s0+$0x9010] =	vst v21;
	v23 =	vmul.f32 v24, v1  }
0x9d: {  	v17 =	vadd.f32 v17, v4;
	v24 =	vld [tilespmem:s5+$0x9000];
	[tilespmem:s0+$0x9020] =	vst v18;
	v18 =	vmax.f32 v20, $0.0e+00;
	v20 =	vadd.f32 v22, v6  }
.Ltmp2:
0x9e: {  	v19 =	vmax.f32 v19, $0.0e+00;
	v21 =	vld [tilespmem:s5+$0x9010];
	[tilespmem:s0+$0x9030] =	vst v18;
	v22 =	vadd.f32 v23, v2;
	(pc) =	sbr.rel @p1 .LBB2_7-.Ltmp2, $4  }
0x9f: {  	v17 =	vmax.f32 v17, $0.0e+00;
	v18 =	vld [tilespmem:s5+$0x9020];
	[tilespmem:s0+$0x9040] =	vst v19;
	v19 =	vmax.f32 v20, $0.0e+00  }
0xa0: {  	v20 =	vld [tilespmem:s5+$0x9030];
	[tilespmem:s0+$0x9050] =	vst v17;
	v17 =	vmax.f32 v22, $0.0e+00;
	v23 =	vadd.f32 v0, v19  }
0xa1: {  	v19 =	vld [tilespmem:s5+$0x9040];
	[tilespmem:s0+$0x9060] =	vst v17  }
0xa2: {  	s3 =	sadd.s32 $0x200, s3;
	v22 =	vmul.f32 v24, v14;
	v17 =	vld [tilespmem:s5+$0x9050];
	[tilespmem:s0+$0x9070] =	vst v23;
	s0 =	smov.u32 s5  }
0xa3: {  	v21 =	vmul.f32 v21, v12;
	v23 =	vld [tilespmem:s0+$0x9070]  }
0xa4: {  	v24 =	vld [tilespmem:s0+$0x9060];
	v22 =	vadd.f32 v22, v16  }
0xa5: {  	v18 =	vmul.f32 v18, v10;
	v21 =	vadd.f32 v21, v15  }
0xa6: {  	v20 =	vmul.f32 v20, v9;
	v22 =	vmax.f32 v22, $0.0e+00  }
0xa7: {  	v18 =	vadd.f32 v18, v13;
	v19 =	vmul.f32 v19, v7;
	v21 =	vmax.f32 v21, $0.0e+00  }
0xa8: {  	[tilespmem:s0+$0x9000] =	vst v22;
	v20 =	vadd.f32 v20, v11;
	v17 =	vmul.f32 v17, v3;
	v61 =	vmul.f32 v23, v5  }
0xa9: {  	[tilespmem:s0+$0x9010] =	vst v21;
	v18 =	vmax.f32 v18, $0.0e+00;
	v19 =	vadd.f32 v19, v8;
	v62 =	vmul.f32 v24, v1  }
0xaa: {  	[tilespmem:s0+$0x9020] =	vst v18;
	v18 =	vmax.f32 v20, $0.0e+00;
	v17 =	vadd.f32 v17, v4;
	v63 =	vadd.f32 v61, v6  }
0xab: {  	[tilespmem:s0+$0x9030] =	vst v18;
	v18 =	vmax.f32 v19, $0.0e+00;
	v19 =	vadd.f32 v62, v2  }
0xac: {  	[tilespmem:s0+$0x9040] =	vst v18;
	v17 =	vmax.f32 v17, $0.0e+00;
	v18 =	vmax.f32 v63, $0.0e+00  }
0xad: {  	[tilespmem:s0+$0x9050] =	vst v17;
	v17 =	vmax.f32 v19, $0.0e+00;
	v18 =	vadd.f32 v0, v18  }
0xae: {  	[tilespmem:s0+$0x9060] =	vst v17  }
0xaf: {  	[tilespmem:s0+$0x9070] =	vst v18  }
0xb0: {  	s19 =	sadd.s32 $0x1, s19;
	_ =	swait.ge [sflag:s29], $0x2800  }
0xb1: {  	s31 =	sshll.u32 s31, $0x7;
	p1 =	sne.s32 s19, $0x29;
	[sflag:s29] =	ssyncset.done $0x0  }
.Ltmp3:
0xb2: {  	s0 =	sand.u32 $0x3FFFFF80, s31;
	[sflag:s29] =	ssyncadd.s32 $0xFFFFD800;
	(pc) =	sbr.rel @p1 .LBB2_2-.Ltmp3, $4  }
0xb3: {  	[spmem:s2] =	stream.indirect.scatter.add.f32 [tilespmem:s22], [sflag:$0x6], $0x80, s0, s24, $0xb8;
	[tilespmem:$0x1F180] =	vst v63  }
0xb4: {  	_ =	swait.ge [sflag:s30], $0x2800  }
0xb5: {  	[sflag:s30] =	ssyncset.done $0x0  }
0xb6: {  	[sflag:s30] =	ssyncadd.s32 $0xFFFFD800  }
0xb7: {  	s0 =	simm.s32 $0x0  }
0xb8: {  	[tilespmem:s20], [sflag:$0x1] =	stream.linear.gather [hbm4b:s12+s0], $0x2800, $0x38;
	[tilespmem:$0x1F180] =	vst v63  }
0xb9: {  	_ =	swait.ge [sflag:s23], $0x2800  }
0xba: {  	[sflag:s23] =	ssyncset.done $0x0  }
0xbb: {  	s0 =	simm.s32 $0x0;
	[sflag:s23] =	ssyncadd.s32 $0xFFFFD800  }
0xbc: {  	v17 =	vld [tilespmem:s0+$0x4000]  }
0xbd: {  	v21 =	vld [tilespmem:s0+$0x4010]  }
0xbe: {  	v18 =	vld [tilespmem:s0+$0x4020]  }
0xbf: {  	v20 =	vld [tilespmem:s0+$0x4030]  }
0xc0: {  	v19 =	vld [tilespmem:s0+$0x4040]  }
0xc1: {  	s3 =	simm.s32 $0x200;
	v22 =	vmul.f32 v17, v14;
	v17 =	vld [tilespmem:s0+$0x4050]  }
.LBB2_10:
0xc2: {  	p1 =	sne.s32 s3, $0x9E00;
	v21 =	vmul.f32 v21, v12;
	v23 =	vld [tilespmem:s0+$0x4070]  }
0xc3: {  	v22 =	vadd.f32 v22, v16;
	v24 =	vld [tilespmem:s0+$0x4060]  }
0xc4: {  	v18 =	vmul.f32 v18, v10;
	v21 =	vadd.f32 v21, v15  }
0xc5: {  	v20 =	vmul.f32 v20, v9;
	v22 =	vmax.f32 v22, $0.0e+00  }
0xc6: {  	v18 =	vadd.f32 v18, v13;
	v19 =	vmul.f32 v19, v7;
	v21 =	vmax.f32 v21, $0.0e+00  }
0xc7: {  	v20 =	vadd.f32 v20, v11;
	v17 =	vmul.f32 v17, v3;
	[tilespmem:s0+$0x4000] =	vst v22;
	v22 =	vmul.f32 v23, v5  }
0xc8: {  	s5 =	sshra.s32 s3, $0x2;
	v18 =	vmax.f32 v18, $0.0e+00;
	v19 =	vadd.f32 v19, v8;
	[tilespmem:s0+$0x4010] =	vst v21;
	v23 =	vmul.f32 v24, v1  }
0xc9: {  	v17 =	vadd.f32 v17, v4;
	v24 =	vld [tilespmem:s5+$0x4000];
	[tilespmem:s0+$0x4020] =	vst v18;
	v18 =	vmax.f32 v20, $0.0e+00;
	v20 =	vadd.f32 v22, v6  }
.Ltmp4:
0xca: {  	v19 =	vmax.f32 v19, $0.0e+00;
	v21 =	vld [tilespmem:s5+$0x4010];
	[tilespmem:s0+$0x4030] =	vst v18;
	v22 =	vadd.f32 v23, v2;
	(pc) =	sbr.rel @p1 .LBB2_10-.Ltmp4, $4  }
0xcb: {  	v17 =	vmax.f32 v17, $0.0e+00;
	v18 =	vld [tilespmem:s5+$0x4020];
	[tilespmem:s0+$0x4040] =	vst v19;
	v19 =	vmax.f32 v20, $0.0e+00  }
0xcc: {  	v20 =	vld [tilespmem:s5+$0x4030];
	[tilespmem:s0+$0x4050] =	vst v17;
	v17 =	vmax.f32 v22, $0.0e+00;
	v23 =	vadd.f32 v0, v19  }
0xcd: {  	v19 =	vld [tilespmem:s5+$0x4040];
	[tilespmem:s0+$0x4060] =	vst v17  }
0xce: {  	s3 =	sadd.s32 $0x200, s3;
	v22 =	vmul.f32 v24, v14;
	v17 =	vld [tilespmem:s5+$0x4050];
	[tilespmem:s0+$0x4070] =	vst v23;
	s0 =	smov.u32 s5  }
0xcf: {  	v21 =	vmul.f32 v21, v12;
	v23 =	vld [tilespmem:s0+$0x4070]  }
0xd0: {  	v24 =	vld [tilespmem:s0+$0x4060];
	v22 =	vadd.f32 v22, v16  }
0xd1: {  	v18 =	vmul.f32 v18, v10;
	v21 =	vadd.f32 v21, v15  }
0xd2: {  	v20 =	vmul.f32 v20, v9;
	v22 =	vmax.f32 v22, $0.0e+00  }
0xd3: {  	v18 =	vadd.f32 v18, v13;
	v19 =	vmul.f32 v19, v7;
	v21 =	vmax.f32 v21, $0.0e+00  }
0xd4: {  	[tilespmem:s0+$0x4000] =	vst v22;
	v20 =	vadd.f32 v20, v11;
	v17 =	vmul.f32 v17, v3;
	v22 =	vmul.f32 v23, v5  }
0xd5: {  	[tilespmem:s0+$0x4010] =	vst v21;
	v18 =	vmax.f32 v18, $0.0e+00;
	v19 =	vadd.f32 v19, v8;
	v21 =	vmul.f32 v24, v1  }
0xd6: {  	[tilespmem:s0+$0x4020] =	vst v18;
	v18 =	vmax.f32 v20, $0.0e+00;
	v17 =	vadd.f32 v17, v4;
	v20 =	vadd.f32 v22, v6  }
0xd7: {  	[tilespmem:s0+$0x4030] =	vst v18;
	v18 =	vmax.f32 v19, $0.0e+00;
	v19 =	vadd.f32 v21, v2  }
0xd8: {  	[tilespmem:s0+$0x4040] =	vst v18;
	v17 =	vmax.f32 v17, $0.0e+00;
	v18 =	vmax.f32 v20, $0.0e+00  }
0xd9: {  	[tilespmem:s0+$0x4050] =	vst v17;
	v17 =	vmax.f32 v19, $0.0e+00;
	v18 =	vadd.f32 v0, v18  }
0xda: {  	[tilespmem:s0+$0x4060] =	vst v17  }
0xdb: {  	s19 =	simm.s32 $0x3D80;
	[tilespmem:s0+$0x4070] =	vst v18  }
0xdc: {  	[spmem:s2] =	stream.indirect.scatter.add.f32 [tilespmem:s20], [sflag:$0x4], $0x80, s19, s24, $0xb8;
	[tilespmem:$0x1F180] =	vst v63  }
0xdd: {  	_ =	swait.ge [sflag:s26], $0x2800  }
0xde: {  	[sflag:s26] =	ssyncset.done $0x0  }
0xdf: {  	s31 =	simm.s32 $0x0;
	[sflag:s26] =	ssyncadd.s32 $0xFFFFD800  }
0xe0: {  	[tilespmem:s20], [sflag:$0x1] =	stream.linear.gather [hbm4b:s13+s31], $0x2800, $0x38;
	[tilespmem:$0x1F180] =	vst v63  }
0xe1: {  	_ =	swait.ge [sflag:s23], $0x2800  }
0xe2: {  	[sflag:s23] =	ssyncset.done $0x0  }
0xe3: {  	s0 =	simm.s32 $0x0;
	[sflag:s23] =	ssyncadd.s32 $0xFFFFD800  }
0xe4: {  	v17 =	vld [tilespmem:s0+$0x4000]  }
0xe5: {  	v21 =	vld [tilespmem:s0+$0x4010]  }
0xe6: {  	v18 =	vld [tilespmem:s0+$0x4020]  }
0xe7: {  	v20 =	vld [tilespmem:s0+$0x4030]  }
0xe8: {  	v19 =	vld [tilespmem:s0+$0x4040]  }
0xe9: {  	s3 =	simm.s32 $0x200;
	v22 =	vmul.f32 v17, v14;
	v17 =	vld [tilespmem:s0+$0x4050]  }
.LBB2_12:
0xea: {  	p1 =	sne.s32 s3, $0x9E00;
	v21 =	vmul.f32 v21, v12;
	v23 =	vld [tilespmem:s0+$0x4070]  }
0xeb: {  	v22 =	vadd.f32 v22, v16;
	v24 =	vld [tilespmem:s0+$0x4060]  }
0xec: {  	v18 =	vmul.f32 v18, v10;
	v21 =	vadd.f32 v21, v15  }
0xed: {  	v20 =	vmul.f32 v20, v9;
	v22 =	vmax.f32 v22, $0.0e+00  }
0xee: {  	v18 =	vadd.f32 v18, v13;
	v19 =	vmul.f32 v19, v7;
	v21 =	vmax.f32 v21, $0.0e+00  }
0xef: {  	v20 =	vadd.f32 v20, v11;
	v17 =	vmul.f32 v17, v3;
	[tilespmem:s0+$0x4000] =	vst v22;
	v22 =	vmul.f32 v23, v5  }
0xf0: {  	s5 =	sshra.s32 s3, $0x2;
	v18 =	vmax.f32 v18, $0.0e+00;
	v19 =	vadd.f32 v19, v8;
	[tilespmem:s0+$0x4010] =	vst v21;
	v23 =	vmul.f32 v24, v1  }
0xf1: {  	v17 =	vadd.f32 v17, v4;
	v24 =	vld [tilespmem:s5+$0x4000];
	[tilespmem:s0+$0x4020] =	vst v18;
	v18 =	vmax.f32 v20, $0.0e+00;
	v20 =	vadd.f32 v22, v6  }
.Ltmp5:
0xf2: {  	v19 =	vmax.f32 v19, $0.0e+00;
	v21 =	vld [tilespmem:s5+$0x4010];
	[tilespmem:s0+$0x4030] =	vst v18;
	v22 =	vadd.f32 v23, v2;
	(pc) =	sbr.rel @p1 .LBB2_12-.Ltmp5, $4  }
0xf3: {  	v17 =	vmax.f32 v17, $0.0e+00;
	v18 =	vld [tilespmem:s5+$0x4020];
	[tilespmem:s0+$0x4040] =	vst v19;
	v19 =	vmax.f32 v20, $0.0e+00  }
0xf4: {  	v20 =	vld [tilespmem:s5+$0x4030];
	[tilespmem:s0+$0x4050] =	vst v17;
	v17 =	vmax.f32 v22, $0.0e+00;
	v23 =	vadd.f32 v0, v19  }
0xf5: {  	v19 =	vld [tilespmem:s5+$0x4040];
	[tilespmem:s0+$0x4060] =	vst v17  }
0xf6: {  	s3 =	sadd.s32 $0x200, s3;
	v22 =	vmul.f32 v24, v14;
	v17 =	vld [tilespmem:s5+$0x4050];
	[tilespmem:s0+$0x4070] =	vst v23;
	s0 =	smov.u32 s5  }
0xf7: {  	v12 =	vmul.f32 v21, v12;
	v14 =	vld [tilespmem:s0+$0x4070]  }
0xf8: {  	v59 =	vld [tilespmem:s0+$0x4060];
	v16 =	vadd.f32 v22, v16  }
0xf9: {  	v10 =	vmul.f32 v18, v10;
	v12 =	vadd.f32 v12, v15  }
0xfa: {  	v9 =	vmul.f32 v20, v9;
	v60 =	vmax.f32 v16, $0.0e+00  }
0xfb: {  	v10 =	vadd.f32 v10, v13;
	v7 =	vmul.f32 v19, v7;
	v12 =	vmax.f32 v12, $0.0e+00  }
0xfc: {  	[tilespmem:s0+$0x4000] =	vst v60;
	v9 =	vadd.f32 v9, v11;
	v3 =	vmul.f32 v17, v3;
	v5 =	vmul.f32 v14, v5  }
0xfd: {  	[tilespmem:s0+$0x4010] =	vst v12;
	v10 =	vmax.f32 v10, $0.0e+00;
	v7 =	vadd.f32 v7, v8;
	v1 =	vmul.f32 v59, v1  }
0xfe: {  	[tilespmem:s0+$0x4020] =	vst v10;
	v61 =	vmax.f32 v9, $0.0e+00;
	v3 =	vadd.f32 v3, v4;
	v62 =	vadd.f32 v5, v6  }
0xff: {  	[tilespmem:s0+$0x4030] =	vst v61;
	v63 =	vmax.f32 v7, $0.0e+00;
	v1 =	vadd.f32 v1, v2  }
0x100: {  	[tilespmem:s0+$0x4040] =	vst v63;
	v2 =	vmax.f32 v3, $0.0e+00;
	v3 =	vmax.f32 v62, $0.0e+00  }
0x101: {  	[tilespmem:s0+$0x4050] =	vst v2;
	v1 =	vmax.f32 v1, $0.0e+00;
	v2 =	vadd.f32 v0, v3  }
0x102: {  	[tilespmem:s0+$0x4060] =	vst v1  }
0x103: {  	s19 =	simm.s32 $0x3E00;
	[tilespmem:s0+$0x4070] =	vst v2  }
0x104: {  	[spmem:s2] =	stream.indirect.scatter.add.f32 [tilespmem:s20], [sflag:$0x4], $0x80, s19, s24, $0xb8;
	[tilespmem:$0x1F180] =	vst v63  }
0x105: {  	_ =	swait.ge [sflag:s26], $0x2800  }
0x106: {  	[sflag:s26] =	ssyncset.done $0x0  }
0x107: {  	[sflag:s26] =	ssyncadd.s32 $0xFFFFD800  }
0x108: {  	s31 =	sadd.s32 s6, s14;
	[bflag:$0x0] =	sbarrier.arrive $0xFFFF  }
0x109: {  	[hbm:s31], [sflag:s9] =	dma.local [spmem:s16], $0x2700  }
0x10a: {  	_ =	swait.ge [sflag:s17], $0x2700  }
0x10b: {  	s1 =	sadd.s32 $0x1, s1;
	[sflag:s17] =	ssyncset.done $0x0  }
0x10c: {  	p1 =	sne.s32 s1, s15;
	s0 =	sadd.s32 @!p0 $0x27000, s14;
	[sflag:s17] =	ssyncadd.s32 $0xFFFFD900  }
0x10d: {  	[hbm:s0], [sflag:s9] =	dma.local @!p0 [spmem:s18], $0x100  }
.Ltmp6:
0x10e: {  	_ = 	snop;
	(pc) =	sbr.rel @p1 .LBB2_1-.Ltmp6, $4  }
0x10f: {  	s0 =	simm.s32 @!p0 $0x7  }
0x110: {  	_ =	swait.ge @!p0 [sflag:s0], $0x100  }
0x111: {  	[sflag:s0] =	ssyncset.done @!p0 $0x0  }
0x112: {  	[sflag:s0] =	ssyncadd.s32 @!p0 $0xFFFFFF00  }
0x113: {  	_ =	sfence.sel $0x180000  }
0x114: {  	[bflag:$0x0] =	sbarrier.arrive $0xFFFF  }
0x115: {  	_ =	strace $0x9000004A  }
0x116: {  	s0 =	stileid.u32;
	[bflag:$0x2] =	sbarrier.arrive $0xFFFF  }
0x117: {  	p0 =	sne.s32 s0, $0x0;
	s0 =	rddreg [dreg:$0x3]  }
0x118: {  	s0 =	sadd.s32 @!p0 $0x100000, s0  }
0x119: {  	[sflag:s0] =	ssyncadd.tile.s32 @!p0 $0x1;
	_ =	shalt  }
.Lfunc_end2:
_tile_overlayer_lowered:
.L_overlay_start_2:
0x11a: {  	(tag) =	ssettag $0x2  }
0x11b: {  	s0 =	rddreg [dreg:$0x0];
	s2 =	stileid.u32  }
0x11c: {  	s1 =	rddreg [dreg:$0x1];
	p0 =	sne.s32 s2, $0x0  }
0x11d: {  	s3 =	rddreg [dreg:$0x2];
	[bflag:$0x3] =	sbarrier.arrive $0xFFFF;
	s2 =	simm.s32 @!p0 $0x1C07  }
0x11e: {  	[timem:s3], [sflag:s2] =	dma.local @!p0 [hbm:s0], s1  }
0x11f: {  	s0 =	simm.s32 @!p0 $0x7  }
0x120: {  	_ =	swait.ge @!p0 [sflag:s0], s1  }
0x121: {  	s1 =	ssub.s32 @!p0 $0x0, s1;
	[sflag:s0] =	ssyncset.done @!p0 $0x0  }
0x122: {  	[sflag:s0] =	ssyncadd.s32 @!p0 s1  }
0x123: {  	[bflag:$0x3] =	sbarrier.arrive $0xFFFF  }
0x124: {  	_ =	shalt  }

</sc_bundles>
